<compile_context>
chip_gen: v7x
topology: tpu7x:2x2x1
jax: 0.10.2.dev20260603
libtpu: 0.0.44.dev20260713+nightly
codegen_flags: <defaults>
</compile_context>

<pallas_src>
import dataclasses
import functools

import jax
import jax.numpy as jnp
from jax import lax
from jax.experimental import pallas as pl
from jax.experimental.pallas import tpu as pltpu
from jax.experimental.pallas import tpu_sc as plsc

F32 = jnp.float32

NC = 2
NS = 16
L = 16
CH = 128


def _mesh():
    return plsc.VectorSubcoreMesh(core_axis_name="c", subcore_axis_name="s")


def _no_layout_params():
    cp = pltpu.CompilerParams()
    if "needs_layout_passes" in pltpu.CompilerParams.__dataclass_fields__:
        cp = dataclasses.replace(cp, needs_layout_passes=False)
    return dataclasses.replace(cp, use_tc_tiling_on_sc=False)


def _flat_tiling_params():
    return dataclasses.replace(pltpu.CompilerParams(),
                               use_tc_tiling_on_sc=False,
                               internal_scratch_in_bytes=1024 * 1024)


def _fill(buf, value, width):
    @pl.loop(0, width, step=L)
    def _(k):
        buf[pl.ds(k, L)] = jnp.full((L,), value, F32)


def _rsqrt16(x16):
    y = plsc.bitcast(
        jnp.int32(0x5F3759DF) - (plsc.bitcast(x16, jnp.int32) >> 1), F32)
    for _ in range(3):
        y = y * (1.5 - 0.5 * x16 * y * y)
    return y


def _sc_prep(n, d, np_, c2):
    nq = 2 * NC
    dq = d // nq
    rpt = np_ // NS

    @functools.partial(
        pl.kernel,
        out_type=(
            jax.ShapeDtypeStruct((np_,), F32),
            jax.ShapeDtypeStruct((nq, np_, dq), F32),
        ),
        mesh=_mesh(),
        scratch_types=[
            pltpu.VMEM((c2, CH), jnp.int32),
            pltpu.VMEM((np_,), F32),
            pltpu.VMEM_SHARED((NS, np_), F32),
            pltpu.VMEM((NS, np_ // NS), F32),
            pltpu.VMEM((np_ // NS,), F32),
            pltpu.VMEM((np_ // NS, dq), F32),
            pltpu.VMEM((np_ // NS, dq), F32),
            pltpu.SemaphoreType.DMA,
        ],
        compiler_params=_no_layout_params(),
    )
    def k(x_hbm, dst_hbm, dis_out, gx_out, didx, deg_v, z_sh, tmp, dis_v,
          xb0, xb1, rsem):
        c = lax.axis_index("c")
        s = lax.axis_index("s")
        pltpu.sync_copy(dst_hbm.at[s], didx)
        _fill(deg_v, 0.0, np_)
        ones = jnp.ones((L,), F32)

        @pl.loop(0, c2)
        def _(j):
            for kk in range(CH // L):
                d16 = didx[j, pl.ds(kk * L, L)]
                plsc.addupdate_scatter(deg_v, [d16], ones)

        base = pl.multiple_of(s * rpt, 8)
        pltpu.sync_copy(deg_v, z_sh.at[s])
        plsc.subcore_barrier()
        for ss in range(NS):
            pltpu.async_copy(z_sh.at[ss, pl.ds(base, rpt)], tmp.at[ss], rsem)
        for ss in range(NS):
            pltpu.make_async_copy(z_sh.at[ss, pl.ds(base, rpt)], tmp.at[ss],
                                  rsem).wait()

        @pl.loop(0, rpt, step=L)
        def _(k2):
            acc16 = tmp[0, pl.ds(k2, L)] + 1.0
            for ss in range(1, NS):
                acc16 += tmp[ss, pl.ds(k2, L)]
            dis_v[pl.ds(k2, L)] = _rsqrt16(acc16)

        @pl.when(c == 0)
        def _():
            pltpu.sync_copy(dis_v, dis_out.at[pl.ds(base, rpt)])

        for q, xb in ((2 * c, xb0), (2 * c + 1, xb1)):
            pltpu.sync_copy(
                x_hbm.at[pl.ds(base, rpt), pl.ds(q * dq, dq)], xb)

        @pl.loop(0, rpt)
        def _(i):
            sp16 = plsc.load_gather(dis_v, [jnp.zeros((L,), jnp.int32) + i])
            for xb in (xb0, xb1):
                for kk in range(dq // L):
                    xb[i, pl.ds(kk * L, L)] *= sp16

        for q, xb in ((2 * c, xb0), (2 * c + 1, xb1)):
            pltpu.sync_copy(xb, gx_out.at[q, pl.ds(base, rpt)])

    return k


def _sc_agg(n, d, np_, c2):
    nq = 2 * NC
    dq = d // nq
    rows_per_tile = np_ // NS
    nrt = np_ // NS

    @functools.partial(
        pl.kernel,
        out_type=jax.ShapeDtypeStruct((nq, np_, dq), F32),
        mesh=_mesh(),
        scratch_types=[
            pltpu.VMEM((c2, CH), jnp.int32),
            pltpu.VMEM((c2, CH), jnp.int32),
            pltpu.VMEM((CH, dq), F32),
            pltpu.VMEM((CH, dq), F32),
            pltpu.VMEM((CH, dq), F32),
            pltpu.VMEM((CH, dq), F32),
            pltpu.VMEM_SHARED((np_, dq), F32),
            pltpu.VMEM_SHARED((np_, dq), F32),
            pltpu.SemaphoreType.DMA,
            pltpu.SemaphoreType.DMA,
            pltpu.SemaphoreType.DMA,
            pltpu.SemaphoreType.DMA,
            pltpu.SemaphoreType.DMA,
            pltpu.SemaphoreType.DMA,
            pltpu.SemaphoreType.DMA,
            pltpu.SemaphoreType.DMA,
        ],
        compiler_params=_flat_tiling_params(),
    )
    def k(gx_hbm, src_hbm, dst_hbm, out_hbm, sidx, didx, rows0, rows1, rows2,
          rows3, gx_sp, acc, gsem0, gsem1, gsem2, gsem3, ssem0, ssem1, ssem2,
          ssem3):
        c = lax.axis_index("c")
        s = lax.axis_index("s")
        rows = (rows0, rows1, rows2, rows3)
        gsem = (gsem0, gsem1, gsem2, gsem3)
        ssem = (ssem0, ssem1, ssem2, ssem3)
        nb = 4
        pltpu.sync_copy(src_hbm.at[s], sidx)
        pltpu.sync_copy(dst_hbm.at[s], didx)
        tsl = pl.ds(s * nrt, nrt)
        sl = pl.ds(s * rows_per_tile, rows_per_tile)

        for p in range(nq // NC):
            q = c * (nq // NC) + p
            pltpu.sync_copy(gx_hbm.at[q, tsl], gx_sp.at[tsl])

            @pl.loop(0, CH)
            def _(r):
                for kk in range(dq // L):
                    rows0[r, pl.ds(kk * L, L)] = jnp.zeros((L,), F32)

            for i in range(rows_per_tile // CH):
                pltpu.sync_copy(rows0,
                                acc.at[pl.ds(s * rows_per_tile + i * CH, CH)])
            plsc.subcore_barrier()

            for t in range(nb):
                pltpu.async_copy(gx_sp.at[sidx.at[t]], rows[t], gsem[t])

            @pl.loop(0, c2, step=nb)
            def _(j):
                for t in range(nb):
                    jj = j + t
                    pltpu.make_async_copy(gx_sp.at[sidx.at[jj]], rows[t],
                                          gsem[t]).wait()
                    pltpu.async_copy(rows[t], acc.at[didx.at[jj]], ssem[t],
                                     add=True).wait()

                    @pl.when(jj + nb < c2)
                    def _():
                        pltpu.async_copy(gx_sp.at[sidx.at[jj + nb]], rows[t],
                                         gsem[t])

            plsc.subcore_barrier()
            pltpu.sync_copy(acc.at[sl], out_hbm.at[q, sl])
            if p + 1 < nq // NC:
                plsc.subcore_barrier()

    return k


def _sc_agg1(n, np_, c2):
    rpt2 = np_ // (NC * NS)

    @functools.partial(
        pl.kernel,
        out_type=jax.ShapeDtypeStruct((np_,), F32),
        mesh=_mesh(),
        scratch_types=[
            pltpu.VMEM((c2, CH), jnp.int32),
            pltpu.VMEM((c2, CH), jnp.int32),
            pltpu.VMEM((np_,), F32),
            pltpu.VMEM((np_,), F32),
            pltpu.VMEM_SHARED((NS, np_), F32),
            pltpu.VMEM((NS, rpt2), F32),
            pltpu.VMEM((rpt2,), F32),
            pltpu.VMEM((L,), F32),
            pltpu.SemaphoreType.DMA,
        ],
        compiler_params=_no_layout_params(),
    )
    def k(g2_hbm, dis_hbm, b2_hbm, src_hbm, dst_hbm, out_hbm, sidx, didx,
          g2_v, z_v, z_sh, tmp, zacc, b2_v, rsem):
        c = lax.axis_index("c")
        s = lax.axis_index("s")
        pltpu.sync_copy(src_hbm.at[s], sidx)
        pltpu.sync_copy(dst_hbm.at[s], didx)
        pltpu.sync_copy(g2_hbm, g2_v)
        pltpu.sync_copy(b2_hbm, b2_v)
        _fill(z_v, 0.0, np_)

        @pl.loop(0, c2)
        def _(j):
            for kk in range(CH // L):
                s16 = sidx[j, pl.ds(kk * L, L)]
                d16 = didx[j, pl.ds(kk * L, L)]
                v = plsc.load_gather(g2_v, [s16])
                plsc.addupdate_scatter(z_v, [d16], v)

        base = pl.multiple_of(c * (np_ // NC) + s * rpt2, 8)
        pltpu.sync_copy(z_v, z_sh.at[s])
        plsc.subcore_barrier()
        for ss in range(NS):
            pltpu.async_copy(z_sh.at[ss, pl.ds(base, rpt2)], tmp.at[ss], rsem)
        for ss in range(NS):
            pltpu.make_async_copy(z_sh.at[ss, pl.ds(base, rpt2)], tmp.at[ss],
                                  rsem).wait()
        b2v = b2_v[...]

        @pl.loop(0, rpt2, step=L)
        def _(k2):
            acc16 = tmp[0, pl.ds(k2, L)]
            for ss in range(1, NS):
                acc16 += tmp[ss, pl.ds(k2, L)]
            zacc[pl.ds(k2, L)] = acc16

        pltpu.sync_copy(dis_hbm.at[pl.ds(base, rpt2)], tmp.at[0])

        @pl.loop(0, rpt2, step=L)
        def _(k2):
            sl16 = pl.ds(k2, L)
            dis16 = tmp[0, sl16]
            g216 = g2_v[pl.ds(pl.multiple_of(base + k2, 8), L)]
            t16 = dis16 * zacc[sl16] + dis16 * dis16 * g216 + b2v
            zacc[sl16] = 1.0 / (1.0 + jnp.exp(-t16))

        pltpu.sync_copy(zacc, out_hbm.at[pl.ds(base, rpt2)])

    return k


def _tc_mid(sp, dis, gx, w1, b1, w2, n):
    nq, np_, dq = sp.shape
    d = nq * dq
    bn = 2000
    assert n % bn == 0

    def body(sp_ref, dis_ref, gx_ref, w1_ref, b1_ref, w2_ref, g2_ref):
        s_sum = jnp.concatenate([sp_ref[q] for q in range(nq)], axis=1)
        gx_full = jnp.concatenate([gx_ref[q] for q in range(nq)], axis=1)
        dis_n = dis_ref[...]
        t = dis_n * s_sum + (dis_n * dis_n) * gx_full
        x1 = jax.nn.sigmoid(
            jnp.dot(t, w1_ref[...], preferred_element_type=F32,
                    precision=lax.Precision.HIGHEST) + b1_ref[...]
        )
        h2 = jnp.dot(x1, w2_ref[...], preferred_element_type=F32,
                     precision=lax.Precision.HIGHEST)
        g2_ref[...] = dis_n * h2

    return pl.pallas_call(
        body,
        grid=(n // bn,),
        in_specs=[
            pl.BlockSpec((nq, bn, dq), lambda i: (0, i, 0)),
            pl.BlockSpec((bn, 1), lambda i: (i, 0)),
            pl.BlockSpec((nq, bn, dq), lambda i: (0, i, 0)),
            pl.BlockSpec((d, d), lambda i: (0, 0)),
            pl.BlockSpec((1, d), lambda i: (0, 0)),
            pl.BlockSpec((d, 1), lambda i: (0, 0)),
        ],
        out_specs=pl.BlockSpec((bn, 1), lambda i: (i, 0)),
        out_shape=jax.ShapeDtypeStruct((n, 1), F32),
    )(sp, dis, gx, w1, b1, w2)


def kernel(x, edge_index, edge_attr, W1, b1, W2, b2):
    n, d = x.shape
    e = edge_index.shape[1]

    c1 = -(-e // (NC * NS * CH))
    if c1 % 2:
        c1 += 1
    e_pad = c1 * NC * NS * CH
    c2 = 2 * c1
    np_ = -(-(n + 1) // (NS * CH)) * NS * CH

    src = edge_index[0]
    dst = edge_index[1]
    if e_pad > e:
        src = jnp.concatenate([src, jnp.zeros((e_pad - e,), jnp.int32)])
        dst = jnp.concatenate([dst, jnp.full((e_pad - e,), n, jnp.int32)])
    src_f = src.reshape(NS, c2, CH)
    dst_f = dst.reshape(NS, c2, CH)
    x_pad = jnp.concatenate([x, jnp.zeros((np_ - n, d), F32)])

    dis, gx = _sc_prep(n, d, np_, c2)(x_pad, dst_f)
    s_parts = _sc_agg(n, d, np_, c2)(gx, src_f, dst_f)
    g2 = _tc_mid(s_parts, dis.reshape(np_, 1), gx, W1, b1.reshape(1, d),
                 W2, n)
    g2_pad = jnp.concatenate([g2.reshape(n), jnp.zeros((np_ - n,), F32)])
    out = _sc_agg1(n, np_, c2)(g2_pad, dis, jnp.broadcast_to(b2, (L,)),
                               src_f, dst_f)
    return out[:n].reshape(n, 1)

# --- scband reference (transcript-rebuilt; emitter-appended) ---
"""Pipeline reference for scband-discriminator-54013508714862 (READ-ONLY COPY).

The authoritative reference and input builder live on the scoring server;
editing this copy changes nothing except your own understanding.
"""

import jax, jax.numpy as jnp
import numpy as np

N_NODES = 10000
D_FEAT = 128
N_EDGES = 320000

def setup_inputs(seed: int = 0) -> dict:
    key = jax.random.key(seed)
    k1, k2, k3, k4, k5, k6, k7 = jax.random.split(key, 7)
    x = jax.random.normal(k1, (N_NODES, D_FEAT), dtype=jnp.float32)
    edge_index = jax.random.randint(k2, (2, N_EDGES), 0, N_NODES, dtype=jnp.int32)
    edge_attr = jax.random.uniform(k3, (N_EDGES, 4), dtype=jnp.float32)
    # GCNConv(N_TARGET_NODES -> N_TARGET_NODES) then GCNConv(N_TARGET_NODES -> 1)
    W1 = jax.random.normal(k4, (D_FEAT, D_FEAT), dtype=jnp.float32) * (1.0 / np.sqrt(D_FEAT))
    b1 = jnp.zeros((D_FEAT,), dtype=jnp.float32)
    W2 = jax.random.normal(k5, (D_FEAT, 1), dtype=jnp.float32) * (1.0 / np.sqrt(D_FEAT))
    b2 = jnp.zeros((1,), dtype=jnp.float32)
    return {"x": x, "edge_index": edge_index, "edge_attr": edge_attr,
            "W1": W1, "b1": b1, "W2": W2, "b2": b2}

def _gcn_conv(x, edge_index, W, b):
    # PyG GCNConv: h = x @ W, add self-loops, sym-normalize by degree, scatter-add, + bias
    src = edge_index[0]
    dst = edge_index[1]
    loop = jnp.arange(N_NODES, dtype=src.dtype)
    src = jnp.concatenate([src, loop])
    dst = jnp.concatenate([dst, loop])
    deg = jnp.zeros((N_NODES,), dtype=x.dtype).at[dst].add(1.0)
    deg_inv_sqrt = jnp.where(deg > 0, 1.0 / jnp.sqrt(deg), 0.0)
    norm = deg_inv_sqrt[src] * deg_inv_sqrt[dst]
    h = x @ W
    msgs = h[src] * norm[:, None]
    out = jnp.zeros((N_NODES, W.shape[1]), dtype=x.dtype).at[dst].add(msgs)
    return out + b

def reference(x, edge_index, edge_attr, W1, b1, W2, b2):
    x = jnp.squeeze(x)  # no-op for [N, D]
    x1 = jax.nn.sigmoid(_gcn_conv(x, edge_index, W1, b1))
    # dropout skipped (eval mode / deterministic reference)
    x2 = jax.nn.sigmoid(_gcn_conv(x1, edge_index, W2, b2))
    return x2

if __name__ == "__main__":
    import jax
    _d = setup_inputs()
    print(jax.jit(kernel)(*tuple(_d.values())))

</pallas_src>

<mosaic_0001>
#map = affine_map<(d0, d1) -> (0, 0, 0)>
module attributes {stable_mosaic.version = 14 : i64} {
  func.func @k(%arg0: i32, %arg1: i32, %arg2: memref<4x10240x32xf32, #tpu.memory_space<hbm>>, %arg3: memref<16x160x128xi32, #tpu.memory_space<hbm>>, %arg4: memref<16x160x128xi32, #tpu.memory_space<hbm>>, %arg5: memref<4x10240x32xf32, #tpu.memory_space<hbm>>, %arg6: memref<160x128xi32, #tpu.memory_space<vmem>>, %arg7: memref<160x128xi32, #tpu.memory_space<vmem>>, %arg8: memref<128x32xf32, #tpu.memory_space<vmem>>, %arg9: memref<128x32xf32, #tpu.memory_space<vmem>>, %arg10: memref<128x32xf32, #tpu.memory_space<vmem>>, %arg11: memref<128x32xf32, #tpu.memory_space<vmem>>, %arg12: memref<10240x32xf32, #tpu.memory_space<vmem_shared>>, %arg13: memref<10240x32xf32, #tpu.memory_space<vmem_shared>>, %arg14: memref<!tpu.dma_semaphore, #tpu.memory_space<semaphore_mem>>, %arg15: memref<!tpu.dma_semaphore, #tpu.memory_space<semaphore_mem>>, %arg16: memref<!tpu.dma_semaphore, #tpu.memory_space<semaphore_mem>>, %arg17: memref<!tpu.dma_semaphore, #tpu.memory_space<semaphore_mem>>, %arg18: memref<!tpu.dma_semaphore, #tpu.memory_space<semaphore_mem>>, %arg19: memref<!tpu.dma_semaphore, #tpu.memory_space<semaphore_mem>>, %arg20: memref<!tpu.dma_semaphore, #tpu.memory_space<semaphore_mem>>, %arg21: memref<!tpu.dma_semaphore, #tpu.memory_space<semaphore_mem>>) attributes {dimension_semantics = [#tpu.dimension_semantics<core_parallel>, #tpu.dimension_semantics<subcore_parallel>], iteration_bounds = array<i64: 2, 16>, scalar_prefetch = 0 : i64, scratch_operands = 16 : i64, tpu.core_type = #tpu.core_type<sc_vector_subcore>, window_params = [{transform_indices = #map}, {transform_indices = #map}, {transform_indices = #map}, {transform_indices = #map}]} {
    "tpu.region"() ({
      %run_scoped3A = tpu.sem_alloc : memref<!tpu.dma_semaphore, #tpu.memory_space<semaphore_mem>>
      %dma_start3A_128 = arith.constant 0 : i32
      %dma_start3A_129 = arith.constant 0 : i32
      %dma_start3A_130 = tpu.memref_slice %arg3[%arg1, %dma_start3A_128, %dma_start3A_129] : memref<16x160x128xi32, #tpu.memory_space<hbm>> -> memref<1x160x128xi32, #tpu.memory_space<hbm>>
      %dma_start3A_131 = tpu.memref_squeeze %dma_start3A_130 : memref<1x160x128xi32, #tpu.memory_space<hbm>> -> memref<160x128xi32, #tpu.memory_space<hbm>>
      %dma_start3A_132 = arith.constant 0 : i32
      %dma_start3A_133 = arith.constant 0 : i32
      %dma_start3A_134 = tpu.memref_slice %arg3[%arg1, %dma_start3A_132, %dma_start3A_133] : memref<16x160x128xi32, #tpu.memory_space<hbm>> -> memref<1x160x128xi32, #tpu.memory_space<hbm>>
      %dma_start3A_135 = tpu.memref_squeeze %dma_start3A_134 : memref<1x160x128xi32, #tpu.memory_space<hbm>> -> memref<160x128xi32, #tpu.memory_space<hbm>>
      tpu.enqueue_dma source(%dma_start3A_135 : memref<160x128xi32, #tpu.memory_space<hbm>>) target(%arg6 : memref<160x128xi32, #tpu.memory_space<vmem>>) target_semaphore(%run_scoped3A : memref<!tpu.dma_semaphore, #tpu.memory_space<semaphore_mem>>)
      %dma_wait3A = arith.constant 0 : i32
      %dma_wait3A_136 = arith.constant 0 : i32
      %dma_wait3A_137 = tpu.memref_slice %arg3[%arg1, %dma_wait3A, %dma_wait3A_136] : memref<16x160x128xi32, #tpu.memory_space<hbm>> -> memref<1x160x128xi32, #tpu.memory_space<hbm>>
      %dma_wait3A_138 = tpu.memref_squeeze %dma_wait3A_137 : memref<1x160x128xi32, #tpu.memory_space<hbm>> -> memref<160x128xi32, #tpu.memory_space<hbm>>
      %dma_wait3A_139 = arith.constant 0 : i32
      %dma_wait3A_140 = arith.constant 0 : i32
      %dma_wait3A_141 = tpu.memref_slice %arg3[%arg1, %dma_wait3A_139, %dma_wait3A_140] : memref<16x160x128xi32, #tpu.memory_space<hbm>> -> memref<1x160x128xi32, #tpu.memory_space<hbm>>
      %dma_wait3A_142 = tpu.memref_squeeze %dma_wait3A_141 : memref<1x160x128xi32, #tpu.memory_space<hbm>> -> memref<160x128xi32, #tpu.memory_space<hbm>>
      tpu.wait_dma2 semaphore(%run_scoped3A : memref<!tpu.dma_semaphore, #tpu.memory_space<semaphore_mem>>) src(%dma_wait3A_142 : memref<160x128xi32, #tpu.memory_space<hbm>>) dst(%arg6 : memref<160x128xi32, #tpu.memory_space<vmem>>)
      tpu.yield
    }) : () -> ()
    "tpu.region"() ({
      %run_scoped3A = tpu.sem_alloc : memref<!tpu.dma_semaphore, #tpu.memory_space<semaphore_mem>>
      %dma_start3A_128 = arith.constant 0 : i32
      %dma_start3A_129 = arith.constant 0 : i32
      %dma_start3A_130 = tpu.memref_slice %arg4[%arg1, %dma_start3A_128, %dma_start3A_129] : memref<16x160x128xi32, #tpu.memory_space<hbm>> -> memref<1x160x128xi32, #tpu.memory_space<hbm>>
      %dma_start3A_131 = tpu.memref_squeeze %dma_start3A_130 : memref<1x160x128xi32, #tpu.memory_space<hbm>> -> memref<160x128xi32, #tpu.memory_space<hbm>>
      %dma_start3A_132 = arith.constant 0 : i32
      %dma_start3A_133 = arith.constant 0 : i32
      %dma_start3A_134 = tpu.memref_slice %arg4[%arg1, %dma_start3A_132, %dma_start3A_133] : memref<16x160x128xi32, #tpu.memory_space<hbm>> -> memref<1x160x128xi32, #tpu.memory_space<hbm>>
      %dma_start3A_135 = tpu.memref_squeeze %dma_start3A_134 : memref<1x160x128xi32, #tpu.memory_space<hbm>> -> memref<160x128xi32, #tpu.memory_space<hbm>>
      tpu.enqueue_dma source(%dma_start3A_135 : memref<160x128xi32, #tpu.memory_space<hbm>>) target(%arg7 : memref<160x128xi32, #tpu.memory_space<vmem>>) target_semaphore(%run_scoped3A : memref<!tpu.dma_semaphore, #tpu.memory_space<semaphore_mem>>)
      %dma_wait3A = arith.constant 0 : i32
      %dma_wait3A_136 = arith.constant 0 : i32
      %dma_wait3A_137 = tpu.memref_slice %arg4[%arg1, %dma_wait3A, %dma_wait3A_136] : memref<16x160x128xi32, #tpu.memory_space<hbm>> -> memref<1x160x128xi32, #tpu.memory_space<hbm>>
      %dma_wait3A_138 = tpu.memref_squeeze %dma_wait3A_137 : memref<1x160x128xi32, #tpu.memory_space<hbm>> -> memref<160x128xi32, #tpu.memory_space<hbm>>
      %dma_wait3A_139 = arith.constant 0 : i32
      %dma_wait3A_140 = arith.constant 0 : i32
      %dma_wait3A_141 = tpu.memref_slice %arg4[%arg1, %dma_wait3A_139, %dma_wait3A_140] : memref<16x160x128xi32, #tpu.memory_space<hbm>> -> memref<1x160x128xi32, #tpu.memory_space<hbm>>
      %dma_wait3A_142 = tpu.memref_squeeze %dma_wait3A_141 : memref<1x160x128xi32, #tpu.memory_space<hbm>> -> memref<160x128xi32, #tpu.memory_space<hbm>>
      tpu.wait_dma2 semaphore(%run_scoped3A : memref<!tpu.dma_semaphore, #tpu.memory_space<semaphore_mem>>) src(%dma_wait3A_142 : memref<160x128xi32, #tpu.memory_space<hbm>>) dst(%arg7 : memref<160x128xi32, #tpu.memory_space<vmem>>)
      tpu.yield
    }) : () -> ()
    %mul3A = arith.constant 640 : i32
    %mul3A_0 = arith.muli %arg1, %mul3A : i32
    %mul3A_1 = arith.constant 640 : i32
    %mul3A_2 = arith.muli %arg1, %mul3A_1 : i32
    %mul3A_3 = arith.constant 2 : i32
    %mul3A_4 = arith.muli %arg0, %mul3A_3 : i32
    %add3A = arith.constant 0 : i32
    %add3A_5 = arith.addi %mul3A_4, %add3A : i32
    "tpu.region"() ({
      %run_scoped3A = tpu.sem_alloc : memref<!tpu.dma_semaphore, #tpu.memory_space<semaphore_mem>>
      %dma_start3A_128 = arith.constant 0 : i32
      %dma_start3A_129 = tpu.memref_slice %arg12[%mul3A_0, %dma_start3A_128] : memref<10240x32xf32, #tpu.memory_space<vmem_shared>> -> memref<640x32xf32, #tpu.memory_space<vmem_shared>>
      %dma_start3A_130 = arith.constant 0 : i32
      %dma_start3A_131 = tpu.memref_slice %arg2[%add3A_5, %mul3A_0, %dma_start3A_130] : memref<4x10240x32xf32, #tpu.memory_space<hbm>> -> memref<1x640x32xf32, #tpu.memory_space<hbm>>
      %dma_start3A_132 = tpu.memref_squeeze %dma_start3A_131 : memref<1x640x32xf32, #tpu.memory_space<hbm>> -> memref<640x32xf32, #tpu.memory_space<hbm>>
      tpu.enqueue_dma source(%dma_start3A_132 : memref<640x32xf32, #tpu.memory_space<hbm>>) target(%dma_start3A_129 : memref<640x32xf32, #tpu.memory_space<vmem_shared>>) target_semaphore(%run_scoped3A : memref<!tpu.dma_semaphore, #tpu.memory_space<semaphore_mem>>)
      %dma_wait3A = arith.constant 0 : i32
      %dma_wait3A_133 = tpu.memref_slice %arg12[%mul3A_0, %dma_wait3A] : memref<10240x32xf32, #tpu.memory_space<vmem_shared>> -> memref<640x32xf32, #tpu.memory_space<vmem_shared>>
      %dma_wait3A_134 = arith.constant 0 : i32
      %dma_wait3A_135 = tpu.memref_slice %arg2[%add3A_5, %mul3A_0, %dma_wait3A_134] : memref<4x10240x32xf32, #tpu.memory_space<hbm>> -> memref<1x640x32xf32, #tpu.memory_space<hbm>>
      %dma_wait3A_136 = tpu.memref_squeeze %dma_wait3A_135 : memref<1x640x32xf32, #tpu.memory_space<hbm>> -> memref<640x32xf32, #tpu.memory_space<hbm>>
      tpu.wait_dma2 semaphore(%run_scoped3A : memref<!tpu.dma_semaphore, #tpu.memory_space<semaphore_mem>>) src(%dma_wait3A_136 : memref<640x32xf32, #tpu.memory_space<hbm>>) dst(%dma_wait3A_133 : memref<640x32xf32, #tpu.memory_space<vmem_shared>>)
      tpu.yield
    }) : () -> ()
    %scan3A = arith.constant 0 : i32
    %scan3A_6 = arith.constant 128 : i32
    %scan3A_7 = arith.addi %scan3A, %scan3A_6 : i32
    %scan3A_8 = arith.constant 1 : i32
    scf.for %scan3A_128 = %scan3A to %scan3A_7 step %scan3A_8  : i32 {
      %mul3A_129 = arith.constant 1 : i32
      %mul3A_130 = arith.muli %scan3A_128, %mul3A_129 : i32
      %add3A_131 = arith.constant 0 : i32
      %add3A_132 = arith.addi %add3A_131, %mul3A_130 : i32
      %broadcast_in_dim3A = arith.constant 0.000000e+00 : f32
      %broadcast_in_dim3A_133 = vector.broadcast %broadcast_in_dim3A : f32 to vector<16xf32>
      %swap3A = arith.index_cast %add3A_132 : i32 to index
      %swap3A_134 = arith.constant 0 : index
      %swap3A_135 = tpu.vector_load %arg8[%swap3A, %swap3A_134] {strides = array<i32>} : memref<128x32xf32, #tpu.memory_space<vmem>>, vector<1x16xf32>,
      %swap3A_136 = vector.shape_cast %swap3A_135 : vector<1x16xf32> to vector<16xf32>
      %swap3A_137 = vector.shape_cast %broadcast_in_dim3A_133 : vector<16xf32> to vector<1x16xf32>
      tpu.vector_store %arg8[%swap3A, %swap3A_134], %swap3A_137 {strides = array<i32>} : memref<128x32xf32, #tpu.memory_space<vmem>>, vector<1x16xf32>,
      %broadcast_in_dim3A_138 = arith.constant 0.000000e+00 : f32
      %broadcast_in_dim3A_139 = vector.broadcast %broadcast_in_dim3A_138 : f32 to vector<16xf32>
      %swap3A_140 = arith.index_cast %add3A_132 : i32 to index
      %swap3A_141 = arith.constant 16 : index
      %swap3A_142 = tpu.vector_load %arg8[%swap3A_140, %swap3A_141] {strides = array<i32>} : memref<128x32xf32, #tpu.memory_space<vmem>>, vector<1x16xf32>,
      %swap3A_143 = vector.shape_cast %swap3A_142 : vector<1x16xf32> to vector<16xf32>
      %swap3A_144 = vector.shape_cast %broadcast_in_dim3A_139 : vector<16xf32> to vector<1x16xf32>
      tpu.vector_store %arg8[%swap3A_140, %swap3A_141], %swap3A_144 {strides = array<i32>} : memref<128x32xf32, #tpu.memory_space<vmem>>, vector<1x16xf32>,
    }
    %scan3A_9 = arith.constant 128 : i32
    %mul3A_10 = arith.constant 640 : i32
    %mul3A_11 = arith.muli %arg1, %mul3A_10 : i32
    %add3A_12 = arith.constant 0 : i32
    %add3A_13 = arith.addi %mul3A_11, %add3A_12 : i32
    "tpu.region"() ({
      %run_scoped3A = tpu.sem_alloc : memref<!tpu.dma_semaphore, #tpu.memory_space<semaphore_mem>>
      %dma_start3A_128 = arith.constant 0 : i32
      %dma_start3A_129 = tpu.memref_slice %arg13[%add3A_13, %dma_start3A_128] : memref<10240x32xf32, #tpu.memory_space<vmem_shared>> -> memref<128x32xf32, #tpu.memory_space<vmem_shared>>
      %dma_start3A_130 = arith.constant 0 : i32
      %dma_start3A_131 = tpu.memref_slice %arg13[%add3A_13, %dma_start3A_130] : memref<10240x32xf32, #tpu.memory_space<vmem_shared>> -> memref<128x32xf32, #tpu.memory_space<vmem_shared>>
      tpu.enqueue_dma source(%arg8 : memref<128x32xf32, #tpu.memory_space<vmem>>) target(%dma_start3A_131 : memref<128x32xf32, #tpu.memory_space<vmem_shared>>) target_semaphore(%run_scoped3A : memref<!tpu.dma_semaphore, #tpu.memory_space<semaphore_mem>>)
      %dma_wait3A = arith.constant 0 : i32
      %dma_wait3A_132 = tpu.memref_slice %arg13[%add3A_13, %dma_wait3A] : memref<10240x32xf32, #tpu.memory_space<vmem_shared>> -> memref<128x32xf32, #tpu.memory_space<vmem_shared>>
      %dma_wait3A_133 = arith.constant 0 : i32
      %dma_wait3A_134 = tpu.memref_slice %arg13[%add3A_13, %dma_wait3A_133] : memref<10240x32xf32, #tpu.memory_space<vmem_shared>> -> memref<128x32xf32, #tpu.memory_space<vmem_shared>>
      tpu.wait_dma2 semaphore(%run_scoped3A : memref<!tpu.dma_semaphore, #tpu.memory_space<semaphore_mem>>) src(%arg8 : memref<128x32xf32, #tpu.memory_space<vmem>>) dst(%dma_wait3A_134 : memref<128x32xf32, #tpu.memory_space<vmem_shared>>)
      tpu.yield
    }) : () -> ()
    %mul3A_14 = arith.constant 640 : i32
    %mul3A_15 = arith.muli %arg1, %mul3A_14 : i32
    %add3A_16 = arith.constant 128 : i32
    %add3A_17 = arith.addi %mul3A_15, %add3A_16 : i32
    "tpu.region"() ({
      %run_scoped3A = tpu.sem_alloc : memref<!tpu.dma_semaphore, #tpu.memory_space<semaphore_mem>>
      %dma_start3A_128 = arith.constant 0 : i32
      %dma_start3A_129 = tpu.memref_slice %arg13[%add3A_17, %dma_start3A_128] : memref<10240x32xf32, #tpu.memory_space<vmem_shared>> -> memref<128x32xf32, #tpu.memory_space<vmem_shared>>
      %dma_start3A_130 = arith.constant 0 : i32
      %dma_start3A_131 = tpu.memref_slice %arg13[%add3A_17, %dma_start3A_130] : memref<10240x32xf32, #tpu.memory_space<vmem_shared>> -> memref<128x32xf32, #tpu.memory_space<vmem_shared>>
      tpu.enqueue_dma source(%arg8 : memref<128x32xf32, #tpu.memory_space<vmem>>) target(%dma_start3A_131 : memref<128x32xf32, #tpu.memory_space<vmem_shared>>) target_semaphore(%run_scoped3A : memref<!tpu.dma_semaphore, #tpu.memory_space<semaphore_mem>>)
      %dma_wait3A = arith.constant 0 : i32
      %dma_wait3A_132 = tpu.memref_slice %arg13[%add3A_17, %dma_wait3A] : memref<10240x32xf32, #tpu.memory_space<vmem_shared>> -> memref<128x32xf32, #tpu.memory_space<vmem_shared>>
      %dma_wait3A_133 = arith.constant 0 : i32
      %dma_wait3A_134 = tpu.memref_slice %arg13[%add3A_17, %dma_wait3A_133] : memref<10240x32xf32, #tpu.memory_space<vmem_shared>> -> memref<128x32xf32, #tpu.memory_space<vmem_shared>>
      tpu.wait_dma2 semaphore(%run_scoped3A : memref<!tpu.dma_semaphore, #tpu.memory_space<semaphore_mem>>) src(%arg8 : memref<128x32xf32, #tpu.memory_space<vmem>>) dst(%dma_wait3A_134 : memref<128x32xf32, #tpu.memory_space<vmem_shared>>)
      tpu.yield
    }) : () -> ()
    %mul3A_18 = arith.constant 640 : i32
    %mul3A_19 = arith.muli %arg1, %mul3A_18 : i32
    %add3A_20 = arith.constant 256 : i32
    %add3A_21 = arith.addi %mul3A_19, %add3A_20 : i32
    "tpu.region"() ({
      %run_scoped3A = tpu.sem_alloc : memref<!tpu.dma_semaphore, #tpu.memory_space<semaphore_mem>>
      %dma_start3A_128 = arith.constant 0 : i32
      %dma_start3A_129 = tpu.memref_slice %arg13[%add3A_21, %dma_start3A_128] : memref<10240x32xf32, #tpu.memory_space<vmem_shared>> -> memref<128x32xf32, #tpu.memory_space<vmem_shared>>
      %dma_start3A_130 = arith.constant 0 : i32
      %dma_start3A_131 = tpu.memref_slice %arg13[%add3A_21, %dma_start3A_130] : memref<10240x32xf32, #tpu.memory_space<vmem_shared>> -> memref<128x32xf32, #tpu.memory_space<vmem_shared>>
      tpu.enqueue_dma source(%arg8 : memref<128x32xf32, #tpu.memory_space<vmem>>) target(%dma_start3A_131 : memref<128x32xf32, #tpu.memory_space<vmem_shared>>) target_semaphore(%run_scoped3A : memref<!tpu.dma_semaphore, #tpu.memory_space<semaphore_mem>>)
      %dma_wait3A = arith.constant 0 : i32
      %dma_wait3A_132 = tpu.memref_slice %arg13[%add3A_21, %dma_wait3A] : memref<10240x32xf32, #tpu.memory_space<vmem_shared>> -> memref<128x32xf32, #tpu.memory_space<vmem_shared>>
      %dma_wait3A_133 = arith.constant 0 : i32
      %dma_wait3A_134 = tpu.memref_slice %arg13[%add3A_21, %dma_wait3A_133] : memref<10240x32xf32, #tpu.memory_space<vmem_shared>> -> memref<128x32xf32, #tpu.memory_space<vmem_shared>>
      tpu.wait_dma2 semaphore(%run_scoped3A : memref<!tpu.dma_semaphore, #tpu.memory_space<semaphore_mem>>) src(%arg8 : memref<128x32xf32, #tpu.memory_space<vmem>>) dst(%dma_wait3A_134 : memref<128x32xf32, #tpu.memory_space<vmem_shared>>)
      tpu.yield
    }) : () -> ()
    %mul3A_22 = arith.constant 640 : i32
    %mul3A_23 = arith.muli %arg1, %mul3A_22 : i32
    %add3A_24 = arith.constant 384 : i32
    %add3A_25 = arith.addi %mul3A_23, %add3A_24 : i32
    "tpu.region"() ({
      %run_scoped3A = tpu.sem_alloc : memref<!tpu.dma_semaphore, #tpu.memory_space<semaphore_mem>>
      %dma_start3A_128 = arith.constant 0 : i32
      %dma_start3A_129 = tpu.memref_slice %arg13[%add3A_25, %dma_start3A_128] : memref<10240x32xf32, #tpu.memory_space<vmem_shared>> -> memref<128x32xf32, #tpu.memory_space<vmem_shared>>
      %dma_start3A_130 = arith.constant 0 : i32
      %dma_start3A_131 = tpu.memref_slice %arg13[%add3A_25, %dma_start3A_130] : memref<10240x32xf32, #tpu.memory_space<vmem_shared>> -> memref<128x32xf32, #tpu.memory_space<vmem_shared>>
      tpu.enqueue_dma source(%arg8 : memref<128x32xf32, #tpu.memory_space<vmem>>) target(%dma_start3A_131 : memref<128x32xf32, #tpu.memory_space<vmem_shared>>) target_semaphore(%run_scoped3A : memref<!tpu.dma_semaphore, #tpu.memory_space<semaphore_mem>>)
      %dma_wait3A = arith.constant 0 : i32
      %dma_wait3A_132 = tpu.memref_slice %arg13[%add3A_25, %dma_wait3A] : memref<10240x32xf32, #tpu.memory_space<vmem_shared>> -> memref<128x32xf32, #tpu.memory_space<vmem_shared>>
      %dma_wait3A_133 = arith.constant 0 : i32
      %dma_wait3A_134 = tpu.memref_slice %arg13[%add3A_25, %dma_wait3A_133] : memref<10240x32xf32, #tpu.memory_space<vmem_shared>> -> memref<128x32xf32, #tpu.memory_space<vmem_shared>>
      tpu.wait_dma2 semaphore(%run_scoped3A : memref<!tpu.dma_semaphore, #tpu.memory_space<semaphore_mem>>) src(%arg8 : memref<128x32xf32, #tpu.memory_space<vmem>>) dst(%dma_wait3A_134 : memref<128x32xf32, #tpu.memory_space<vmem_shared>>)
      tpu.yield
    }) : () -> ()
    %mul3A_26 = arith.constant 640 : i32
    %mul3A_27 = arith.muli %arg1, %mul3A_26 : i32
    %add3A_28 = arith.constant 512 : i32
    %add3A_29 = arith.addi %mul3A_27, %add3A_28 : i32
    "tpu.region"() ({
      %run_scoped3A = tpu.sem_alloc : memref<!tpu.dma_semaphore, #tpu.memory_space<semaphore_mem>>
      %dma_start3A_128 = arith.constant 0 : i32
      %dma_start3A_129 = tpu.memref_slice %arg13[%add3A_29, %dma_start3A_128] : memref<10240x32xf32, #tpu.memory_space<vmem_shared>> -> memref<128x32xf32, #tpu.memory_space<vmem_shared>>
      %dma_start3A_130 = arith.constant 0 : i32
      %dma_start3A_131 = tpu.memref_slice %arg13[%add3A_29, %dma_start3A_130] : memref<10240x32xf32, #tpu.memory_space<vmem_shared>> -> memref<128x32xf32, #tpu.memory_space<vmem_shared>>
      tpu.enqueue_dma source(%arg8 : memref<128x32xf32, #tpu.memory_space<vmem>>) target(%dma_start3A_131 : memref<128x32xf32, #tpu.memory_space<vmem_shared>>) target_semaphore(%run_scoped3A : memref<!tpu.dma_semaphore, #tpu.memory_space<semaphore_mem>>)
      %dma_wait3A = arith.constant 0 : i32
      %dma_wait3A_132 = tpu.memref_slice %arg13[%add3A_29, %dma_wait3A] : memref<10240x32xf32, #tpu.memory_space<vmem_shared>> -> memref<128x32xf32, #tpu.memory_space<vmem_shared>>
      %dma_wait3A_133 = arith.constant 0 : i32
      %dma_wait3A_134 = tpu.memref_slice %arg13[%add3A_29, %dma_wait3A_133] : memref<10240x32xf32, #tpu.memory_space<vmem_shared>> -> memref<128x32xf32, #tpu.memory_space<vmem_shared>>
      tpu.wait_dma2 semaphore(%run_scoped3A : memref<!tpu.dma_semaphore, #tpu.memory_space<semaphore_mem>>) src(%arg8 : memref<128x32xf32, #tpu.memory_space<vmem>>) dst(%dma_wait3A_134 : memref<128x32xf32, #tpu.memory_space<vmem_shared>>)
      tpu.yield
    }) : () -> ()
    %barrier3A = arith.constant 0 : index
    tpu.barrier barrier_id(%barrier3A)
    %dma_start3A = arith.constant 0 : i32
    %dma_start3A_30 = arith.constant 0 : i32
    %dma_start3A_31 = tpu.memref_slice %arg6[%dma_start3A, %dma_start3A_30] : memref<160x128xi32, #tpu.memory_space<vmem>> -> memref<1x128xi32, #tpu.memory_space<vmem>>
    %dma_start3A_32 = tpu.memref_squeeze %dma_start3A_31 : memref<1x128xi32, #tpu.memory_space<vmem>> -> memref<128xi32, #tpu.memory_space<vmem>>
    %dma_start3A_33 = arith.constant 0 : i32
    %dma_start3A_34 = arith.constant 0 : i32
    %dma_start3A_35 = tpu.memref_slice %arg12[%dma_start3A_33, %dma_start3A_34] : memref<10240x32xf32, #tpu.memory_space<vmem_shared>> -> memref<10240x32xf32, #tpu.memory_space<vmem_shared>>
    tpu.enqueue_indirect_dma source(%dma_start3A_35 : memref<10240x32xf32, #tpu.memory_space<vmem_shared>>) target(%arg8 : memref<128x32xf32, #tpu.memory_space<vmem>>) offsets(%dma_start3A_32 : memref<128xi32, #tpu.memory_space<vmem>>) semaphore(%arg14 : memref<!tpu.dma_semaphore, #tpu.memory_space<semaphore_mem>>)
    %dma_start3A_36 = arith.constant 1 : i32
    %dma_start3A_37 = arith.constant 0 : i32
    %dma_start3A_38 = tpu.memref_slice %arg6[%dma_start3A_36, %dma_start3A_37] : memref<160x128xi32, #tpu.memory_space<vmem>> -> memref<1x128xi32, #tpu.memory_space<vmem>>
    %dma_start3A_39 = tpu.memref_squeeze %dma_start3A_38 : memref<1x128xi32, #tpu.memory_space<vmem>> -> memref<128xi32, #tpu.memory_space<vmem>>
    %dma_start3A_40 = arith.constant 0 : i32
    %dma_start3A_41 = arith.constant 0 : i32
    %dma_start3A_42 = tpu.memref_slice %arg12[%dma_start3A_40, %dma_start3A_41] : memref<10240x32xf32, #tpu.memory_space<vmem_shared>> -> memref<10240x32xf32, #tpu.memory_space<vmem_shared>>
    tpu.enqueue_indirect_dma source(%dma_start3A_42 : memref<10240x32xf32, #tpu.memory_space<vmem_shared>>) target(%arg9 : memref<128x32xf32, #tpu.memory_space<vmem>>) offsets(%dma_start3A_39 : memref<128xi32, #tpu.memory_space<vmem>>) semaphore(%arg15 : memref<!tpu.dma_semaphore, #tpu.memory_space<semaphore_mem>>)
    %dma_start3A_43 = arith.constant 2 : i32
    %dma_start3A_44 = arith.constant 0 : i32
    %dma_start3A_45 = tpu.memref_slice %arg6[%dma_start3A_43, %dma_start3A_44] : memref<160x128xi32, #tpu.memory_space<vmem>> -> memref<1x128xi32, #tpu.memory_space<vmem>>
    %dma_start3A_46 = tpu.memref_squeeze %dma_start3A_45 : memref<1x128xi32, #tpu.memory_space<vmem>> -> memref<128xi32, #tpu.memory_space<vmem>>
    %dma_start3A_47 = arith.constant 0 : i32
    %dma_start3A_48 = arith.constant 0 : i32
    %dma_start3A_49 = tpu.memref_slice %arg12[%dma_start3A_47, %dma_start3A_48] : memref<10240x32xf32, #tpu.memory_space<vmem_shared>> -> memref<10240x32xf32, #tpu.memory_space<vmem_shared>>
    tpu.enqueue_indirect_dma source(%dma_start3A_49 : memref<10240x32xf32, #tpu.memory_space<vmem_shared>>) target(%arg10 : memref<128x32xf32, #tpu.memory_space<vmem>>) offsets(%dma_start3A_46 : memref<128xi32, #tpu.memory_space<vmem>>) semaphore(%arg16 : memref<!tpu.dma_semaphore, #tpu.memory_space<semaphore_mem>>)
    %dma_start3A_50 = arith.constant 3 : i32
    %dma_start3A_51 = arith.constant 0 : i32
    %dma_start3A_52 = tpu.memref_slice %arg6[%dma_start3A_50, %dma_start3A_51] : memref<160x128xi32, #tpu.memory_space<vmem>> -> memref<1x128xi32, #tpu.memory_space<vmem>>
    %dma_start3A_53 = tpu.memref_squeeze %dma_start3A_52 : memref<1x128xi32, #tpu.memory_space<vmem>> -> memref<128xi32, #tpu.memory_space<vmem>>
    %dma_start3A_54 = arith.constant 0 : i32
    %dma_start3A_55 = arith.constant 0 : i32
    %dma_start3A_56 = tpu.memref_slice %arg12[%dma_start3A_54, %dma_start3A_55] : memref<10240x32xf32, #tpu.memory_space<vmem_shared>> -> memref<10240x32xf32, #tpu.memory_space<vmem_shared>>
    tpu.enqueue_indirect_dma source(%dma_start3A_56 : memref<10240x32xf32, #tpu.memory_space<vmem_shared>>) target(%arg11 : memref<128x32xf32, #tpu.memory_space<vmem>>) offsets(%dma_start3A_53 : memref<128xi32, #tpu.memory_space<vmem>>) semaphore(%arg17 : memref<!tpu.dma_semaphore, #tpu.memory_space<semaphore_mem>>)
    %scan3A_57 = arith.constant 0 : i32
    %scan3A_58 = arith.constant 40 : i32
    %scan3A_59 = arith.addi %scan3A_57, %scan3A_58 : i32
    %scan3A_60 = arith.constant 1 : i32
    scf.for %scan3A_128 = %scan3A_57 to %scan3A_59 step %scan3A_60  : i32 {
      %mul3A_129 = arith.constant 4 : i32
      %mul3A_130 = arith.muli %scan3A_128, %mul3A_129 : i32
      %add3A_131 = arith.constant 0 : i32
      %add3A_132 = arith.addi %add3A_131, %mul3A_130 : i32
      %add3A_133 = arith.constant 0 : i32
      %add3A_134 = arith.addi %add3A_132, %add3A_133 : i32
      %dma_wait3A = arith.constant 0 : i32
      %dma_wait3A_135 = tpu.memref_slice %arg6[%add3A_134, %dma_wait3A] : memref<160x128xi32, #tpu.memory_space<vmem>> -> memref<1x128xi32, #tpu.memory_space<vmem>>
      %dma_wait3A_136 = tpu.memref_squeeze %dma_wait3A_135 : memref<1x128xi32, #tpu.memory_space<vmem>> -> memref<128xi32, #tpu.memory_space<vmem>>
      %dma_wait3A_137 = arith.constant 0 : i32
      %dma_wait3A_138 = arith.constant 0 : i32
      %dma_wait3A_139 = tpu.memref_slice %arg12[%dma_wait3A_137, %dma_wait3A_138] : memref<10240x32xf32, #tpu.memory_space<vmem_shared>> -> memref<10240x32xf32, #tpu.memory_space<vmem_shared>>
      tpu.wait_indirect_dma semaphore(%arg14 : memref<!tpu.dma_semaphore, #tpu.memory_space<semaphore_mem>>) src(%dma_wait3A_139 : memref<10240x32xf32, #tpu.memory_space<vmem_shared>>) dst(%arg8 : memref<128x32xf32, #tpu.memory_space<vmem>>)
      %dma_start3A_140 = arith.constant 0 : i32
      %dma_start3A_141 = tpu.memref_slice %arg7[%add3A_134, %dma_start3A_140] : memref<160x128xi32, #tpu.memory_space<vmem>> -> memref<1x128xi32, #tpu.memory_space<vmem>>
      %dma_start3A_142 = tpu.memref_squeeze %dma_start3A_141 : memref<1x128xi32, #tpu.memory_space<vmem>> -> memref<128xi32, #tpu.memory_space<vmem>>
      %dma_start3A_143 = arith.constant 0 : i32
      %dma_start3A_144 = arith.constant 0 : i32
      %dma_start3A_145 = tpu.memref_slice %arg13[%dma_start3A_143, %dma_start3A_144] : memref<10240x32xf32, #tpu.memory_space<vmem_shared>> -> memref<10240x32xf32, #tpu.memory_space<vmem_shared>>
      tpu.enqueue_indirect_dma source(%arg8 : memref<128x32xf32, #tpu.memory_space<vmem>>) target(%dma_start3A_145 : memref<10240x32xf32, #tpu.memory_space<vmem_shared>>) offsets(%dma_start3A_142 : memref<128xi32, #tpu.memory_space<vmem>>) semaphore(%arg18 : memref<!tpu.dma_semaphore, #tpu.memory_space<semaphore_mem>>) {add = true}
      %dma_wait3A_146 = arith.constant 0 : i32
      %dma_wait3A_147 = tpu.memref_slice %arg7[%add3A_134, %dma_wait3A_146] : memref<160x128xi32, #tpu.memory_space<vmem>> -> memref<1x128xi32, #tpu.memory_space<vmem>>
      %dma_wait3A_148 = tpu.memref_squeeze %dma_wait3A_147 : memref<1x128xi32, #tpu.memory_space<vmem>> -> memref<128xi32, #tpu.memory_space<vmem>>
      %dma_wait3A_149 = arith.constant 0 : i32
      %dma_wait3A_150 = arith.constant 0 : i32
      %dma_wait3A_151 = tpu.memref_slice %arg13[%dma_wait3A_149, %dma_wait3A_150] : memref<10240x32xf32, #tpu.memory_space<vmem_shared>> -> memref<10240x32xf32, #tpu.memory_space<vmem_shared>>
      tpu.wait_indirect_dma semaphore(%arg18 : memref<!tpu.dma_semaphore, #tpu.memory_space<semaphore_mem>>) src(%arg8 : memref<128x32xf32, #tpu.memory_space<vmem>>) dst(%dma_wait3A_151 : memref<10240x32xf32, #tpu.memory_space<vmem_shared>>)
      %add3A_152 = arith.constant 4 : i32
      %add3A_153 = arith.addi %add3A_134, %add3A_152 : i32
      %lt3A = arith.constant 160 : i32
      %lt3A_154 = arith.cmpi slt, %add3A_153, %lt3A : i32
      %convert_element_type3A = arith.extui %lt3A_154 : i1 to i32
      %cond3A = arith.constant 0 : i32
      %cond3A_155 = arith.cmpi ne, %convert_element_type3A, %cond3A : i32
      scf.if %cond3A_155 {
        %add3A_237 = arith.constant 4 : i32
        %add3A_238 = arith.addi %add3A_134, %add3A_237 : i32
        %dma_start3A_239 = arith.constant 0 : i32
        %dma_start3A_240 = tpu.memref_slice %arg6[%add3A_238, %dma_start3A_239] : memref<160x128xi32, #tpu.memory_space<vmem>> -> memref<1x128xi32, #tpu.memory_space<vmem>>
        %dma_start3A_241 = tpu.memref_squeeze %dma_start3A_240 : memref<1x128xi32, #tpu.memory_space<vmem>> -> memref<128xi32, #tpu.memory_space<vmem>>
        %dma_start3A_242 = arith.constant 0 : i32
        %dma_start3A_243 = arith.constant 0 : i32
        %dma_start3A_244 = tpu.memref_slice %arg12[%dma_start3A_242, %dma_start3A_243] : memref<10240x32xf32, #tpu.memory_space<vmem_shared>> -> memref<10240x32xf32, #tpu.memory_space<vmem_shared>>
        tpu.enqueue_indirect_dma source(%dma_start3A_244 : memref<10240x32xf32, #tpu.memory_space<vmem_shared>>) target(%arg8 : memref<128x32xf32, #tpu.memory_space<vmem>>) offsets(%dma_start3A_241 : memref<128xi32, #tpu.memory_space<vmem>>) semaphore(%arg14 : memref<!tpu.dma_semaphore, #tpu.memory_space<semaphore_mem>>)
      } else {
      }
      %add3A_156 = arith.constant 1 : i32
      %add3A_157 = arith.addi %add3A_132, %add3A_156 : i32
      %dma_wait3A_158 = arith.constant 0 : i32
      %dma_wait3A_159 = tpu.memref_slice %arg6[%add3A_157, %dma_wait3A_158] : memref<160x128xi32, #tpu.memory_space<vmem>> -> memref<1x128xi32, #tpu.memory_space<vmem>>
      %dma_wait3A_160 = tpu.memref_squeeze %dma_wait3A_159 : memref<1x128xi32, #tpu.memory_space<vmem>> -> memref<128xi32, #tpu.memory_space<vmem>>
      %dma_wait3A_161 = arith.constant 0 : i32
      %dma_wait3A_162 = arith.constant 0 : i32
      %dma_wait3A_163 = tpu.memref_slice %arg12[%dma_wait3A_161, %dma_wait3A_162] : memref<10240x32xf32, #tpu.memory_space<vmem_shared>> -> memref<10240x32xf32, #tpu.memory_space<vmem_shared>>
      tpu.wait_indirect_dma semaphore(%arg15 : memref<!tpu.dma_semaphore, #tpu.memory_space<semaphore_mem>>) src(%dma_wait3A_163 : memref<10240x32xf32, #tpu.memory_space<vmem_shared>>) dst(%arg9 : memref<128x32xf32, #tpu.memory_space<vmem>>)
      %dma_start3A_164 = arith.constant 0 : i32
      %dma_start3A_165 = tpu.memref_slice %arg7[%add3A_157, %dma_start3A_164] : memref<160x128xi32, #tpu.memory_space<vmem>> -> memref<1x128xi32, #tpu.memory_space<vmem>>
      %dma_start3A_166 = tpu.memref_squeeze %dma_start3A_165 : memref<1x128xi32, #tpu.memory_space<vmem>> -> memref<128xi32, #tpu.memory_space<vmem>>
      %dma_start3A_167 = arith.constant 0 : i32
      %dma_start3A_168 = arith.constant 0 : i32
      %dma_start3A_169 = tpu.memref_slice %arg13[%dma_start3A_167, %dma_start3A_168] : memref<10240x32xf32, #tpu.memory_space<vmem_shared>> -> memref<10240x32xf32, #tpu.memory_space<vmem_shared>>
      tpu.enqueue_indirect_dma source(%arg9 : memref<128x32xf32, #tpu.memory_space<vmem>>) target(%dma_start3A_169 : memref<10240x32xf32, #tpu.memory_space<vmem_shared>>) offsets(%dma_start3A_166 : memref<128xi32, #tpu.memory_space<vmem>>) semaphore(%arg19 : memref<!tpu.dma_semaphore, #tpu.memory_space<semaphore_mem>>) {add = true}
      %dma_wait3A_170 = arith.constant 0 : i32
      %dma_wait3A_171 = tpu.memref_slice %arg7[%add3A_157, %dma_wait3A_170] : memref<160x128xi32, #tpu.memory_space<vmem>> -> memref<1x128xi32, #tpu.memory_space<vmem>>
      %dma_wait3A_172 = tpu.memref_squeeze %dma_wait3A_171 : memref<1x128xi32, #tpu.memory_space<vmem>> -> memref<128xi32, #tpu.memory_space<vmem>>
      %dma_wait3A_173 = arith.constant 0 : i32
      %dma_wait3A_174 = arith.constant 0 : i32
      %dma_wait3A_175 = tpu.memref_slice %arg13[%dma_wait3A_173, %dma_wait3A_174] : memref<10240x32xf32, #tpu.memory_space<vmem_shared>> -> memref<10240x32xf32, #tpu.memory_space<vmem_shared>>
      tpu.wait_indirect_dma semaphore(%arg19 : memref<!tpu.dma_semaphore, #tpu.memory_space<semaphore_mem>>) src(%arg9 : memref<128x32xf32, #tpu.memory_space<vmem>>) dst(%dma_wait3A_175 : memref<10240x32xf32, #tpu.memory_space<vmem_shared>>)
      %add3A_176 = arith.constant 4 : i32
      %add3A_177 = arith.addi %add3A_157, %add3A_176 : i32
      %lt3A_178 = arith.constant 160 : i32
      %lt3A_179 = arith.cmpi slt, %add3A_177, %lt3A_178 : i32
      %convert_element_type3A_180 = arith.extui %lt3A_179 : i1 to i32
      %cond3A_181 = arith.constant 0 : i32
      %cond3A_182 = arith.cmpi ne, %convert_element_type3A_180, %cond3A_181 : i32
      scf.if %cond3A_182 {
        %add3A_237 = arith.constant 4 : i32
        %add3A_238 = arith.addi %add3A_157, %add3A_237 : i32
        %dma_start3A_239 = arith.constant 0 : i32
        %dma_start3A_240 = tpu.memref_slice %arg6[%add3A_238, %dma_start3A_239] : memref<160x128xi32, #tpu.memory_space<vmem>> -> memref<1x128xi32, #tpu.memory_space<vmem>>
        %dma_start3A_241 = tpu.memref_squeeze %dma_start3A_240 : memref<1x128xi32, #tpu.memory_space<vmem>> -> memref<128xi32, #tpu.memory_space<vmem>>
        %dma_start3A_242 = arith.constant 0 : i32
        %dma_start3A_243 = arith.constant 0 : i32
        %dma_start3A_244 = tpu.memref_slice %arg12[%dma_start3A_242, %dma_start3A_243] : memref<10240x32xf32, #tpu.memory_space<vmem_shared>> -> memref<10240x32xf32, #tpu.memory_space<vmem_shared>>
        tpu.enqueue_indirect_dma source(%dma_start3A_244 : memref<10240x32xf32, #tpu.memory_space<vmem_shared>>) target(%arg9 : memref<128x32xf32, #tpu.memory_space<vmem>>) offsets(%dma_start3A_241 : memref<128xi32, #tpu.memory_space<vmem>>) semaphore(%arg15 : memref<!tpu.dma_semaphore, #tpu.memory_space<semaphore_mem>>)
      } else {
      }
      %add3A_183 = arith.constant 2 : i32
      %add3A_184 = arith.addi %add3A_132, %add3A_183 : i32
      %dma_wait3A_185 = arith.constant 0 : i32
      %dma_wait3A_186 = tpu.memref_slice %arg6[%add3A_184, %dma_wait3A_185] : memref<160x128xi32, #tpu.memory_space<vmem>> -> memref<1x128xi32, #tpu.memory_space<vmem>>
      %dma_wait3A_187 = tpu.memref_squeeze %dma_wait3A_186 : memref<1x128xi32, #tpu.memory_space<vmem>> -> memref<128xi32, #tpu.memory_space<vmem>>
      %dma_wait3A_188 = arith.constant 0 : i32
      %dma_wait3A_189 = arith.constant 0 : i32
      %dma_wait3A_190 = tpu.memref_slice %arg12[%dma_wait3A_188, %dma_wait3A_189] : memref<10240x32xf32, #tpu.memory_space<vmem_shared>> -> memref<10240x32xf32, #tpu.memory_space<vmem_shared>>
      tpu.wait_indirect_dma semaphore(%arg16 : memref<!tpu.dma_semaphore, #tpu.memory_space<semaphore_mem>>) src(%dma_wait3A_190 : memref<10240x32xf32, #tpu.memory_space<vmem_shared>>) dst(%arg10 : memref<128x32xf32, #tpu.memory_space<vmem>>)
      %dma_start3A_191 = arith.constant 0 : i32
      %dma_start3A_192 = tpu.memref_slice %arg7[%add3A_184, %dma_start3A_191] : memref<160x128xi32, #tpu.memory_space<vmem>> -> memref<1x128xi32, #tpu.memory_space<vmem>>
      %dma_start3A_193 = tpu.memref_squeeze %dma_start3A_192 : memref<1x128xi32, #tpu.memory_space<vmem>> -> memref<128xi32, #tpu.memory_space<vmem>>
      %dma_start3A_194 = arith.constant 0 : i32
      %dma_start3A_195 = arith.constant 0 : i32
      %dma_start3A_196 = tpu.memref_slice %arg13[%dma_start3A_194, %dma_start3A_195] : memref<10240x32xf32, #tpu.memory_space<vmem_shared>> -> memref<10240x32xf32, #tpu.memory_space<vmem_shared>>
      tpu.enqueue_indirect_dma source(%arg10 : memref<128x32xf32, #tpu.memory_space<vmem>>) target(%dma_start3A_196 : memref<10240x32xf32, #tpu.memory_space<vmem_shared>>) offsets(%dma_start3A_193 : memref<128xi32, #tpu.memory_space<vmem>>) semaphore(%arg20 : memref<!tpu.dma_semaphore, #tpu.memory_space<semaphore_mem>>) {add = true}
      %dma_wait3A_197 = arith.constant 0 : i32
      %dma_wait3A_198 = tpu.memref_slice %arg7[%add3A_184, %dma_wait3A_197] : memref<160x128xi32, #tpu.memory_space<vmem>> -> memref<1x128xi32, #tpu.memory_space<vmem>>
      %dma_wait3A_199 = tpu.memref_squeeze %dma_wait3A_198 : memref<1x128xi32, #tpu.memory_space<vmem>> -> memref<128xi32, #tpu.memory_space<vmem>>
      %dma_wait3A_200 = arith.constant 0 : i32
      %dma_wait3A_201 = arith.constant 0 : i32
      %dma_wait3A_202 = tpu.memref_slice %arg13[%dma_wait3A_200, %dma_wait3A_201] : memref<10240x32xf32, #tpu.memory_space<vmem_shared>> -> memref<10240x32xf32, #tpu.memory_space<vmem_shared>>
      tpu.wait_indirect_dma semaphore(%arg20 : memref<!tpu.dma_semaphore, #tpu.memory_space<semaphore_mem>>) src(%arg10 : memref<128x32xf32, #tpu.memory_space<vmem>>) dst(%dma_wait3A_202 : memref<10240x32xf32, #tpu.memory_space<vmem_shared>>)
      %add3A_203 = arith.constant 4 : i32
      %add3A_204 = arith.addi %add3A_184, %add3A_203 : i32
      %lt3A_205 = arith.constant 160 : i32
      %lt3A_206 = arith.cmpi slt, %add3A_204, %lt3A_205 : i32
      %convert_element_type3A_207 = arith.extui %lt3A_206 : i1 to i32
      %cond3A_208 = arith.constant 0 : i32
      %cond3A_209 = arith.cmpi ne, %convert_element_type3A_207, %cond3A_208 : i32
      scf.if %cond3A_209 {
        %add3A_237 = arith.constant 4 : i32
        %add3A_238 = arith.addi %add3A_184, %add3A_237 : i32
        %dma_start3A_239 = arith.constant 0 : i32
        %dma_start3A_240 = tpu.memref_slice %arg6[%add3A_238, %dma_start3A_239] : memref<160x128xi32, #tpu.memory_space<vmem>> -> memref<1x128xi32, #tpu.memory_space<vmem>>
        %dma_start3A_241 = tpu.memref_squeeze %dma_start3A_240 : memref<1x128xi32, #tpu.memory_space<vmem>> -> memref<128xi32, #tpu.memory_space<vmem>>
        %dma_start3A_242 = arith.constant 0 : i32
        %dma_start3A_243 = arith.constant 0 : i32
        %dma_start3A_244 = tpu.memref_slice %arg12[%dma_start3A_242, %dma_start3A_243] : memref<10240x32xf32, #tpu.memory_space<vmem_shared>> -> memref<10240x32xf32, #tpu.memory_space<vmem_shared>>
        tpu.enqueue_indirect_dma source(%dma_start3A_244 : memref<10240x32xf32, #tpu.memory_space<vmem_shared>>) target(%arg10 : memref<128x32xf32, #tpu.memory_space<vmem>>) offsets(%dma_start3A_241 : memref<128xi32, #tpu.memory_space<vmem>>) semaphore(%arg16 : memref<!tpu.dma_semaphore, #tpu.memory_space<semaphore_mem>>)
      } else {
      }
      %add3A_210 = arith.constant 3 : i32
      %add3A_211 = arith.addi %add3A_132, %add3A_210 : i32
      %dma_wait3A_212 = arith.constant 0 : i32
      %dma_wait3A_213 = tpu.memref_slice %arg6[%add3A_211, %dma_wait3A_212] : memref<160x128xi32, #tpu.memory_space<vmem>> -> memref<1x128xi32, #tpu.memory_space<vmem>>
      %dma_wait3A_214 = tpu.memref_squeeze %dma_wait3A_213 : memref<1x128xi32, #tpu.memory_space<vmem>> -> memref<128xi32, #tpu.memory_space<vmem>>
      %dma_wait3A_215 = arith.constant 0 : i32
      %dma_wait3A_216 = arith.constant 0 : i32
      %dma_wait3A_217 = tpu.memref_slice %arg12[%dma_wait3A_215, %dma_wait3A_216] : memref<10240x32xf32, #tpu.memory_space<vmem_shared>> -> memref<10240x32xf32, #tpu.memory_space<vmem_shared>>
      tpu.wait_indirect_dma semaphore(%arg17 : memref<!tpu.dma_semaphore, #tpu.memory_space<semaphore_mem>>) src(%dma_wait3A_217 : memref<10240x32xf32, #tpu.memory_space<vmem_shared>>) dst(%arg11 : memref<128x32xf32, #tpu.memory_space<vmem>>)
      %dma_start3A_218 = arith.constant 0 : i32
      %dma_start3A_219 = tpu.memref_slice %arg7[%add3A_211, %dma_start3A_218] : memref<160x128xi32, #tpu.memory_space<vmem>> -> memref<1x128xi32, #tpu.memory_space<vmem>>
      %dma_start3A_220 = tpu.memref_squeeze %dma_start3A_219 : memref<1x128xi32, #tpu.memory_space<vmem>> -> memref<128xi32, #tpu.memory_space<vmem>>
      %dma_start3A_221 = arith.constant 0 : i32
      %dma_start3A_222 = arith.constant 0 : i32
      %dma_start3A_223 = tpu.memref_slice %arg13[%dma_start3A_221, %dma_start3A_222] : memref<10240x32xf32, #tpu.memory_space<vmem_shared>> -> memref<10240x32xf32, #tpu.memory_space<vmem_shared>>
      tpu.enqueue_indirect_dma source(%arg11 : memref<128x32xf32, #tpu.memory_space<vmem>>) target(%dma_start3A_223 : memref<10240x32xf32, #tpu.memory_space<vmem_shared>>) offsets(%dma_start3A_220 : memref<128xi32, #tpu.memory_space<vmem>>) semaphore(%arg21 : memref<!tpu.dma_semaphore, #tpu.memory_space<semaphore_mem>>) {add = true}
      %dma_wait3A_224 = arith.constant 0 : i32
      %dma_wait3A_225 = tpu.memref_slice %arg7[%add3A_211, %dma_wait3A_224] : memref<160x128xi32, #tpu.memory_space<vmem>> -> memref<1x128xi32, #tpu.memory_space<vmem>>
      %dma_wait3A_226 = tpu.memref_squeeze %dma_wait3A_225 : memref<1x128xi32, #tpu.memory_space<vmem>> -> memref<128xi32, #tpu.memory_space<vmem>>
      %dma_wait3A_227 = arith.constant 0 : i32
      %dma_wait3A_228 = arith.constant 0 : i32
      %dma_wait3A_229 = tpu.memref_slice %arg13[%dma_wait3A_227, %dma_wait3A_228] : memref<10240x32xf32, #tpu.memory_space<vmem_shared>> -> memref<10240x32xf32, #tpu.memory_space<vmem_shared>>
      tpu.wait_indirect_dma semaphore(%arg21 : memref<!tpu.dma_semaphore, #tpu.memory_space<semaphore_mem>>) src(%arg11 : memref<128x32xf32, #tpu.memory_space<vmem>>) dst(%dma_wait3A_229 : memref<10240x32xf32, #tpu.memory_space<vmem_shared>>)
      %add3A_230 = arith.constant 4 : i32
      %add3A_231 = arith.addi %add3A_211, %add3A_230 : i32
      %lt3A_232 = arith.constant 160 : i32
      %lt3A_233 = arith.cmpi slt, %add3A_231, %lt3A_232 : i32
      %convert_element_type3A_234 = arith.extui %lt3A_233 : i1 to i32
      %cond3A_235 = arith.constant 0 : i32
      %cond3A_236 = arith.cmpi ne, %convert_element_type3A_234, %cond3A_235 : i32
      scf.if %cond3A_236 {
        %add3A_237 = arith.constant 4 : i32
        %add3A_238 = arith.addi %add3A_211, %add3A_237 : i32
        %dma_start3A_239 = arith.constant 0 : i32
        %dma_start3A_240 = tpu.memref_slice %arg6[%add3A_238, %dma_start3A_239] : memref<160x128xi32, #tpu.memory_space<vmem>> -> memref<1x128xi32, #tpu.memory_space<vmem>>
        %dma_start3A_241 = tpu.memref_squeeze %dma_start3A_240 : memref<1x128xi32, #tpu.memory_space<vmem>> -> memref<128xi32, #tpu.memory_space<vmem>>
        %dma_start3A_242 = arith.constant 0 : i32
        %dma_start3A_243 = arith.constant 0 : i32
        %dma_start3A_244 = tpu.memref_slice %arg12[%dma_start3A_242, %dma_start3A_243] : memref<10240x32xf32, #tpu.memory_space<vmem_shared>> -> memref<10240x32xf32, #tpu.memory_space<vmem_shared>>
        tpu.enqueue_indirect_dma source(%dma_start3A_244 : memref<10240x32xf32, #tpu.memory_space<vmem_shared>>) target(%arg11 : memref<128x32xf32, #tpu.memory_space<vmem>>) offsets(%dma_start3A_241 : memref<128xi32, #tpu.memory_space<vmem>>) semaphore(%arg17 : memref<!tpu.dma_semaphore, #tpu.memory_space<semaphore_mem>>)
      } else {
      }
    }
    %scan3A_61 = arith.constant 40 : i32
    %barrier3A_62 = arith.constant 0 : index
    tpu.barrier barrier_id(%barrier3A_62)
    "tpu.region"() ({
      %run_scoped3A = tpu.sem_alloc : memref<!tpu.dma_semaphore, #tpu.memory_space<semaphore_mem>>
      %dma_start3A_128 = arith.constant 0 : i32
      %dma_start3A_129 = tpu.memref_slice %arg5[%add3A_5, %mul3A_2, %dma_start3A_128] : memref<4x10240x32xf32, #tpu.memory_space<hbm>> -> memref<1x640x32xf32, #tpu.memory_space<hbm>>
      %dma_start3A_130 = tpu.memref_squeeze %dma_start3A_129 : memref<1x640x32xf32, #tpu.memory_space<hbm>> -> memref<640x32xf32, #tpu.memory_space<hbm>>
      %dma_start3A_131 = arith.constant 0 : i32
      %dma_start3A_132 = tpu.memref_slice %arg13[%mul3A_2, %dma_start3A_131] : memref<10240x32xf32, #tpu.memory_space<vmem_shared>> -> memref<640x32xf32, #tpu.memory_space<vmem_shared>>
      tpu.enqueue_dma source(%dma_start3A_132 : memref<640x32xf32, #tpu.memory_space<vmem_shared>>) target(%dma_start3A_130 : memref<640x32xf32, #tpu.memory_space<hbm>>) target_semaphore(%run_scoped3A : memref<!tpu.dma_semaphore, #tpu.memory_space<semaphore_mem>>)
      %dma_wait3A = arith.constant 0 : i32
      %dma_wait3A_133 = tpu.memref_slice %arg5[%add3A_5, %mul3A_2, %dma_wait3A] : memref<4x10240x32xf32, #tpu.memory_space<hbm>> -> memref<1x640x32xf32, #tpu.memory_space<hbm>>
      %dma_wait3A_134 = tpu.memref_squeeze %dma_wait3A_133 : memref<1x640x32xf32, #tpu.memory_space<hbm>> -> memref<640x32xf32, #tpu.memory_space<hbm>>
      %dma_wait3A_135 = arith.constant 0 : i32
      %dma_wait3A_136 = tpu.memref_slice %arg13[%mul3A_2, %dma_wait3A_135] : memref<10240x32xf32, #tpu.memory_space<vmem_shared>> -> memref<640x32xf32, #tpu.memory_space<vmem_shared>>
      tpu.wait_dma2 semaphore(%run_scoped3A : memref<!tpu.dma_semaphore, #tpu.memory_space<semaphore_mem>>) src(%dma_wait3A_136 : memref<640x32xf32, #tpu.memory_space<vmem_shared>>) dst(%dma_wait3A_134 : memref<640x32xf32, #tpu.memory_space<hbm>>)
      tpu.yield
    }) : () -> ()
    %barrier3A_63 = arith.constant 0 : index
    tpu.barrier barrier_id(%barrier3A_63)
    %mul3A_64 = arith.constant 2 : i32
    %mul3A_65 = arith.muli %arg0, %mul3A_64 : i32
    %add3A_66 = arith.constant 1 : i32
    %add3A_67 = arith.addi %mul3A_65, %add3A_66 : i32
    "tpu.region"() ({
      %run_scoped3A = tpu.sem_alloc : memref<!tpu.dma_semaphore, #tpu.memory_space<semaphore_mem>>
      %dma_start3A_128 = arith.constant 0 : i32
      %dma_start3A_129 = tpu.memref_slice %arg12[%mul3A_0, %dma_start3A_128] : memref<10240x32xf32, #tpu.memory_space<vmem_shared>> -> memref<640x32xf32, #tpu.memory_space<vmem_shared>>
      %dma_start3A_130 = arith.constant 0 : i32
      %dma_start3A_131 = tpu.memref_slice %arg2[%add3A_67, %mul3A_0, %dma_start3A_130] : memref<4x10240x32xf32, #tpu.memory_space<hbm>> -> memref<1x640x32xf32, #tpu.memory_space<hbm>>
      %dma_start3A_132 = tpu.memref_squeeze %dma_start3A_131 : memref<1x640x32xf32, #tpu.memory_space<hbm>> -> memref<640x32xf32, #tpu.memory_space<hbm>>
      tpu.enqueue_dma source(%dma_start3A_132 : memref<640x32xf32, #tpu.memory_space<hbm>>) target(%dma_start3A_129 : memref<640x32xf32, #tpu.memory_space<vmem_shared>>) target_semaphore(%run_scoped3A : memref<!tpu.dma_semaphore, #tpu.memory_space<semaphore_mem>>)
      %dma_wait3A = arith.constant 0 : i32
      %dma_wait3A_133 = tpu.memref_slice %arg12[%mul3A_0, %dma_wait3A] : memref<10240x32xf32, #tpu.memory_space<vmem_shared>> -> memref<640x32xf32, #tpu.memory_space<vmem_shared>>
      %dma_wait3A_134 = arith.constant 0 : i32
      %dma_wait3A_135 = tpu.memref_slice %arg2[%add3A_67, %mul3A_0, %dma_wait3A_134] : memref<4x10240x32xf32, #tpu.memory_space<hbm>> -> memref<1x640x32xf32, #tpu.memory_space<hbm>>
      %dma_wait3A_136 = tpu.memref_squeeze %dma_wait3A_135 : memref<1x640x32xf32, #tpu.memory_space<hbm>> -> memref<640x32xf32, #tpu.memory_space<hbm>>
      tpu.wait_dma2 semaphore(%run_scoped3A : memref<!tpu.dma_semaphore, #tpu.memory_space<semaphore_mem>>) src(%dma_wait3A_136 : memref<640x32xf32, #tpu.memory_space<hbm>>) dst(%dma_wait3A_133 : memref<640x32xf32, #tpu.memory_space<vmem_shared>>)
      tpu.yield
    }) : () -> ()
    %scan3A_68 = arith.constant 0 : i32
    %scan3A_69 = arith.constant 128 : i32
    %scan3A_70 = arith.addi %scan3A_68, %scan3A_69 : i32
    %scan3A_71 = arith.constant 1 : i32
    scf.for %scan3A_128 = %scan3A_68 to %scan3A_70 step %scan3A_71  : i32 {
      %mul3A_129 = arith.constant 1 : i32
      %mul3A_130 = arith.muli %scan3A_128, %mul3A_129 : i32
      %add3A_131 = arith.constant 0 : i32
      %add3A_132 = arith.addi %add3A_131, %mul3A_130 : i32
      %broadcast_in_dim3A = arith.constant 0.000000e+00 : f32
      %broadcast_in_dim3A_133 = vector.broadcast %broadcast_in_dim3A : f32 to vector<16xf32>
      %swap3A = arith.index_cast %add3A_132 : i32 to index
      %swap3A_134 = arith.constant 0 : index
      %swap3A_135 = tpu.vector_load %arg8[%swap3A, %swap3A_134] {strides = array<i32>} : memref<128x32xf32, #tpu.memory_space<vmem>>, vector<1x16xf32>,
      %swap3A_136 = vector.shape_cast %swap3A_135 : vector<1x16xf32> to vector<16xf32>
      %swap3A_137 = vector.shape_cast %broadcast_in_dim3A_133 : vector<16xf32> to vector<1x16xf32>
      tpu.vector_store %arg8[%swap3A, %swap3A_134], %swap3A_137 {strides = array<i32>} : memref<128x32xf32, #tpu.memory_space<vmem>>, vector<1x16xf32>,
      %broadcast_in_dim3A_138 = arith.constant 0.000000e+00 : f32
      %broadcast_in_dim3A_139 = vector.broadcast %broadcast_in_dim3A_138 : f32 to vector<16xf32>
      %swap3A_140 = arith.index_cast %add3A_132 : i32 to index
      %swap3A_141 = arith.constant 16 : index
      %swap3A_142 = tpu.vector_load %arg8[%swap3A_140, %swap3A_141] {strides = array<i32>} : memref<128x32xf32, #tpu.memory_space<vmem>>, vector<1x16xf32>,
      %swap3A_143 = vector.shape_cast %swap3A_142 : vector<1x16xf32> to vector<16xf32>
      %swap3A_144 = vector.shape_cast %broadcast_in_dim3A_139 : vector<16xf32> to vector<1x16xf32>
      tpu.vector_store %arg8[%swap3A_140, %swap3A_141], %swap3A_144 {strides = array<i32>} : memref<128x32xf32, #tpu.memory_space<vmem>>, vector<1x16xf32>,
    }
    %scan3A_72 = arith.constant 128 : i32
    %mul3A_73 = arith.constant 640 : i32
    %mul3A_74 = arith.muli %arg1, %mul3A_73 : i32
    %add3A_75 = arith.constant 0 : i32
    %add3A_76 = arith.addi %mul3A_74, %add3A_75 : i32
    "tpu.region"() ({
      %run_scoped3A = tpu.sem_alloc : memref<!tpu.dma_semaphore, #tpu.memory_space<semaphore_mem>>
      %dma_start3A_128 = arith.constant 0 : i32
      %dma_start3A_129 = tpu.memref_slice %arg13[%add3A_76, %dma_start3A_128] : memref<10240x32xf32, #tpu.memory_space<vmem_shared>> -> memref<128x32xf32, #tpu.memory_space<vmem_shared>>
      %dma_start3A_130 = arith.constant 0 : i32
      %dma_start3A_131 = tpu.memref_slice %arg13[%add3A_76, %dma_start3A_130] : memref<10240x32xf32, #tpu.memory_space<vmem_shared>> -> memref<128x32xf32, #tpu.memory_space<vmem_shared>>
      tpu.enqueue_dma source(%arg8 : memref<128x32xf32, #tpu.memory_space<vmem>>) target(%dma_start3A_131 : memref<128x32xf32, #tpu.memory_space<vmem_shared>>) target_semaphore(%run_scoped3A : memref<!tpu.dma_semaphore, #tpu.memory_space<semaphore_mem>>)
      %dma_wait3A = arith.constant 0 : i32
      %dma_wait3A_132 = tpu.memref_slice %arg13[%add3A_76, %dma_wait3A] : memref<10240x32xf32, #tpu.memory_space<vmem_shared>> -> memref<128x32xf32, #tpu.memory_space<vmem_shared>>
      %dma_wait3A_133 = arith.constant 0 : i32
      %dma_wait3A_134 = tpu.memref_slice %arg13[%add3A_76, %dma_wait3A_133] : memref<10240x32xf32, #tpu.memory_space<vmem_shared>> -> memref<128x32xf32, #tpu.memory_space<vmem_shared>>
      tpu.wait_dma2 semaphore(%run_scoped3A : memref<!tpu.dma_semaphore, #tpu.memory_space<semaphore_mem>>) src(%arg8 : memref<128x32xf32, #tpu.memory_space<vmem>>) dst(%dma_wait3A_134 : memref<128x32xf32, #tpu.memory_space<vmem_shared>>)
      tpu.yield
    }) : () -> ()
    %mul3A_77 = arith.constant 640 : i32
    %mul3A_78 = arith.muli %arg1, %mul3A_77 : i32
    %add3A_79 = arith.constant 128 : i32
    %add3A_80 = arith.addi %mul3A_78, %add3A_79 : i32
    "tpu.region"() ({
      %run_scoped3A = tpu.sem_alloc : memref<!tpu.dma_semaphore, #tpu.memory_space<semaphore_mem>>
      %dma_start3A_128 = arith.constant 0 : i32
      %dma_start3A_129 = tpu.memref_slice %arg13[%add3A_80, %dma_start3A_128] : memref<10240x32xf32, #tpu.memory_space<vmem_shared>> -> memref<128x32xf32, #tpu.memory_space<vmem_shared>>
      %dma_start3A_130 = arith.constant 0 : i32
      %dma_start3A_131 = tpu.memref_slice %arg13[%add3A_80, %dma_start3A_130] : memref<10240x32xf32, #tpu.memory_space<vmem_shared>> -> memref<128x32xf32, #tpu.memory_space<vmem_shared>>
      tpu.enqueue_dma source(%arg8 : memref<128x32xf32, #tpu.memory_space<vmem>>) target(%dma_start3A_131 : memref<128x32xf32, #tpu.memory_space<vmem_shared>>) target_semaphore(%run_scoped3A : memref<!tpu.dma_semaphore, #tpu.memory_space<semaphore_mem>>)
      %dma_wait3A = arith.constant 0 : i32
      %dma_wait3A_132 = tpu.memref_slice %arg13[%add3A_80, %dma_wait3A] : memref<10240x32xf32, #tpu.memory_space<vmem_shared>> -> memref<128x32xf32, #tpu.memory_space<vmem_shared>>
      %dma_wait3A_133 = arith.constant 0 : i32
      %dma_wait3A_134 = tpu.memref_slice %arg13[%add3A_80, %dma_wait3A_133] : memref<10240x32xf32, #tpu.memory_space<vmem_shared>> -> memref<128x32xf32, #tpu.memory_space<vmem_shared>>
      tpu.wait_dma2 semaphore(%run_scoped3A : memref<!tpu.dma_semaphore, #tpu.memory_space<semaphore_mem>>) src(%arg8 : memref<128x32xf32, #tpu.memory_space<vmem>>) dst(%dma_wait3A_134 : memref<128x32xf32, #tpu.memory_space<vmem_shared>>)
      tpu.yield
    }) : () -> ()
    %mul3A_81 = arith.constant 640 : i32
    %mul3A_82 = arith.muli %arg1, %mul3A_81 : i32
    %add3A_83 = arith.constant 256 : i32
    %add3A_84 = arith.addi %mul3A_82, %add3A_83 : i32
    "tpu.region"() ({
      %run_scoped3A = tpu.sem_alloc : memref<!tpu.dma_semaphore, #tpu.memory_space<semaphore_mem>>
      %dma_start3A_128 = arith.constant 0 : i32
      %dma_start3A_129 = tpu.memref_slice %arg13[%add3A_84, %dma_start3A_128] : memref<10240x32xf32, #tpu.memory_space<vmem_shared>> -> memref<128x32xf32, #tpu.memory_space<vmem_shared>>
      %dma_start3A_130 = arith.constant 0 : i32
      %dma_start3A_131 = tpu.memref_slice %arg13[%add3A_84, %dma_start3A_130] : memref<10240x32xf32, #tpu.memory_space<vmem_shared>> -> memref<128x32xf32, #tpu.memory_space<vmem_shared>>
      tpu.enqueue_dma source(%arg8 : memref<128x32xf32, #tpu.memory_space<vmem>>) target(%dma_start3A_131 : memref<128x32xf32, #tpu.memory_space<vmem_shared>>) target_semaphore(%run_scoped3A : memref<!tpu.dma_semaphore, #tpu.memory_space<semaphore_mem>>)
      %dma_wait3A = arith.constant 0 : i32
      %dma_wait3A_132 = tpu.memref_slice %arg13[%add3A_84, %dma_wait3A] : memref<10240x32xf32, #tpu.memory_space<vmem_shared>> -> memref<128x32xf32, #tpu.memory_space<vmem_shared>>
      %dma_wait3A_133 = arith.constant 0 : i32
      %dma_wait3A_134 = tpu.memref_slice %arg13[%add3A_84, %dma_wait3A_133] : memref<10240x32xf32, #tpu.memory_space<vmem_shared>> -> memref<128x32xf32, #tpu.memory_space<vmem_shared>>
      tpu.wait_dma2 semaphore(%run_scoped3A : memref<!tpu.dma_semaphore, #tpu.memory_space<semaphore_mem>>) src(%arg8 : memref<128x32xf32, #tpu.memory_space<vmem>>) dst(%dma_wait3A_134 : memref<128x32xf32, #tpu.memory_space<vmem_shared>>)
      tpu.yield
    }) : () -> ()
    %mul3A_85 = arith.constant 640 : i32
    %mul3A_86 = arith.muli %arg1, %mul3A_85 : i32
    %add3A_87 = arith.constant 384 : i32
    %add3A_88 = arith.addi %mul3A_86, %add3A_87 : i32
    "tpu.region"() ({
      %run_scoped3A = tpu.sem_alloc : memref<!tpu.dma_semaphore, #tpu.memory_space<semaphore_mem>>
      %dma_start3A_128 = arith.constant 0 : i32
      %dma_start3A_129 = tpu.memref_slice %arg13[%add3A_88, %dma_start3A_128] : memref<10240x32xf32, #tpu.memory_space<vmem_shared>> -> memref<128x32xf32, #tpu.memory_space<vmem_shared>>
      %dma_start3A_130 = arith.constant 0 : i32
      %dma_start3A_131 = tpu.memref_slice %arg13[%add3A_88, %dma_start3A_130] : memref<10240x32xf32, #tpu.memory_space<vmem_shared>> -> memref<128x32xf32, #tpu.memory_space<vmem_shared>>
      tpu.enqueue_dma source(%arg8 : memref<128x32xf32, #tpu.memory_space<vmem>>) target(%dma_start3A_131 : memref<128x32xf32, #tpu.memory_space<vmem_shared>>) target_semaphore(%run_scoped3A : memref<!tpu.dma_semaphore, #tpu.memory_space<semaphore_mem>>)
      %dma_wait3A = arith.constant 0 : i32
      %dma_wait3A_132 = tpu.memref_slice %arg13[%add3A_88, %dma_wait3A] : memref<10240x32xf32, #tpu.memory_space<vmem_shared>> -> memref<128x32xf32, #tpu.memory_space<vmem_shared>>
      %dma_wait3A_133 = arith.constant 0 : i32
      %dma_wait3A_134 = tpu.memref_slice %arg13[%add3A_88, %dma_wait3A_133] : memref<10240x32xf32, #tpu.memory_space<vmem_shared>> -> memref<128x32xf32, #tpu.memory_space<vmem_shared>>
      tpu.wait_dma2 semaphore(%run_scoped3A : memref<!tpu.dma_semaphore, #tpu.memory_space<semaphore_mem>>) src(%arg8 : memref<128x32xf32, #tpu.memory_space<vmem>>) dst(%dma_wait3A_134 : memref<128x32xf32, #tpu.memory_space<vmem_shared>>)
      tpu.yield
    }) : () -> ()
    %mul3A_89 = arith.constant 640 : i32
    %mul3A_90 = arith.muli %arg1, %mul3A_89 : i32
    %add3A_91 = arith.constant 512 : i32
    %add3A_92 = arith.addi %mul3A_90, %add3A_91 : i32
    "tpu.region"() ({
      %run_scoped3A = tpu.sem_alloc : memref<!tpu.dma_semaphore, #tpu.memory_space<semaphore_mem>>
      %dma_start3A_128 = arith.constant 0 : i32
      %dma_start3A_129 = tpu.memref_slice %arg13[%add3A_92, %dma_start3A_128] : memref<10240x32xf32, #tpu.memory_space<vmem_shared>> -> memref<128x32xf32, #tpu.memory_space<vmem_shared>>
      %dma_start3A_130 = arith.constant 0 : i32
      %dma_start3A_131 = tpu.memref_slice %arg13[%add3A_92, %dma_start3A_130] : memref<10240x32xf32, #tpu.memory_space<vmem_shared>> -> memref<128x32xf32, #tpu.memory_space<vmem_shared>>
      tpu.enqueue_dma source(%arg8 : memref<128x32xf32, #tpu.memory_space<vmem>>) target(%dma_start3A_131 : memref<128x32xf32, #tpu.memory_space<vmem_shared>>) target_semaphore(%run_scoped3A : memref<!tpu.dma_semaphore, #tpu.memory_space<semaphore_mem>>)
      %dma_wait3A = arith.constant 0 : i32
      %dma_wait3A_132 = tpu.memref_slice %arg13[%add3A_92, %dma_wait3A] : memref<10240x32xf32, #tpu.memory_space<vmem_shared>> -> memref<128x32xf32, #tpu.memory_space<vmem_shared>>
      %dma_wait3A_133 = arith.constant 0 : i32
      %dma_wait3A_134 = tpu.memref_slice %arg13[%add3A_92, %dma_wait3A_133] : memref<10240x32xf32, #tpu.memory_space<vmem_shared>> -> memref<128x32xf32, #tpu.memory_space<vmem_shared>>
      tpu.wait_dma2 semaphore(%run_scoped3A : memref<!tpu.dma_semaphore, #tpu.memory_space<semaphore_mem>>) src(%arg8 : memref<128x32xf32, #tpu.memory_space<vmem>>) dst(%dma_wait3A_134 : memref<128x32xf32, #tpu.memory_space<vmem_shared>>)
      tpu.yield
    }) : () -> ()
    %barrier3A_93 = arith.constant 0 : index
    tpu.barrier barrier_id(%barrier3A_93)
    %dma_start3A_94 = arith.constant 0 : i32
    %dma_start3A_95 = arith.constant 0 : i32
    %dma_start3A_96 = tpu.memref_slice %arg6[%dma_start3A_94, %dma_start3A_95] : memref<160x128xi32, #tpu.memory_space<vmem>> -> memref<1x128xi32, #tpu.memory_space<vmem>>
    %dma_start3A_97 = tpu.memref_squeeze %dma_start3A_96 : memref<1x128xi32, #tpu.memory_space<vmem>> -> memref<128xi32, #tpu.memory_space<vmem>>
    %dma_start3A_98 = arith.constant 0 : i32
    %dma_start3A_99 = arith.constant 0 : i32
    %dma_start3A_100 = tpu.memref_slice %arg12[%dma_start3A_98, %dma_start3A_99] : memref<10240x32xf32, #tpu.memory_space<vmem_shared>> -> memref<10240x32xf32, #tpu.memory_space<vmem_shared>>
    tpu.enqueue_indirect_dma source(%dma_start3A_100 : memref<10240x32xf32, #tpu.memory_space<vmem_shared>>) target(%arg8 : memref<128x32xf32, #tpu.memory_space<vmem>>) offsets(%dma_start3A_97 : memref<128xi32, #tpu.memory_space<vmem>>) semaphore(%arg14 : memref<!tpu.dma_semaphore, #tpu.memory_space<semaphore_mem>>)
    %dma_start3A_101 = arith.constant 1 : i32
    %dma_start3A_102 = arith.constant 0 : i32
    %dma_start3A_103 = tpu.memref_slice %arg6[%dma_start3A_101, %dma_start3A_102] : memref<160x128xi32, #tpu.memory_space<vmem>> -> memref<1x128xi32, #tpu.memory_space<vmem>>
    %dma_start3A_104 = tpu.memref_squeeze %dma_start3A_103 : memref<1x128xi32, #tpu.memory_space<vmem>> -> memref<128xi32, #tpu.memory_space<vmem>>
    %dma_start3A_105 = arith.constant 0 : i32
    %dma_start3A_106 = arith.constant 0 : i32
    %dma_start3A_107 = tpu.memref_slice %arg12[%dma_start3A_105, %dma_start3A_106] : memref<10240x32xf32, #tpu.memory_space<vmem_shared>> -> memref<10240x32xf32, #tpu.memory_space<vmem_shared>>
    tpu.enqueue_indirect_dma source(%dma_start3A_107 : memref<10240x32xf32, #tpu.memory_space<vmem_shared>>) target(%arg9 : memref<128x32xf32, #tpu.memory_space<vmem>>) offsets(%dma_start3A_104 : memref<128xi32, #tpu.memory_space<vmem>>) semaphore(%arg15 : memref<!tpu.dma_semaphore, #tpu.memory_space<semaphore_mem>>)
    %dma_start3A_108 = arith.constant 2 : i32
    %dma_start3A_109 = arith.constant 0 : i32
    %dma_start3A_110 = tpu.memref_slice %arg6[%dma_start3A_108, %dma_start3A_109] : memref<160x128xi32, #tpu.memory_space<vmem>> -> memref<1x128xi32, #tpu.memory_space<vmem>>
    %dma_start3A_111 = tpu.memref_squeeze %dma_start3A_110 : memref<1x128xi32, #tpu.memory_space<vmem>> -> memref<128xi32, #tpu.memory_space<vmem>>
    %dma_start3A_112 = arith.constant 0 : i32
    %dma_start3A_113 = arith.constant 0 : i32
    %dma_start3A_114 = tpu.memref_slice %arg12[%dma_start3A_112, %dma_start3A_113] : memref<10240x32xf32, #tpu.memory_space<vmem_shared>> -> memref<10240x32xf32, #tpu.memory_space<vmem_shared>>
    tpu.enqueue_indirect_dma source(%dma_start3A_114 : memref<10240x32xf32, #tpu.memory_space<vmem_shared>>) target(%arg10 : memref<128x32xf32, #tpu.memory_space<vmem>>) offsets(%dma_start3A_111 : memref<128xi32, #tpu.memory_space<vmem>>) semaphore(%arg16 : memref<!tpu.dma_semaphore, #tpu.memory_space<semaphore_mem>>)
    %dma_start3A_115 = arith.constant 3 : i32
    %dma_start3A_116 = arith.constant 0 : i32
    %dma_start3A_117 = tpu.memref_slice %arg6[%dma_start3A_115, %dma_start3A_116] : memref<160x128xi32, #tpu.memory_space<vmem>> -> memref<1x128xi32, #tpu.memory_space<vmem>>
    %dma_start3A_118 = tpu.memref_squeeze %dma_start3A_117 : memref<1x128xi32, #tpu.memory_space<vmem>> -> memref<128xi32, #tpu.memory_space<vmem>>
    %dma_start3A_119 = arith.constant 0 : i32
    %dma_start3A_120 = arith.constant 0 : i32
    %dma_start3A_121 = tpu.memref_slice %arg12[%dma_start3A_119, %dma_start3A_120] : memref<10240x32xf32, #tpu.memory_space<vmem_shared>> -> memref<10240x32xf32, #tpu.memory_space<vmem_shared>>
    tpu.enqueue_indirect_dma source(%dma_start3A_121 : memref<10240x32xf32, #tpu.memory_space<vmem_shared>>) target(%arg11 : memref<128x32xf32, #tpu.memory_space<vmem>>) offsets(%dma_start3A_118 : memref<128xi32, #tpu.memory_space<vmem>>) semaphore(%arg17 : memref<!tpu.dma_semaphore, #tpu.memory_space<semaphore_mem>>)
    %scan3A_122 = arith.constant 0 : i32
    %scan3A_123 = arith.constant 40 : i32
    %scan3A_124 = arith.addi %scan3A_122, %scan3A_123 : i32
    %scan3A_125 = arith.constant 1 : i32
    scf.for %scan3A_128 = %scan3A_122 to %scan3A_124 step %scan3A_125  : i32 {
      %mul3A_129 = arith.constant 4 : i32
      %mul3A_130 = arith.muli %scan3A_128, %mul3A_129 : i32
      %add3A_131 = arith.constant 0 : i32
      %add3A_132 = arith.addi %add3A_131, %mul3A_130 : i32
      %add3A_133 = arith.constant 0 : i32
      %add3A_134 = arith.addi %add3A_132, %add3A_133 : i32
      %dma_wait3A = arith.constant 0 : i32
      %dma_wait3A_135 = tpu.memref_slice %arg6[%add3A_134, %dma_wait3A] : memref<160x128xi32, #tpu.memory_space<vmem>> -> memref<1x128xi32, #tpu.memory_space<vmem>>
      %dma_wait3A_136 = tpu.memref_squeeze %dma_wait3A_135 : memref<1x128xi32, #tpu.memory_space<vmem>> -> memref<128xi32, #tpu.memory_space<vmem>>
      %dma_wait3A_137 = arith.constant 0 : i32
      %dma_wait3A_138 = arith.constant 0 : i32
      %dma_wait3A_139 = tpu.memref_slice %arg12[%dma_wait3A_137, %dma_wait3A_138] : memref<10240x32xf32, #tpu.memory_space<vmem_shared>> -> memref<10240x32xf32, #tpu.memory_space<vmem_shared>>
      tpu.wait_indirect_dma semaphore(%arg14 : memref<!tpu.dma_semaphore, #tpu.memory_space<semaphore_mem>>) src(%dma_wait3A_139 : memref<10240x32xf32, #tpu.memory_space<vmem_shared>>) dst(%arg8 : memref<128x32xf32, #tpu.memory_space<vmem>>)
      %dma_start3A_140 = arith.constant 0 : i32
      %dma_start3A_141 = tpu.memref_slice %arg7[%add3A_134, %dma_start3A_140] : memref<160x128xi32, #tpu.memory_space<vmem>> -> memref<1x128xi32, #tpu.memory_space<vmem>>
      %dma_start3A_142 = tpu.memref_squeeze %dma_start3A_141 : memref<1x128xi32, #tpu.memory_space<vmem>> -> memref<128xi32, #tpu.memory_space<vmem>>
      %dma_start3A_143 = arith.constant 0 : i32
      %dma_start3A_144 = arith.constant 0 : i32
      %dma_start3A_145 = tpu.memref_slice %arg13[%dma_start3A_143, %dma_start3A_144] : memref<10240x32xf32, #tpu.memory_space<vmem_shared>> -> memref<10240x32xf32, #tpu.memory_space<vmem_shared>>
      tpu.enqueue_indirect_dma source(%arg8 : memref<128x32xf32, #tpu.memory_space<vmem>>) target(%dma_start3A_145 : memref<10240x32xf32, #tpu.memory_space<vmem_shared>>) offsets(%dma_start3A_142 : memref<128xi32, #tpu.memory_space<vmem>>) semaphore(%arg18 : memref<!tpu.dma_semaphore, #tpu.memory_space<semaphore_mem>>) {add = true}
      %dma_wait3A_146 = arith.constant 0 : i32
      %dma_wait3A_147 = tpu.memref_slice %arg7[%add3A_134, %dma_wait3A_146] : memref<160x128xi32, #tpu.memory_space<vmem>> -> memref<1x128xi32, #tpu.memory_space<vmem>>
      %dma_wait3A_148 = tpu.memref_squeeze %dma_wait3A_147 : memref<1x128xi32, #tpu.memory_space<vmem>> -> memref<128xi32, #tpu.memory_space<vmem>>
      %dma_wait3A_149 = arith.constant 0 : i32
      %dma_wait3A_150 = arith.constant 0 : i32
      %dma_wait3A_151 = tpu.memref_slice %arg13[%dma_wait3A_149, %dma_wait3A_150] : memref<10240x32xf32, #tpu.memory_space<vmem_shared>> -> memref<10240x32xf32, #tpu.memory_space<vmem_shared>>
      tpu.wait_indirect_dma semaphore(%arg18 : memref<!tpu.dma_semaphore, #tpu.memory_space<semaphore_mem>>) src(%arg8 : memref<128x32xf32, #tpu.memory_space<vmem>>) dst(%dma_wait3A_151 : memref<10240x32xf32, #tpu.memory_space<vmem_shared>>)
      %add3A_152 = arith.constant 4 : i32
      %add3A_153 = arith.addi %add3A_134, %add3A_152 : i32
      %lt3A = arith.constant 160 : i32
      %lt3A_154 = arith.cmpi slt, %add3A_153, %lt3A : i32
      %convert_element_type3A = arith.extui %lt3A_154 : i1 to i32
      %cond3A = arith.constant 0 : i32
      %cond3A_155 = arith.cmpi ne, %convert_element_type3A, %cond3A : i32
      scf.if %cond3A_155 {
        %add3A_237 = arith.constant 4 : i32
        %add3A_238 = arith.addi %add3A_134, %add3A_237 : i32
        %dma_start3A_239 = arith.constant 0 : i32
        %dma_start3A_240 = tpu.memref_slice %arg6[%add3A_238, %dma_start3A_239] : memref<160x128xi32, #tpu.memory_space<vmem>> -> memref<1x128xi32, #tpu.memory_space<vmem>>
        %dma_start3A_241 = tpu.memref_squeeze %dma_start3A_240 : memref<1x128xi32, #tpu.memory_space<vmem>> -> memref<128xi32, #tpu.memory_space<vmem>>
        %dma_start3A_242 = arith.constant 0 : i32
        %dma_start3A_243 = arith.constant 0 : i32
        %dma_start3A_244 = tpu.memref_slice %arg12[%dma_start3A_242, %dma_start3A_243] : memref<10240x32xf32, #tpu.memory_space<vmem_shared>> -> memref<10240x32xf32, #tpu.memory_space<vmem_shared>>
        tpu.enqueue_indirect_dma source(%dma_start3A_244 : memref<10240x32xf32, #tpu.memory_space<vmem_shared>>) target(%arg8 : memref<128x32xf32, #tpu.memory_space<vmem>>) offsets(%dma_start3A_241 : memref<128xi32, #tpu.memory_space<vmem>>) semaphore(%arg14 : memref<!tpu.dma_semaphore, #tpu.memory_space<semaphore_mem>>)
      } else {
      }
      %add3A_156 = arith.constant 1 : i32
      %add3A_157 = arith.addi %add3A_132, %add3A_156 : i32
      %dma_wait3A_158 = arith.constant 0 : i32
      %dma_wait3A_159 = tpu.memref_slice %arg6[%add3A_157, %dma_wait3A_158] : memref<160x128xi32, #tpu.memory_space<vmem>> -> memref<1x128xi32, #tpu.memory_space<vmem>>
      %dma_wait3A_160 = tpu.memref_squeeze %dma_wait3A_159 : memref<1x128xi32, #tpu.memory_space<vmem>> -> memref<128xi32, #tpu.memory_space<vmem>>
      %dma_wait3A_161 = arith.constant 0 : i32
      %dma_wait3A_162 = arith.constant 0 : i32
      %dma_wait3A_163 = tpu.memref_slice %arg12[%dma_wait3A_161, %dma_wait3A_162] : memref<10240x32xf32, #tpu.memory_space<vmem_shared>> -> memref<10240x32xf32, #tpu.memory_space<vmem_shared>>
      tpu.wait_indirect_dma semaphore(%arg15 : memref<!tpu.dma_semaphore, #tpu.memory_space<semaphore_mem>>) src(%dma_wait3A_163 : memref<10240x32xf32, #tpu.memory_space<vmem_shared>>) dst(%arg9 : memref<128x32xf32, #tpu.memory_space<vmem>>)
      %dma_start3A_164 = arith.constant 0 : i32
      %dma_start3A_165 = tpu.memref_slice %arg7[%add3A_157, %dma_start3A_164] : memref<160x128xi32, #tpu.memory_space<vmem>> -> memref<1x128xi32, #tpu.memory_space<vmem>>
      %dma_start3A_166 = tpu.memref_squeeze %dma_start3A_165 : memref<1x128xi32, #tpu.memory_space<vmem>> -> memref<128xi32, #tpu.memory_space<vmem>>
      %dma_start3A_167 = arith.constant 0 : i32
      %dma_start3A_168 = arith.constant 0 : i32
      %dma_start3A_169 = tpu.memref_slice %arg13[%dma_start3A_167, %dma_start3A_168] : memref<10240x32xf32, #tpu.memory_space<vmem_shared>> -> memref<10240x32xf32, #tpu.memory_space<vmem_shared>>
      tpu.enqueue_indirect_dma source(%arg9 : memref<128x32xf32, #tpu.memory_space<vmem>>) target(%dma_start3A_169 : memref<10240x32xf32, #tpu.memory_space<vmem_shared>>) offsets(%dma_start3A_166 : memref<128xi32, #tpu.memory_space<vmem>>) semaphore(%arg19 : memref<!tpu.dma_semaphore, #tpu.memory_space<semaphore_mem>>) {add = true}
      %dma_wait3A_170 = arith.constant 0 : i32
      %dma_wait3A_171 = tpu.memref_slice %arg7[%add3A_157, %dma_wait3A_170] : memref<160x128xi32, #tpu.memory_space<vmem>> -> memref<1x128xi32, #tpu.memory_space<vmem>>
      %dma_wait3A_172 = tpu.memref_squeeze %dma_wait3A_171 : memref<1x128xi32, #tpu.memory_space<vmem>> -> memref<128xi32, #tpu.memory_space<vmem>>
      %dma_wait3A_173 = arith.constant 0 : i32
      %dma_wait3A_174 = arith.constant 0 : i32
      %dma_wait3A_175 = tpu.memref_slice %arg13[%dma_wait3A_173, %dma_wait3A_174] : memref<10240x32xf32, #tpu.memory_space<vmem_shared>> -> memref<10240x32xf32, #tpu.memory_space<vmem_shared>>
      tpu.wait_indirect_dma semaphore(%arg19 : memref<!tpu.dma_semaphore, #tpu.memory_space<semaphore_mem>>) src(%arg9 : memref<128x32xf32, #tpu.memory_space<vmem>>) dst(%dma_wait3A_175 : memref<10240x32xf32, #tpu.memory_space<vmem_shared>>)
      %add3A_176 = arith.constant 4 : i32
      %add3A_177 = arith.addi %add3A_157, %add3A_176 : i32
      %lt3A_178 = arith.constant 160 : i32
      %lt3A_179 = arith.cmpi slt, %add3A_177, %lt3A_178 : i32
      %convert_element_type3A_180 = arith.extui %lt3A_179 : i1 to i32
      %cond3A_181 = arith.constant 0 : i32
      %cond3A_182 = arith.cmpi ne, %convert_element_type3A_180, %cond3A_181 : i32
      scf.if %cond3A_182 {
        %add3A_237 = arith.constant 4 : i32
        %add3A_238 = arith.addi %add3A_157, %add3A_237 : i32
        %dma_start3A_239 = arith.constant 0 : i32
        %dma_start3A_240 = tpu.memref_slice %arg6[%add3A_238, %dma_start3A_239] : memref<160x128xi32, #tpu.memory_space<vmem>> -> memref<1x128xi32, #tpu.memory_space<vmem>>
        %dma_start3A_241 = tpu.memref_squeeze %dma_start3A_240 : memref<1x128xi32, #tpu.memory_space<vmem>> -> memref<128xi32, #tpu.memory_space<vmem>>
        %dma_start3A_242 = arith.constant 0 : i32
        %dma_start3A_243 = arith.constant 0 : i32
        %dma_start3A_244 = tpu.memref_slice %arg12[%dma_start3A_242, %dma_start3A_243] : memref<10240x32xf32, #tpu.memory_space<vmem_shared>> -> memref<10240x32xf32, #tpu.memory_space<vmem_shared>>
        tpu.enqueue_indirect_dma source(%dma_start3A_244 : memref<10240x32xf32, #tpu.memory_space<vmem_shared>>) target(%arg9 : memref<128x32xf32, #tpu.memory_space<vmem>>) offsets(%dma_start3A_241 : memref<128xi32, #tpu.memory_space<vmem>>) semaphore(%arg15 : memref<!tpu.dma_semaphore, #tpu.memory_space<semaphore_mem>>)
      } else {
      }
      %add3A_183 = arith.constant 2 : i32
      %add3A_184 = arith.addi %add3A_132, %add3A_183 : i32
      %dma_wait3A_185 = arith.constant 0 : i32
      %dma_wait3A_186 = tpu.memref_slice %arg6[%add3A_184, %dma_wait3A_185] : memref<160x128xi32, #tpu.memory_space<vmem>> -> memref<1x128xi32, #tpu.memory_space<vmem>>
      %dma_wait3A_187 = tpu.memref_squeeze %dma_wait3A_186 : memref<1x128xi32, #tpu.memory_space<vmem>> -> memref<128xi32, #tpu.memory_space<vmem>>
      %dma_wait3A_188 = arith.constant 0 : i32
      %dma_wait3A_189 = arith.constant 0 : i32
      %dma_wait3A_190 = tpu.memref_slice %arg12[%dma_wait3A_188, %dma_wait3A_189] : memref<10240x32xf32, #tpu.memory_space<vmem_shared>> -> memref<10240x32xf32, #tpu.memory_space<vmem_shared>>
      tpu.wait_indirect_dma semaphore(%arg16 : memref<!tpu.dma_semaphore, #tpu.memory_space<semaphore_mem>>) src(%dma_wait3A_190 : memref<10240x32xf32, #tpu.memory_space<vmem_shared>>) dst(%arg10 : memref<128x32xf32, #tpu.memory_space<vmem>>)
      %dma_start3A_191 = arith.constant 0 : i32
      %dma_start3A_192 = tpu.memref_slice %arg7[%add3A_184, %dma_start3A_191] : memref<160x128xi32, #tpu.memory_space<vmem>> -> memref<1x128xi32, #tpu.memory_space<vmem>>
      %dma_start3A_193 = tpu.memref_squeeze %dma_start3A_192 : memref<1x128xi32, #tpu.memory_space<vmem>> -> memref<128xi32, #tpu.memory_space<vmem>>
      %dma_start3A_194 = arith.constant 0 : i32
      %dma_start3A_195 = arith.constant 0 : i32
      %dma_start3A_196 = tpu.memref_slice %arg13[%dma_start3A_194, %dma_start3A_195] : memref<10240x32xf32, #tpu.memory_space<vmem_shared>> -> memref<10240x32xf32, #tpu.memory_space<vmem_shared>>
      tpu.enqueue_indirect_dma source(%arg10 : memref<128x32xf32, #tpu.memory_space<vmem>>) target(%dma_start3A_196 : memref<10240x32xf32, #tpu.memory_space<vmem_shared>>) offsets(%dma_start3A_193 : memref<128xi32, #tpu.memory_space<vmem>>) semaphore(%arg20 : memref<!tpu.dma_semaphore, #tpu.memory_space<semaphore_mem>>) {add = true}
      %dma_wait3A_197 = arith.constant 0 : i32
      %dma_wait3A_198 = tpu.memref_slice %arg7[%add3A_184, %dma_wait3A_197] : memref<160x128xi32, #tpu.memory_space<vmem>> -> memref<1x128xi32, #tpu.memory_space<vmem>>
      %dma_wait3A_199 = tpu.memref_squeeze %dma_wait3A_198 : memref<1x128xi32, #tpu.memory_space<vmem>> -> memref<128xi32, #tpu.memory_space<vmem>>
      %dma_wait3A_200 = arith.constant 0 : i32
      %dma_wait3A_201 = arith.constant 0 : i32
      %dma_wait3A_202 = tpu.memref_slice %arg13[%dma_wait3A_200, %dma_wait3A_201] : memref<10240x32xf32, #tpu.memory_space<vmem_shared>> -> memref<10240x32xf32, #tpu.memory_space<vmem_shared>>
      tpu.wait_indirect_dma semaphore(%arg20 : memref<!tpu.dma_semaphore, #tpu.memory_space<semaphore_mem>>) src(%arg10 : memref<128x32xf32, #tpu.memory_space<vmem>>) dst(%dma_wait3A_202 : memref<10240x32xf32, #tpu.memory_space<vmem_shared>>)
      %add3A_203 = arith.constant 4 : i32
      %add3A_204 = arith.addi %add3A_184, %add3A_203 : i32
      %lt3A_205 = arith.constant 160 : i32
      %lt3A_206 = arith.cmpi slt, %add3A_204, %lt3A_205 : i32
      %convert_element_type3A_207 = arith.extui %lt3A_206 : i1 to i32
      %cond3A_208 = arith.constant 0 : i32
      %cond3A_209 = arith.cmpi ne, %convert_element_type3A_207, %cond3A_208 : i32
      scf.if %cond3A_209 {
        %add3A_237 = arith.constant 4 : i32
        %add3A_238 = arith.addi %add3A_184, %add3A_237 : i32
        %dma_start3A_239 = arith.constant 0 : i32
        %dma_start3A_240 = tpu.memref_slice %arg6[%add3A_238, %dma_start3A_239] : memref<160x128xi32, #tpu.memory_space<vmem>> -> memref<1x128xi32, #tpu.memory_space<vmem>>
        %dma_start3A_241 = tpu.memref_squeeze %dma_start3A_240 : memref<1x128xi32, #tpu.memory_space<vmem>> -> memref<128xi32, #tpu.memory_space<vmem>>
        %dma_start3A_242 = arith.constant 0 : i32
        %dma_start3A_243 = arith.constant 0 : i32
        %dma_start3A_244 = tpu.memref_slice %arg12[%dma_start3A_242, %dma_start3A_243] : memref<10240x32xf32, #tpu.memory_space<vmem_shared>> -> memref<10240x32xf32, #tpu.memory_space<vmem_shared>>
        tpu.enqueue_indirect_dma source(%dma_start3A_244 : memref<10240x32xf32, #tpu.memory_space<vmem_shared>>) target(%arg10 : memref<128x32xf32, #tpu.memory_space<vmem>>) offsets(%dma_start3A_241 : memref<128xi32, #tpu.memory_space<vmem>>) semaphore(%arg16 : memref<!tpu.dma_semaphore, #tpu.memory_space<semaphore_mem>>)
      } else {
      }
      %add3A_210 = arith.constant 3 : i32
      %add3A_211 = arith.addi %add3A_132, %add3A_210 : i32
      %dma_wait3A_212 = arith.constant 0 : i32
      %dma_wait3A_213 = tpu.memref_slice %arg6[%add3A_211, %dma_wait3A_212] : memref<160x128xi32, #tpu.memory_space<vmem>> -> memref<1x128xi32, #tpu.memory_space<vmem>>
      %dma_wait3A_214 = tpu.memref_squeeze %dma_wait3A_213 : memref<1x128xi32, #tpu.memory_space<vmem>> -> memref<128xi32, #tpu.memory_space<vmem>>
      %dma_wait3A_215 = arith.constant 0 : i32
      %dma_wait3A_216 = arith.constant 0 : i32
      %dma_wait3A_217 = tpu.memref_slice %arg12[%dma_wait3A_215, %dma_wait3A_216] : memref<10240x32xf32, #tpu.memory_space<vmem_shared>> -> memref<10240x32xf32, #tpu.memory_space<vmem_shared>>
      tpu.wait_indirect_dma semaphore(%arg17 : memref<!tpu.dma_semaphore, #tpu.memory_space<semaphore_mem>>) src(%dma_wait3A_217 : memref<10240x32xf32, #tpu.memory_space<vmem_shared>>) dst(%arg11 : memref<128x32xf32, #tpu.memory_space<vmem>>)
      %dma_start3A_218 = arith.constant 0 : i32
      %dma_start3A_219 = tpu.memref_slice %arg7[%add3A_211, %dma_start3A_218] : memref<160x128xi32, #tpu.memory_space<vmem>> -> memref<1x128xi32, #tpu.memory_space<vmem>>
      %dma_start3A_220 = tpu.memref_squeeze %dma_start3A_219 : memref<1x128xi32, #tpu.memory_space<vmem>> -> memref<128xi32, #tpu.memory_space<vmem>>
      %dma_start3A_221 = arith.constant 0 : i32
      %dma_start3A_222 = arith.constant 0 : i32
      %dma_start3A_223 = tpu.memref_slice %arg13[%dma_start3A_221, %dma_start3A_222] : memref<10240x32xf32, #tpu.memory_space<vmem_shared>> -> memref<10240x32xf32, #tpu.memory_space<vmem_shared>>
      tpu.enqueue_indirect_dma source(%arg11 : memref<128x32xf32, #tpu.memory_space<vmem>>) target(%dma_start3A_223 : memref<10240x32xf32, #tpu.memory_space<vmem_shared>>) offsets(%dma_start3A_220 : memref<128xi32, #tpu.memory_space<vmem>>) semaphore(%arg21 : memref<!tpu.dma_semaphore, #tpu.memory_space<semaphore_mem>>) {add = true}
      %dma_wait3A_224 = arith.constant 0 : i32
      %dma_wait3A_225 = tpu.memref_slice %arg7[%add3A_211, %dma_wait3A_224] : memref<160x128xi32, #tpu.memory_space<vmem>> -> memref<1x128xi32, #tpu.memory_space<vmem>>
      %dma_wait3A_226 = tpu.memref_squeeze %dma_wait3A_225 : memref<1x128xi32, #tpu.memory_space<vmem>> -> memref<128xi32, #tpu.memory_space<vmem>>
      %dma_wait3A_227 = arith.constant 0 : i32
      %dma_wait3A_228 = arith.constant 0 : i32
      %dma_wait3A_229 = tpu.memref_slice %arg13[%dma_wait3A_227, %dma_wait3A_228] : memref<10240x32xf32, #tpu.memory_space<vmem_shared>> -> memref<10240x32xf32, #tpu.memory_space<vmem_shared>>
      tpu.wait_indirect_dma semaphore(%arg21 : memref<!tpu.dma_semaphore, #tpu.memory_space<semaphore_mem>>) src(%arg11 : memref<128x32xf32, #tpu.memory_space<vmem>>) dst(%dma_wait3A_229 : memref<10240x32xf32, #tpu.memory_space<vmem_shared>>)
      %add3A_230 = arith.constant 4 : i32
      %add3A_231 = arith.addi %add3A_211, %add3A_230 : i32
      %lt3A_232 = arith.constant 160 : i32
      %lt3A_233 = arith.cmpi slt, %add3A_231, %lt3A_232 : i32
      %convert_element_type3A_234 = arith.extui %lt3A_233 : i1 to i32
      %cond3A_235 = arith.constant 0 : i32
      %cond3A_236 = arith.cmpi ne, %convert_element_type3A_234, %cond3A_235 : i32
      scf.if %cond3A_236 {
        %add3A_237 = arith.constant 4 : i32
        %add3A_238 = arith.addi %add3A_211, %add3A_237 : i32
        %dma_start3A_239 = arith.constant 0 : i32
        %dma_start3A_240 = tpu.memref_slice %arg6[%add3A_238, %dma_start3A_239] : memref<160x128xi32, #tpu.memory_space<vmem>> -> memref<1x128xi32, #tpu.memory_space<vmem>>
        %dma_start3A_241 = tpu.memref_squeeze %dma_start3A_240 : memref<1x128xi32, #tpu.memory_space<vmem>> -> memref<128xi32, #tpu.memory_space<vmem>>
        %dma_start3A_242 = arith.constant 0 : i32
        %dma_start3A_243 = arith.constant 0 : i32
        %dma_start3A_244 = tpu.memref_slice %arg12[%dma_start3A_242, %dma_start3A_243] : memref<10240x32xf32, #tpu.memory_space<vmem_shared>> -> memref<10240x32xf32, #tpu.memory_space<vmem_shared>>
        tpu.enqueue_indirect_dma source(%dma_start3A_244 : memref<10240x32xf32, #tpu.memory_space<vmem_shared>>) target(%arg11 : memref<128x32xf32, #tpu.memory_space<vmem>>) offsets(%dma_start3A_241 : memref<128xi32, #tpu.memory_space<vmem>>) semaphore(%arg17 : memref<!tpu.dma_semaphore, #tpu.memory_space<semaphore_mem>>)
      } else {
      }
    }
    %scan3A_126 = arith.constant 40 : i32
    %barrier3A_127 = arith.constant 0 : index
    tpu.barrier barrier_id(%barrier3A_127)
    "tpu.region"() ({
      %run_scoped3A = tpu.sem_alloc : memref<!tpu.dma_semaphore, #tpu.memory_space<semaphore_mem>>
      %dma_start3A_128 = arith.constant 0 : i32
      %dma_start3A_129 = tpu.memref_slice %arg5[%add3A_67, %mul3A_2, %dma_start3A_128] : memref<4x10240x32xf32, #tpu.memory_space<hbm>> -> memref<1x640x32xf32, #tpu.memory_space<hbm>>
      %dma_start3A_130 = tpu.memref_squeeze %dma_start3A_129 : memref<1x640x32xf32, #tpu.memory_space<hbm>> -> memref<640x32xf32, #tpu.memory_space<hbm>>
      %dma_start3A_131 = arith.constant 0 : i32
      %dma_start3A_132 = tpu.memref_slice %arg13[%mul3A_2, %dma_start3A_131] : memref<10240x32xf32, #tpu.memory_space<vmem_shared>> -> memref<640x32xf32, #tpu.memory_space<vmem_shared>>
      tpu.enqueue_dma source(%dma_start3A_132 : memref<640x32xf32, #tpu.memory_space<vmem_shared>>) target(%dma_start3A_130 : memref<640x32xf32, #tpu.memory_space<hbm>>) target_semaphore(%run_scoped3A : memref<!tpu.dma_semaphore, #tpu.memory_space<semaphore_mem>>)
      %dma_wait3A = arith.constant 0 : i32
      %dma_wait3A_133 = tpu.memref_slice %arg5[%add3A_67, %mul3A_2, %dma_wait3A] : memref<4x10240x32xf32, #tpu.memory_space<hbm>> -> memref<1x640x32xf32, #tpu.memory_space<hbm>>
      %dma_wait3A_134 = tpu.memref_squeeze %dma_wait3A_133 : memref<1x640x32xf32, #tpu.memory_space<hbm>> -> memref<640x32xf32, #tpu.memory_space<hbm>>
      %dma_wait3A_135 = arith.constant 0 : i32
      %dma_wait3A_136 = tpu.memref_slice %arg13[%mul3A_2, %dma_wait3A_135] : memref<10240x32xf32, #tpu.memory_space<vmem_shared>> -> memref<640x32xf32, #tpu.memory_space<vmem_shared>>
      tpu.wait_dma2 semaphore(%run_scoped3A : memref<!tpu.dma_semaphore, #tpu.memory_space<semaphore_mem>>) src(%dma_wait3A_136 : memref<640x32xf32, #tpu.memory_space<vmem_shared>>) dst(%dma_wait3A_134 : memref<640x32xf32, #tpu.memory_space<hbm>>)
      tpu.yield
    }) : () -> ()
    return
  }
}

#map = affine_map<(d0, d1) -> (0, 0)>
#map1 = affine_map<(d0, d1) -> (0, 0, 0)>
#map2 = affine_map<(d0, d1) -> (0)>
module attributes {stable_mosaic.version = 14 : i64} {
  func.func @k(%arg0: i32, %arg1: i32, %arg2: memref<10240x128xf32, #tpu.memory_space<hbm>>, %arg3: memref<16x160x128xi32, #tpu.memory_space<hbm>>, %arg4: memref<10240xf32, #tpu.memory_space<hbm>>, %arg5: memref<4x10240x32xf32, #tpu.memory_space<hbm>>, %arg6: memref<160x128xi32, #tpu.memory_space<vmem>>, %arg7: memref<10240xf32, #tpu.memory_space<vmem>>, %arg8: memref<16x10240xf32, #tpu.memory_space<vmem_shared>>, %arg9: memref<16x640xf32, #tpu.memory_space<vmem>>, %arg10: memref<640xf32, #tpu.memory_space<vmem>>, %arg11: memref<640x32xf32, #tpu.memory_space<vmem>>, %arg12: memref<640x32xf32, #tpu.memory_space<vmem>>, %arg13: memref<!tpu.dma_semaphore, #tpu.memory_space<semaphore_mem>>) attributes {dimension_semantics = [#tpu.dimension_semantics<core_parallel>, #tpu.dimension_semantics<subcore_parallel>], iteration_bounds = array<i64: 2, 16>, scalar_prefetch = 0 : i64, scratch_operands = 8 : i64, tpu.core_type = #tpu.core_type<sc_vector_subcore>, window_params = [{transform_indices = #map}, {transform_indices = #map1}, {transform_indices = #map2}, {transform_indices = #map1}]} {
    "tpu.region"() ({
      %run_scoped3A = tpu.sem_alloc : memref<!tpu.dma_semaphore, #tpu.memory_space<semaphore_mem>>
      %dma_start3A_420 = arith.constant 0 : i32
      %dma_start3A_421 = arith.constant 0 : i32
      %dma_start3A_422 = tpu.memref_slice %arg3[%arg1, %dma_start3A_420, %dma_start3A_421] : memref<16x160x128xi32, #tpu.memory_space<hbm>> -> memref<1x160x128xi32, #tpu.memory_space<hbm>>
      %dma_start3A_423 = tpu.memref_squeeze %dma_start3A_422 : memref<1x160x128xi32, #tpu.memory_space<hbm>> -> memref<160x128xi32, #tpu.memory_space<hbm>>
      %dma_start3A_424 = arith.constant 0 : i32
      %dma_start3A_425 = arith.constant 0 : i32
      %dma_start3A_426 = tpu.memref_slice %arg3[%arg1, %dma_start3A_424, %dma_start3A_425] : memref<16x160x128xi32, #tpu.memory_space<hbm>> -> memref<1x160x128xi32, #tpu.memory_space<hbm>>
      %dma_start3A_427 = tpu.memref_squeeze %dma_start3A_426 : memref<1x160x128xi32, #tpu.memory_space<hbm>> -> memref<160x128xi32, #tpu.memory_space<hbm>>
      tpu.enqueue_dma source(%dma_start3A_427 : memref<160x128xi32, #tpu.memory_space<hbm>>) target(%arg6 : memref<160x128xi32, #tpu.memory_space<vmem>>) target_semaphore(%run_scoped3A : memref<!tpu.dma_semaphore, #tpu.memory_space<semaphore_mem>>)
      %dma_wait3A_428 = arith.constant 0 : i32
      %dma_wait3A_429 = arith.constant 0 : i32
      %dma_wait3A_430 = tpu.memref_slice %arg3[%arg1, %dma_wait3A_428, %dma_wait3A_429] : memref<16x160x128xi32, #tpu.memory_space<hbm>> -> memref<1x160x128xi32, #tpu.memory_space<hbm>>
      %dma_wait3A_431 = tpu.memref_squeeze %dma_wait3A_430 : memref<1x160x128xi32, #tpu.memory_space<hbm>> -> memref<160x128xi32, #tpu.memory_space<hbm>>
      %dma_wait3A_432 = arith.constant 0 : i32
      %dma_wait3A_433 = arith.constant 0 : i32
      %dma_wait3A_434 = tpu.memref_slice %arg3[%arg1, %dma_wait3A_432, %dma_wait3A_433] : memref<16x160x128xi32, #tpu.memory_space<hbm>> -> memref<1x160x128xi32, #tpu.memory_space<hbm>>
      %dma_wait3A_435 = tpu.memref_squeeze %dma_wait3A_434 : memref<1x160x128xi32, #tpu.memory_space<hbm>> -> memref<160x128xi32, #tpu.memory_space<hbm>>
      tpu.wait_dma2 semaphore(%run_scoped3A : memref<!tpu.dma_semaphore, #tpu.memory_space<semaphore_mem>>) src(%dma_wait3A_435 : memref<160x128xi32, #tpu.memory_space<hbm>>) dst(%arg6 : memref<160x128xi32, #tpu.memory_space<vmem>>)
      tpu.yield
    }) : () -> ()
    %scan3A = arith.constant 0 : i32
    %scan3A_0 = arith.constant 640 : i32
    %scan3A_1 = arith.addi %scan3A, %scan3A_0 : i32
    %scan3A_2 = arith.constant 1 : i32
    scf.for %scan3A_420 = %scan3A to %scan3A_1 step %scan3A_2  : i32 {
      %mul3A_421 = arith.constant 16 : i32
      %mul3A_422 = arith.muli %scan3A_420, %mul3A_421 : i32
      %add3A_423 = arith.constant 0 : i32
      %add3A_424 = arith.addi %add3A_423, %mul3A_422 : i32
      %broadcast_in_dim3A_425 = arith.constant 0.000000e+00 : f32
      %broadcast_in_dim3A_426 = vector.broadcast %broadcast_in_dim3A_425 : f32 to vector<16xf32>
      %swap3A = arith.index_cast %add3A_424 : i32 to index
      %swap3A_427 = tpu.vector_load %arg7[%swap3A] {strides = array<i32>} : memref<10240xf32, #tpu.memory_space<vmem>>, vector<16xf32>,
      tpu.vector_store %arg7[%swap3A], %broadcast_in_dim3A_426 {strides = array<i32>} : memref<10240xf32, #tpu.memory_space<vmem>>, vector<16xf32>,
    }
    %scan3A_3 = arith.constant 640 : i32
    %broadcast_in_dim3A = arith.constant 1.000000e+00 : f32
    %broadcast_in_dim3A_4 = vector.broadcast %broadcast_in_dim3A : f32 to vector<16xf32>
    %scan3A_5 = arith.constant 0 : i32
    %scan3A_6 = arith.constant 160 : i32
    %scan3A_7 = arith.addi %scan3A_5, %scan3A_6 : i32
    %scan3A_8 = arith.constant 1 : i32
    scf.for %scan3A_420 = %scan3A_5 to %scan3A_7 step %scan3A_8  : i32 {
      %mul3A_421 = arith.constant 1 : i32
      %mul3A_422 = arith.muli %scan3A_420, %mul3A_421 : i32
      %add3A_423 = arith.constant 0 : i32
      %add3A_424 = arith.addi %add3A_423, %mul3A_422 : i32
      %get3A = arith.index_cast %add3A_424 : i32 to index
      %get3A_425 = arith.constant 0 : index
      %get3A_426 = tpu.vector_load %arg6[%get3A, %get3A_425] {strides = array<i32>} : memref<160x128xi32, #tpu.memory_space<vmem>>, vector<16xi32>,
      tpu.vector_store_idx %arg7[%get3A_426], %broadcast_in_dim3A_4 {add = true} : memref<10240xf32, #tpu.memory_space<vmem>>[vector<16xi32>], vector<16xf32>,
      %get3A_427 = arith.index_cast %add3A_424 : i32 to index
      %get3A_428 = arith.constant 16 : index
      %get3A_429 = tpu.vector_load %arg6[%get3A_427, %get3A_428] {strides = array<i32>} : memref<160x128xi32, #tpu.memory_space<vmem>>, vector<16xi32>,
      tpu.vector_store_idx %arg7[%get3A_429], %broadcast_in_dim3A_4 {add = true} : memref<10240xf32, #tpu.memory_space<vmem>>[vector<16xi32>], vector<16xf32>,
      %get3A_430 = arith.index_cast %add3A_424 : i32 to index
      %get3A_431 = arith.constant 32 : index
      %get3A_432 = tpu.vector_load %arg6[%get3A_430, %get3A_431] {strides = array<i32>} : memref<160x128xi32, #tpu.memory_space<vmem>>, vector<16xi32>,
      tpu.vector_store_idx %arg7[%get3A_432], %broadcast_in_dim3A_4 {add = true} : memref<10240xf32, #tpu.memory_space<vmem>>[vector<16xi32>], vector<16xf32>,
      %get3A_433 = arith.index_cast %add3A_424 : i32 to index
      %get3A_434 = arith.constant 48 : index
      %get3A_435 = tpu.vector_load %arg6[%get3A_433, %get3A_434] {strides = array<i32>} : memref<160x128xi32, #tpu.memory_space<vmem>>, vector<16xi32>,
      tpu.vector_store_idx %arg7[%get3A_435], %broadcast_in_dim3A_4 {add = true} : memref<10240xf32, #tpu.memory_space<vmem>>[vector<16xi32>], vector<16xf32>,
      %get3A_436 = arith.index_cast %add3A_424 : i32 to index
      %get3A_437 = arith.constant 64 : index
      %get3A_438 = tpu.vector_load %arg6[%get3A_436, %get3A_437] {strides = array<i32>} : memref<160x128xi32, #tpu.memory_space<vmem>>, vector<16xi32>,
      tpu.vector_store_idx %arg7[%get3A_438], %broadcast_in_dim3A_4 {add = true} : memref<10240xf32, #tpu.memory_space<vmem>>[vector<16xi32>], vector<16xf32>,
      %get3A_439 = arith.index_cast %add3A_424 : i32 to index
      %get3A_440 = arith.constant 80 : index
      %get3A_441 = tpu.vector_load %arg6[%get3A_439, %get3A_440] {strides = array<i32>} : memref<160x128xi32, #tpu.memory_space<vmem>>, vector<16xi32>,
      tpu.vector_store_idx %arg7[%get3A_441], %broadcast_in_dim3A_4 {add = true} : memref<10240xf32, #tpu.memory_space<vmem>>[vector<16xi32>], vector<16xf32>,
      %get3A_442 = arith.index_cast %add3A_424 : i32 to index
      %get3A_443 = arith.constant 96 : index
      %get3A_444 = tpu.vector_load %arg6[%get3A_442, %get3A_443] {strides = array<i32>} : memref<160x128xi32, #tpu.memory_space<vmem>>, vector<16xi32>,
      tpu.vector_store_idx %arg7[%get3A_444], %broadcast_in_dim3A_4 {add = true} : memref<10240xf32, #tpu.memory_space<vmem>>[vector<16xi32>], vector<16xf32>,
      %get3A_445 = arith.index_cast %add3A_424 : i32 to index
      %get3A_446 = arith.constant 112 : index
      %get3A_447 = tpu.vector_load %arg6[%get3A_445, %get3A_446] {strides = array<i32>} : memref<160x128xi32, #tpu.memory_space<vmem>>, vector<16xi32>,
      tpu.vector_store_idx %arg7[%get3A_447], %broadcast_in_dim3A_4 {add = true} : memref<10240xf32, #tpu.memory_space<vmem>>[vector<16xi32>], vector<16xf32>,
    }
    %scan3A_9 = arith.constant 160 : i32
    %mul3A = arith.constant 640 : i32
    %mul3A_10 = arith.muli %arg1, %mul3A : i32
    %multiple_of3A = tpu.assume_multiple %mul3A_10, 8 : i32
    "tpu.region"() ({
      %run_scoped3A = tpu.sem_alloc : memref<!tpu.dma_semaphore, #tpu.memory_space<semaphore_mem>>
      %dma_start3A_420 = arith.constant 0 : i32
      %dma_start3A_421 = tpu.memref_slice %arg8[%arg1, %dma_start3A_420] : memref<16x10240xf32, #tpu.memory_space<vmem_shared>> -> memref<1x10240xf32, #tpu.memory_space<vmem_shared>>
      %dma_start3A_422 = tpu.memref_squeeze %dma_start3A_421 : memref<1x10240xf32, #tpu.memory_space<vmem_shared>> -> memref<10240xf32, #tpu.memory_space<vmem_shared>>
      %dma_start3A_423 = arith.constant 0 : i32
      %dma_start3A_424 = tpu.memref_slice %arg8[%arg1, %dma_start3A_423] : memref<16x10240xf32, #tpu.memory_space<vmem_shared>> -> memref<1x10240xf32, #tpu.memory_space<vmem_shared>>
      %dma_start3A_425 = tpu.memref_squeeze %dma_start3A_424 : memref<1x10240xf32, #tpu.memory_space<vmem_shared>> -> memref<10240xf32, #tpu.memory_space<vmem_shared>>
      tpu.enqueue_dma source(%arg7 : memref<10240xf32, #tpu.memory_space<vmem>>) target(%dma_start3A_425 : memref<10240xf32, #tpu.memory_space<vmem_shared>>) target_semaphore(%run_scoped3A : memref<!tpu.dma_semaphore, #tpu.memory_space<semaphore_mem>>)
      %dma_wait3A_426 = arith.constant 0 : i32
      %dma_wait3A_427 = tpu.memref_slice %arg8[%arg1, %dma_wait3A_426] : memref<16x10240xf32, #tpu.memory_space<vmem_shared>> -> memref<1x10240xf32, #tpu.memory_space<vmem_shared>>
      %dma_wait3A_428 = tpu.memref_squeeze %dma_wait3A_427 : memref<1x10240xf32, #tpu.memory_space<vmem_shared>> -> memref<10240xf32, #tpu.memory_space<vmem_shared>>
      %dma_wait3A_429 = arith.constant 0 : i32
      %dma_wait3A_430 = tpu.memref_slice %arg8[%arg1, %dma_wait3A_429] : memref<16x10240xf32, #tpu.memory_space<vmem_shared>> -> memref<1x10240xf32, #tpu.memory_space<vmem_shared>>
      %dma_wait3A_431 = tpu.memref_squeeze %dma_wait3A_430 : memref<1x10240xf32, #tpu.memory_space<vmem_shared>> -> memref<10240xf32, #tpu.memory_space<vmem_shared>>
      tpu.wait_dma2 semaphore(%run_scoped3A : memref<!tpu.dma_semaphore, #tpu.memory_space<semaphore_mem>>) src(%arg7 : memref<10240xf32, #tpu.memory_space<vmem>>) dst(%dma_wait3A_431 : memref<10240xf32, #tpu.memory_space<vmem_shared>>)
      tpu.yield
    }) : () -> ()
    %barrier3A = arith.constant 0 : index
    tpu.barrier barrier_id(%barrier3A)
    %dma_start3A = arith.constant 0 : i32
    %dma_start3A_11 = arith.constant 0 : i32
    %dma_start3A_12 = arith.constant 0 : i32
    %dma_start3A_13 = tpu.memref_slice %arg9[%dma_start3A_11, %dma_start3A_12] : memref<16x640xf32, #tpu.memory_space<vmem>> -> memref<1x640xf32, #tpu.memory_space<vmem>>
    %dma_start3A_14 = tpu.memref_squeeze %dma_start3A_13 : memref<1x640xf32, #tpu.memory_space<vmem>> -> memref<640xf32, #tpu.memory_space<vmem>>
    %dma_start3A_15 = tpu.memref_slice %arg8[%dma_start3A, %multiple_of3A] : memref<16x10240xf32, #tpu.memory_space<vmem_shared>> -> memref<1x640xf32, #tpu.memory_space<vmem_shared>>
    %dma_start3A_16 = tpu.memref_squeeze %dma_start3A_15 : memref<1x640xf32, #tpu.memory_space<vmem_shared>> -> memref<640xf32, #tpu.memory_space<vmem_shared>>
    %dma_start3A_17 = arith.constant 0 : i32
    %dma_start3A_18 = tpu.memref_slice %arg9[%dma_start3A_11, %dma_start3A_17] : memref<16x640xf32, #tpu.memory_space<vmem>> -> memref<1x640xf32, #tpu.memory_space<vmem>>
    %dma_start3A_19 = tpu.memref_squeeze %dma_start3A_18 : memref<1x640xf32, #tpu.memory_space<vmem>> -> memref<640xf32, #tpu.memory_space<vmem>>
    %dma_start3A_20 = tpu.memref_slice %arg8[%dma_start3A, %multiple_of3A] : memref<16x10240xf32, #tpu.memory_space<vmem_shared>> -> memref<1x640xf32, #tpu.memory_space<vmem_shared>>
    %dma_start3A_21 = tpu.memref_squeeze %dma_start3A_20 : memref<1x640xf32, #tpu.memory_space<vmem_shared>> -> memref<640xf32, #tpu.memory_space<vmem_shared>>
    tpu.enqueue_dma source(%dma_start3A_21 : memref<640xf32, #tpu.memory_space<vmem_shared>>) target(%dma_start3A_19 : memref<640xf32, #tpu.memory_space<vmem>>) target_semaphore(%arg13 : memref<!tpu.dma_semaphore, #tpu.memory_space<semaphore_mem>>)
    %dma_start3A_22 = arith.constant 1 : i32
    %dma_start3A_23 = arith.constant 1 : i32
    %dma_start3A_24 = arith.constant 0 : i32
    %dma_start3A_25 = tpu.memref_slice %arg9[%dma_start3A_23, %dma_start3A_24] : memref<16x640xf32, #tpu.memory_space<vmem>> -> memref<1x640xf32, #tpu.memory_space<vmem>>
    %dma_start3A_26 = tpu.memref_squeeze %dma_start3A_25 : memref<1x640xf32, #tpu.memory_space<vmem>> -> memref<640xf32, #tpu.memory_space<vmem>>
    %dma_start3A_27 = tpu.memref_slice %arg8[%dma_start3A_22, %multiple_of3A] : memref<16x10240xf32, #tpu.memory_space<vmem_shared>> -> memref<1x640xf32, #tpu.memory_space<vmem_shared>>
    %dma_start3A_28 = tpu.memref_squeeze %dma_start3A_27 : memref<1x640xf32, #tpu.memory_space<vmem_shared>> -> memref<640xf32, #tpu.memory_space<vmem_shared>>
    %dma_start3A_29 = arith.constant 0 : i32
    %dma_start3A_30 = tpu.memref_slice %arg9[%dma_start3A_23, %dma_start3A_29] : memref<16x640xf32, #tpu.memory_space<vmem>> -> memref<1x640xf32, #tpu.memory_space<vmem>>
    %dma_start3A_31 = tpu.memref_squeeze %dma_start3A_30 : memref<1x640xf32, #tpu.memory_space<vmem>> -> memref<640xf32, #tpu.memory_space<vmem>>
    %dma_start3A_32 = tpu.memref_slice %arg8[%dma_start3A_22, %multiple_of3A] : memref<16x10240xf32, #tpu.memory_space<vmem_shared>> -> memref<1x640xf32, #tpu.memory_space<vmem_shared>>
    %dma_start3A_33 = tpu.memref_squeeze %dma_start3A_32 : memref<1x640xf32, #tpu.memory_space<vmem_shared>> -> memref<640xf32, #tpu.memory_space<vmem_shared>>
    tpu.enqueue_dma source(%dma_start3A_33 : memref<640xf32, #tpu.memory_space<vmem_shared>>) target(%dma_start3A_31 : memref<640xf32, #tpu.memory_space<vmem>>) target_semaphore(%arg13 : memref<!tpu.dma_semaphore, #tpu.memory_space<semaphore_mem>>)
    %dma_start3A_34 = arith.constant 2 : i32
    %dma_start3A_35 = arith.constant 2 : i32
    %dma_start3A_36 = arith.constant 0 : i32
    %dma_start3A_37 = tpu.memref_slice %arg9[%dma_start3A_35, %dma_start3A_36] : memref<16x640xf32, #tpu.memory_space<vmem>> -> memref<1x640xf32, #tpu.memory_space<vmem>>
    %dma_start3A_38 = tpu.memref_squeeze %dma_start3A_37 : memref<1x640xf32, #tpu.memory_space<vmem>> -> memref<640xf32, #tpu.memory_space<vmem>>
    %dma_start3A_39 = tpu.memref_slice %arg8[%dma_start3A_34, %multiple_of3A] : memref<16x10240xf32, #tpu.memory_space<vmem_shared>> -> memref<1x640xf32, #tpu.memory_space<vmem_shared>>
    %dma_start3A_40 = tpu.memref_squeeze %dma_start3A_39 : memref<1x640xf32, #tpu.memory_space<vmem_shared>> -> memref<640xf32, #tpu.memory_space<vmem_shared>>
    %dma_start3A_41 = arith.constant 0 : i32
    %dma_start3A_42 = tpu.memref_slice %arg9[%dma_start3A_35, %dma_start3A_41] : memref<16x640xf32, #tpu.memory_space<vmem>> -> memref<1x640xf32, #tpu.memory_space<vmem>>
    %dma_start3A_43 = tpu.memref_squeeze %dma_start3A_42 : memref<1x640xf32, #tpu.memory_space<vmem>> -> memref<640xf32, #tpu.memory_space<vmem>>
    %dma_start3A_44 = tpu.memref_slice %arg8[%dma_start3A_34, %multiple_of3A] : memref<16x10240xf32, #tpu.memory_space<vmem_shared>> -> memref<1x640xf32, #tpu.memory_space<vmem_shared>>
    %dma_start3A_45 = tpu.memref_squeeze %dma_start3A_44 : memref<1x640xf32, #tpu.memory_space<vmem_shared>> -> memref<640xf32, #tpu.memory_space<vmem_shared>>
    tpu.enqueue_dma source(%dma_start3A_45 : memref<640xf32, #tpu.memory_space<vmem_shared>>) target(%dma_start3A_43 : memref<640xf32, #tpu.memory_space<vmem>>) target_semaphore(%arg13 : memref<!tpu.dma_semaphore, #tpu.memory_space<semaphore_mem>>)
    %dma_start3A_46 = arith.constant 3 : i32
    %dma_start3A_47 = arith.constant 3 : i32
    %dma_start3A_48 = arith.constant 0 : i32
    %dma_start3A_49 = tpu.memref_slice %arg9[%dma_start3A_47, %dma_start3A_48] : memref<16x640xf32, #tpu.memory_space<vmem>> -> memref<1x640xf32, #tpu.memory_space<vmem>>
    %dma_start3A_50 = tpu.memref_squeeze %dma_start3A_49 : memref<1x640xf32, #tpu.memory_space<vmem>> -> memref<640xf32, #tpu.memory_space<vmem>>
    %dma_start3A_51 = tpu.memref_slice %arg8[%dma_start3A_46, %multiple_of3A] : memref<16x10240xf32, #tpu.memory_space<vmem_shared>> -> memref<1x640xf32, #tpu.memory_space<vmem_shared>>
    %dma_start3A_52 = tpu.memref_squeeze %dma_start3A_51 : memref<1x640xf32, #tpu.memory_space<vmem_shared>> -> memref<640xf32, #tpu.memory_space<vmem_shared>>
    %dma_start3A_53 = arith.constant 0 : i32
    %dma_start3A_54 = tpu.memref_slice %arg9[%dma_start3A_47, %dma_start3A_53] : memref<16x640xf32, #tpu.memory_space<vmem>> -> memref<1x640xf32, #tpu.memory_space<vmem>>
    %dma_start3A_55 = tpu.memref_squeeze %dma_start3A_54 : memref<1x640xf32, #tpu.memory_space<vmem>> -> memref<640xf32, #tpu.memory_space<vmem>>
    %dma_start3A_56 = tpu.memref_slice %arg8[%dma_start3A_46, %multiple_of3A] : memref<16x10240xf32, #tpu.memory_space<vmem_shared>> -> memref<1x640xf32, #tpu.memory_space<vmem_shared>>
    %dma_start3A_57 = tpu.memref_squeeze %dma_start3A_56 : memref<1x640xf32, #tpu.memory_space<vmem_shared>> -> memref<640xf32, #tpu.memory_space<vmem_shared>>
    tpu.enqueue_dma source(%dma_start3A_57 : memref<640xf32, #tpu.memory_space<vmem_shared>>) target(%dma_start3A_55 : memref<640xf32, #tpu.memory_space<vmem>>) target_semaphore(%arg13 : memref<!tpu.dma_semaphore, #tpu.memory_space<semaphore_mem>>)
    %dma_start3A_58 = arith.constant 4 : i32
    %dma_start3A_59 = arith.constant 4 : i32
    %dma_start3A_60 = arith.constant 0 : i32
    %dma_start3A_61 = tpu.memref_slice %arg9[%dma_start3A_59, %dma_start3A_60] : memref<16x640xf32, #tpu.memory_space<vmem>> -> memref<1x640xf32, #tpu.memory_space<vmem>>
    %dma_start3A_62 = tpu.memref_squeeze %dma_start3A_61 : memref<1x640xf32, #tpu.memory_space<vmem>> -> memref<640xf32, #tpu.memory_space<vmem>>
    %dma_start3A_63 = tpu.memref_slice %arg8[%dma_start3A_58, %multiple_of3A] : memref<16x10240xf32, #tpu.memory_space<vmem_shared>> -> memref<1x640xf32, #tpu.memory_space<vmem_shared>>
    %dma_start3A_64 = tpu.memref_squeeze %dma_start3A_63 : memref<1x640xf32, #tpu.memory_space<vmem_shared>> -> memref<640xf32, #tpu.memory_space<vmem_shared>>
    %dma_start3A_65 = arith.constant 0 : i32
    %dma_start3A_66 = tpu.memref_slice %arg9[%dma_start3A_59, %dma_start3A_65] : memref<16x640xf32, #tpu.memory_space<vmem>> -> memref<1x640xf32, #tpu.memory_space<vmem>>
    %dma_start3A_67 = tpu.memref_squeeze %dma_start3A_66 : memref<1x640xf32, #tpu.memory_space<vmem>> -> memref<640xf32, #tpu.memory_space<vmem>>
    %dma_start3A_68 = tpu.memref_slice %arg8[%dma_start3A_58, %multiple_of3A] : memref<16x10240xf32, #tpu.memory_space<vmem_shared>> -> memref<1x640xf32, #tpu.memory_space<vmem_shared>>
    %dma_start3A_69 = tpu.memref_squeeze %dma_start3A_68 : memref<1x640xf32, #tpu.memory_space<vmem_shared>> -> memref<640xf32, #tpu.memory_space<vmem_shared>>
    tpu.enqueue_dma source(%dma_start3A_69 : memref<640xf32, #tpu.memory_space<vmem_shared>>) target(%dma_start3A_67 : memref<640xf32, #tpu.memory_space<vmem>>) target_semaphore(%arg13 : memref<!tpu.dma_semaphore, #tpu.memory_space<semaphore_mem>>)
    %dma_start3A_70 = arith.constant 5 : i32
    %dma_start3A_71 = arith.constant 5 : i32
    %dma_start3A_72 = arith.constant 0 : i32
    %dma_start3A_73 = tpu.memref_slice %arg9[%dma_start3A_71, %dma_start3A_72] : memref<16x640xf32, #tpu.memory_space<vmem>> -> memref<1x640xf32, #tpu.memory_space<vmem>>
    %dma_start3A_74 = tpu.memref_squeeze %dma_start3A_73 : memref<1x640xf32, #tpu.memory_space<vmem>> -> memref<640xf32, #tpu.memory_space<vmem>>
    %dma_start3A_75 = tpu.memref_slice %arg8[%dma_start3A_70, %multiple_of3A] : memref<16x10240xf32, #tpu.memory_space<vmem_shared>> -> memref<1x640xf32, #tpu.memory_space<vmem_shared>>
    %dma_start3A_76 = tpu.memref_squeeze %dma_start3A_75 : memref<1x640xf32, #tpu.memory_space<vmem_shared>> -> memref<640xf32, #tpu.memory_space<vmem_shared>>
    %dma_start3A_77 = arith.constant 0 : i32
    %dma_start3A_78 = tpu.memref_slice %arg9[%dma_start3A_71, %dma_start3A_77] : memref<16x640xf32, #tpu.memory_space<vmem>> -> memref<1x640xf32, #tpu.memory_space<vmem>>
    %dma_start3A_79 = tpu.memref_squeeze %dma_start3A_78 : memref<1x640xf32, #tpu.memory_space<vmem>> -> memref<640xf32, #tpu.memory_space<vmem>>
    %dma_start3A_80 = tpu.memref_slice %arg8[%dma_start3A_70, %multiple_of3A] : memref<16x10240xf32, #tpu.memory_space<vmem_shared>> -> memref<1x640xf32, #tpu.memory_space<vmem_shared>>
    %dma_start3A_81 = tpu.memref_squeeze %dma_start3A_80 : memref<1x640xf32, #tpu.memory_space<vmem_shared>> -> memref<640xf32, #tpu.memory_space<vmem_shared>>
    tpu.enqueue_dma source(%dma_start3A_81 : memref<640xf32, #tpu.memory_space<vmem_shared>>) target(%dma_start3A_79 : memref<640xf32, #tpu.memory_space<vmem>>) target_semaphore(%arg13 : memref<!tpu.dma_semaphore, #tpu.memory_space<semaphore_mem>>)
    %dma_start3A_82 = arith.constant 6 : i32
    %dma_start3A_83 = arith.constant 6 : i32
    %dma_start3A_84 = arith.constant 0 : i32
    %dma_start3A_85 = tpu.memref_slice %arg9[%dma_start3A_83, %dma_start3A_84] : memref<16x640xf32, #tpu.memory_space<vmem>> -> memref<1x640xf32, #tpu.memory_space<vmem>>
    %dma_start3A_86 = tpu.memref_squeeze %dma_start3A_85 : memref<1x640xf32, #tpu.memory_space<vmem>> -> memref<640xf32, #tpu.memory_space<vmem>>
    %dma_start3A_87 = tpu.memref_slice %arg8[%dma_start3A_82, %multiple_of3A] : memref<16x10240xf32, #tpu.memory_space<vmem_shared>> -> memref<1x640xf32, #tpu.memory_space<vmem_shared>>
    %dma_start3A_88 = tpu.memref_squeeze %dma_start3A_87 : memref<1x640xf32, #tpu.memory_space<vmem_shared>> -> memref<640xf32, #tpu.memory_space<vmem_shared>>
    %dma_start3A_89 = arith.constant 0 : i32
    %dma_start3A_90 = tpu.memref_slice %arg9[%dma_start3A_83, %dma_start3A_89] : memref<16x640xf32, #tpu.memory_space<vmem>> -> memref<1x640xf32, #tpu.memory_space<vmem>>
    %dma_start3A_91 = tpu.memref_squeeze %dma_start3A_90 : memref<1x640xf32, #tpu.memory_space<vmem>> -> memref<640xf32, #tpu.memory_space<vmem>>
    %dma_start3A_92 = tpu.memref_slice %arg8[%dma_start3A_82, %multiple_of3A] : memref<16x10240xf32, #tpu.memory_space<vmem_shared>> -> memref<1x640xf32, #tpu.memory_space<vmem_shared>>
    %dma_start3A_93 = tpu.memref_squeeze %dma_start3A_92 : memref<1x640xf32, #tpu.memory_space<vmem_shared>> -> memref<640xf32, #tpu.memory_space<vmem_shared>>
    tpu.enqueue_dma source(%dma_start3A_93 : memref<640xf32, #tpu.memory_space<vmem_shared>>) target(%dma_start3A_91 : memref<640xf32, #tpu.memory_space<vmem>>) target_semaphore(%arg13 : memref<!tpu.dma_semaphore, #tpu.memory_space<semaphore_mem>>)
    %dma_start3A_94 = arith.constant 7 : i32
    %dma_start3A_95 = arith.constant 7 : i32
    %dma_start3A_96 = arith.constant 0 : i32
    %dma_start3A_97 = tpu.memref_slice %arg9[%dma_start3A_95, %dma_start3A_96] : memref<16x640xf32, #tpu.memory_space<vmem>> -> memref<1x640xf32, #tpu.memory_space<vmem>>
    %dma_start3A_98 = tpu.memref_squeeze %dma_start3A_97 : memref<1x640xf32, #tpu.memory_space<vmem>> -> memref<640xf32, #tpu.memory_space<vmem>>
    %dma_start3A_99 = tpu.memref_slice %arg8[%dma_start3A_94, %multiple_of3A] : memref<16x10240xf32, #tpu.memory_space<vmem_shared>> -> memref<1x640xf32, #tpu.memory_space<vmem_shared>>
    %dma_start3A_100 = tpu.memref_squeeze %dma_start3A_99 : memref<1x640xf32, #tpu.memory_space<vmem_shared>> -> memref<640xf32, #tpu.memory_space<vmem_shared>>
    %dma_start3A_101 = arith.constant 0 : i32
    %dma_start3A_102 = tpu.memref_slice %arg9[%dma_start3A_95, %dma_start3A_101] : memref<16x640xf32, #tpu.memory_space<vmem>> -> memref<1x640xf32, #tpu.memory_space<vmem>>
    %dma_start3A_103 = tpu.memref_squeeze %dma_start3A_102 : memref<1x640xf32, #tpu.memory_space<vmem>> -> memref<640xf32, #tpu.memory_space<vmem>>
    %dma_start3A_104 = tpu.memref_slice %arg8[%dma_start3A_94, %multiple_of3A] : memref<16x10240xf32, #tpu.memory_space<vmem_shared>> -> memref<1x640xf32, #tpu.memory_space<vmem_shared>>
    %dma_start3A_105 = tpu.memref_squeeze %dma_start3A_104 : memref<1x640xf32, #tpu.memory_space<vmem_shared>> -> memref<640xf32, #tpu.memory_space<vmem_shared>>
    tpu.enqueue_dma source(%dma_start3A_105 : memref<640xf32, #tpu.memory_space<vmem_shared>>) target(%dma_start3A_103 : memref<640xf32, #tpu.memory_space<vmem>>) target_semaphore(%arg13 : memref<!tpu.dma_semaphore, #tpu.memory_space<semaphore_mem>>)
    %dma_start3A_106 = arith.constant 8 : i32
    %dma_start3A_107 = arith.constant 8 : i32
    %dma_start3A_108 = arith.constant 0 : i32
    %dma_start3A_109 = tpu.memref_slice %arg9[%dma_start3A_107, %dma_start3A_108] : memref<16x640xf32, #tpu.memory_space<vmem>> -> memref<1x640xf32, #tpu.memory_space<vmem>>
    %dma_start3A_110 = tpu.memref_squeeze %dma_start3A_109 : memref<1x640xf32, #tpu.memory_space<vmem>> -> memref<640xf32, #tpu.memory_space<vmem>>
    %dma_start3A_111 = tpu.memref_slice %arg8[%dma_start3A_106, %multiple_of3A] : memref<16x10240xf32, #tpu.memory_space<vmem_shared>> -> memref<1x640xf32, #tpu.memory_space<vmem_shared>>
    %dma_start3A_112 = tpu.memref_squeeze %dma_start3A_111 : memref<1x640xf32, #tpu.memory_space<vmem_shared>> -> memref<640xf32, #tpu.memory_space<vmem_shared>>
    %dma_start3A_113 = arith.constant 0 : i32
    %dma_start3A_114 = tpu.memref_slice %arg9[%dma_start3A_107, %dma_start3A_113] : memref<16x640xf32, #tpu.memory_space<vmem>> -> memref<1x640xf32, #tpu.memory_space<vmem>>
    %dma_start3A_115 = tpu.memref_squeeze %dma_start3A_114 : memref<1x640xf32, #tpu.memory_space<vmem>> -> memref<640xf32, #tpu.memory_space<vmem>>
    %dma_start3A_116 = tpu.memref_slice %arg8[%dma_start3A_106, %multiple_of3A] : memref<16x10240xf32, #tpu.memory_space<vmem_shared>> -> memref<1x640xf32, #tpu.memory_space<vmem_shared>>
    %dma_start3A_117 = tpu.memref_squeeze %dma_start3A_116 : memref<1x640xf32, #tpu.memory_space<vmem_shared>> -> memref<640xf32, #tpu.memory_space<vmem_shared>>
    tpu.enqueue_dma source(%dma_start3A_117 : memref<640xf32, #tpu.memory_space<vmem_shared>>) target(%dma_start3A_115 : memref<640xf32, #tpu.memory_space<vmem>>) target_semaphore(%arg13 : memref<!tpu.dma_semaphore, #tpu.memory_space<semaphore_mem>>)
    %dma_start3A_118 = arith.constant 9 : i32
    %dma_start3A_119 = arith.constant 9 : i32
    %dma_start3A_120 = arith.constant 0 : i32
    %dma_start3A_121 = tpu.memref_slice %arg9[%dma_start3A_119, %dma_start3A_120] : memref<16x640xf32, #tpu.memory_space<vmem>> -> memref<1x640xf32, #tpu.memory_space<vmem>>
    %dma_start3A_122 = tpu.memref_squeeze %dma_start3A_121 : memref<1x640xf32, #tpu.memory_space<vmem>> -> memref<640xf32, #tpu.memory_space<vmem>>
    %dma_start3A_123 = tpu.memref_slice %arg8[%dma_start3A_118, %multiple_of3A] : memref<16x10240xf32, #tpu.memory_space<vmem_shared>> -> memref<1x640xf32, #tpu.memory_space<vmem_shared>>
    %dma_start3A_124 = tpu.memref_squeeze %dma_start3A_123 : memref<1x640xf32, #tpu.memory_space<vmem_shared>> -> memref<640xf32, #tpu.memory_space<vmem_shared>>
    %dma_start3A_125 = arith.constant 0 : i32
    %dma_start3A_126 = tpu.memref_slice %arg9[%dma_start3A_119, %dma_start3A_125] : memref<16x640xf32, #tpu.memory_space<vmem>> -> memref<1x640xf32, #tpu.memory_space<vmem>>
    %dma_start3A_127 = tpu.memref_squeeze %dma_start3A_126 : memref<1x640xf32, #tpu.memory_space<vmem>> -> memref<640xf32, #tpu.memory_space<vmem>>
    %dma_start3A_128 = tpu.memref_slice %arg8[%dma_start3A_118, %multiple_of3A] : memref<16x10240xf32, #tpu.memory_space<vmem_shared>> -> memref<1x640xf32, #tpu.memory_space<vmem_shared>>
    %dma_start3A_129 = tpu.memref_squeeze %dma_start3A_128 : memref<1x640xf32, #tpu.memory_space<vmem_shared>> -> memref<640xf32, #tpu.memory_space<vmem_shared>>
    tpu.enqueue_dma source(%dma_start3A_129 : memref<640xf32, #tpu.memory_space<vmem_shared>>) target(%dma_start3A_127 : memref<640xf32, #tpu.memory_space<vmem>>) target_semaphore(%arg13 : memref<!tpu.dma_semaphore, #tpu.memory_space<semaphore_mem>>)
    %dma_start3A_130 = arith.constant 10 : i32
    %dma_start3A_131 = arith.constant 10 : i32
    %dma_start3A_132 = arith.constant 0 : i32
    %dma_start3A_133 = tpu.memref_slice %arg9[%dma_start3A_131, %dma_start3A_132] : memref<16x640xf32, #tpu.memory_space<vmem>> -> memref<1x640xf32, #tpu.memory_space<vmem>>
    %dma_start3A_134 = tpu.memref_squeeze %dma_start3A_133 : memref<1x640xf32, #tpu.memory_space<vmem>> -> memref<640xf32, #tpu.memory_space<vmem>>
    %dma_start3A_135 = tpu.memref_slice %arg8[%dma_start3A_130, %multiple_of3A] : memref<16x10240xf32, #tpu.memory_space<vmem_shared>> -> memref<1x640xf32, #tpu.memory_space<vmem_shared>>
    %dma_start3A_136 = tpu.memref_squeeze %dma_start3A_135 : memref<1x640xf32, #tpu.memory_space<vmem_shared>> -> memref<640xf32, #tpu.memory_space<vmem_shared>>
    %dma_start3A_137 = arith.constant 0 : i32
    %dma_start3A_138 = tpu.memref_slice %arg9[%dma_start3A_131, %dma_start3A_137] : memref<16x640xf32, #tpu.memory_space<vmem>> -> memref<1x640xf32, #tpu.memory_space<vmem>>
    %dma_start3A_139 = tpu.memref_squeeze %dma_start3A_138 : memref<1x640xf32, #tpu.memory_space<vmem>> -> memref<640xf32, #tpu.memory_space<vmem>>
    %dma_start3A_140 = tpu.memref_slice %arg8[%dma_start3A_130, %multiple_of3A] : memref<16x10240xf32, #tpu.memory_space<vmem_shared>> -> memref<1x640xf32, #tpu.memory_space<vmem_shared>>
    %dma_start3A_141 = tpu.memref_squeeze %dma_start3A_140 : memref<1x640xf32, #tpu.memory_space<vmem_shared>> -> memref<640xf32, #tpu.memory_space<vmem_shared>>
    tpu.enqueue_dma source(%dma_start3A_141 : memref<640xf32, #tpu.memory_space<vmem_shared>>) target(%dma_start3A_139 : memref<640xf32, #tpu.memory_space<vmem>>) target_semaphore(%arg13 : memref<!tpu.dma_semaphore, #tpu.memory_space<semaphore_mem>>)
    %dma_start3A_142 = arith.constant 11 : i32
    %dma_start3A_143 = arith.constant 11 : i32
    %dma_start3A_144 = arith.constant 0 : i32
    %dma_start3A_145 = tpu.memref_slice %arg9[%dma_start3A_143, %dma_start3A_144] : memref<16x640xf32, #tpu.memory_space<vmem>> -> memref<1x640xf32, #tpu.memory_space<vmem>>
    %dma_start3A_146 = tpu.memref_squeeze %dma_start3A_145 : memref<1x640xf32, #tpu.memory_space<vmem>> -> memref<640xf32, #tpu.memory_space<vmem>>
    %dma_start3A_147 = tpu.memref_slice %arg8[%dma_start3A_142, %multiple_of3A] : memref<16x10240xf32, #tpu.memory_space<vmem_shared>> -> memref<1x640xf32, #tpu.memory_space<vmem_shared>>
    %dma_start3A_148 = tpu.memref_squeeze %dma_start3A_147 : memref<1x640xf32, #tpu.memory_space<vmem_shared>> -> memref<640xf32, #tpu.memory_space<vmem_shared>>
    %dma_start3A_149 = arith.constant 0 : i32
    %dma_start3A_150 = tpu.memref_slice %arg9[%dma_start3A_143, %dma_start3A_149] : memref<16x640xf32, #tpu.memory_space<vmem>> -> memref<1x640xf32, #tpu.memory_space<vmem>>
    %dma_start3A_151 = tpu.memref_squeeze %dma_start3A_150 : memref<1x640xf32, #tpu.memory_space<vmem>> -> memref<640xf32, #tpu.memory_space<vmem>>
    %dma_start3A_152 = tpu.memref_slice %arg8[%dma_start3A_142, %multiple_of3A] : memref<16x10240xf32, #tpu.memory_space<vmem_shared>> -> memref<1x640xf32, #tpu.memory_space<vmem_shared>>
    %dma_start3A_153 = tpu.memref_squeeze %dma_start3A_152 : memref<1x640xf32, #tpu.memory_space<vmem_shared>> -> memref<640xf32, #tpu.memory_space<vmem_shared>>
    tpu.enqueue_dma source(%dma_start3A_153 : memref<640xf32, #tpu.memory_space<vmem_shared>>) target(%dma_start3A_151 : memref<640xf32, #tpu.memory_space<vmem>>) target_semaphore(%arg13 : memref<!tpu.dma_semaphore, #tpu.memory_space<semaphore_mem>>)
    %dma_start3A_154 = arith.constant 12 : i32
    %dma_start3A_155 = arith.constant 12 : i32
    %dma_start3A_156 = arith.constant 0 : i32
    %dma_start3A_157 = tpu.memref_slice %arg9[%dma_start3A_155, %dma_start3A_156] : memref<16x640xf32, #tpu.memory_space<vmem>> -> memref<1x640xf32, #tpu.memory_space<vmem>>
    %dma_start3A_158 = tpu.memref_squeeze %dma_start3A_157 : memref<1x640xf32, #tpu.memory_space<vmem>> -> memref<640xf32, #tpu.memory_space<vmem>>
    %dma_start3A_159 = tpu.memref_slice %arg8[%dma_start3A_154, %multiple_of3A] : memref<16x10240xf32, #tpu.memory_space<vmem_shared>> -> memref<1x640xf32, #tpu.memory_space<vmem_shared>>
    %dma_start3A_160 = tpu.memref_squeeze %dma_start3A_159 : memref<1x640xf32, #tpu.memory_space<vmem_shared>> -> memref<640xf32, #tpu.memory_space<vmem_shared>>
    %dma_start3A_161 = arith.constant 0 : i32
    %dma_start3A_162 = tpu.memref_slice %arg9[%dma_start3A_155, %dma_start3A_161] : memref<16x640xf32, #tpu.memory_space<vmem>> -> memref<1x640xf32, #tpu.memory_space<vmem>>
    %dma_start3A_163 = tpu.memref_squeeze %dma_start3A_162 : memref<1x640xf32, #tpu.memory_space<vmem>> -> memref<640xf32, #tpu.memory_space<vmem>>
    %dma_start3A_164 = tpu.memref_slice %arg8[%dma_start3A_154, %multiple_of3A] : memref<16x10240xf32, #tpu.memory_space<vmem_shared>> -> memref<1x640xf32, #tpu.memory_space<vmem_shared>>
    %dma_start3A_165 = tpu.memref_squeeze %dma_start3A_164 : memref<1x640xf32, #tpu.memory_space<vmem_shared>> -> memref<640xf32, #tpu.memory_space<vmem_shared>>
    tpu.enqueue_dma source(%dma_start3A_165 : memref<640xf32, #tpu.memory_space<vmem_shared>>) target(%dma_start3A_163 : memref<640xf32, #tpu.memory_space<vmem>>) target_semaphore(%arg13 : memref<!tpu.dma_semaphore, #tpu.memory_space<semaphore_mem>>)
    %dma_start3A_166 = arith.constant 13 : i32
    %dma_start3A_167 = arith.constant 13 : i32
    %dma_start3A_168 = arith.constant 0 : i32
    %dma_start3A_169 = tpu.memref_slice %arg9[%dma_start3A_167, %dma_start3A_168] : memref<16x640xf32, #tpu.memory_space<vmem>> -> memref<1x640xf32, #tpu.memory_space<vmem>>
    %dma_start3A_170 = tpu.memref_squeeze %dma_start3A_169 : memref<1x640xf32, #tpu.memory_space<vmem>> -> memref<640xf32, #tpu.memory_space<vmem>>
    %dma_start3A_171 = tpu.memref_slice %arg8[%dma_start3A_166, %multiple_of3A] : memref<16x10240xf32, #tpu.memory_space<vmem_shared>> -> memref<1x640xf32, #tpu.memory_space<vmem_shared>>
    %dma_start3A_172 = tpu.memref_squeeze %dma_start3A_171 : memref<1x640xf32, #tpu.memory_space<vmem_shared>> -> memref<640xf32, #tpu.memory_space<vmem_shared>>
    %dma_start3A_173 = arith.constant 0 : i32
    %dma_start3A_174 = tpu.memref_slice %arg9[%dma_start3A_167, %dma_start3A_173] : memref<16x640xf32, #tpu.memory_space<vmem>> -> memref<1x640xf32, #tpu.memory_space<vmem>>
    %dma_start3A_175 = tpu.memref_squeeze %dma_start3A_174 : memref<1x640xf32, #tpu.memory_space<vmem>> -> memref<640xf32, #tpu.memory_space<vmem>>
    %dma_start3A_176 = tpu.memref_slice %arg8[%dma_start3A_166, %multiple_of3A] : memref<16x10240xf32, #tpu.memory_space<vmem_shared>> -> memref<1x640xf32, #tpu.memory_space<vmem_shared>>
    %dma_start3A_177 = tpu.memref_squeeze %dma_start3A_176 : memref<1x640xf32, #tpu.memory_space<vmem_shared>> -> memref<640xf32, #tpu.memory_space<vmem_shared>>
    tpu.enqueue_dma source(%dma_start3A_177 : memref<640xf32, #tpu.memory_space<vmem_shared>>) target(%dma_start3A_175 : memref<640xf32, #tpu.memory_space<vmem>>) target_semaphore(%arg13 : memref<!tpu.dma_semaphore, #tpu.memory_space<semaphore_mem>>)
    %dma_start3A_178 = arith.constant 14 : i32
    %dma_start3A_179 = arith.constant 14 : i32
    %dma_start3A_180 = arith.constant 0 : i32
    %dma_start3A_181 = tpu.memref_slice %arg9[%dma_start3A_179, %dma_start3A_180] : memref<16x640xf32, #tpu.memory_space<vmem>> -> memref<1x640xf32, #tpu.memory_space<vmem>>
    %dma_start3A_182 = tpu.memref_squeeze %dma_start3A_181 : memref<1x640xf32, #tpu.memory_space<vmem>> -> memref<640xf32, #tpu.memory_space<vmem>>
    %dma_start3A_183 = tpu.memref_slice %arg8[%dma_start3A_178, %multiple_of3A] : memref<16x10240xf32, #tpu.memory_space<vmem_shared>> -> memref<1x640xf32, #tpu.memory_space<vmem_shared>>
    %dma_start3A_184 = tpu.memref_squeeze %dma_start3A_183 : memref<1x640xf32, #tpu.memory_space<vmem_shared>> -> memref<640xf32, #tpu.memory_space<vmem_shared>>
    %dma_start3A_185 = arith.constant 0 : i32
    %dma_start3A_186 = tpu.memref_slice %arg9[%dma_start3A_179, %dma_start3A_185] : memref<16x640xf32, #tpu.memory_space<vmem>> -> memref<1x640xf32, #tpu.memory_space<vmem>>
    %dma_start3A_187 = tpu.memref_squeeze %dma_start3A_186 : memref<1x640xf32, #tpu.memory_space<vmem>> -> memref<640xf32, #tpu.memory_space<vmem>>
    %dma_start3A_188 = tpu.memref_slice %arg8[%dma_start3A_178, %multiple_of3A] : memref<16x10240xf32, #tpu.memory_space<vmem_shared>> -> memref<1x640xf32, #tpu.memory_space<vmem_shared>>
    %dma_start3A_189 = tpu.memref_squeeze %dma_start3A_188 : memref<1x640xf32, #tpu.memory_space<vmem_shared>> -> memref<640xf32, #tpu.memory_space<vmem_shared>>
    tpu.enqueue_dma source(%dma_start3A_189 : memref<640xf32, #tpu.memory_space<vmem_shared>>) target(%dma_start3A_187 : memref<640xf32, #tpu.memory_space<vmem>>) target_semaphore(%arg13 : memref<!tpu.dma_semaphore, #tpu.memory_space<semaphore_mem>>)
    %dma_start3A_190 = arith.constant 15 : i32
    %dma_start3A_191 = arith.constant 15 : i32
    %dma_start3A_192 = arith.constant 0 : i32
    %dma_start3A_193 = tpu.memref_slice %arg9[%dma_start3A_191, %dma_start3A_192] : memref<16x640xf32, #tpu.memory_space<vmem>> -> memref<1x640xf32, #tpu.memory_space<vmem>>
    %dma_start3A_194 = tpu.memref_squeeze %dma_start3A_193 : memref<1x640xf32, #tpu.memory_space<vmem>> -> memref<640xf32, #tpu.memory_space<vmem>>
    %dma_start3A_195 = tpu.memref_slice %arg8[%dma_start3A_190, %multiple_of3A] : memref<16x10240xf32, #tpu.memory_space<vmem_shared>> -> memref<1x640xf32, #tpu.memory_space<vmem_shared>>
    %dma_start3A_196 = tpu.memref_squeeze %dma_start3A_195 : memref<1x640xf32, #tpu.memory_space<vmem_shared>> -> memref<640xf32, #tpu.memory_space<vmem_shared>>
    %dma_start3A_197 = arith.constant 0 : i32
    %dma_start3A_198 = tpu.memref_slice %arg9[%dma_start3A_191, %dma_start3A_197] : memref<16x640xf32, #tpu.memory_space<vmem>> -> memref<1x640xf32, #tpu.memory_space<vmem>>
    %dma_start3A_199 = tpu.memref_squeeze %dma_start3A_198 : memref<1x640xf32, #tpu.memory_space<vmem>> -> memref<640xf32, #tpu.memory_space<vmem>>
    %dma_start3A_200 = tpu.memref_slice %arg8[%dma_start3A_190, %multiple_of3A] : memref<16x10240xf32, #tpu.memory_space<vmem_shared>> -> memref<1x640xf32, #tpu.memory_space<vmem_shared>>
    %dma_start3A_201 = tpu.memref_squeeze %dma_start3A_200 : memref<1x640xf32, #tpu.memory_space<vmem_shared>> -> memref<640xf32, #tpu.memory_space<vmem_shared>>
    tpu.enqueue_dma source(%dma_start3A_201 : memref<640xf32, #tpu.memory_space<vmem_shared>>) target(%dma_start3A_199 : memref<640xf32, #tpu.memory_space<vmem>>) target_semaphore(%arg13 : memref<!tpu.dma_semaphore, #tpu.memory_space<semaphore_mem>>)
    %dma_wait3A = arith.constant 0 : i32
    %dma_wait3A_202 = arith.constant 0 : i32
    %dma_wait3A_203 = arith.constant 0 : i32
    %dma_wait3A_204 = tpu.memref_slice %arg9[%dma_wait3A_202, %dma_wait3A_203] : memref<16x640xf32, #tpu.memory_space<vmem>> -> memref<1x640xf32, #tpu.memory_space<vmem>>
    %dma_wait3A_205 = tpu.memref_squeeze %dma_wait3A_204 : memref<1x640xf32, #tpu.memory_space<vmem>> -> memref<640xf32, #tpu.memory_space<vmem>>
    %dma_wait3A_206 = tpu.memref_slice %arg8[%dma_wait3A, %multiple_of3A] : memref<16x10240xf32, #tpu.memory_space<vmem_shared>> -> memref<1x640xf32, #tpu.memory_space<vmem_shared>>
    %dma_wait3A_207 = tpu.memref_squeeze %dma_wait3A_206 : memref<1x640xf32, #tpu.memory_space<vmem_shared>> -> memref<640xf32, #tpu.memory_space<vmem_shared>>
    %dma_wait3A_208 = arith.constant 0 : i32
    %dma_wait3A_209 = tpu.memref_slice %arg9[%dma_wait3A_202, %dma_wait3A_208] : memref<16x640xf32, #tpu.memory_space<vmem>> -> memref<1x640xf32, #tpu.memory_space<vmem>>
    %dma_wait3A_210 = tpu.memref_squeeze %dma_wait3A_209 : memref<1x640xf32, #tpu.memory_space<vmem>> -> memref<640xf32, #tpu.memory_space<vmem>>
    %dma_wait3A_211 = tpu.memref_slice %arg8[%dma_wait3A, %multiple_of3A] : memref<16x10240xf32, #tpu.memory_space<vmem_shared>> -> memref<1x640xf32, #tpu.memory_space<vmem_shared>>
    %dma_wait3A_212 = tpu.memref_squeeze %dma_wait3A_211 : memref<1x640xf32, #tpu.memory_space<vmem_shared>> -> memref<640xf32, #tpu.memory_space<vmem_shared>>
    tpu.wait_dma2 semaphore(%arg13 : memref<!tpu.dma_semaphore, #tpu.memory_space<semaphore_mem>>) src(%dma_wait3A_212 : memref<640xf32, #tpu.memory_space<vmem_shared>>) dst(%dma_wait3A_210 : memref<640xf32, #tpu.memory_space<vmem>>)
    %dma_wait3A_213 = arith.constant 1 : i32
    %dma_wait3A_214 = arith.constant 1 : i32
    %dma_wait3A_215 = arith.constant 0 : i32
    %dma_wait3A_216 = tpu.memref_slice %arg9[%dma_wait3A_214, %dma_wait3A_215] : memref<16x640xf32, #tpu.memory_space<vmem>> -> memref<1x640xf32, #tpu.memory_space<vmem>>
    %dma_wait3A_217 = tpu.memref_squeeze %dma_wait3A_216 : memref<1x640xf32, #tpu.memory_space<vmem>> -> memref<640xf32, #tpu.memory_space<vmem>>
    %dma_wait3A_218 = tpu.memref_slice %arg8[%dma_wait3A_213, %multiple_of3A] : memref<16x10240xf32, #tpu.memory_space<vmem_shared>> -> memref<1x640xf32, #tpu.memory_space<vmem_shared>>
    %dma_wait3A_219 = tpu.memref_squeeze %dma_wait3A_218 : memref<1x640xf32, #tpu.memory_space<vmem_shared>> -> memref<640xf32, #tpu.memory_space<vmem_shared>>
    %dma_wait3A_220 = arith.constant 0 : i32
    %dma_wait3A_221 = tpu.memref_slice %arg9[%dma_wait3A_214, %dma_wait3A_220] : memref<16x640xf32, #tpu.memory_space<vmem>> -> memref<1x640xf32, #tpu.memory_space<vmem>>
    %dma_wait3A_222 = tpu.memref_squeeze %dma_wait3A_221 : memref<1x640xf32, #tpu.memory_space<vmem>> -> memref<640xf32, #tpu.memory_space<vmem>>
    %dma_wait3A_223 = tpu.memref_slice %arg8[%dma_wait3A_213, %multiple_of3A] : memref<16x10240xf32, #tpu.memory_space<vmem_shared>> -> memref<1x640xf32, #tpu.memory_space<vmem_shared>>
    %dma_wait3A_224 = tpu.memref_squeeze %dma_wait3A_223 : memref<1x640xf32, #tpu.memory_space<vmem_shared>> -> memref<640xf32, #tpu.memory_space<vmem_shared>>
    tpu.wait_dma2 semaphore(%arg13 : memref<!tpu.dma_semaphore, #tpu.memory_space<semaphore_mem>>) src(%dma_wait3A_224 : memref<640xf32, #tpu.memory_space<vmem_shared>>) dst(%dma_wait3A_222 : memref<640xf32, #tpu.memory_space<vmem>>)
    %dma_wait3A_225 = arith.constant 2 : i32
    %dma_wait3A_226 = arith.constant 2 : i32
    %dma_wait3A_227 = arith.constant 0 : i32
    %dma_wait3A_228 = tpu.memref_slice %arg9[%dma_wait3A_226, %dma_wait3A_227] : memref<16x640xf32, #tpu.memory_space<vmem>> -> memref<1x640xf32, #tpu.memory_space<vmem>>
    %dma_wait3A_229 = tpu.memref_squeeze %dma_wait3A_228 : memref<1x640xf32, #tpu.memory_space<vmem>> -> memref<640xf32, #tpu.memory_space<vmem>>
    %dma_wait3A_230 = tpu.memref_slice %arg8[%dma_wait3A_225, %multiple_of3A] : memref<16x10240xf32, #tpu.memory_space<vmem_shared>> -> memref<1x640xf32, #tpu.memory_space<vmem_shared>>
    %dma_wait3A_231 = tpu.memref_squeeze %dma_wait3A_230 : memref<1x640xf32, #tpu.memory_space<vmem_shared>> -> memref<640xf32, #tpu.memory_space<vmem_shared>>
    %dma_wait3A_232 = arith.constant 0 : i32
    %dma_wait3A_233 = tpu.memref_slice %arg9[%dma_wait3A_226, %dma_wait3A_232] : memref<16x640xf32, #tpu.memory_space<vmem>> -> memref<1x640xf32, #tpu.memory_space<vmem>>
    %dma_wait3A_234 = tpu.memref_squeeze %dma_wait3A_233 : memref<1x640xf32, #tpu.memory_space<vmem>> -> memref<640xf32, #tpu.memory_space<vmem>>
    %dma_wait3A_235 = tpu.memref_slice %arg8[%dma_wait3A_225, %multiple_of3A] : memref<16x10240xf32, #tpu.memory_space<vmem_shared>> -> memref<1x640xf32, #tpu.memory_space<vmem_shared>>
    %dma_wait3A_236 = tpu.memref_squeeze %dma_wait3A_235 : memref<1x640xf32, #tpu.memory_space<vmem_shared>> -> memref<640xf32, #tpu.memory_space<vmem_shared>>
    tpu.wait_dma2 semaphore(%arg13 : memref<!tpu.dma_semaphore, #tpu.memory_space<semaphore_mem>>) src(%dma_wait3A_236 : memref<640xf32, #tpu.memory_space<vmem_shared>>) dst(%dma_wait3A_234 : memref<640xf32, #tpu.memory_space<vmem>>)
    %dma_wait3A_237 = arith.constant 3 : i32
    %dma_wait3A_238 = arith.constant 3 : i32
    %dma_wait3A_239 = arith.constant 0 : i32
    %dma_wait3A_240 = tpu.memref_slice %arg9[%dma_wait3A_238, %dma_wait3A_239] : memref<16x640xf32, #tpu.memory_space<vmem>> -> memref<1x640xf32, #tpu.memory_space<vmem>>
    %dma_wait3A_241 = tpu.memref_squeeze %dma_wait3A_240 : memref<1x640xf32, #tpu.memory_space<vmem>> -> memref<640xf32, #tpu.memory_space<vmem>>
    %dma_wait3A_242 = tpu.memref_slice %arg8[%dma_wait3A_237, %multiple_of3A] : memref<16x10240xf32, #tpu.memory_space<vmem_shared>> -> memref<1x640xf32, #tpu.memory_space<vmem_shared>>
    %dma_wait3A_243 = tpu.memref_squeeze %dma_wait3A_242 : memref<1x640xf32, #tpu.memory_space<vmem_shared>> -> memref<640xf32, #tpu.memory_space<vmem_shared>>
    %dma_wait3A_244 = arith.constant 0 : i32
    %dma_wait3A_245 = tpu.memref_slice %arg9[%dma_wait3A_238, %dma_wait3A_244] : memref<16x640xf32, #tpu.memory_space<vmem>> -> memref<1x640xf32, #tpu.memory_space<vmem>>
    %dma_wait3A_246 = tpu.memref_squeeze %dma_wait3A_245 : memref<1x640xf32, #tpu.memory_space<vmem>> -> memref<640xf32, #tpu.memory_space<vmem>>
    %dma_wait3A_247 = tpu.memref_slice %arg8[%dma_wait3A_237, %multiple_of3A] : memref<16x10240xf32, #tpu.memory_space<vmem_shared>> -> memref<1x640xf32, #tpu.memory_space<vmem_shared>>
    %dma_wait3A_248 = tpu.memref_squeeze %dma_wait3A_247 : memref<1x640xf32, #tpu.memory_space<vmem_shared>> -> memref<640xf32, #tpu.memory_space<vmem_shared>>
    tpu.wait_dma2 semaphore(%arg13 : memref<!tpu.dma_semaphore, #tpu.memory_space<semaphore_mem>>) src(%dma_wait3A_248 : memref<640xf32, #tpu.memory_space<vmem_shared>>) dst(%dma_wait3A_246 : memref<640xf32, #tpu.memory_space<vmem>>)
    %dma_wait3A_249 = arith.constant 4 : i32
    %dma_wait3A_250 = arith.constant 4 : i32
    %dma_wait3A_251 = arith.constant 0 : i32
    %dma_wait3A_252 = tpu.memref_slice %arg9[%dma_wait3A_250, %dma_wait3A_251] : memref<16x640xf32, #tpu.memory_space<vmem>> -> memref<1x640xf32, #tpu.memory_space<vmem>>
    %dma_wait3A_253 = tpu.memref_squeeze %dma_wait3A_252 : memref<1x640xf32, #tpu.memory_space<vmem>> -> memref<640xf32, #tpu.memory_space<vmem>>
    %dma_wait3A_254 = tpu.memref_slice %arg8[%dma_wait3A_249, %multiple_of3A] : memref<16x10240xf32, #tpu.memory_space<vmem_shared>> -> memref<1x640xf32, #tpu.memory_space<vmem_shared>>
    %dma_wait3A_255 = tpu.memref_squeeze %dma_wait3A_254 : memref<1x640xf32, #tpu.memory_space<vmem_shared>> -> memref<640xf32, #tpu.memory_space<vmem_shared>>
    %dma_wait3A_256 = arith.constant 0 : i32
    %dma_wait3A_257 = tpu.memref_slice %arg9[%dma_wait3A_250, %dma_wait3A_256] : memref<16x640xf32, #tpu.memory_space<vmem>> -> memref<1x640xf32, #tpu.memory_space<vmem>>
    %dma_wait3A_258 = tpu.memref_squeeze %dma_wait3A_257 : memref<1x640xf32, #tpu.memory_space<vmem>> -> memref<640xf32, #tpu.memory_space<vmem>>
    %dma_wait3A_259 = tpu.memref_slice %arg8[%dma_wait3A_249, %multiple_of3A] : memref<16x10240xf32, #tpu.memory_space<vmem_shared>> -> memref<1x640xf32, #tpu.memory_space<vmem_shared>>
    %dma_wait3A_260 = tpu.memref_squeeze %dma_wait3A_259 : memref<1x640xf32, #tpu.memory_space<vmem_shared>> -> memref<640xf32, #tpu.memory_space<vmem_shared>>
    tpu.wait_dma2 semaphore(%arg13 : memref<!tpu.dma_semaphore, #tpu.memory_space<semaphore_mem>>) src(%dma_wait3A_260 : memref<640xf32, #tpu.memory_space<vmem_shared>>) dst(%dma_wait3A_258 : memref<640xf32, #tpu.memory_space<vmem>>)
    %dma_wait3A_261 = arith.constant 5 : i32
    %dma_wait3A_262 = arith.constant 5 : i32
    %dma_wait3A_263 = arith.constant 0 : i32
    %dma_wait3A_264 = tpu.memref_slice %arg9[%dma_wait3A_262, %dma_wait3A_263] : memref<16x640xf32, #tpu.memory_space<vmem>> -> memref<1x640xf32, #tpu.memory_space<vmem>>
    %dma_wait3A_265 = tpu.memref_squeeze %dma_wait3A_264 : memref<1x640xf32, #tpu.memory_space<vmem>> -> memref<640xf32, #tpu.memory_space<vmem>>
    %dma_wait3A_266 = tpu.memref_slice %arg8[%dma_wait3A_261, %multiple_of3A] : memref<16x10240xf32, #tpu.memory_space<vmem_shared>> -> memref<1x640xf32, #tpu.memory_space<vmem_shared>>
    %dma_wait3A_267 = tpu.memref_squeeze %dma_wait3A_266 : memref<1x640xf32, #tpu.memory_space<vmem_shared>> -> memref<640xf32, #tpu.memory_space<vmem_shared>>
    %dma_wait3A_268 = arith.constant 0 : i32
    %dma_wait3A_269 = tpu.memref_slice %arg9[%dma_wait3A_262, %dma_wait3A_268] : memref<16x640xf32, #tpu.memory_space<vmem>> -> memref<1x640xf32, #tpu.memory_space<vmem>>
    %dma_wait3A_270 = tpu.memref_squeeze %dma_wait3A_269 : memref<1x640xf32, #tpu.memory_space<vmem>> -> memref<640xf32, #tpu.memory_space<vmem>>
    %dma_wait3A_271 = tpu.memref_slice %arg8[%dma_wait3A_261, %multiple_of3A] : memref<16x10240xf32, #tpu.memory_space<vmem_shared>> -> memref<1x640xf32, #tpu.memory_space<vmem_shared>>
    %dma_wait3A_272 = tpu.memref_squeeze %dma_wait3A_271 : memref<1x640xf32, #tpu.memory_space<vmem_shared>> -> memref<640xf32, #tpu.memory_space<vmem_shared>>
    tpu.wait_dma2 semaphore(%arg13 : memref<!tpu.dma_semaphore, #tpu.memory_space<semaphore_mem>>) src(%dma_wait3A_272 : memref<640xf32, #tpu.memory_space<vmem_shared>>) dst(%dma_wait3A_270 : memref<640xf32, #tpu.memory_space<vmem>>)
    %dma_wait3A_273 = arith.constant 6 : i32
    %dma_wait3A_274 = arith.constant 6 : i32
    %dma_wait3A_275 = arith.constant 0 : i32
    %dma_wait3A_276 = tpu.memref_slice %arg9[%dma_wait3A_274, %dma_wait3A_275] : memref<16x640xf32, #tpu.memory_space<vmem>> -> memref<1x640xf32, #tpu.memory_space<vmem>>
    %dma_wait3A_277 = tpu.memref_squeeze %dma_wait3A_276 : memref<1x640xf32, #tpu.memory_space<vmem>> -> memref<640xf32, #tpu.memory_space<vmem>>
    %dma_wait3A_278 = tpu.memref_slice %arg8[%dma_wait3A_273, %multiple_of3A] : memref<16x10240xf32, #tpu.memory_space<vmem_shared>> -> memref<1x640xf32, #tpu.memory_space<vmem_shared>>
    %dma_wait3A_279 = tpu.memref_squeeze %dma_wait3A_278 : memref<1x640xf32, #tpu.memory_space<vmem_shared>> -> memref<640xf32, #tpu.memory_space<vmem_shared>>
    %dma_wait3A_280 = arith.constant 0 : i32
    %dma_wait3A_281 = tpu.memref_slice %arg9[%dma_wait3A_274, %dma_wait3A_280] : memref<16x640xf32, #tpu.memory_space<vmem>> -> memref<1x640xf32, #tpu.memory_space<vmem>>
    %dma_wait3A_282 = tpu.memref_squeeze %dma_wait3A_281 : memref<1x640xf32, #tpu.memory_space<vmem>> -> memref<640xf32, #tpu.memory_space<vmem>>
    %dma_wait3A_283 = tpu.memref_slice %arg8[%dma_wait3A_273, %multiple_of3A] : memref<16x10240xf32, #tpu.memory_space<vmem_shared>> -> memref<1x640xf32, #tpu.memory_space<vmem_shared>>
    %dma_wait3A_284 = tpu.memref_squeeze %dma_wait3A_283 : memref<1x640xf32, #tpu.memory_space<vmem_shared>> -> memref<640xf32, #tpu.memory_space<vmem_shared>>
    tpu.wait_dma2 semaphore(%arg13 : memref<!tpu.dma_semaphore, #tpu.memory_space<semaphore_mem>>) src(%dma_wait3A_284 : memref<640xf32, #tpu.memory_space<vmem_shared>>) dst(%dma_wait3A_282 : memref<640xf32, #tpu.memory_space<vmem>>)
    %dma_wait3A_285 = arith.constant 7 : i32
    %dma_wait3A_286 = arith.constant 7 : i32
    %dma_wait3A_287 = arith.constant 0 : i32
    %dma_wait3A_288 = tpu.memref_slice %arg9[%dma_wait3A_286, %dma_wait3A_287] : memref<16x640xf32, #tpu.memory_space<vmem>> -> memref<1x640xf32, #tpu.memory_space<vmem>>
    %dma_wait3A_289 = tpu.memref_squeeze %dma_wait3A_288 : memref<1x640xf32, #tpu.memory_space<vmem>> -> memref<640xf32, #tpu.memory_space<vmem>>
    %dma_wait3A_290 = tpu.memref_slice %arg8[%dma_wait3A_285, %multiple_of3A] : memref<16x10240xf32, #tpu.memory_space<vmem_shared>> -> memref<1x640xf32, #tpu.memory_space<vmem_shared>>
    %dma_wait3A_291 = tpu.memref_squeeze %dma_wait3A_290 : memref<1x640xf32, #tpu.memory_space<vmem_shared>> -> memref<640xf32, #tpu.memory_space<vmem_shared>>
    %dma_wait3A_292 = arith.constant 0 : i32
    %dma_wait3A_293 = tpu.memref_slice %arg9[%dma_wait3A_286, %dma_wait3A_292] : memref<16x640xf32, #tpu.memory_space<vmem>> -> memref<1x640xf32, #tpu.memory_space<vmem>>
    %dma_wait3A_294 = tpu.memref_squeeze %dma_wait3A_293 : memref<1x640xf32, #tpu.memory_space<vmem>> -> memref<640xf32, #tpu.memory_space<vmem>>
    %dma_wait3A_295 = tpu.memref_slice %arg8[%dma_wait3A_285, %multiple_of3A] : memref<16x10240xf32, #tpu.memory_space<vmem_shared>> -> memref<1x640xf32, #tpu.memory_space<vmem_shared>>
    %dma_wait3A_296 = tpu.memref_squeeze %dma_wait3A_295 : memref<1x640xf32, #tpu.memory_space<vmem_shared>> -> memref<640xf32, #tpu.memory_space<vmem_shared>>
    tpu.wait_dma2 semaphore(%arg13 : memref<!tpu.dma_semaphore, #tpu.memory_space<semaphore_mem>>) src(%dma_wait3A_296 : memref<640xf32, #tpu.memory_space<vmem_shared>>) dst(%dma_wait3A_294 : memref<640xf32, #tpu.memory_space<vmem>>)
    %dma_wait3A_297 = arith.constant 8 : i32
    %dma_wait3A_298 = arith.constant 8 : i32
    %dma_wait3A_299 = arith.constant 0 : i32
    %dma_wait3A_300 = tpu.memref_slice %arg9[%dma_wait3A_298, %dma_wait3A_299] : memref<16x640xf32, #tpu.memory_space<vmem>> -> memref<1x640xf32, #tpu.memory_space<vmem>>
    %dma_wait3A_301 = tpu.memref_squeeze %dma_wait3A_300 : memref<1x640xf32, #tpu.memory_space<vmem>> -> memref<640xf32, #tpu.memory_space<vmem>>
    %dma_wait3A_302 = tpu.memref_slice %arg8[%dma_wait3A_297, %multiple_of3A] : memref<16x10240xf32, #tpu.memory_space<vmem_shared>> -> memref<1x640xf32, #tpu.memory_space<vmem_shared>>
    %dma_wait3A_303 = tpu.memref_squeeze %dma_wait3A_302 : memref<1x640xf32, #tpu.memory_space<vmem_shared>> -> memref<640xf32, #tpu.memory_space<vmem_shared>>
    %dma_wait3A_304 = arith.constant 0 : i32
    %dma_wait3A_305 = tpu.memref_slice %arg9[%dma_wait3A_298, %dma_wait3A_304] : memref<16x640xf32, #tpu.memory_space<vmem>> -> memref<1x640xf32, #tpu.memory_space<vmem>>
    %dma_wait3A_306 = tpu.memref_squeeze %dma_wait3A_305 : memref<1x640xf32, #tpu.memory_space<vmem>> -> memref<640xf32, #tpu.memory_space<vmem>>
    %dma_wait3A_307 = tpu.memref_slice %arg8[%dma_wait3A_297, %multiple_of3A] : memref<16x10240xf32, #tpu.memory_space<vmem_shared>> -> memref<1x640xf32, #tpu.memory_space<vmem_shared>>
    %dma_wait3A_308 = tpu.memref_squeeze %dma_wait3A_307 : memref<1x640xf32, #tpu.memory_space<vmem_shared>> -> memref<640xf32, #tpu.memory_space<vmem_shared>>
    tpu.wait_dma2 semaphore(%arg13 : memref<!tpu.dma_semaphore, #tpu.memory_space<semaphore_mem>>) src(%dma_wait3A_308 : memref<640xf32, #tpu.memory_space<vmem_shared>>) dst(%dma_wait3A_306 : memref<640xf32, #tpu.memory_space<vmem>>)
    %dma_wait3A_309 = arith.constant 9 : i32
    %dma_wait3A_310 = arith.constant 9 : i32
    %dma_wait3A_311 = arith.constant 0 : i32
    %dma_wait3A_312 = tpu.memref_slice %arg9[%dma_wait3A_310, %dma_wait3A_311] : memref<16x640xf32, #tpu.memory_space<vmem>> -> memref<1x640xf32, #tpu.memory_space<vmem>>
    %dma_wait3A_313 = tpu.memref_squeeze %dma_wait3A_312 : memref<1x640xf32, #tpu.memory_space<vmem>> -> memref<640xf32, #tpu.memory_space<vmem>>
    %dma_wait3A_314 = tpu.memref_slice %arg8[%dma_wait3A_309, %multiple_of3A] : memref<16x10240xf32, #tpu.memory_space<vmem_shared>> -> memref<1x640xf32, #tpu.memory_space<vmem_shared>>
    %dma_wait3A_315 = tpu.memref_squeeze %dma_wait3A_314 : memref<1x640xf32, #tpu.memory_space<vmem_shared>> -> memref<640xf32, #tpu.memory_space<vmem_shared>>
    %dma_wait3A_316 = arith.constant 0 : i32
    %dma_wait3A_317 = tpu.memref_slice %arg9[%dma_wait3A_310, %dma_wait3A_316] : memref<16x640xf32, #tpu.memory_space<vmem>> -> memref<1x640xf32, #tpu.memory_space<vmem>>
    %dma_wait3A_318 = tpu.memref_squeeze %dma_wait3A_317 : memref<1x640xf32, #tpu.memory_space<vmem>> -> memref<640xf32, #tpu.memory_space<vmem>>
    %dma_wait3A_319 = tpu.memref_slice %arg8[%dma_wait3A_309, %multiple_of3A] : memref<16x10240xf32, #tpu.memory_space<vmem_shared>> -> memref<1x640xf32, #tpu.memory_space<vmem_shared>>
    %dma_wait3A_320 = tpu.memref_squeeze %dma_wait3A_319 : memref<1x640xf32, #tpu.memory_space<vmem_shared>> -> memref<640xf32, #tpu.memory_space<vmem_shared>>
    tpu.wait_dma2 semaphore(%arg13 : memref<!tpu.dma_semaphore, #tpu.memory_space<semaphore_mem>>) src(%dma_wait3A_320 : memref<640xf32, #tpu.memory_space<vmem_shared>>) dst(%dma_wait3A_318 : memref<640xf32, #tpu.memory_space<vmem>>)
    %dma_wait3A_321 = arith.constant 10 : i32
    %dma_wait3A_322 = arith.constant 10 : i32
    %dma_wait3A_323 = arith.constant 0 : i32
    %dma_wait3A_324 = tpu.memref_slice %arg9[%dma_wait3A_322, %dma_wait3A_323] : memref<16x640xf32, #tpu.memory_space<vmem>> -> memref<1x640xf32, #tpu.memory_space<vmem>>
    %dma_wait3A_325 = tpu.memref_squeeze %dma_wait3A_324 : memref<1x640xf32, #tpu.memory_space<vmem>> -> memref<640xf32, #tpu.memory_space<vmem>>
    %dma_wait3A_326 = tpu.memref_slice %arg8[%dma_wait3A_321, %multiple_of3A] : memref<16x10240xf32, #tpu.memory_space<vmem_shared>> -> memref<1x640xf32, #tpu.memory_space<vmem_shared>>
    %dma_wait3A_327 = tpu.memref_squeeze %dma_wait3A_326 : memref<1x640xf32, #tpu.memory_space<vmem_shared>> -> memref<640xf32, #tpu.memory_space<vmem_shared>>
    %dma_wait3A_328 = arith.constant 0 : i32
    %dma_wait3A_329 = tpu.memref_slice %arg9[%dma_wait3A_322, %dma_wait3A_328] : memref<16x640xf32, #tpu.memory_space<vmem>> -> memref<1x640xf32, #tpu.memory_space<vmem>>
    %dma_wait3A_330 = tpu.memref_squeeze %dma_wait3A_329 : memref<1x640xf32, #tpu.memory_space<vmem>> -> memref<640xf32, #tpu.memory_space<vmem>>
    %dma_wait3A_331 = tpu.memref_slice %arg8[%dma_wait3A_321, %multiple_of3A] : memref<16x10240xf32, #tpu.memory_space<vmem_shared>> -> memref<1x640xf32, #tpu.memory_space<vmem_shared>>
    %dma_wait3A_332 = tpu.memref_squeeze %dma_wait3A_331 : memref<1x640xf32, #tpu.memory_space<vmem_shared>> -> memref<640xf32, #tpu.memory_space<vmem_shared>>
    tpu.wait_dma2 semaphore(%arg13 : memref<!tpu.dma_semaphore, #tpu.memory_space<semaphore_mem>>) src(%dma_wait3A_332 : memref<640xf32, #tpu.memory_space<vmem_shared>>) dst(%dma_wait3A_330 : memref<640xf32, #tpu.memory_space<vmem>>)
    %dma_wait3A_333 = arith.constant 11 : i32
    %dma_wait3A_334 = arith.constant 11 : i32
    %dma_wait3A_335 = arith.constant 0 : i32
    %dma_wait3A_336 = tpu.memref_slice %arg9[%dma_wait3A_334, %dma_wait3A_335] : memref<16x640xf32, #tpu.memory_space<vmem>> -> memref<1x640xf32, #tpu.memory_space<vmem>>
    %dma_wait3A_337 = tpu.memref_squeeze %dma_wait3A_336 : memref<1x640xf32, #tpu.memory_space<vmem>> -> memref<640xf32, #tpu.memory_space<vmem>>
    %dma_wait3A_338 = tpu.memref_slice %arg8[%dma_wait3A_333, %multiple_of3A] : memref<16x10240xf32, #tpu.memory_space<vmem_shared>> -> memref<1x640xf32, #tpu.memory_space<vmem_shared>>
    %dma_wait3A_339 = tpu.memref_squeeze %dma_wait3A_338 : memref<1x640xf32, #tpu.memory_space<vmem_shared>> -> memref<640xf32, #tpu.memory_space<vmem_shared>>
    %dma_wait3A_340 = arith.constant 0 : i32
    %dma_wait3A_341 = tpu.memref_slice %arg9[%dma_wait3A_334, %dma_wait3A_340] : memref<16x640xf32, #tpu.memory_space<vmem>> -> memref<1x640xf32, #tpu.memory_space<vmem>>
    %dma_wait3A_342 = tpu.memref_squeeze %dma_wait3A_341 : memref<1x640xf32, #tpu.memory_space<vmem>> -> memref<640xf32, #tpu.memory_space<vmem>>
    %dma_wait3A_343 = tpu.memref_slice %arg8[%dma_wait3A_333, %multiple_of3A] : memref<16x10240xf32, #tpu.memory_space<vmem_shared>> -> memref<1x640xf32, #tpu.memory_space<vmem_shared>>
    %dma_wait3A_344 = tpu.memref_squeeze %dma_wait3A_343 : memref<1x640xf32, #tpu.memory_space<vmem_shared>> -> memref<640xf32, #tpu.memory_space<vmem_shared>>
    tpu.wait_dma2 semaphore(%arg13 : memref<!tpu.dma_semaphore, #tpu.memory_space<semaphore_mem>>) src(%dma_wait3A_344 : memref<640xf32, #tpu.memory_space<vmem_shared>>) dst(%dma_wait3A_342 : memref<640xf32, #tpu.memory_space<vmem>>)
    %dma_wait3A_345 = arith.constant 12 : i32
    %dma_wait3A_346 = arith.constant 12 : i32
    %dma_wait3A_347 = arith.constant 0 : i32
    %dma_wait3A_348 = tpu.memref_slice %arg9[%dma_wait3A_346, %dma_wait3A_347] : memref<16x640xf32, #tpu.memory_space<vmem>> -> memref<1x640xf32, #tpu.memory_space<vmem>>
    %dma_wait3A_349 = tpu.memref_squeeze %dma_wait3A_348 : memref<1x640xf32, #tpu.memory_space<vmem>> -> memref<640xf32, #tpu.memory_space<vmem>>
    %dma_wait3A_350 = tpu.memref_slice %arg8[%dma_wait3A_345, %multiple_of3A] : memref<16x10240xf32, #tpu.memory_space<vmem_shared>> -> memref<1x640xf32, #tpu.memory_space<vmem_shared>>
    %dma_wait3A_351 = tpu.memref_squeeze %dma_wait3A_350 : memref<1x640xf32, #tpu.memory_space<vmem_shared>> -> memref<640xf32, #tpu.memory_space<vmem_shared>>
    %dma_wait3A_352 = arith.constant 0 : i32
    %dma_wait3A_353 = tpu.memref_slice %arg9[%dma_wait3A_346, %dma_wait3A_352] : memref<16x640xf32, #tpu.memory_space<vmem>> -> memref<1x640xf32, #tpu.memory_space<vmem>>
    %dma_wait3A_354 = tpu.memref_squeeze %dma_wait3A_353 : memref<1x640xf32, #tpu.memory_space<vmem>> -> memref<640xf32, #tpu.memory_space<vmem>>
    %dma_wait3A_355 = tpu.memref_slice %arg8[%dma_wait3A_345, %multiple_of3A] : memref<16x10240xf32, #tpu.memory_space<vmem_shared>> -> memref<1x640xf32, #tpu.memory_space<vmem_shared>>
    %dma_wait3A_356 = tpu.memref_squeeze %dma_wait3A_355 : memref<1x640xf32, #tpu.memory_space<vmem_shared>> -> memref<640xf32, #tpu.memory_space<vmem_shared>>
    tpu.wait_dma2 semaphore(%arg13 : memref<!tpu.dma_semaphore, #tpu.memory_space<semaphore_mem>>) src(%dma_wait3A_356 : memref<640xf32, #tpu.memory_space<vmem_shared>>) dst(%dma_wait3A_354 : memref<640xf32, #tpu.memory_space<vmem>>)
    %dma_wait3A_357 = arith.constant 13 : i32
    %dma_wait3A_358 = arith.constant 13 : i32
    %dma_wait3A_359 = arith.constant 0 : i32
    %dma_wait3A_360 = tpu.memref_slice %arg9[%dma_wait3A_358, %dma_wait3A_359] : memref<16x640xf32, #tpu.memory_space<vmem>> -> memref<1x640xf32, #tpu.memory_space<vmem>>
    %dma_wait3A_361 = tpu.memref_squeeze %dma_wait3A_360 : memref<1x640xf32, #tpu.memory_space<vmem>> -> memref<640xf32, #tpu.memory_space<vmem>>
    %dma_wait3A_362 = tpu.memref_slice %arg8[%dma_wait3A_357, %multiple_of3A] : memref<16x10240xf32, #tpu.memory_space<vmem_shared>> -> memref<1x640xf32, #tpu.memory_space<vmem_shared>>
    %dma_wait3A_363 = tpu.memref_squeeze %dma_wait3A_362 : memref<1x640xf32, #tpu.memory_space<vmem_shared>> -> memref<640xf32, #tpu.memory_space<vmem_shared>>
    %dma_wait3A_364 = arith.constant 0 : i32
    %dma_wait3A_365 = tpu.memref_slice %arg9[%dma_wait3A_358, %dma_wait3A_364] : memref<16x640xf32, #tpu.memory_space<vmem>> -> memref<1x640xf32, #tpu.memory_space<vmem>>
    %dma_wait3A_366 = tpu.memref_squeeze %dma_wait3A_365 : memref<1x640xf32, #tpu.memory_space<vmem>> -> memref<640xf32, #tpu.memory_space<vmem>>
    %dma_wait3A_367 = tpu.memref_slice %arg8[%dma_wait3A_357, %multiple_of3A] : memref<16x10240xf32, #tpu.memory_space<vmem_shared>> -> memref<1x640xf32, #tpu.memory_space<vmem_shared>>
    %dma_wait3A_368 = tpu.memref_squeeze %dma_wait3A_367 : memref<1x640xf32, #tpu.memory_space<vmem_shared>> -> memref<640xf32, #tpu.memory_space<vmem_shared>>
    tpu.wait_dma2 semaphore(%arg13 : memref<!tpu.dma_semaphore, #tpu.memory_space<semaphore_mem>>) src(%dma_wait3A_368 : memref<640xf32, #tpu.memory_space<vmem_shared>>) dst(%dma_wait3A_366 : memref<640xf32, #tpu.memory_space<vmem>>)
    %dma_wait3A_369 = arith.constant 14 : i32
    %dma_wait3A_370 = arith.constant 14 : i32
    %dma_wait3A_371 = arith.constant 0 : i32
    %dma_wait3A_372 = tpu.memref_slice %arg9[%dma_wait3A_370, %dma_wait3A_371] : memref<16x640xf32, #tpu.memory_space<vmem>> -> memref<1x640xf32, #tpu.memory_space<vmem>>
    %dma_wait3A_373 = tpu.memref_squeeze %dma_wait3A_372 : memref<1x640xf32, #tpu.memory_space<vmem>> -> memref<640xf32, #tpu.memory_space<vmem>>
    %dma_wait3A_374 = tpu.memref_slice %arg8[%dma_wait3A_369, %multiple_of3A] : memref<16x10240xf32, #tpu.memory_space<vmem_shared>> -> memref<1x640xf32, #tpu.memory_space<vmem_shared>>
    %dma_wait3A_375 = tpu.memref_squeeze %dma_wait3A_374 : memref<1x640xf32, #tpu.memory_space<vmem_shared>> -> memref<640xf32, #tpu.memory_space<vmem_shared>>
    %dma_wait3A_376 = arith.constant 0 : i32
    %dma_wait3A_377 = tpu.memref_slice %arg9[%dma_wait3A_370, %dma_wait3A_376] : memref<16x640xf32, #tpu.memory_space<vmem>> -> memref<1x640xf32, #tpu.memory_space<vmem>>
    %dma_wait3A_378 = tpu.memref_squeeze %dma_wait3A_377 : memref<1x640xf32, #tpu.memory_space<vmem>> -> memref<640xf32, #tpu.memory_space<vmem>>
    %dma_wait3A_379 = tpu.memref_slice %arg8[%dma_wait3A_369, %multiple_of3A] : memref<16x10240xf32, #tpu.memory_space<vmem_shared>> -> memref<1x640xf32, #tpu.memory_space<vmem_shared>>
    %dma_wait3A_380 = tpu.memref_squeeze %dma_wait3A_379 : memref<1x640xf32, #tpu.memory_space<vmem_shared>> -> memref<640xf32, #tpu.memory_space<vmem_shared>>
    tpu.wait_dma2 semaphore(%arg13 : memref<!tpu.dma_semaphore, #tpu.memory_space<semaphore_mem>>) src(%dma_wait3A_380 : memref<640xf32, #tpu.memory_space<vmem_shared>>) dst(%dma_wait3A_378 : memref<640xf32, #tpu.memory_space<vmem>>)
    %dma_wait3A_381 = arith.constant 15 : i32
    %dma_wait3A_382 = arith.constant 15 : i32
    %dma_wait3A_383 = arith.constant 0 : i32
    %dma_wait3A_384 = tpu.memref_slice %arg9[%dma_wait3A_382, %dma_wait3A_383] : memref<16x640xf32, #tpu.memory_space<vmem>> -> memref<1x640xf32, #tpu.memory_space<vmem>>
    %dma_wait3A_385 = tpu.memref_squeeze %dma_wait3A_384 : memref<1x640xf32, #tpu.memory_space<vmem>> -> memref<640xf32, #tpu.memory_space<vmem>>
    %dma_wait3A_386 = tpu.memref_slice %arg8[%dma_wait3A_381, %multiple_of3A] : memref<16x10240xf32, #tpu.memory_space<vmem_shared>> -> memref<1x640xf32, #tpu.memory_space<vmem_shared>>
    %dma_wait3A_387 = tpu.memref_squeeze %dma_wait3A_386 : memref<1x640xf32, #tpu.memory_space<vmem_shared>> -> memref<640xf32, #tpu.memory_space<vmem_shared>>
    %dma_wait3A_388 = arith.constant 0 : i32
    %dma_wait3A_389 = tpu.memref_slice %arg9[%dma_wait3A_382, %dma_wait3A_388] : memref<16x640xf32, #tpu.memory_space<vmem>> -> memref<1x640xf32, #tpu.memory_space<vmem>>
    %dma_wait3A_390 = tpu.memref_squeeze %dma_wait3A_389 : memref<1x640xf32, #tpu.memory_space<vmem>> -> memref<640xf32, #tpu.memory_space<vmem>>
    %dma_wait3A_391 = tpu.memref_slice %arg8[%dma_wait3A_381, %multiple_of3A] : memref<16x10240xf32, #tpu.memory_space<vmem_shared>> -> memref<1x640xf32, #tpu.memory_space<vmem_shared>>
    %dma_wait3A_392 = tpu.memref_squeeze %dma_wait3A_391 : memref<1x640xf32, #tpu.memory_space<vmem_shared>> -> memref<640xf32, #tpu.memory_space<vmem_shared>>
    tpu.wait_dma2 semaphore(%arg13 : memref<!tpu.dma_semaphore, #tpu.memory_space<semaphore_mem>>) src(%dma_wait3A_392 : memref<640xf32, #tpu.memory_space<vmem_shared>>) dst(%dma_wait3A_390 : memref<640xf32, #tpu.memory_space<vmem>>)
    %scan3A_393 = arith.constant 0 : i32
    %scan3A_394 = arith.constant 40 : i32
    %scan3A_395 = arith.addi %scan3A_393, %scan3A_394 : i32
    %scan3A_396 = arith.constant 1 : i32
    scf.for %scan3A_420 = %scan3A_393 to %scan3A_395 step %scan3A_396  : i32 {
      %mul3A_421 = arith.constant 16 : i32
      %mul3A_422 = arith.muli %scan3A_420, %mul3A_421 : i32
      %add3A_423 = arith.constant 0 : i32
      %add3A_424 = arith.addi %add3A_423, %mul3A_422 : i32
      %get3A = arith.constant 0 : i32
      %get3A_425 = arith.index_cast %get3A : i32 to index
      %get3A_426 = arith.index_cast %add3A_424 : i32 to index
      %get3A_427 = tpu.vector_load %arg9[%get3A_425, %get3A_426] {strides = array<i32>} : memref<16x640xf32, #tpu.memory_space<vmem>>, vector<16xf32>,
      %add3A_428 = arith.constant 1.000000e+00 : f32
      %add3A_429 = vector.broadcast %add3A_428 : f32 to vector<16xf32>
      %add3A_430 = arith.addf %get3A_427, %add3A_429 : vector<16xf32>
      %get3A_431 = arith.constant 1 : i32
      %get3A_432 = arith.index_cast %get3A_431 : i32 to index
      %get3A_433 = arith.index_cast %add3A_424 : i32 to index
      %get3A_434 = tpu.vector_load %arg9[%get3A_432, %get3A_433] {strides = array<i32>} : memref<16x640xf32, #tpu.memory_space<vmem>>, vector<16xf32>,
      %add3A_435 = arith.addf %add3A_430, %get3A_434 : vector<16xf32>
      %get3A_436 = arith.constant 2 : i32
      %get3A_437 = arith.index_cast %get3A_436 : i32 to index
      %get3A_438 = arith.index_cast %add3A_424 : i32 to index
      %get3A_439 = tpu.vector_load %arg9[%get3A_437, %get3A_438] {strides = array<i32>} : memref<16x640xf32, #tpu.memory_space<vmem>>, vector<16xf32>,
      %add3A_440 = arith.addf %add3A_435, %get3A_439 : vector<16xf32>
      %get3A_441 = arith.constant 3 : i32
      %get3A_442 = arith.index_cast %get3A_441 : i32 to index
      %get3A_443 = arith.index_cast %add3A_424 : i32 to index
      %get3A_444 = tpu.vector_load %arg9[%get3A_442, %get3A_443] {strides = array<i32>} : memref<16x640xf32, #tpu.memory_space<vmem>>, vector<16xf32>,
      %add3A_445 = arith.addf %add3A_440, %get3A_444 : vector<16xf32>
      %get3A_446 = arith.constant 4 : i32
      %get3A_447 = arith.index_cast %get3A_446 : i32 to index
      %get3A_448 = arith.index_cast %add3A_424 : i32 to index
      %get3A_449 = tpu.vector_load %arg9[%get3A_447, %get3A_448] {strides = array<i32>} : memref<16x640xf32, #tpu.memory_space<vmem>>, vector<16xf32>,
      %add3A_450 = arith.addf %add3A_445, %get3A_449 : vector<16xf32>
      %get3A_451 = arith.constant 5 : i32
      %get3A_452 = arith.index_cast %get3A_451 : i32 to index
      %get3A_453 = arith.index_cast %add3A_424 : i32 to index
      %get3A_454 = tpu.vector_load %arg9[%get3A_452, %get3A_453] {strides = array<i32>} : memref<16x640xf32, #tpu.memory_space<vmem>>, vector<16xf32>,
      %add3A_455 = arith.addf %add3A_450, %get3A_454 : vector<16xf32>
      %get3A_456 = arith.constant 6 : i32
      %get3A_457 = arith.index_cast %get3A_456 : i32 to index
      %get3A_458 = arith.index_cast %add3A_424 : i32 to index
      %get3A_459 = tpu.vector_load %arg9[%get3A_457, %get3A_458] {strides = array<i32>} : memref<16x640xf32, #tpu.memory_space<vmem>>, vector<16xf32>,
      %add3A_460 = arith.addf %add3A_455, %get3A_459 : vector<16xf32>
      %get3A_461 = arith.constant 7 : i32
      %get3A_462 = arith.index_cast %get3A_461 : i32 to index
      %get3A_463 = arith.index_cast %add3A_424 : i32 to index
      %get3A_464 = tpu.vector_load %arg9[%get3A_462, %get3A_463] {strides = array<i32>} : memref<16x640xf32, #tpu.memory_space<vmem>>, vector<16xf32>,
      %add3A_465 = arith.addf %add3A_460, %get3A_464 : vector<16xf32>
      %get3A_466 = arith.constant 8 : i32
      %get3A_467 = arith.index_cast %get3A_466 : i32 to index
      %get3A_468 = arith.index_cast %add3A_424 : i32 to index
      %get3A_469 = tpu.vector_load %arg9[%get3A_467, %get3A_468] {strides = array<i32>} : memref<16x640xf32, #tpu.memory_space<vmem>>, vector<16xf32>,
      %add3A_470 = arith.addf %add3A_465, %get3A_469 : vector<16xf32>
      %get3A_471 = arith.constant 9 : i32
      %get3A_472 = arith.index_cast %get3A_471 : i32 to index
      %get3A_473 = arith.index_cast %add3A_424 : i32 to index
      %get3A_474 = tpu.vector_load %arg9[%get3A_472, %get3A_473] {strides = array<i32>} : memref<16x640xf32, #tpu.memory_space<vmem>>, vector<16xf32>,
      %add3A_475 = arith.addf %add3A_470, %get3A_474 : vector<16xf32>
      %get3A_476 = arith.constant 10 : i32
      %get3A_477 = arith.index_cast %get3A_476 : i32 to index
      %get3A_478 = arith.index_cast %add3A_424 : i32 to index
      %get3A_479 = tpu.vector_load %arg9[%get3A_477, %get3A_478] {strides = array<i32>} : memref<16x640xf32, #tpu.memory_space<vmem>>, vector<16xf32>,
      %add3A_480 = arith.addf %add3A_475, %get3A_479 : vector<16xf32>
      %get3A_481 = arith.constant 11 : i32
      %get3A_482 = arith.index_cast %get3A_481 : i32 to index
      %get3A_483 = arith.index_cast %add3A_424 : i32 to index
      %get3A_484 = tpu.vector_load %arg9[%get3A_482, %get3A_483] {strides = array<i32>} : memref<16x640xf32, #tpu.memory_space<vmem>>, vector<16xf32>,
      %add3A_485 = arith.addf %add3A_480, %get3A_484 : vector<16xf32>
      %get3A_486 = arith.constant 12 : i32
      %get3A_487 = arith.index_cast %get3A_486 : i32 to index
      %get3A_488 = arith.index_cast %add3A_424 : i32 to index
      %get3A_489 = tpu.vector_load %arg9[%get3A_487, %get3A_488] {strides = array<i32>} : memref<16x640xf32, #tpu.memory_space<vmem>>, vector<16xf32>,
      %add3A_490 = arith.addf %add3A_485, %get3A_489 : vector<16xf32>
      %get3A_491 = arith.constant 13 : i32
      %get3A_492 = arith.index_cast %get3A_491 : i32 to index
      %get3A_493 = arith.index_cast %add3A_424 : i32 to index
      %get3A_494 = tpu.vector_load %arg9[%get3A_492, %get3A_493] {strides = array<i32>} : memref<16x640xf32, #tpu.memory_space<vmem>>, vector<16xf32>,
      %add3A_495 = arith.addf %add3A_490, %get3A_494 : vector<16xf32>
      %get3A_496 = arith.constant 14 : i32
      %get3A_497 = arith.index_cast %get3A_496 : i32 to index
      %get3A_498 = arith.index_cast %add3A_424 : i32 to index
      %get3A_499 = tpu.vector_load %arg9[%get3A_497, %get3A_498] {strides = array<i32>} : memref<16x640xf32, #tpu.memory_space<vmem>>, vector<16xf32>,
      %add3A_500 = arith.addf %add3A_495, %get3A_499 : vector<16xf32>
      %get3A_501 = arith.constant 15 : i32
      %get3A_502 = arith.index_cast %get3A_501 : i32 to index
      %get3A_503 = arith.index_cast %add3A_424 : i32 to index
      %get3A_504 = tpu.vector_load %arg9[%get3A_502, %get3A_503] {strides = array<i32>} : memref<16x640xf32, #tpu.memory_space<vmem>>, vector<16xf32>,
      %add3A_505 = arith.addf %add3A_500, %get3A_504 : vector<16xf32>
      %bitcast3A = vector.bitcast %add3A_505 : vector<16xf32> to vector<16xi32>
      %shift_right_arithmetic3A = arith.constant 1 : i32
      %shift_right_arithmetic3A_506 = vector.broadcast %shift_right_arithmetic3A : i32 to vector<16xi32>
      %shift_right_arithmetic3A_507 = arith.shrsi %bitcast3A, %shift_right_arithmetic3A_506 : vector<16xi32>
      %sub3A = arith.constant 1597463007 : i32
      %sub3A_508 = vector.broadcast %sub3A : i32 to vector<16xi32>
      %sub3A_509 = arith.subi %sub3A_508, %shift_right_arithmetic3A_507 : vector<16xi32>
      %bitcast3A_510 = vector.bitcast %sub3A_509 : vector<16xi32> to vector<16xf32>
      %mul3A_511 = arith.constant 5.000000e-01 : f32
      %mul3A_512 = vector.broadcast %mul3A_511 : f32 to vector<16xf32>
      %mul3A_513 = arith.mulf %mul3A_512, %add3A_505 : vector<16xf32>
      %mul3A_514 = arith.mulf %mul3A_513, %bitcast3A_510 : vector<16xf32>
      %mul3A_515 = arith.mulf %mul3A_514, %bitcast3A_510 : vector<16xf32>
      %sub3A_516 = arith.constant 1.500000e+00 : f32
      %sub3A_517 = vector.broadcast %sub3A_516 : f32 to vector<16xf32>
      %sub3A_518 = arith.subf %sub3A_517, %mul3A_515 : vector<16xf32>
      %mul3A_519 = arith.mulf %bitcast3A_510, %sub3A_518 : vector<16xf32>
      %mul3A_520 = arith.constant 5.000000e-01 : f32
      %mul3A_521 = vector.broadcast %mul3A_520 : f32 to vector<16xf32>
      %mul3A_522 = arith.mulf %mul3A_521, %add3A_505 : vector<16xf32>
      %mul3A_523 = arith.mulf %mul3A_522, %mul3A_519 : vector<16xf32>
      %mul3A_524 = arith.mulf %mul3A_523, %mul3A_519 : vector<16xf32>
      %sub3A_525 = arith.constant 1.500000e+00 : f32
      %sub3A_526 = vector.broadcast %sub3A_525 : f32 to vector<16xf32>
      %sub3A_527 = arith.subf %sub3A_526, %mul3A_524 : vector<16xf32>
      %mul3A_528 = arith.mulf %mul3A_519, %sub3A_527 : vector<16xf32>
      %mul3A_529 = arith.constant 5.000000e-01 : f32
      %mul3A_530 = vector.broadcast %mul3A_529 : f32 to vector<16xf32>
      %mul3A_531 = arith.mulf %mul3A_530, %add3A_505 : vector<16xf32>
      %mul3A_532 = arith.mulf %mul3A_531, %mul3A_528 : vector<16xf32>
      %mul3A_533 = arith.mulf %mul3A_532, %mul3A_528 : vector<16xf32>
      %sub3A_534 = arith.constant 1.500000e+00 : f32
      %sub3A_535 = vector.broadcast %sub3A_534 : f32 to vector<16xf32>
      %sub3A_536 = arith.subf %sub3A_535, %mul3A_533 : vector<16xf32>
      %mul3A_537 = arith.mulf %mul3A_528, %sub3A_536 : vector<16xf32>
      %swap3A = arith.index_cast %add3A_424 : i32 to index
      %swap3A_538 = tpu.vector_load %arg10[%swap3A] {strides = array<i32>} : memref<640xf32, #tpu.memory_space<vmem>>, vector<16xf32>,
      tpu.vector_store %arg10[%swap3A], %mul3A_537 {strides = array<i32>} : memref<640xf32, #tpu.memory_space<vmem>>, vector<16xf32>,
    }
    %scan3A_397 = arith.constant 40 : i32
    %eq3A = arith.constant 0 : i32
    %eq3A_398 = arith.cmpi eq, %arg0, %eq3A : i32
    %convert_element_type3A = arith.extui %eq3A_398 : i1 to i32
    %cond3A = arith.constant 0 : i32
    %cond3A_399 = arith.cmpi ne, %convert_element_type3A, %cond3A : i32
    scf.if %cond3A_399 {
      "tpu.region"() ({
        %run_scoped3A = tpu.sem_alloc : memref<!tpu.dma_semaphore, #tpu.memory_space<semaphore_mem>>
        %dma_start3A_420 = tpu.memref_slice %arg4[%multiple_of3A] : memref<10240xf32, #tpu.memory_space<hbm>> -> memref<640xf32, #tpu.memory_space<hbm>>
        %dma_start3A_421 = tpu.memref_slice %arg4[%multiple_of3A] : memref<10240xf32, #tpu.memory_space<hbm>> -> memref<640xf32, #tpu.memory_space<hbm>>
        tpu.enqueue_dma source(%arg10 : memref<640xf32, #tpu.memory_space<vmem>>) target(%dma_start3A_421 : memref<640xf32, #tpu.memory_space<hbm>>) target_semaphore(%run_scoped3A : memref<!tpu.dma_semaphore, #tpu.memory_space<semaphore_mem>>)
        %dma_wait3A_422 = tpu.memref_slice %arg4[%multiple_of3A] : memref<10240xf32, #tpu.memory_space<hbm>> -> memref<640xf32, #tpu.memory_space<hbm>>
        %dma_wait3A_423 = tpu.memref_slice %arg4[%multiple_of3A] : memref<10240xf32, #tpu.memory_space<hbm>> -> memref<640xf32, #tpu.memory_space<hbm>>
        tpu.wait_dma2 semaphore(%run_scoped3A : memref<!tpu.dma_semaphore, #tpu.memory_space<semaphore_mem>>) src(%arg10 : memref<640xf32, #tpu.memory_space<vmem>>) dst(%dma_wait3A_423 : memref<640xf32, #tpu.memory_space<hbm>>)
        tpu.yield
      }) : () -> ()
    } else {
    }
    %mul3A_400 = arith.constant 2 : i32
    %mul3A_401 = arith.muli %mul3A_400, %arg0 : i32
    %mul3A_402 = arith.constant 2 : i32
    %mul3A_403 = arith.muli %mul3A_402, %arg0 : i32
    %add3A = arith.constant 1 : i32
    %add3A_404 = arith.addi %mul3A_403, %add3A : i32
    %mul3A_405 = arith.constant 32 : i32
    %mul3A_406 = arith.muli %mul3A_401, %mul3A_405 : i32
    "tpu.region"() ({
      %run_scoped3A = tpu.sem_alloc : memref<!tpu.dma_semaphore, #tpu.memory_space<semaphore_mem>>
      %dma_start3A_420 = tpu.memref_slice %arg2[%multiple_of3A, %mul3A_406] : memref<10240x128xf32, #tpu.memory_space<hbm>> -> memref<640x32xf32, #tpu.memory_space<hbm>>
      %dma_start3A_421 = tpu.memref_slice %arg2[%multiple_of3A, %mul3A_406] : memref<10240x128xf32, #tpu.memory_space<hbm>> -> memref<640x32xf32, #tpu.memory_space<hbm>>
      tpu.enqueue_dma source(%dma_start3A_421 : memref<640x32xf32, #tpu.memory_space<hbm>>) target(%arg11 : memref<640x32xf32, #tpu.memory_space<vmem>>) target_semaphore(%run_scoped3A : memref<!tpu.dma_semaphore, #tpu.memory_space<semaphore_mem>>)
      %dma_wait3A_422 = tpu.memref_slice %arg2[%multiple_of3A, %mul3A_406] : memref<10240x128xf32, #tpu.memory_space<hbm>> -> memref<640x32xf32, #tpu.memory_space<hbm>>
      %dma_wait3A_423 = tpu.memref_slice %arg2[%multiple_of3A, %mul3A_406] : memref<10240x128xf32, #tpu.memory_space<hbm>> -> memref<640x32xf32, #tpu.memory_space<hbm>>
      tpu.wait_dma2 semaphore(%run_scoped3A : memref<!tpu.dma_semaphore, #tpu.memory_space<semaphore_mem>>) src(%dma_wait3A_423 : memref<640x32xf32, #tpu.memory_space<hbm>>) dst(%arg11 : memref<640x32xf32, #tpu.memory_space<vmem>>)
      tpu.yield
    }) : () -> ()
    %mul3A_407 = arith.constant 32 : i32
    %mul3A_408 = arith.muli %add3A_404, %mul3A_407 : i32
    "tpu.region"() ({
      %run_scoped3A = tpu.sem_alloc : memref<!tpu.dma_semaphore, #tpu.memory_space<semaphore_mem>>
      %dma_start3A_420 = tpu.memref_slice %arg2[%multiple_of3A, %mul3A_408] : memref<10240x128xf32, #tpu.memory_space<hbm>> -> memref<640x32xf32, #tpu.memory_space<hbm>>
      %dma_start3A_421 = tpu.memref_slice %arg2[%multiple_of3A, %mul3A_408] : memref<10240x128xf32, #tpu.memory_space<hbm>> -> memref<640x32xf32, #tpu.memory_space<hbm>>
      tpu.enqueue_dma source(%dma_start3A_421 : memref<640x32xf32, #tpu.memory_space<hbm>>) target(%arg12 : memref<640x32xf32, #tpu.memory_space<vmem>>) target_semaphore(%run_scoped3A : memref<!tpu.dma_semaphore, #tpu.memory_space<semaphore_mem>>)
      %dma_wait3A_422 = tpu.memref_slice %arg2[%multiple_of3A, %mul3A_408] : memref<10240x128xf32, #tpu.memory_space<hbm>> -> memref<640x32xf32, #tpu.memory_space<hbm>>
      %dma_wait3A_423 = tpu.memref_slice %arg2[%multiple_of3A, %mul3A_408] : memref<10240x128xf32, #tpu.memory_space<hbm>> -> memref<640x32xf32, #tpu.memory_space<hbm>>
      tpu.wait_dma2 semaphore(%run_scoped3A : memref<!tpu.dma_semaphore, #tpu.memory_space<semaphore_mem>>) src(%dma_wait3A_423 : memref<640x32xf32, #tpu.memory_space<hbm>>) dst(%arg12 : memref<640x32xf32, #tpu.memory_space<vmem>>)
      tpu.yield
    }) : () -> ()
    %scan3A_409 = arith.constant 0 : i32
    %scan3A_410 = arith.constant 640 : i32
    %scan3A_411 = arith.addi %scan3A_409, %scan3A_410 : i32
    %scan3A_412 = arith.constant 1 : i32
    scf.for %scan3A_420 = %scan3A_409 to %scan3A_411 step %scan3A_412  : i32 {
      %mul3A_421 = arith.constant 1 : i32
      %mul3A_422 = arith.muli %scan3A_420, %mul3A_421 : i32
      %add3A_423 = arith.constant 0 : i32
      %add3A_424 = arith.addi %add3A_423, %mul3A_422 : i32
      %broadcast_in_dim3A_425 = arith.constant 0 : i32
      %broadcast_in_dim3A_426 = vector.broadcast %broadcast_in_dim3A_425 : i32 to vector<16xi32>
      %add3A_427 = vector.broadcast %add3A_424 : i32 to vector<16xi32>
      %add3A_428 = arith.addi %broadcast_in_dim3A_426, %add3A_427 : vector<16xi32>
      %gather3A = tpu.vector_load_idx %arg10[%add3A_428] : memref<640xf32, #tpu.memory_space<vmem>>[vector<16xi32>], vector<16xf32>,
      %get3A = arith.index_cast %add3A_424 : i32 to index
      %get3A_429 = arith.constant 0 : index
      %get3A_430 = tpu.vector_load %arg11[%get3A, %get3A_429] {strides = array<i32>} : memref<640x32xf32, #tpu.memory_space<vmem>>, vector<16xf32>,
      %mul3A_431 = arith.mulf %get3A_430, %gather3A : vector<16xf32>
      %swap3A = arith.index_cast %add3A_424 : i32 to index
      %swap3A_432 = arith.constant 0 : index
      %swap3A_433 = tpu.vector_load %arg11[%swap3A, %swap3A_432] {strides = array<i32>} : memref<640x32xf32, #tpu.memory_space<vmem>>, vector<16xf32>,
      tpu.vector_store %arg11[%swap3A, %swap3A_432], %mul3A_431 {strides = array<i32>} : memref<640x32xf32, #tpu.memory_space<vmem>>, vector<16xf32>,
      %get3A_434 = arith.index_cast %add3A_424 : i32 to index
      %get3A_435 = arith.constant 16 : index
      %get3A_436 = tpu.vector_load %arg11[%get3A_434, %get3A_435] {strides = array<i32>} : memref<640x32xf32, #tpu.memory_space<vmem>>, vector<16xf32>,
      %mul3A_437 = arith.mulf %get3A_436, %gather3A : vector<16xf32>
      %swap3A_438 = arith.index_cast %add3A_424 : i32 to index
      %swap3A_439 = arith.constant 16 : index
      %swap3A_440 = tpu.vector_load %arg11[%swap3A_438, %swap3A_439] {strides = array<i32>} : memref<640x32xf32, #tpu.memory_space<vmem>>, vector<16xf32>,
      tpu.vector_store %arg11[%swap3A_438, %swap3A_439], %mul3A_437 {strides = array<i32>} : memref<640x32xf32, #tpu.memory_space<vmem>>, vector<16xf32>,
      %get3A_441 = arith.index_cast %add3A_424 : i32 to index
      %get3A_442 = arith.constant 0 : index
      %get3A_443 = tpu.vector_load %arg12[%get3A_441, %get3A_442] {strides = array<i32>} : memref<640x32xf32, #tpu.memory_space<vmem>>, vector<16xf32>,
      %mul3A_444 = arith.mulf %get3A_443, %gather3A : vector<16xf32>
      %swap3A_445 = arith.index_cast %add3A_424 : i32 to index
      %swap3A_446 = arith.constant 0 : index
      %swap3A_447 = tpu.vector_load %arg12[%swap3A_445, %swap3A_446] {strides = array<i32>} : memref<640x32xf32, #tpu.memory_space<vmem>>, vector<16xf32>,
      tpu.vector_store %arg12[%swap3A_445, %swap3A_446], %mul3A_444 {strides = array<i32>} : memref<640x32xf32, #tpu.memory_space<vmem>>, vector<16xf32>,
      %get3A_448 = arith.index_cast %add3A_424 : i32 to index
      %get3A_449 = arith.constant 16 : index
      %get3A_450 = tpu.vector_load %arg12[%get3A_448, %get3A_449] {strides = array<i32>} : memref<640x32xf32, #tpu.memory_space<vmem>>, vector<16xf32>,
      %mul3A_451 = arith.mulf %get3A_450, %gather3A : vector<16xf32>
      %swap3A_452 = arith.index_cast %add3A_424 : i32 to index
      %swap3A_453 = arith.constant 16 : index
      %swap3A_454 = tpu.vector_load %arg12[%swap3A_452, %swap3A_453] {strides = array<i32>} : memref<640x32xf32, #tpu.memory_space<vmem>>, vector<16xf32>,
      tpu.vector_store %arg12[%swap3A_452, %swap3A_453], %mul3A_451 {strides = array<i32>} : memref<640x32xf32, #tpu.memory_space<vmem>>, vector<16xf32>,
    }
    %scan3A_413 = arith.constant 640 : i32
    %mul3A_414 = arith.constant 2 : i32
    %mul3A_415 = arith.muli %mul3A_414, %arg0 : i32
    %mul3A_416 = arith.constant 2 : i32
    %mul3A_417 = arith.muli %mul3A_416, %arg0 : i32
    %add3A_418 = arith.constant 1 : i32
    %add3A_419 = arith.addi %mul3A_417, %add3A_418 : i32
    "tpu.region"() ({
      %run_scoped3A = tpu.sem_alloc : memref<!tpu.dma_semaphore, #tpu.memory_space<semaphore_mem>>
      %dma_start3A_420 = arith.constant 0 : i32
      %dma_start3A_421 = tpu.memref_slice %arg5[%mul3A_415, %multiple_of3A, %dma_start3A_420] : memref<4x10240x32xf32, #tpu.memory_space<hbm>> -> memref<1x640x32xf32, #tpu.memory_space<hbm>>
      %dma_start3A_422 = tpu.memref_squeeze %dma_start3A_421 : memref<1x640x32xf32, #tpu.memory_space<hbm>> -> memref<640x32xf32, #tpu.memory_space<hbm>>
      %dma_start3A_423 = arith.constant 0 : i32
      %dma_start3A_424 = tpu.memref_slice %arg5[%mul3A_415, %multiple_of3A, %dma_start3A_423] : memref<4x10240x32xf32, #tpu.memory_space<hbm>> -> memref<1x640x32xf32, #tpu.memory_space<hbm>>
      %dma_start3A_425 = tpu.memref_squeeze %dma_start3A_424 : memref<1x640x32xf32, #tpu.memory_space<hbm>> -> memref<640x32xf32, #tpu.memory_space<hbm>>
      tpu.enqueue_dma source(%arg11 : memref<640x32xf32, #tpu.memory_space<vmem>>) target(%dma_start3A_425 : memref<640x32xf32, #tpu.memory_space<hbm>>) target_semaphore(%run_scoped3A : memref<!tpu.dma_semaphore, #tpu.memory_space<semaphore_mem>>)
      %dma_wait3A_426 = arith.constant 0 : i32
      %dma_wait3A_427 = tpu.memref_slice %arg5[%mul3A_415, %multiple_of3A, %dma_wait3A_426] : memref<4x10240x32xf32, #tpu.memory_space<hbm>> -> memref<1x640x32xf32, #tpu.memory_space<hbm>>
      %dma_wait3A_428 = tpu.memref_squeeze %dma_wait3A_427 : memref<1x640x32xf32, #tpu.memory_space<hbm>> -> memref<640x32xf32, #tpu.memory_space<hbm>>
      %dma_wait3A_429 = arith.constant 0 : i32
      %dma_wait3A_430 = tpu.memref_slice %arg5[%mul3A_415, %multiple_of3A, %dma_wait3A_429] : memref<4x10240x32xf32, #tpu.memory_space<hbm>> -> memref<1x640x32xf32, #tpu.memory_space<hbm>>
      %dma_wait3A_431 = tpu.memref_squeeze %dma_wait3A_430 : memref<1x640x32xf32, #tpu.memory_space<hbm>> -> memref<640x32xf32, #tpu.memory_space<hbm>>
      tpu.wait_dma2 semaphore(%run_scoped3A : memref<!tpu.dma_semaphore, #tpu.memory_space<semaphore_mem>>) src(%arg11 : memref<640x32xf32, #tpu.memory_space<vmem>>) dst(%dma_wait3A_431 : memref<640x32xf32, #tpu.memory_space<hbm>>)
      tpu.yield
    }) : () -> ()
    "tpu.region"() ({
      %run_scoped3A = tpu.sem_alloc : memref<!tpu.dma_semaphore, #tpu.memory_space<semaphore_mem>>
      %dma_start3A_420 = arith.constant 0 : i32
      %dma_start3A_421 = tpu.memref_slice %arg5[%add3A_419, %multiple_of3A, %dma_start3A_420] : memref<4x10240x32xf32, #tpu.memory_space<hbm>> -> memref<1x640x32xf32, #tpu.memory_space<hbm>>
      %dma_start3A_422 = tpu.memref_squeeze %dma_start3A_421 : memref<1x640x32xf32, #tpu.memory_space<hbm>> -> memref<640x32xf32, #tpu.memory_space<hbm>>
      %dma_start3A_423 = arith.constant 0 : i32
      %dma_start3A_424 = tpu.memref_slice %arg5[%add3A_419, %multiple_of3A, %dma_start3A_423] : memref<4x10240x32xf32, #tpu.memory_space<hbm>> -> memref<1x640x32xf32, #tpu.memory_space<hbm>>
      %dma_start3A_425 = tpu.memref_squeeze %dma_start3A_424 : memref<1x640x32xf32, #tpu.memory_space<hbm>> -> memref<640x32xf32, #tpu.memory_space<hbm>>
      tpu.enqueue_dma source(%arg12 : memref<640x32xf32, #tpu.memory_space<vmem>>) target(%dma_start3A_425 : memref<640x32xf32, #tpu.memory_space<hbm>>) target_semaphore(%run_scoped3A : memref<!tpu.dma_semaphore, #tpu.memory_space<semaphore_mem>>)
      %dma_wait3A_426 = arith.constant 0 : i32
      %dma_wait3A_427 = tpu.memref_slice %arg5[%add3A_419, %multiple_of3A, %dma_wait3A_426] : memref<4x10240x32xf32, #tpu.memory_space<hbm>> -> memref<1x640x32xf32, #tpu.memory_space<hbm>>
      %dma_wait3A_428 = tpu.memref_squeeze %dma_wait3A_427 : memref<1x640x32xf32, #tpu.memory_space<hbm>> -> memref<640x32xf32, #tpu.memory_space<hbm>>
      %dma_wait3A_429 = arith.constant 0 : i32
      %dma_wait3A_430 = tpu.memref_slice %arg5[%add3A_419, %multiple_of3A, %dma_wait3A_429] : memref<4x10240x32xf32, #tpu.memory_space<hbm>> -> memref<1x640x32xf32, #tpu.memory_space<hbm>>
      %dma_wait3A_431 = tpu.memref_squeeze %dma_wait3A_430 : memref<1x640x32xf32, #tpu.memory_space<hbm>> -> memref<640x32xf32, #tpu.memory_space<hbm>>
      tpu.wait_dma2 semaphore(%run_scoped3A : memref<!tpu.dma_semaphore, #tpu.memory_space<semaphore_mem>>) src(%arg12 : memref<640x32xf32, #tpu.memory_space<vmem>>) dst(%dma_wait3A_431 : memref<640x32xf32, #tpu.memory_space<hbm>>)
      tpu.yield
    }) : () -> ()
    return
  }
}

#map = affine_map<(d0, d1) -> (0)>
#map1 = affine_map<(d0, d1) -> (0, 0, 0)>
module attributes {stable_mosaic.version = 14 : i64} {
  func.func @k(%arg0: i32, %arg1: i32, %arg2: memref<10240xf32, #tpu.memory_space<hbm>>, %arg3: memref<10240xf32, #tpu.memory_space<hbm>>, %arg4: memref<16xf32, #tpu.memory_space<hbm>>, %arg5: memref<16x160x128xi32, #tpu.memory_space<hbm>>, %arg6: memref<16x160x128xi32, #tpu.memory_space<hbm>>, %arg7: memref<10240xf32, #tpu.memory_space<hbm>>, %arg8: memref<160x128xi32, #tpu.memory_space<vmem>>, %arg9: memref<160x128xi32, #tpu.memory_space<vmem>>, %arg10: memref<10240xf32, #tpu.memory_space<vmem>>, %arg11: memref<10240xf32, #tpu.memory_space<vmem>>, %arg12: memref<16x10240xf32, #tpu.memory_space<vmem_shared>>, %arg13: memref<16x320xf32, #tpu.memory_space<vmem>>, %arg14: memref<320xf32, #tpu.memory_space<vmem>>, %arg15: memref<16xf32, #tpu.memory_space<vmem>>, %arg16: memref<!tpu.dma_semaphore, #tpu.memory_space<semaphore_mem>>) attributes {dimension_semantics = [#tpu.dimension_semantics<core_parallel>, #tpu.dimension_semantics<subcore_parallel>], iteration_bounds = array<i64: 2, 16>, scalar_prefetch = 0 : i64, scratch_operands = 9 : i64, tpu.core_type = #tpu.core_type<sc_vector_subcore>, window_params = [{transform_indices = #map}, {transform_indices = #map}, {transform_indices = #map}, {transform_indices = #map1}, {transform_indices = #map1}, {transform_indices = #map}]} {
    "tpu.region"() ({
      %run_scoped3A_405 = tpu.sem_alloc : memref<!tpu.dma_semaphore, #tpu.memory_space<semaphore_mem>>
      %dma_start3A_406 = arith.constant 0 : i32
      %dma_start3A_407 = arith.constant 0 : i32
      %dma_start3A_408 = tpu.memref_slice %arg5[%arg1, %dma_start3A_406, %dma_start3A_407] : memref<16x160x128xi32, #tpu.memory_space<hbm>> -> memref<1x160x128xi32, #tpu.memory_space<hbm>>
      %dma_start3A_409 = tpu.memref_squeeze %dma_start3A_408 : memref<1x160x128xi32, #tpu.memory_space<hbm>> -> memref<160x128xi32, #tpu.memory_space<hbm>>
      %dma_start3A_410 = arith.constant 0 : i32
      %dma_start3A_411 = arith.constant 0 : i32
      %dma_start3A_412 = tpu.memref_slice %arg5[%arg1, %dma_start3A_410, %dma_start3A_411] : memref<16x160x128xi32, #tpu.memory_space<hbm>> -> memref<1x160x128xi32, #tpu.memory_space<hbm>>
      %dma_start3A_413 = tpu.memref_squeeze %dma_start3A_412 : memref<1x160x128xi32, #tpu.memory_space<hbm>> -> memref<160x128xi32, #tpu.memory_space<hbm>>
      tpu.enqueue_dma source(%dma_start3A_413 : memref<160x128xi32, #tpu.memory_space<hbm>>) target(%arg8 : memref<160x128xi32, #tpu.memory_space<vmem>>) target_semaphore(%run_scoped3A_405 : memref<!tpu.dma_semaphore, #tpu.memory_space<semaphore_mem>>)
      %dma_wait3A_414 = arith.constant 0 : i32
      %dma_wait3A_415 = arith.constant 0 : i32
      %dma_wait3A_416 = tpu.memref_slice %arg5[%arg1, %dma_wait3A_414, %dma_wait3A_415] : memref<16x160x128xi32, #tpu.memory_space<hbm>> -> memref<1x160x128xi32, #tpu.memory_space<hbm>>
      %dma_wait3A_417 = tpu.memref_squeeze %dma_wait3A_416 : memref<1x160x128xi32, #tpu.memory_space<hbm>> -> memref<160x128xi32, #tpu.memory_space<hbm>>
      %dma_wait3A_418 = arith.constant 0 : i32
      %dma_wait3A_419 = arith.constant 0 : i32
      %dma_wait3A_420 = tpu.memref_slice %arg5[%arg1, %dma_wait3A_418, %dma_wait3A_419] : memref<16x160x128xi32, #tpu.memory_space<hbm>> -> memref<1x160x128xi32, #tpu.memory_space<hbm>>
      %dma_wait3A_421 = tpu.memref_squeeze %dma_wait3A_420 : memref<1x160x128xi32, #tpu.memory_space<hbm>> -> memref<160x128xi32, #tpu.memory_space<hbm>>
      tpu.wait_dma2 semaphore(%run_scoped3A_405 : memref<!tpu.dma_semaphore, #tpu.memory_space<semaphore_mem>>) src(%dma_wait3A_421 : memref<160x128xi32, #tpu.memory_space<hbm>>) dst(%arg8 : memref<160x128xi32, #tpu.memory_space<vmem>>)
      tpu.yield
    }) : () -> ()
    "tpu.region"() ({
      %run_scoped3A_405 = tpu.sem_alloc : memref<!tpu.dma_semaphore, #tpu.memory_space<semaphore_mem>>
      %dma_start3A_406 = arith.constant 0 : i32
      %dma_start3A_407 = arith.constant 0 : i32
      %dma_start3A_408 = tpu.memref_slice %arg6[%arg1, %dma_start3A_406, %dma_start3A_407] : memref<16x160x128xi32, #tpu.memory_space<hbm>> -> memref<1x160x128xi32, #tpu.memory_space<hbm>>
      %dma_start3A_409 = tpu.memref_squeeze %dma_start3A_408 : memref<1x160x128xi32, #tpu.memory_space<hbm>> -> memref<160x128xi32, #tpu.memory_space<hbm>>
      %dma_start3A_410 = arith.constant 0 : i32
      %dma_start3A_411 = arith.constant 0 : i32
      %dma_start3A_412 = tpu.memref_slice %arg6[%arg1, %dma_start3A_410, %dma_start3A_411] : memref<16x160x128xi32, #tpu.memory_space<hbm>> -> memref<1x160x128xi32, #tpu.memory_space<hbm>>
      %dma_start3A_413 = tpu.memref_squeeze %dma_start3A_412 : memref<1x160x128xi32, #tpu.memory_space<hbm>> -> memref<160x128xi32, #tpu.memory_space<hbm>>
      tpu.enqueue_dma source(%dma_start3A_413 : memref<160x128xi32, #tpu.memory_space<hbm>>) target(%arg9 : memref<160x128xi32, #tpu.memory_space<vmem>>) target_semaphore(%run_scoped3A_405 : memref<!tpu.dma_semaphore, #tpu.memory_space<semaphore_mem>>)
      %dma_wait3A_414 = arith.constant 0 : i32
      %dma_wait3A_415 = arith.constant 0 : i32
      %dma_wait3A_416 = tpu.memref_slice %arg6[%arg1, %dma_wait3A_414, %dma_wait3A_415] : memref<16x160x128xi32, #tpu.memory_space<hbm>> -> memref<1x160x128xi32, #tpu.memory_space<hbm>>
      %dma_wait3A_417 = tpu.memref_squeeze %dma_wait3A_416 : memref<1x160x128xi32, #tpu.memory_space<hbm>> -> memref<160x128xi32, #tpu.memory_space<hbm>>
      %dma_wait3A_418 = arith.constant 0 : i32
      %dma_wait3A_419 = arith.constant 0 : i32
      %dma_wait3A_420 = tpu.memref_slice %arg6[%arg1, %dma_wait3A_418, %dma_wait3A_419] : memref<16x160x128xi32, #tpu.memory_space<hbm>> -> memref<1x160x128xi32, #tpu.memory_space<hbm>>
      %dma_wait3A_421 = tpu.memref_squeeze %dma_wait3A_420 : memref<1x160x128xi32, #tpu.memory_space<hbm>> -> memref<160x128xi32, #tpu.memory_space<hbm>>
      tpu.wait_dma2 semaphore(%run_scoped3A_405 : memref<!tpu.dma_semaphore, #tpu.memory_space<semaphore_mem>>) src(%dma_wait3A_421 : memref<160x128xi32, #tpu.memory_space<hbm>>) dst(%arg9 : memref<160x128xi32, #tpu.memory_space<vmem>>)
      tpu.yield
    }) : () -> ()
    "tpu.region"() ({
      %run_scoped3A_405 = tpu.sem_alloc : memref<!tpu.dma_semaphore, #tpu.memory_space<semaphore_mem>>
      tpu.enqueue_dma source(%arg2 : memref<10240xf32, #tpu.memory_space<hbm>>) target(%arg10 : memref<10240xf32, #tpu.memory_space<vmem>>) target_semaphore(%run_scoped3A_405 : memref<!tpu.dma_semaphore, #tpu.memory_space<semaphore_mem>>)
      tpu.wait_dma2 semaphore(%run_scoped3A_405 : memref<!tpu.dma_semaphore, #tpu.memory_space<semaphore_mem>>) src(%arg2 : memref<10240xf32, #tpu.memory_space<hbm>>) dst(%arg10 : memref<10240xf32, #tpu.memory_space<vmem>>)
      tpu.yield
    }) : () -> ()
    "tpu.region"() ({
      %run_scoped3A_405 = tpu.sem_alloc : memref<!tpu.dma_semaphore, #tpu.memory_space<semaphore_mem>>
      tpu.enqueue_dma source(%arg4 : memref<16xf32, #tpu.memory_space<hbm>>) target(%arg15 : memref<16xf32, #tpu.memory_space<vmem>>) target_semaphore(%run_scoped3A_405 : memref<!tpu.dma_semaphore, #tpu.memory_space<semaphore_mem>>)
      tpu.wait_dma2 semaphore(%run_scoped3A_405 : memref<!tpu.dma_semaphore, #tpu.memory_space<semaphore_mem>>) src(%arg4 : memref<16xf32, #tpu.memory_space<hbm>>) dst(%arg15 : memref<16xf32, #tpu.memory_space<vmem>>)
      tpu.yield
    }) : () -> ()
    %scan3A = arith.constant 0 : i32
    %scan3A_0 = arith.constant 640 : i32
    %scan3A_1 = arith.addi %scan3A, %scan3A_0 : i32
    %scan3A_2 = arith.constant 1 : i32
    scf.for %scan3A_405 = %scan3A to %scan3A_1 step %scan3A_2  : i32 {
      %mul3A_406 = arith.constant 16 : i32
      %mul3A_407 = arith.muli %scan3A_405, %mul3A_406 : i32
      %add3A_408 = arith.constant 0 : i32
      %add3A_409 = arith.addi %add3A_408, %mul3A_407 : i32
      %broadcast_in_dim3A = arith.constant 0.000000e+00 : f32
      %broadcast_in_dim3A_410 = vector.broadcast %broadcast_in_dim3A : f32 to vector<16xf32>
      %swap3A = arith.index_cast %add3A_409 : i32 to index
      %swap3A_411 = tpu.vector_load %arg11[%swap3A] {strides = array<i32>} : memref<10240xf32, #tpu.memory_space<vmem>>, vector<16xf32>,
      tpu.vector_store %arg11[%swap3A], %broadcast_in_dim3A_410 {strides = array<i32>} : memref<10240xf32, #tpu.memory_space<vmem>>, vector<16xf32>,
    }
    %scan3A_3 = arith.constant 640 : i32
    %scan3A_4 = arith.constant 0 : i32
    %scan3A_5 = arith.constant 160 : i32
    %scan3A_6 = arith.addi %scan3A_4, %scan3A_5 : i32
    %scan3A_7 = arith.constant 1 : i32
    scf.for %scan3A_405 = %scan3A_4 to %scan3A_6 step %scan3A_7  : i32 {
      %mul3A_406 = arith.constant 1 : i32
      %mul3A_407 = arith.muli %scan3A_405, %mul3A_406 : i32
      %add3A_408 = arith.constant 0 : i32
      %add3A_409 = arith.addi %add3A_408, %mul3A_407 : i32
      %get3A_410 = arith.index_cast %add3A_409 : i32 to index
      %get3A_411 = arith.constant 0 : index
      %get3A_412 = tpu.vector_load %arg8[%get3A_410, %get3A_411] {strides = array<i32>} : memref<160x128xi32, #tpu.memory_space<vmem>>, vector<16xi32>,
      %get3A_413 = arith.index_cast %add3A_409 : i32 to index
      %get3A_414 = arith.constant 0 : index
      %get3A_415 = tpu.vector_load %arg9[%get3A_413, %get3A_414] {strides = array<i32>} : memref<160x128xi32, #tpu.memory_space<vmem>>, vector<16xi32>,
      %gather3A = tpu.vector_load_idx %arg10[%get3A_412] : memref<10240xf32, #tpu.memory_space<vmem>>[vector<16xi32>], vector<16xf32>,
      tpu.vector_store_idx %arg11[%get3A_415], %gather3A {add = true} : memref<10240xf32, #tpu.memory_space<vmem>>[vector<16xi32>], vector<16xf32>,
      %get3A_416 = arith.index_cast %add3A_409 : i32 to index
      %get3A_417 = arith.constant 16 : index
      %get3A_418 = tpu.vector_load %arg8[%get3A_416, %get3A_417] {strides = array<i32>} : memref<160x128xi32, #tpu.memory_space<vmem>>, vector<16xi32>,
      %get3A_419 = arith.index_cast %add3A_409 : i32 to index
      %get3A_420 = arith.constant 16 : index
      %get3A_421 = tpu.vector_load %arg9[%get3A_419, %get3A_420] {strides = array<i32>} : memref<160x128xi32, #tpu.memory_space<vmem>>, vector<16xi32>,
      %gather3A_422 = tpu.vector_load_idx %arg10[%get3A_418] : memref<10240xf32, #tpu.memory_space<vmem>>[vector<16xi32>], vector<16xf32>,
      tpu.vector_store_idx %arg11[%get3A_421], %gather3A_422 {add = true} : memref<10240xf32, #tpu.memory_space<vmem>>[vector<16xi32>], vector<16xf32>,
      %get3A_423 = arith.index_cast %add3A_409 : i32 to index
      %get3A_424 = arith.constant 32 : index
      %get3A_425 = tpu.vector_load %arg8[%get3A_423, %get3A_424] {strides = array<i32>} : memref<160x128xi32, #tpu.memory_space<vmem>>, vector<16xi32>,
      %get3A_426 = arith.index_cast %add3A_409 : i32 to index
      %get3A_427 = arith.constant 32 : index
      %get3A_428 = tpu.vector_load %arg9[%get3A_426, %get3A_427] {strides = array<i32>} : memref<160x128xi32, #tpu.memory_space<vmem>>, vector<16xi32>,
      %gather3A_429 = tpu.vector_load_idx %arg10[%get3A_425] : memref<10240xf32, #tpu.memory_space<vmem>>[vector<16xi32>], vector<16xf32>,
      tpu.vector_store_idx %arg11[%get3A_428], %gather3A_429 {add = true} : memref<10240xf32, #tpu.memory_space<vmem>>[vector<16xi32>], vector<16xf32>,
      %get3A_430 = arith.index_cast %add3A_409 : i32 to index
      %get3A_431 = arith.constant 48 : index
      %get3A_432 = tpu.vector_load %arg8[%get3A_430, %get3A_431] {strides = array<i32>} : memref<160x128xi32, #tpu.memory_space<vmem>>, vector<16xi32>,
      %get3A_433 = arith.index_cast %add3A_409 : i32 to index
      %get3A_434 = arith.constant 48 : index
      %get3A_435 = tpu.vector_load %arg9[%get3A_433, %get3A_434] {strides = array<i32>} : memref<160x128xi32, #tpu.memory_space<vmem>>, vector<16xi32>,
      %gather3A_436 = tpu.vector_load_idx %arg10[%get3A_432] : memref<10240xf32, #tpu.memory_space<vmem>>[vector<16xi32>], vector<16xf32>,
      tpu.vector_store_idx %arg11[%get3A_435], %gather3A_436 {add = true} : memref<10240xf32, #tpu.memory_space<vmem>>[vector<16xi32>], vector<16xf32>,
      %get3A_437 = arith.index_cast %add3A_409 : i32 to index
      %get3A_438 = arith.constant 64 : index
      %get3A_439 = tpu.vector_load %arg8[%get3A_437, %get3A_438] {strides = array<i32>} : memref<160x128xi32, #tpu.memory_space<vmem>>, vector<16xi32>,
      %get3A_440 = arith.index_cast %add3A_409 : i32 to index
      %get3A_441 = arith.constant 64 : index
      %get3A_442 = tpu.vector_load %arg9[%get3A_440, %get3A_441] {strides = array<i32>} : memref<160x128xi32, #tpu.memory_space<vmem>>, vector<16xi32>,
      %gather3A_443 = tpu.vector_load_idx %arg10[%get3A_439] : memref<10240xf32, #tpu.memory_space<vmem>>[vector<16xi32>], vector<16xf32>,
      tpu.vector_store_idx %arg11[%get3A_442], %gather3A_443 {add = true} : memref<10240xf32, #tpu.memory_space<vmem>>[vector<16xi32>], vector<16xf32>,
      %get3A_444 = arith.index_cast %add3A_409 : i32 to index
      %get3A_445 = arith.constant 80 : index
      %get3A_446 = tpu.vector_load %arg8[%get3A_444, %get3A_445] {strides = array<i32>} : memref<160x128xi32, #tpu.memory_space<vmem>>, vector<16xi32>,
      %get3A_447 = arith.index_cast %add3A_409 : i32 to index
      %get3A_448 = arith.constant 80 : index
      %get3A_449 = tpu.vector_load %arg9[%get3A_447, %get3A_448] {strides = array<i32>} : memref<160x128xi32, #tpu.memory_space<vmem>>, vector<16xi32>,
      %gather3A_450 = tpu.vector_load_idx %arg10[%get3A_446] : memref<10240xf32, #tpu.memory_space<vmem>>[vector<16xi32>], vector<16xf32>,
      tpu.vector_store_idx %arg11[%get3A_449], %gather3A_450 {add = true} : memref<10240xf32, #tpu.memory_space<vmem>>[vector<16xi32>], vector<16xf32>,
      %get3A_451 = arith.index_cast %add3A_409 : i32 to index
      %get3A_452 = arith.constant 96 : index
      %get3A_453 = tpu.vector_load %arg8[%get3A_451, %get3A_452] {strides = array<i32>} : memref<160x128xi32, #tpu.memory_space<vmem>>, vector<16xi32>,
      %get3A_454 = arith.index_cast %add3A_409 : i32 to index
      %get3A_455 = arith.constant 96 : index
      %get3A_456 = tpu.vector_load %arg9[%get3A_454, %get3A_455] {strides = array<i32>} : memref<160x128xi32, #tpu.memory_space<vmem>>, vector<16xi32>,
      %gather3A_457 = tpu.vector_load_idx %arg10[%get3A_453] : memref<10240xf32, #tpu.memory_space<vmem>>[vector<16xi32>], vector<16xf32>,
      tpu.vector_store_idx %arg11[%get3A_456], %gather3A_457 {add = true} : memref<10240xf32, #tpu.memory_space<vmem>>[vector<16xi32>], vector<16xf32>,
      %get3A_458 = arith.index_cast %add3A_409 : i32 to index
      %get3A_459 = arith.constant 112 : index
      %get3A_460 = tpu.vector_load %arg8[%get3A_458, %get3A_459] {strides = array<i32>} : memref<160x128xi32, #tpu.memory_space<vmem>>, vector<16xi32>,
      %get3A_461 = arith.index_cast %add3A_409 : i32 to index
      %get3A_462 = arith.constant 112 : index
      %get3A_463 = tpu.vector_load %arg9[%get3A_461, %get3A_462] {strides = array<i32>} : memref<160x128xi32, #tpu.memory_space<vmem>>, vector<16xi32>,
      %gather3A_464 = tpu.vector_load_idx %arg10[%get3A_460] : memref<10240xf32, #tpu.memory_space<vmem>>[vector<16xi32>], vector<16xf32>,
      tpu.vector_store_idx %arg11[%get3A_463], %gather3A_464 {add = true} : memref<10240xf32, #tpu.memory_space<vmem>>[vector<16xi32>], vector<16xf32>,
    }
    %scan3A_8 = arith.constant 160 : i32
    %mul3A = arith.constant 5120 : i32
    %mul3A_9 = arith.muli %arg0, %mul3A : i32
    %mul3A_10 = arith.constant 320 : i32
    %mul3A_11 = arith.muli %arg1, %mul3A_10 : i32
    %add3A = arith.addi %mul3A_9, %mul3A_11 : i32
    %multiple_of3A = tpu.assume_multiple %add3A, 8 : i32
    "tpu.region"() ({
      %run_scoped3A_405 = tpu.sem_alloc : memref<!tpu.dma_semaphore, #tpu.memory_space<semaphore_mem>>
      %dma_start3A_406 = arith.constant 0 : i32
      %dma_start3A_407 = tpu.memref_slice %arg12[%arg1, %dma_start3A_406] : memref<16x10240xf32, #tpu.memory_space<vmem_shared>> -> memref<1x10240xf32, #tpu.memory_space<vmem_shared>>
      %dma_start3A_408 = tpu.memref_squeeze %dma_start3A_407 : memref<1x10240xf32, #tpu.memory_space<vmem_shared>> -> memref<10240xf32, #tpu.memory_space<vmem_shared>>
      %dma_start3A_409 = arith.constant 0 : i32
      %dma_start3A_410 = tpu.memref_slice %arg12[%arg1, %dma_start3A_409] : memref<16x10240xf32, #tpu.memory_space<vmem_shared>> -> memref<1x10240xf32, #tpu.memory_space<vmem_shared>>
      %dma_start3A_411 = tpu.memref_squeeze %dma_start3A_410 : memref<1x10240xf32, #tpu.memory_space<vmem_shared>> -> memref<10240xf32, #tpu.memory_space<vmem_shared>>
      tpu.enqueue_dma source(%arg11 : memref<10240xf32, #tpu.memory_space<vmem>>) target(%dma_start3A_411 : memref<10240xf32, #tpu.memory_space<vmem_shared>>) target_semaphore(%run_scoped3A_405 : memref<!tpu.dma_semaphore, #tpu.memory_space<semaphore_mem>>)
      %dma_wait3A_412 = arith.constant 0 : i32
      %dma_wait3A_413 = tpu.memref_slice %arg12[%arg1, %dma_wait3A_412] : memref<16x10240xf32, #tpu.memory_space<vmem_shared>> -> memref<1x10240xf32, #tpu.memory_space<vmem_shared>>
      %dma_wait3A_414 = tpu.memref_squeeze %dma_wait3A_413 : memref<1x10240xf32, #tpu.memory_space<vmem_shared>> -> memref<10240xf32, #tpu.memory_space<vmem_shared>>
      %dma_wait3A_415 = arith.constant 0 : i32
      %dma_wait3A_416 = tpu.memref_slice %arg12[%arg1, %dma_wait3A_415] : memref<16x10240xf32, #tpu.memory_space<vmem_shared>> -> memref<1x10240xf32, #tpu.memory_space<vmem_shared>>
      %dma_wait3A_417 = tpu.memref_squeeze %dma_wait3A_416 : memref<1x10240xf32, #tpu.memory_space<vmem_shared>> -> memref<10240xf32, #tpu.memory_space<vmem_shared>>
      tpu.wait_dma2 semaphore(%run_scoped3A_405 : memref<!tpu.dma_semaphore, #tpu.memory_space<semaphore_mem>>) src(%arg11 : memref<10240xf32, #tpu.memory_space<vmem>>) dst(%dma_wait3A_417 : memref<10240xf32, #tpu.memory_space<vmem_shared>>)
      tpu.yield
    }) : () -> ()
    %barrier3A = arith.constant 0 : index
    tpu.barrier barrier_id(%barrier3A)
    %dma_start3A = arith.constant 0 : i32
    %dma_start3A_12 = arith.constant 0 : i32
    %dma_start3A_13 = arith.constant 0 : i32
    %dma_start3A_14 = tpu.memref_slice %arg13[%dma_start3A_12, %dma_start3A_13] : memref<16x320xf32, #tpu.memory_space<vmem>> -> memref<1x320xf32, #tpu.memory_space<vmem>>
    %dma_start3A_15 = tpu.memref_squeeze %dma_start3A_14 : memref<1x320xf32, #tpu.memory_space<vmem>> -> memref<320xf32, #tpu.memory_space<vmem>>
    %dma_start3A_16 = tpu.memref_slice %arg12[%dma_start3A, %multiple_of3A] : memref<16x10240xf32, #tpu.memory_space<vmem_shared>> -> memref<1x320xf32, #tpu.memory_space<vmem_shared>>
    %dma_start3A_17 = tpu.memref_squeeze %dma_start3A_16 : memref<1x320xf32, #tpu.memory_space<vmem_shared>> -> memref<320xf32, #tpu.memory_space<vmem_shared>>
    %dma_start3A_18 = arith.constant 0 : i32
    %dma_start3A_19 = tpu.memref_slice %arg13[%dma_start3A_12, %dma_start3A_18] : memref<16x320xf32, #tpu.memory_space<vmem>> -> memref<1x320xf32, #tpu.memory_space<vmem>>
    %dma_start3A_20 = tpu.memref_squeeze %dma_start3A_19 : memref<1x320xf32, #tpu.memory_space<vmem>> -> memref<320xf32, #tpu.memory_space<vmem>>
    %dma_start3A_21 = tpu.memref_slice %arg12[%dma_start3A, %multiple_of3A] : memref<16x10240xf32, #tpu.memory_space<vmem_shared>> -> memref<1x320xf32, #tpu.memory_space<vmem_shared>>
    %dma_start3A_22 = tpu.memref_squeeze %dma_start3A_21 : memref<1x320xf32, #tpu.memory_space<vmem_shared>> -> memref<320xf32, #tpu.memory_space<vmem_shared>>
    tpu.enqueue_dma source(%dma_start3A_22 : memref<320xf32, #tpu.memory_space<vmem_shared>>) target(%dma_start3A_20 : memref<320xf32, #tpu.memory_space<vmem>>) target_semaphore(%arg16 : memref<!tpu.dma_semaphore, #tpu.memory_space<semaphore_mem>>)
    %dma_start3A_23 = arith.constant 1 : i32
    %dma_start3A_24 = arith.constant 1 : i32
    %dma_start3A_25 = arith.constant 0 : i32
    %dma_start3A_26 = tpu.memref_slice %arg13[%dma_start3A_24, %dma_start3A_25] : memref<16x320xf32, #tpu.memory_space<vmem>> -> memref<1x320xf32, #tpu.memory_space<vmem>>
    %dma_start3A_27 = tpu.memref_squeeze %dma_start3A_26 : memref<1x320xf32, #tpu.memory_space<vmem>> -> memref<320xf32, #tpu.memory_space<vmem>>
    %dma_start3A_28 = tpu.memref_slice %arg12[%dma_start3A_23, %multiple_of3A] : memref<16x10240xf32, #tpu.memory_space<vmem_shared>> -> memref<1x320xf32, #tpu.memory_space<vmem_shared>>
    %dma_start3A_29 = tpu.memref_squeeze %dma_start3A_28 : memref<1x320xf32, #tpu.memory_space<vmem_shared>> -> memref<320xf32, #tpu.memory_space<vmem_shared>>
    %dma_start3A_30 = arith.constant 0 : i32
    %dma_start3A_31 = tpu.memref_slice %arg13[%dma_start3A_24, %dma_start3A_30] : memref<16x320xf32, #tpu.memory_space<vmem>> -> memref<1x320xf32, #tpu.memory_space<vmem>>
    %dma_start3A_32 = tpu.memref_squeeze %dma_start3A_31 : memref<1x320xf32, #tpu.memory_space<vmem>> -> memref<320xf32, #tpu.memory_space<vmem>>
    %dma_start3A_33 = tpu.memref_slice %arg12[%dma_start3A_23, %multiple_of3A] : memref<16x10240xf32, #tpu.memory_space<vmem_shared>> -> memref<1x320xf32, #tpu.memory_space<vmem_shared>>
    %dma_start3A_34 = tpu.memref_squeeze %dma_start3A_33 : memref<1x320xf32, #tpu.memory_space<vmem_shared>> -> memref<320xf32, #tpu.memory_space<vmem_shared>>
    tpu.enqueue_dma source(%dma_start3A_34 : memref<320xf32, #tpu.memory_space<vmem_shared>>) target(%dma_start3A_32 : memref<320xf32, #tpu.memory_space<vmem>>) target_semaphore(%arg16 : memref<!tpu.dma_semaphore, #tpu.memory_space<semaphore_mem>>)
    %dma_start3A_35 = arith.constant 2 : i32
    %dma_start3A_36 = arith.constant 2 : i32
    %dma_start3A_37 = arith.constant 0 : i32
    %dma_start3A_38 = tpu.memref_slice %arg13[%dma_start3A_36, %dma_start3A_37] : memref<16x320xf32, #tpu.memory_space<vmem>> -> memref<1x320xf32, #tpu.memory_space<vmem>>
    %dma_start3A_39 = tpu.memref_squeeze %dma_start3A_38 : memref<1x320xf32, #tpu.memory_space<vmem>> -> memref<320xf32, #tpu.memory_space<vmem>>
    %dma_start3A_40 = tpu.memref_slice %arg12[%dma_start3A_35, %multiple_of3A] : memref<16x10240xf32, #tpu.memory_space<vmem_shared>> -> memref<1x320xf32, #tpu.memory_space<vmem_shared>>
    %dma_start3A_41 = tpu.memref_squeeze %dma_start3A_40 : memref<1x320xf32, #tpu.memory_space<vmem_shared>> -> memref<320xf32, #tpu.memory_space<vmem_shared>>
    %dma_start3A_42 = arith.constant 0 : i32
    %dma_start3A_43 = tpu.memref_slice %arg13[%dma_start3A_36, %dma_start3A_42] : memref<16x320xf32, #tpu.memory_space<vmem>> -> memref<1x320xf32, #tpu.memory_space<vmem>>
    %dma_start3A_44 = tpu.memref_squeeze %dma_start3A_43 : memref<1x320xf32, #tpu.memory_space<vmem>> -> memref<320xf32, #tpu.memory_space<vmem>>
    %dma_start3A_45 = tpu.memref_slice %arg12[%dma_start3A_35, %multiple_of3A] : memref<16x10240xf32, #tpu.memory_space<vmem_shared>> -> memref<1x320xf32, #tpu.memory_space<vmem_shared>>
    %dma_start3A_46 = tpu.memref_squeeze %dma_start3A_45 : memref<1x320xf32, #tpu.memory_space<vmem_shared>> -> memref<320xf32, #tpu.memory_space<vmem_shared>>
    tpu.enqueue_dma source(%dma_start3A_46 : memref<320xf32, #tpu.memory_space<vmem_shared>>) target(%dma_start3A_44 : memref<320xf32, #tpu.memory_space<vmem>>) target_semaphore(%arg16 : memref<!tpu.dma_semaphore, #tpu.memory_space<semaphore_mem>>)
    %dma_start3A_47 = arith.constant 3 : i32
    %dma_start3A_48 = arith.constant 3 : i32
    %dma_start3A_49 = arith.constant 0 : i32
    %dma_start3A_50 = tpu.memref_slice %arg13[%dma_start3A_48, %dma_start3A_49] : memref<16x320xf32, #tpu.memory_space<vmem>> -> memref<1x320xf32, #tpu.memory_space<vmem>>
    %dma_start3A_51 = tpu.memref_squeeze %dma_start3A_50 : memref<1x320xf32, #tpu.memory_space<vmem>> -> memref<320xf32, #tpu.memory_space<vmem>>
    %dma_start3A_52 = tpu.memref_slice %arg12[%dma_start3A_47, %multiple_of3A] : memref<16x10240xf32, #tpu.memory_space<vmem_shared>> -> memref<1x320xf32, #tpu.memory_space<vmem_shared>>
    %dma_start3A_53 = tpu.memref_squeeze %dma_start3A_52 : memref<1x320xf32, #tpu.memory_space<vmem_shared>> -> memref<320xf32, #tpu.memory_space<vmem_shared>>
    %dma_start3A_54 = arith.constant 0 : i32
    %dma_start3A_55 = tpu.memref_slice %arg13[%dma_start3A_48, %dma_start3A_54] : memref<16x320xf32, #tpu.memory_space<vmem>> -> memref<1x320xf32, #tpu.memory_space<vmem>>
    %dma_start3A_56 = tpu.memref_squeeze %dma_start3A_55 : memref<1x320xf32, #tpu.memory_space<vmem>> -> memref<320xf32, #tpu.memory_space<vmem>>
    %dma_start3A_57 = tpu.memref_slice %arg12[%dma_start3A_47, %multiple_of3A] : memref<16x10240xf32, #tpu.memory_space<vmem_shared>> -> memref<1x320xf32, #tpu.memory_space<vmem_shared>>
    %dma_start3A_58 = tpu.memref_squeeze %dma_start3A_57 : memref<1x320xf32, #tpu.memory_space<vmem_shared>> -> memref<320xf32, #tpu.memory_space<vmem_shared>>
    tpu.enqueue_dma source(%dma_start3A_58 : memref<320xf32, #tpu.memory_space<vmem_shared>>) target(%dma_start3A_56 : memref<320xf32, #tpu.memory_space<vmem>>) target_semaphore(%arg16 : memref<!tpu.dma_semaphore, #tpu.memory_space<semaphore_mem>>)
    %dma_start3A_59 = arith.constant 4 : i32
    %dma_start3A_60 = arith.constant 4 : i32
    %dma_start3A_61 = arith.constant 0 : i32
    %dma_start3A_62 = tpu.memref_slice %arg13[%dma_start3A_60, %dma_start3A_61] : memref<16x320xf32, #tpu.memory_space<vmem>> -> memref<1x320xf32, #tpu.memory_space<vmem>>
    %dma_start3A_63 = tpu.memref_squeeze %dma_start3A_62 : memref<1x320xf32, #tpu.memory_space<vmem>> -> memref<320xf32, #tpu.memory_space<vmem>>
    %dma_start3A_64 = tpu.memref_slice %arg12[%dma_start3A_59, %multiple_of3A] : memref<16x10240xf32, #tpu.memory_space<vmem_shared>> -> memref<1x320xf32, #tpu.memory_space<vmem_shared>>
    %dma_start3A_65 = tpu.memref_squeeze %dma_start3A_64 : memref<1x320xf32, #tpu.memory_space<vmem_shared>> -> memref<320xf32, #tpu.memory_space<vmem_shared>>
    %dma_start3A_66 = arith.constant 0 : i32
    %dma_start3A_67 = tpu.memref_slice %arg13[%dma_start3A_60, %dma_start3A_66] : memref<16x320xf32, #tpu.memory_space<vmem>> -> memref<1x320xf32, #tpu.memory_space<vmem>>
    %dma_start3A_68 = tpu.memref_squeeze %dma_start3A_67 : memref<1x320xf32, #tpu.memory_space<vmem>> -> memref<320xf32, #tpu.memory_space<vmem>>
    %dma_start3A_69 = tpu.memref_slice %arg12[%dma_start3A_59, %multiple_of3A] : memref<16x10240xf32, #tpu.memory_space<vmem_shared>> -> memref<1x320xf32, #tpu.memory_space<vmem_shared>>
    %dma_start3A_70 = tpu.memref_squeeze %dma_start3A_69 : memref<1x320xf32, #tpu.memory_space<vmem_shared>> -> memref<320xf32, #tpu.memory_space<vmem_shared>>
    tpu.enqueue_dma source(%dma_start3A_70 : memref<320xf32, #tpu.memory_space<vmem_shared>>) target(%dma_start3A_68 : memref<320xf32, #tpu.memory_space<vmem>>) target_semaphore(%arg16 : memref<!tpu.dma_semaphore, #tpu.memory_space<semaphore_mem>>)
    %dma_start3A_71 = arith.constant 5 : i32
    %dma_start3A_72 = arith.constant 5 : i32
    %dma_start3A_73 = arith.constant 0 : i32
    %dma_start3A_74 = tpu.memref_slice %arg13[%dma_start3A_72, %dma_start3A_73] : memref<16x320xf32, #tpu.memory_space<vmem>> -> memref<1x320xf32, #tpu.memory_space<vmem>>
    %dma_start3A_75 = tpu.memref_squeeze %dma_start3A_74 : memref<1x320xf32, #tpu.memory_space<vmem>> -> memref<320xf32, #tpu.memory_space<vmem>>
    %dma_start3A_76 = tpu.memref_slice %arg12[%dma_start3A_71, %multiple_of3A] : memref<16x10240xf32, #tpu.memory_space<vmem_shared>> -> memref<1x320xf32, #tpu.memory_space<vmem_shared>>
    %dma_start3A_77 = tpu.memref_squeeze %dma_start3A_76 : memref<1x320xf32, #tpu.memory_space<vmem_shared>> -> memref<320xf32, #tpu.memory_space<vmem_shared>>
    %dma_start3A_78 = arith.constant 0 : i32
    %dma_start3A_79 = tpu.memref_slice %arg13[%dma_start3A_72, %dma_start3A_78] : memref<16x320xf32, #tpu.memory_space<vmem>> -> memref<1x320xf32, #tpu.memory_space<vmem>>
    %dma_start3A_80 = tpu.memref_squeeze %dma_start3A_79 : memref<1x320xf32, #tpu.memory_space<vmem>> -> memref<320xf32, #tpu.memory_space<vmem>>
    %dma_start3A_81 = tpu.memref_slice %arg12[%dma_start3A_71, %multiple_of3A] : memref<16x10240xf32, #tpu.memory_space<vmem_shared>> -> memref<1x320xf32, #tpu.memory_space<vmem_shared>>
    %dma_start3A_82 = tpu.memref_squeeze %dma_start3A_81 : memref<1x320xf32, #tpu.memory_space<vmem_shared>> -> memref<320xf32, #tpu.memory_space<vmem_shared>>
    tpu.enqueue_dma source(%dma_start3A_82 : memref<320xf32, #tpu.memory_space<vmem_shared>>) target(%dma_start3A_80 : memref<320xf32, #tpu.memory_space<vmem>>) target_semaphore(%arg16 : memref<!tpu.dma_semaphore, #tpu.memory_space<semaphore_mem>>)
    %dma_start3A_83 = arith.constant 6 : i32
    %dma_start3A_84 = arith.constant 6 : i32
    %dma_start3A_85 = arith.constant 0 : i32
    %dma_start3A_86 = tpu.memref_slice %arg13[%dma_start3A_84, %dma_start3A_85] : memref<16x320xf32, #tpu.memory_space<vmem>> -> memref<1x320xf32, #tpu.memory_space<vmem>>
    %dma_start3A_87 = tpu.memref_squeeze %dma_start3A_86 : memref<1x320xf32, #tpu.memory_space<vmem>> -> memref<320xf32, #tpu.memory_space<vmem>>
    %dma_start3A_88 = tpu.memref_slice %arg12[%dma_start3A_83, %multiple_of3A] : memref<16x10240xf32, #tpu.memory_space<vmem_shared>> -> memref<1x320xf32, #tpu.memory_space<vmem_shared>>
    %dma_start3A_89 = tpu.memref_squeeze %dma_start3A_88 : memref<1x320xf32, #tpu.memory_space<vmem_shared>> -> memref<320xf32, #tpu.memory_space<vmem_shared>>
    %dma_start3A_90 = arith.constant 0 : i32
    %dma_start3A_91 = tpu.memref_slice %arg13[%dma_start3A_84, %dma_start3A_90] : memref<16x320xf32, #tpu.memory_space<vmem>> -> memref<1x320xf32, #tpu.memory_space<vmem>>
    %dma_start3A_92 = tpu.memref_squeeze %dma_start3A_91 : memref<1x320xf32, #tpu.memory_space<vmem>> -> memref<320xf32, #tpu.memory_space<vmem>>
    %dma_start3A_93 = tpu.memref_slice %arg12[%dma_start3A_83, %multiple_of3A] : memref<16x10240xf32, #tpu.memory_space<vmem_shared>> -> memref<1x320xf32, #tpu.memory_space<vmem_shared>>
    %dma_start3A_94 = tpu.memref_squeeze %dma_start3A_93 : memref<1x320xf32, #tpu.memory_space<vmem_shared>> -> memref<320xf32, #tpu.memory_space<vmem_shared>>
    tpu.enqueue_dma source(%dma_start3A_94 : memref<320xf32, #tpu.memory_space<vmem_shared>>) target(%dma_start3A_92 : memref<320xf32, #tpu.memory_space<vmem>>) target_semaphore(%arg16 : memref<!tpu.dma_semaphore, #tpu.memory_space<semaphore_mem>>)
    %dma_start3A_95 = arith.constant 7 : i32
    %dma_start3A_96 = arith.constant 7 : i32
    %dma_start3A_97 = arith.constant 0 : i32
    %dma_start3A_98 = tpu.memref_slice %arg13[%dma_start3A_96, %dma_start3A_97] : memref<16x320xf32, #tpu.memory_space<vmem>> -> memref<1x320xf32, #tpu.memory_space<vmem>>
    %dma_start3A_99 = tpu.memref_squeeze %dma_start3A_98 : memref<1x320xf32, #tpu.memory_space<vmem>> -> memref<320xf32, #tpu.memory_space<vmem>>
    %dma_start3A_100 = tpu.memref_slice %arg12[%dma_start3A_95, %multiple_of3A] : memref<16x10240xf32, #tpu.memory_space<vmem_shared>> -> memref<1x320xf32, #tpu.memory_space<vmem_shared>>
    %dma_start3A_101 = tpu.memref_squeeze %dma_start3A_100 : memref<1x320xf32, #tpu.memory_space<vmem_shared>> -> memref<320xf32, #tpu.memory_space<vmem_shared>>
    %dma_start3A_102 = arith.constant 0 : i32
    %dma_start3A_103 = tpu.memref_slice %arg13[%dma_start3A_96, %dma_start3A_102] : memref<16x320xf32, #tpu.memory_space<vmem>> -> memref<1x320xf32, #tpu.memory_space<vmem>>
    %dma_start3A_104 = tpu.memref_squeeze %dma_start3A_103 : memref<1x320xf32, #tpu.memory_space<vmem>> -> memref<320xf32, #tpu.memory_space<vmem>>
    %dma_start3A_105 = tpu.memref_slice %arg12[%dma_start3A_95, %multiple_of3A] : memref<16x10240xf32, #tpu.memory_space<vmem_shared>> -> memref<1x320xf32, #tpu.memory_space<vmem_shared>>
    %dma_start3A_106 = tpu.memref_squeeze %dma_start3A_105 : memref<1x320xf32, #tpu.memory_space<vmem_shared>> -> memref<320xf32, #tpu.memory_space<vmem_shared>>
    tpu.enqueue_dma source(%dma_start3A_106 : memref<320xf32, #tpu.memory_space<vmem_shared>>) target(%dma_start3A_104 : memref<320xf32, #tpu.memory_space<vmem>>) target_semaphore(%arg16 : memref<!tpu.dma_semaphore, #tpu.memory_space<semaphore_mem>>)
    %dma_start3A_107 = arith.constant 8 : i32
    %dma_start3A_108 = arith.constant 8 : i32
    %dma_start3A_109 = arith.constant 0 : i32
    %dma_start3A_110 = tpu.memref_slice %arg13[%dma_start3A_108, %dma_start3A_109] : memref<16x320xf32, #tpu.memory_space<vmem>> -> memref<1x320xf32, #tpu.memory_space<vmem>>
    %dma_start3A_111 = tpu.memref_squeeze %dma_start3A_110 : memref<1x320xf32, #tpu.memory_space<vmem>> -> memref<320xf32, #tpu.memory_space<vmem>>
    %dma_start3A_112 = tpu.memref_slice %arg12[%dma_start3A_107, %multiple_of3A] : memref<16x10240xf32, #tpu.memory_space<vmem_shared>> -> memref<1x320xf32, #tpu.memory_space<vmem_shared>>
    %dma_start3A_113 = tpu.memref_squeeze %dma_start3A_112 : memref<1x320xf32, #tpu.memory_space<vmem_shared>> -> memref<320xf32, #tpu.memory_space<vmem_shared>>
    %dma_start3A_114 = arith.constant 0 : i32
    %dma_start3A_115 = tpu.memref_slice %arg13[%dma_start3A_108, %dma_start3A_114] : memref<16x320xf32, #tpu.memory_space<vmem>> -> memref<1x320xf32, #tpu.memory_space<vmem>>
    %dma_start3A_116 = tpu.memref_squeeze %dma_start3A_115 : memref<1x320xf32, #tpu.memory_space<vmem>> -> memref<320xf32, #tpu.memory_space<vmem>>
    %dma_start3A_117 = tpu.memref_slice %arg12[%dma_start3A_107, %multiple_of3A] : memref<16x10240xf32, #tpu.memory_space<vmem_shared>> -> memref<1x320xf32, #tpu.memory_space<vmem_shared>>
    %dma_start3A_118 = tpu.memref_squeeze %dma_start3A_117 : memref<1x320xf32, #tpu.memory_space<vmem_shared>> -> memref<320xf32, #tpu.memory_space<vmem_shared>>
    tpu.enqueue_dma source(%dma_start3A_118 : memref<320xf32, #tpu.memory_space<vmem_shared>>) target(%dma_start3A_116 : memref<320xf32, #tpu.memory_space<vmem>>) target_semaphore(%arg16 : memref<!tpu.dma_semaphore, #tpu.memory_space<semaphore_mem>>)
    %dma_start3A_119 = arith.constant 9 : i32
    %dma_start3A_120 = arith.constant 9 : i32
    %dma_start3A_121 = arith.constant 0 : i32
    %dma_start3A_122 = tpu.memref_slice %arg13[%dma_start3A_120, %dma_start3A_121] : memref<16x320xf32, #tpu.memory_space<vmem>> -> memref<1x320xf32, #tpu.memory_space<vmem>>
    %dma_start3A_123 = tpu.memref_squeeze %dma_start3A_122 : memref<1x320xf32, #tpu.memory_space<vmem>> -> memref<320xf32, #tpu.memory_space<vmem>>
    %dma_start3A_124 = tpu.memref_slice %arg12[%dma_start3A_119, %multiple_of3A] : memref<16x10240xf32, #tpu.memory_space<vmem_shared>> -> memref<1x320xf32, #tpu.memory_space<vmem_shared>>
    %dma_start3A_125 = tpu.memref_squeeze %dma_start3A_124 : memref<1x320xf32, #tpu.memory_space<vmem_shared>> -> memref<320xf32, #tpu.memory_space<vmem_shared>>
    %dma_start3A_126 = arith.constant 0 : i32
    %dma_start3A_127 = tpu.memref_slice %arg13[%dma_start3A_120, %dma_start3A_126] : memref<16x320xf32, #tpu.memory_space<vmem>> -> memref<1x320xf32, #tpu.memory_space<vmem>>
    %dma_start3A_128 = tpu.memref_squeeze %dma_start3A_127 : memref<1x320xf32, #tpu.memory_space<vmem>> -> memref<320xf32, #tpu.memory_space<vmem>>
    %dma_start3A_129 = tpu.memref_slice %arg12[%dma_start3A_119, %multiple_of3A] : memref<16x10240xf32, #tpu.memory_space<vmem_shared>> -> memref<1x320xf32, #tpu.memory_space<vmem_shared>>
    %dma_start3A_130 = tpu.memref_squeeze %dma_start3A_129 : memref<1x320xf32, #tpu.memory_space<vmem_shared>> -> memref<320xf32, #tpu.memory_space<vmem_shared>>
    tpu.enqueue_dma source(%dma_start3A_130 : memref<320xf32, #tpu.memory_space<vmem_shared>>) target(%dma_start3A_128 : memref<320xf32, #tpu.memory_space<vmem>>) target_semaphore(%arg16 : memref<!tpu.dma_semaphore, #tpu.memory_space<semaphore_mem>>)
    %dma_start3A_131 = arith.constant 10 : i32
    %dma_start3A_132 = arith.constant 10 : i32
    %dma_start3A_133 = arith.constant 0 : i32
    %dma_start3A_134 = tpu.memref_slice %arg13[%dma_start3A_132, %dma_start3A_133] : memref<16x320xf32, #tpu.memory_space<vmem>> -> memref<1x320xf32, #tpu.memory_space<vmem>>
    %dma_start3A_135 = tpu.memref_squeeze %dma_start3A_134 : memref<1x320xf32, #tpu.memory_space<vmem>> -> memref<320xf32, #tpu.memory_space<vmem>>
    %dma_start3A_136 = tpu.memref_slice %arg12[%dma_start3A_131, %multiple_of3A] : memref<16x10240xf32, #tpu.memory_space<vmem_shared>> -> memref<1x320xf32, #tpu.memory_space<vmem_shared>>
    %dma_start3A_137 = tpu.memref_squeeze %dma_start3A_136 : memref<1x320xf32, #tpu.memory_space<vmem_shared>> -> memref<320xf32, #tpu.memory_space<vmem_shared>>
    %dma_start3A_138 = arith.constant 0 : i32
    %dma_start3A_139 = tpu.memref_slice %arg13[%dma_start3A_132, %dma_start3A_138] : memref<16x320xf32, #tpu.memory_space<vmem>> -> memref<1x320xf32, #tpu.memory_space<vmem>>
    %dma_start3A_140 = tpu.memref_squeeze %dma_start3A_139 : memref<1x320xf32, #tpu.memory_space<vmem>> -> memref<320xf32, #tpu.memory_space<vmem>>
    %dma_start3A_141 = tpu.memref_slice %arg12[%dma_start3A_131, %multiple_of3A] : memref<16x10240xf32, #tpu.memory_space<vmem_shared>> -> memref<1x320xf32, #tpu.memory_space<vmem_shared>>
    %dma_start3A_142 = tpu.memref_squeeze %dma_start3A_141 : memref<1x320xf32, #tpu.memory_space<vmem_shared>> -> memref<320xf32, #tpu.memory_space<vmem_shared>>
    tpu.enqueue_dma source(%dma_start3A_142 : memref<320xf32, #tpu.memory_space<vmem_shared>>) target(%dma_start3A_140 : memref<320xf32, #tpu.memory_space<vmem>>) target_semaphore(%arg16 : memref<!tpu.dma_semaphore, #tpu.memory_space<semaphore_mem>>)
    %dma_start3A_143 = arith.constant 11 : i32
    %dma_start3A_144 = arith.constant 11 : i32
    %dma_start3A_145 = arith.constant 0 : i32
    %dma_start3A_146 = tpu.memref_slice %arg13[%dma_start3A_144, %dma_start3A_145] : memref<16x320xf32, #tpu.memory_space<vmem>> -> memref<1x320xf32, #tpu.memory_space<vmem>>
    %dma_start3A_147 = tpu.memref_squeeze %dma_start3A_146 : memref<1x320xf32, #tpu.memory_space<vmem>> -> memref<320xf32, #tpu.memory_space<vmem>>
    %dma_start3A_148 = tpu.memref_slice %arg12[%dma_start3A_143, %multiple_of3A] : memref<16x10240xf32, #tpu.memory_space<vmem_shared>> -> memref<1x320xf32, #tpu.memory_space<vmem_shared>>
    %dma_start3A_149 = tpu.memref_squeeze %dma_start3A_148 : memref<1x320xf32, #tpu.memory_space<vmem_shared>> -> memref<320xf32, #tpu.memory_space<vmem_shared>>
    %dma_start3A_150 = arith.constant 0 : i32
    %dma_start3A_151 = tpu.memref_slice %arg13[%dma_start3A_144, %dma_start3A_150] : memref<16x320xf32, #tpu.memory_space<vmem>> -> memref<1x320xf32, #tpu.memory_space<vmem>>
    %dma_start3A_152 = tpu.memref_squeeze %dma_start3A_151 : memref<1x320xf32, #tpu.memory_space<vmem>> -> memref<320xf32, #tpu.memory_space<vmem>>
    %dma_start3A_153 = tpu.memref_slice %arg12[%dma_start3A_143, %multiple_of3A] : memref<16x10240xf32, #tpu.memory_space<vmem_shared>> -> memref<1x320xf32, #tpu.memory_space<vmem_shared>>
    %dma_start3A_154 = tpu.memref_squeeze %dma_start3A_153 : memref<1x320xf32, #tpu.memory_space<vmem_shared>> -> memref<320xf32, #tpu.memory_space<vmem_shared>>
    tpu.enqueue_dma source(%dma_start3A_154 : memref<320xf32, #tpu.memory_space<vmem_shared>>) target(%dma_start3A_152 : memref<320xf32, #tpu.memory_space<vmem>>) target_semaphore(%arg16 : memref<!tpu.dma_semaphore, #tpu.memory_space<semaphore_mem>>)
    %dma_start3A_155 = arith.constant 12 : i32
    %dma_start3A_156 = arith.constant 12 : i32
    %dma_start3A_157 = arith.constant 0 : i32
    %dma_start3A_158 = tpu.memref_slice %arg13[%dma_start3A_156, %dma_start3A_157] : memref<16x320xf32, #tpu.memory_space<vmem>> -> memref<1x320xf32, #tpu.memory_space<vmem>>
    %dma_start3A_159 = tpu.memref_squeeze %dma_start3A_158 : memref<1x320xf32, #tpu.memory_space<vmem>> -> memref<320xf32, #tpu.memory_space<vmem>>
    %dma_start3A_160 = tpu.memref_slice %arg12[%dma_start3A_155, %multiple_of3A] : memref<16x10240xf32, #tpu.memory_space<vmem_shared>> -> memref<1x320xf32, #tpu.memory_space<vmem_shared>>
    %dma_start3A_161 = tpu.memref_squeeze %dma_start3A_160 : memref<1x320xf32, #tpu.memory_space<vmem_shared>> -> memref<320xf32, #tpu.memory_space<vmem_shared>>
    %dma_start3A_162 = arith.constant 0 : i32
    %dma_start3A_163 = tpu.memref_slice %arg13[%dma_start3A_156, %dma_start3A_162] : memref<16x320xf32, #tpu.memory_space<vmem>> -> memref<1x320xf32, #tpu.memory_space<vmem>>
    %dma_start3A_164 = tpu.memref_squeeze %dma_start3A_163 : memref<1x320xf32, #tpu.memory_space<vmem>> -> memref<320xf32, #tpu.memory_space<vmem>>
    %dma_start3A_165 = tpu.memref_slice %arg12[%dma_start3A_155, %multiple_of3A] : memref<16x10240xf32, #tpu.memory_space<vmem_shared>> -> memref<1x320xf32, #tpu.memory_space<vmem_shared>>
    %dma_start3A_166 = tpu.memref_squeeze %dma_start3A_165 : memref<1x320xf32, #tpu.memory_space<vmem_shared>> -> memref<320xf32, #tpu.memory_space<vmem_shared>>
    tpu.enqueue_dma source(%dma_start3A_166 : memref<320xf32, #tpu.memory_space<vmem_shared>>) target(%dma_start3A_164 : memref<320xf32, #tpu.memory_space<vmem>>) target_semaphore(%arg16 : memref<!tpu.dma_semaphore, #tpu.memory_space<semaphore_mem>>)
    %dma_start3A_167 = arith.constant 13 : i32
    %dma_start3A_168 = arith.constant 13 : i32
    %dma_start3A_169 = arith.constant 0 : i32
    %dma_start3A_170 = tpu.memref_slice %arg13[%dma_start3A_168, %dma_start3A_169] : memref<16x320xf32, #tpu.memory_space<vmem>> -> memref<1x320xf32, #tpu.memory_space<vmem>>
    %dma_start3A_171 = tpu.memref_squeeze %dma_start3A_170 : memref<1x320xf32, #tpu.memory_space<vmem>> -> memref<320xf32, #tpu.memory_space<vmem>>
    %dma_start3A_172 = tpu.memref_slice %arg12[%dma_start3A_167, %multiple_of3A] : memref<16x10240xf32, #tpu.memory_space<vmem_shared>> -> memref<1x320xf32, #tpu.memory_space<vmem_shared>>
    %dma_start3A_173 = tpu.memref_squeeze %dma_start3A_172 : memref<1x320xf32, #tpu.memory_space<vmem_shared>> -> memref<320xf32, #tpu.memory_space<vmem_shared>>
    %dma_start3A_174 = arith.constant 0 : i32
    %dma_start3A_175 = tpu.memref_slice %arg13[%dma_start3A_168, %dma_start3A_174] : memref<16x320xf32, #tpu.memory_space<vmem>> -> memref<1x320xf32, #tpu.memory_space<vmem>>
    %dma_start3A_176 = tpu.memref_squeeze %dma_start3A_175 : memref<1x320xf32, #tpu.memory_space<vmem>> -> memref<320xf32, #tpu.memory_space<vmem>>
    %dma_start3A_177 = tpu.memref_slice %arg12[%dma_start3A_167, %multiple_of3A] : memref<16x10240xf32, #tpu.memory_space<vmem_shared>> -> memref<1x320xf32, #tpu.memory_space<vmem_shared>>
    %dma_start3A_178 = tpu.memref_squeeze %dma_start3A_177 : memref<1x320xf32, #tpu.memory_space<vmem_shared>> -> memref<320xf32, #tpu.memory_space<vmem_shared>>
    tpu.enqueue_dma source(%dma_start3A_178 : memref<320xf32, #tpu.memory_space<vmem_shared>>) target(%dma_start3A_176 : memref<320xf32, #tpu.memory_space<vmem>>) target_semaphore(%arg16 : memref<!tpu.dma_semaphore, #tpu.memory_space<semaphore_mem>>)
    %dma_start3A_179 = arith.constant 14 : i32
    %dma_start3A_180 = arith.constant 14 : i32
    %dma_start3A_181 = arith.constant 0 : i32
    %dma_start3A_182 = tpu.memref_slice %arg13[%dma_start3A_180, %dma_start3A_181] : memref<16x320xf32, #tpu.memory_space<vmem>> -> memref<1x320xf32, #tpu.memory_space<vmem>>
    %dma_start3A_183 = tpu.memref_squeeze %dma_start3A_182 : memref<1x320xf32, #tpu.memory_space<vmem>> -> memref<320xf32, #tpu.memory_space<vmem>>
    %dma_start3A_184 = tpu.memref_slice %arg12[%dma_start3A_179, %multiple_of3A] : memref<16x10240xf32, #tpu.memory_space<vmem_shared>> -> memref<1x320xf32, #tpu.memory_space<vmem_shared>>
    %dma_start3A_185 = tpu.memref_squeeze %dma_start3A_184 : memref<1x320xf32, #tpu.memory_space<vmem_shared>> -> memref<320xf32, #tpu.memory_space<vmem_shared>>
    %dma_start3A_186 = arith.constant 0 : i32
    %dma_start3A_187 = tpu.memref_slice %arg13[%dma_start3A_180, %dma_start3A_186] : memref<16x320xf32, #tpu.memory_space<vmem>> -> memref<1x320xf32, #tpu.memory_space<vmem>>
    %dma_start3A_188 = tpu.memref_squeeze %dma_start3A_187 : memref<1x320xf32, #tpu.memory_space<vmem>> -> memref<320xf32, #tpu.memory_space<vmem>>
    %dma_start3A_189 = tpu.memref_slice %arg12[%dma_start3A_179, %multiple_of3A] : memref<16x10240xf32, #tpu.memory_space<vmem_shared>> -> memref<1x320xf32, #tpu.memory_space<vmem_shared>>
    %dma_start3A_190 = tpu.memref_squeeze %dma_start3A_189 : memref<1x320xf32, #tpu.memory_space<vmem_shared>> -> memref<320xf32, #tpu.memory_space<vmem_shared>>
    tpu.enqueue_dma source(%dma_start3A_190 : memref<320xf32, #tpu.memory_space<vmem_shared>>) target(%dma_start3A_188 : memref<320xf32, #tpu.memory_space<vmem>>) target_semaphore(%arg16 : memref<!tpu.dma_semaphore, #tpu.memory_space<semaphore_mem>>)
    %dma_start3A_191 = arith.constant 15 : i32
    %dma_start3A_192 = arith.constant 15 : i32
    %dma_start3A_193 = arith.constant 0 : i32
    %dma_start3A_194 = tpu.memref_slice %arg13[%dma_start3A_192, %dma_start3A_193] : memref<16x320xf32, #tpu.memory_space<vmem>> -> memref<1x320xf32, #tpu.memory_space<vmem>>
    %dma_start3A_195 = tpu.memref_squeeze %dma_start3A_194 : memref<1x320xf32, #tpu.memory_space<vmem>> -> memref<320xf32, #tpu.memory_space<vmem>>
    %dma_start3A_196 = tpu.memref_slice %arg12[%dma_start3A_191, %multiple_of3A] : memref<16x10240xf32, #tpu.memory_space<vmem_shared>> -> memref<1x320xf32, #tpu.memory_space<vmem_shared>>
    %dma_start3A_197 = tpu.memref_squeeze %dma_start3A_196 : memref<1x320xf32, #tpu.memory_space<vmem_shared>> -> memref<320xf32, #tpu.memory_space<vmem_shared>>
    %dma_start3A_198 = arith.constant 0 : i32
    %dma_start3A_199 = tpu.memref_slice %arg13[%dma_start3A_192, %dma_start3A_198] : memref<16x320xf32, #tpu.memory_space<vmem>> -> memref<1x320xf32, #tpu.memory_space<vmem>>
    %dma_start3A_200 = tpu.memref_squeeze %dma_start3A_199 : memref<1x320xf32, #tpu.memory_space<vmem>> -> memref<320xf32, #tpu.memory_space<vmem>>
    %dma_start3A_201 = tpu.memref_slice %arg12[%dma_start3A_191, %multiple_of3A] : memref<16x10240xf32, #tpu.memory_space<vmem_shared>> -> memref<1x320xf32, #tpu.memory_space<vmem_shared>>
    %dma_start3A_202 = tpu.memref_squeeze %dma_start3A_201 : memref<1x320xf32, #tpu.memory_space<vmem_shared>> -> memref<320xf32, #tpu.memory_space<vmem_shared>>
    tpu.enqueue_dma source(%dma_start3A_202 : memref<320xf32, #tpu.memory_space<vmem_shared>>) target(%dma_start3A_200 : memref<320xf32, #tpu.memory_space<vmem>>) target_semaphore(%arg16 : memref<!tpu.dma_semaphore, #tpu.memory_space<semaphore_mem>>)
    %dma_wait3A = arith.constant 0 : i32
    %dma_wait3A_203 = arith.constant 0 : i32
    %dma_wait3A_204 = arith.constant 0 : i32
    %dma_wait3A_205 = tpu.memref_slice %arg13[%dma_wait3A_203, %dma_wait3A_204] : memref<16x320xf32, #tpu.memory_space<vmem>> -> memref<1x320xf32, #tpu.memory_space<vmem>>
    %dma_wait3A_206 = tpu.memref_squeeze %dma_wait3A_205 : memref<1x320xf32, #tpu.memory_space<vmem>> -> memref<320xf32, #tpu.memory_space<vmem>>
    %dma_wait3A_207 = tpu.memref_slice %arg12[%dma_wait3A, %multiple_of3A] : memref<16x10240xf32, #tpu.memory_space<vmem_shared>> -> memref<1x320xf32, #tpu.memory_space<vmem_shared>>
    %dma_wait3A_208 = tpu.memref_squeeze %dma_wait3A_207 : memref<1x320xf32, #tpu.memory_space<vmem_shared>> -> memref<320xf32, #tpu.memory_space<vmem_shared>>
    %dma_wait3A_209 = arith.constant 0 : i32
    %dma_wait3A_210 = tpu.memref_slice %arg13[%dma_wait3A_203, %dma_wait3A_209] : memref<16x320xf32, #tpu.memory_space<vmem>> -> memref<1x320xf32, #tpu.memory_space<vmem>>
    %dma_wait3A_211 = tpu.memref_squeeze %dma_wait3A_210 : memref<1x320xf32, #tpu.memory_space<vmem>> -> memref<320xf32, #tpu.memory_space<vmem>>
    %dma_wait3A_212 = tpu.memref_slice %arg12[%dma_wait3A, %multiple_of3A] : memref<16x10240xf32, #tpu.memory_space<vmem_shared>> -> memref<1x320xf32, #tpu.memory_space<vmem_shared>>
    %dma_wait3A_213 = tpu.memref_squeeze %dma_wait3A_212 : memref<1x320xf32, #tpu.memory_space<vmem_shared>> -> memref<320xf32, #tpu.memory_space<vmem_shared>>
    tpu.wait_dma2 semaphore(%arg16 : memref<!tpu.dma_semaphore, #tpu.memory_space<semaphore_mem>>) src(%dma_wait3A_213 : memref<320xf32, #tpu.memory_space<vmem_shared>>) dst(%dma_wait3A_211 : memref<320xf32, #tpu.memory_space<vmem>>)
    %dma_wait3A_214 = arith.constant 1 : i32
    %dma_wait3A_215 = arith.constant 1 : i32
    %dma_wait3A_216 = arith.constant 0 : i32
    %dma_wait3A_217 = tpu.memref_slice %arg13[%dma_wait3A_215, %dma_wait3A_216] : memref<16x320xf32, #tpu.memory_space<vmem>> -> memref<1x320xf32, #tpu.memory_space<vmem>>
    %dma_wait3A_218 = tpu.memref_squeeze %dma_wait3A_217 : memref<1x320xf32, #tpu.memory_space<vmem>> -> memref<320xf32, #tpu.memory_space<vmem>>
    %dma_wait3A_219 = tpu.memref_slice %arg12[%dma_wait3A_214, %multiple_of3A] : memref<16x10240xf32, #tpu.memory_space<vmem_shared>> -> memref<1x320xf32, #tpu.memory_space<vmem_shared>>
    %dma_wait3A_220 = tpu.memref_squeeze %dma_wait3A_219 : memref<1x320xf32, #tpu.memory_space<vmem_shared>> -> memref<320xf32, #tpu.memory_space<vmem_shared>>
    %dma_wait3A_221 = arith.constant 0 : i32
    %dma_wait3A_222 = tpu.memref_slice %arg13[%dma_wait3A_215, %dma_wait3A_221] : memref<16x320xf32, #tpu.memory_space<vmem>> -> memref<1x320xf32, #tpu.memory_space<vmem>>
    %dma_wait3A_223 = tpu.memref_squeeze %dma_wait3A_222 : memref<1x320xf32, #tpu.memory_space<vmem>> -> memref<320xf32, #tpu.memory_space<vmem>>
    %dma_wait3A_224 = tpu.memref_slice %arg12[%dma_wait3A_214, %multiple_of3A] : memref<16x10240xf32, #tpu.memory_space<vmem_shared>> -> memref<1x320xf32, #tpu.memory_space<vmem_shared>>
    %dma_wait3A_225 = tpu.memref_squeeze %dma_wait3A_224 : memref<1x320xf32, #tpu.memory_space<vmem_shared>> -> memref<320xf32, #tpu.memory_space<vmem_shared>>
    tpu.wait_dma2 semaphore(%arg16 : memref<!tpu.dma_semaphore, #tpu.memory_space<semaphore_mem>>) src(%dma_wait3A_225 : memref<320xf32, #tpu.memory_space<vmem_shared>>) dst(%dma_wait3A_223 : memref<320xf32, #tpu.memory_space<vmem>>)
    %dma_wait3A_226 = arith.constant 2 : i32
    %dma_wait3A_227 = arith.constant 2 : i32
    %dma_wait3A_228 = arith.constant 0 : i32
    %dma_wait3A_229 = tpu.memref_slice %arg13[%dma_wait3A_227, %dma_wait3A_228] : memref<16x320xf32, #tpu.memory_space<vmem>> -> memref<1x320xf32, #tpu.memory_space<vmem>>
    %dma_wait3A_230 = tpu.memref_squeeze %dma_wait3A_229 : memref<1x320xf32, #tpu.memory_space<vmem>> -> memref<320xf32, #tpu.memory_space<vmem>>
    %dma_wait3A_231 = tpu.memref_slice %arg12[%dma_wait3A_226, %multiple_of3A] : memref<16x10240xf32, #tpu.memory_space<vmem_shared>> -> memref<1x320xf32, #tpu.memory_space<vmem_shared>>
    %dma_wait3A_232 = tpu.memref_squeeze %dma_wait3A_231 : memref<1x320xf32, #tpu.memory_space<vmem_shared>> -> memref<320xf32, #tpu.memory_space<vmem_shared>>
    %dma_wait3A_233 = arith.constant 0 : i32
    %dma_wait3A_234 = tpu.memref_slice %arg13[%dma_wait3A_227, %dma_wait3A_233] : memref<16x320xf32, #tpu.memory_space<vmem>> -> memref<1x320xf32, #tpu.memory_space<vmem>>
    %dma_wait3A_235 = tpu.memref_squeeze %dma_wait3A_234 : memref<1x320xf32, #tpu.memory_space<vmem>> -> memref<320xf32, #tpu.memory_space<vmem>>
    %dma_wait3A_236 = tpu.memref_slice %arg12[%dma_wait3A_226, %multiple_of3A] : memref<16x10240xf32, #tpu.memory_space<vmem_shared>> -> memref<1x320xf32, #tpu.memory_space<vmem_shared>>
    %dma_wait3A_237 = tpu.memref_squeeze %dma_wait3A_236 : memref<1x320xf32, #tpu.memory_space<vmem_shared>> -> memref<320xf32, #tpu.memory_space<vmem_shared>>
    tpu.wait_dma2 semaphore(%arg16 : memref<!tpu.dma_semaphore, #tpu.memory_space<semaphore_mem>>) src(%dma_wait3A_237 : memref<320xf32, #tpu.memory_space<vmem_shared>>) dst(%dma_wait3A_235 : memref<320xf32, #tpu.memory_space<vmem>>)
    %dma_wait3A_238 = arith.constant 3 : i32
    %dma_wait3A_239 = arith.constant 3 : i32
    %dma_wait3A_240 = arith.constant 0 : i32
    %dma_wait3A_241 = tpu.memref_slice %arg13[%dma_wait3A_239, %dma_wait3A_240] : memref<16x320xf32, #tpu.memory_space<vmem>> -> memref<1x320xf32, #tpu.memory_space<vmem>>
    %dma_wait3A_242 = tpu.memref_squeeze %dma_wait3A_241 : memref<1x320xf32, #tpu.memory_space<vmem>> -> memref<320xf32, #tpu.memory_space<vmem>>
    %dma_wait3A_243 = tpu.memref_slice %arg12[%dma_wait3A_238, %multiple_of3A] : memref<16x10240xf32, #tpu.memory_space<vmem_shared>> -> memref<1x320xf32, #tpu.memory_space<vmem_shared>>
    %dma_wait3A_244 = tpu.memref_squeeze %dma_wait3A_243 : memref<1x320xf32, #tpu.memory_space<vmem_shared>> -> memref<320xf32, #tpu.memory_space<vmem_shared>>
    %dma_wait3A_245 = arith.constant 0 : i32
    %dma_wait3A_246 = tpu.memref_slice %arg13[%dma_wait3A_239, %dma_wait3A_245] : memref<16x320xf32, #tpu.memory_space<vmem>> -> memref<1x320xf32, #tpu.memory_space<vmem>>
    %dma_wait3A_247 = tpu.memref_squeeze %dma_wait3A_246 : memref<1x320xf32, #tpu.memory_space<vmem>> -> memref<320xf32, #tpu.memory_space<vmem>>
    %dma_wait3A_248 = tpu.memref_slice %arg12[%dma_wait3A_238, %multiple_of3A] : memref<16x10240xf32, #tpu.memory_space<vmem_shared>> -> memref<1x320xf32, #tpu.memory_space<vmem_shared>>
    %dma_wait3A_249 = tpu.memref_squeeze %dma_wait3A_248 : memref<1x320xf32, #tpu.memory_space<vmem_shared>> -> memref<320xf32, #tpu.memory_space<vmem_shared>>
    tpu.wait_dma2 semaphore(%arg16 : memref<!tpu.dma_semaphore, #tpu.memory_space<semaphore_mem>>) src(%dma_wait3A_249 : memref<320xf32, #tpu.memory_space<vmem_shared>>) dst(%dma_wait3A_247 : memref<320xf32, #tpu.memory_space<vmem>>)
    %dma_wait3A_250 = arith.constant 4 : i32
    %dma_wait3A_251 = arith.constant 4 : i32
    %dma_wait3A_252 = arith.constant 0 : i32
    %dma_wait3A_253 = tpu.memref_slice %arg13[%dma_wait3A_251, %dma_wait3A_252] : memref<16x320xf32, #tpu.memory_space<vmem>> -> memref<1x320xf32, #tpu.memory_space<vmem>>
    %dma_wait3A_254 = tpu.memref_squeeze %dma_wait3A_253 : memref<1x320xf32, #tpu.memory_space<vmem>> -> memref<320xf32, #tpu.memory_space<vmem>>
    %dma_wait3A_255 = tpu.memref_slice %arg12[%dma_wait3A_250, %multiple_of3A] : memref<16x10240xf32, #tpu.memory_space<vmem_shared>> -> memref<1x320xf32, #tpu.memory_space<vmem_shared>>
    %dma_wait3A_256 = tpu.memref_squeeze %dma_wait3A_255 : memref<1x320xf32, #tpu.memory_space<vmem_shared>> -> memref<320xf32, #tpu.memory_space<vmem_shared>>
    %dma_wait3A_257 = arith.constant 0 : i32
    %dma_wait3A_258 = tpu.memref_slice %arg13[%dma_wait3A_251, %dma_wait3A_257] : memref<16x320xf32, #tpu.memory_space<vmem>> -> memref<1x320xf32, #tpu.memory_space<vmem>>
    %dma_wait3A_259 = tpu.memref_squeeze %dma_wait3A_258 : memref<1x320xf32, #tpu.memory_space<vmem>> -> memref<320xf32, #tpu.memory_space<vmem>>
    %dma_wait3A_260 = tpu.memref_slice %arg12[%dma_wait3A_250, %multiple_of3A] : memref<16x10240xf32, #tpu.memory_space<vmem_shared>> -> memref<1x320xf32, #tpu.memory_space<vmem_shared>>
    %dma_wait3A_261 = tpu.memref_squeeze %dma_wait3A_260 : memref<1x320xf32, #tpu.memory_space<vmem_shared>> -> memref<320xf32, #tpu.memory_space<vmem_shared>>
    tpu.wait_dma2 semaphore(%arg16 : memref<!tpu.dma_semaphore, #tpu.memory_space<semaphore_mem>>) src(%dma_wait3A_261 : memref<320xf32, #tpu.memory_space<vmem_shared>>) dst(%dma_wait3A_259 : memref<320xf32, #tpu.memory_space<vmem>>)
    %dma_wait3A_262 = arith.constant 5 : i32
    %dma_wait3A_263 = arith.constant 5 : i32
    %dma_wait3A_264 = arith.constant 0 : i32
    %dma_wait3A_265 = tpu.memref_slice %arg13[%dma_wait3A_263, %dma_wait3A_264] : memref<16x320xf32, #tpu.memory_space<vmem>> -> memref<1x320xf32, #tpu.memory_space<vmem>>
    %dma_wait3A_266 = tpu.memref_squeeze %dma_wait3A_265 : memref<1x320xf32, #tpu.memory_space<vmem>> -> memref<320xf32, #tpu.memory_space<vmem>>
    %dma_wait3A_267 = tpu.memref_slice %arg12[%dma_wait3A_262, %multiple_of3A] : memref<16x10240xf32, #tpu.memory_space<vmem_shared>> -> memref<1x320xf32, #tpu.memory_space<vmem_shared>>
    %dma_wait3A_268 = tpu.memref_squeeze %dma_wait3A_267 : memref<1x320xf32, #tpu.memory_space<vmem_shared>> -> memref<320xf32, #tpu.memory_space<vmem_shared>>
    %dma_wait3A_269 = arith.constant 0 : i32
    %dma_wait3A_270 = tpu.memref_slice %arg13[%dma_wait3A_263, %dma_wait3A_269] : memref<16x320xf32, #tpu.memory_space<vmem>> -> memref<1x320xf32, #tpu.memory_space<vmem>>
    %dma_wait3A_271 = tpu.memref_squeeze %dma_wait3A_270 : memref<1x320xf32, #tpu.memory_space<vmem>> -> memref<320xf32, #tpu.memory_space<vmem>>
    %dma_wait3A_272 = tpu.memref_slice %arg12[%dma_wait3A_262, %multiple_of3A] : memref<16x10240xf32, #tpu.memory_space<vmem_shared>> -> memref<1x320xf32, #tpu.memory_space<vmem_shared>>
    %dma_wait3A_273 = tpu.memref_squeeze %dma_wait3A_272 : memref<1x320xf32, #tpu.memory_space<vmem_shared>> -> memref<320xf32, #tpu.memory_space<vmem_shared>>
    tpu.wait_dma2 semaphore(%arg16 : memref<!tpu.dma_semaphore, #tpu.memory_space<semaphore_mem>>) src(%dma_wait3A_273 : memref<320xf32, #tpu.memory_space<vmem_shared>>) dst(%dma_wait3A_271 : memref<320xf32, #tpu.memory_space<vmem>>)
    %dma_wait3A_274 = arith.constant 6 : i32
    %dma_wait3A_275 = arith.constant 6 : i32
    %dma_wait3A_276 = arith.constant 0 : i32
    %dma_wait3A_277 = tpu.memref_slice %arg13[%dma_wait3A_275, %dma_wait3A_276] : memref<16x320xf32, #tpu.memory_space<vmem>> -> memref<1x320xf32, #tpu.memory_space<vmem>>
    %dma_wait3A_278 = tpu.memref_squeeze %dma_wait3A_277 : memref<1x320xf32, #tpu.memory_space<vmem>> -> memref<320xf32, #tpu.memory_space<vmem>>
    %dma_wait3A_279 = tpu.memref_slice %arg12[%dma_wait3A_274, %multiple_of3A] : memref<16x10240xf32, #tpu.memory_space<vmem_shared>> -> memref<1x320xf32, #tpu.memory_space<vmem_shared>>
    %dma_wait3A_280 = tpu.memref_squeeze %dma_wait3A_279 : memref<1x320xf32, #tpu.memory_space<vmem_shared>> -> memref<320xf32, #tpu.memory_space<vmem_shared>>
    %dma_wait3A_281 = arith.constant 0 : i32
    %dma_wait3A_282 = tpu.memref_slice %arg13[%dma_wait3A_275, %dma_wait3A_281] : memref<16x320xf32, #tpu.memory_space<vmem>> -> memref<1x320xf32, #tpu.memory_space<vmem>>
    %dma_wait3A_283 = tpu.memref_squeeze %dma_wait3A_282 : memref<1x320xf32, #tpu.memory_space<vmem>> -> memref<320xf32, #tpu.memory_space<vmem>>
    %dma_wait3A_284 = tpu.memref_slice %arg12[%dma_wait3A_274, %multiple_of3A] : memref<16x10240xf32, #tpu.memory_space<vmem_shared>> -> memref<1x320xf32, #tpu.memory_space<vmem_shared>>
    %dma_wait3A_285 = tpu.memref_squeeze %dma_wait3A_284 : memref<1x320xf32, #tpu.memory_space<vmem_shared>> -> memref<320xf32, #tpu.memory_space<vmem_shared>>
    tpu.wait_dma2 semaphore(%arg16 : memref<!tpu.dma_semaphore, #tpu.memory_space<semaphore_mem>>) src(%dma_wait3A_285 : memref<320xf32, #tpu.memory_space<vmem_shared>>) dst(%dma_wait3A_283 : memref<320xf32, #tpu.memory_space<vmem>>)
    %dma_wait3A_286 = arith.constant 7 : i32
    %dma_wait3A_287 = arith.constant 7 : i32
    %dma_wait3A_288 = arith.constant 0 : i32
    %dma_wait3A_289 = tpu.memref_slice %arg13[%dma_wait3A_287, %dma_wait3A_288] : memref<16x320xf32, #tpu.memory_space<vmem>> -> memref<1x320xf32, #tpu.memory_space<vmem>>
    %dma_wait3A_290 = tpu.memref_squeeze %dma_wait3A_289 : memref<1x320xf32, #tpu.memory_space<vmem>> -> memref<320xf32, #tpu.memory_space<vmem>>
    %dma_wait3A_291 = tpu.memref_slice %arg12[%dma_wait3A_286, %multiple_of3A] : memref<16x10240xf32, #tpu.memory_space<vmem_shared>> -> memref<1x320xf32, #tpu.memory_space<vmem_shared>>
    %dma_wait3A_292 = tpu.memref_squeeze %dma_wait3A_291 : memref<1x320xf32, #tpu.memory_space<vmem_shared>> -> memref<320xf32, #tpu.memory_space<vmem_shared>>
    %dma_wait3A_293 = arith.constant 0 : i32
    %dma_wait3A_294 = tpu.memref_slice %arg13[%dma_wait3A_287, %dma_wait3A_293] : memref<16x320xf32, #tpu.memory_space<vmem>> -> memref<1x320xf32, #tpu.memory_space<vmem>>
    %dma_wait3A_295 = tpu.memref_squeeze %dma_wait3A_294 : memref<1x320xf32, #tpu.memory_space<vmem>> -> memref<320xf32, #tpu.memory_space<vmem>>
    %dma_wait3A_296 = tpu.memref_slice %arg12[%dma_wait3A_286, %multiple_of3A] : memref<16x10240xf32, #tpu.memory_space<vmem_shared>> -> memref<1x320xf32, #tpu.memory_space<vmem_shared>>
    %dma_wait3A_297 = tpu.memref_squeeze %dma_wait3A_296 : memref<1x320xf32, #tpu.memory_space<vmem_shared>> -> memref<320xf32, #tpu.memory_space<vmem_shared>>
    tpu.wait_dma2 semaphore(%arg16 : memref<!tpu.dma_semaphore, #tpu.memory_space<semaphore_mem>>) src(%dma_wait3A_297 : memref<320xf32, #tpu.memory_space<vmem_shared>>) dst(%dma_wait3A_295 : memref<320xf32, #tpu.memory_space<vmem>>)
    %dma_wait3A_298 = arith.constant 8 : i32
    %dma_wait3A_299 = arith.constant 8 : i32
    %dma_wait3A_300 = arith.constant 0 : i32
    %dma_wait3A_301 = tpu.memref_slice %arg13[%dma_wait3A_299, %dma_wait3A_300] : memref<16x320xf32, #tpu.memory_space<vmem>> -> memref<1x320xf32, #tpu.memory_space<vmem>>
    %dma_wait3A_302 = tpu.memref_squeeze %dma_wait3A_301 : memref<1x320xf32, #tpu.memory_space<vmem>> -> memref<320xf32, #tpu.memory_space<vmem>>
    %dma_wait3A_303 = tpu.memref_slice %arg12[%dma_wait3A_298, %multiple_of3A] : memref<16x10240xf32, #tpu.memory_space<vmem_shared>> -> memref<1x320xf32, #tpu.memory_space<vmem_shared>>
    %dma_wait3A_304 = tpu.memref_squeeze %dma_wait3A_303 : memref<1x320xf32, #tpu.memory_space<vmem_shared>> -> memref<320xf32, #tpu.memory_space<vmem_shared>>
    %dma_wait3A_305 = arith.constant 0 : i32
    %dma_wait3A_306 = tpu.memref_slice %arg13[%dma_wait3A_299, %dma_wait3A_305] : memref<16x320xf32, #tpu.memory_space<vmem>> -> memref<1x320xf32, #tpu.memory_space<vmem>>
    %dma_wait3A_307 = tpu.memref_squeeze %dma_wait3A_306 : memref<1x320xf32, #tpu.memory_space<vmem>> -> memref<320xf32, #tpu.memory_space<vmem>>
    %dma_wait3A_308 = tpu.memref_slice %arg12[%dma_wait3A_298, %multiple_of3A] : memref<16x10240xf32, #tpu.memory_space<vmem_shared>> -> memref<1x320xf32, #tpu.memory_space<vmem_shared>>
    %dma_wait3A_309 = tpu.memref_squeeze %dma_wait3A_308 : memref<1x320xf32, #tpu.memory_space<vmem_shared>> -> memref<320xf32, #tpu.memory_space<vmem_shared>>
    tpu.wait_dma2 semaphore(%arg16 : memref<!tpu.dma_semaphore, #tpu.memory_space<semaphore_mem>>) src(%dma_wait3A_309 : memref<320xf32, #tpu.memory_space<vmem_shared>>) dst(%dma_wait3A_307 : memref<320xf32, #tpu.memory_space<vmem>>)
    %dma_wait3A_310 = arith.constant 9 : i32
    %dma_wait3A_311 = arith.constant 9 : i32
    %dma_wait3A_312 = arith.constant 0 : i32
    %dma_wait3A_313 = tpu.memref_slice %arg13[%dma_wait3A_311, %dma_wait3A_312] : memref<16x320xf32, #tpu.memory_space<vmem>> -> memref<1x320xf32, #tpu.memory_space<vmem>>
    %dma_wait3A_314 = tpu.memref_squeeze %dma_wait3A_313 : memref<1x320xf32, #tpu.memory_space<vmem>> -> memref<320xf32, #tpu.memory_space<vmem>>
    %dma_wait3A_315 = tpu.memref_slice %arg12[%dma_wait3A_310, %multiple_of3A] : memref<16x10240xf32, #tpu.memory_space<vmem_shared>> -> memref<1x320xf32, #tpu.memory_space<vmem_shared>>
    %dma_wait3A_316 = tpu.memref_squeeze %dma_wait3A_315 : memref<1x320xf32, #tpu.memory_space<vmem_shared>> -> memref<320xf32, #tpu.memory_space<vmem_shared>>
    %dma_wait3A_317 = arith.constant 0 : i32
    %dma_wait3A_318 = tpu.memref_slice %arg13[%dma_wait3A_311, %dma_wait3A_317] : memref<16x320xf32, #tpu.memory_space<vmem>> -> memref<1x320xf32, #tpu.memory_space<vmem>>
    %dma_wait3A_319 = tpu.memref_squeeze %dma_wait3A_318 : memref<1x320xf32, #tpu.memory_space<vmem>> -> memref<320xf32, #tpu.memory_space<vmem>>
    %dma_wait3A_320 = tpu.memref_slice %arg12[%dma_wait3A_310, %multiple_of3A] : memref<16x10240xf32, #tpu.memory_space<vmem_shared>> -> memref<1x320xf32, #tpu.memory_space<vmem_shared>>
    %dma_wait3A_321 = tpu.memref_squeeze %dma_wait3A_320 : memref<1x320xf32, #tpu.memory_space<vmem_shared>> -> memref<320xf32, #tpu.memory_space<vmem_shared>>
    tpu.wait_dma2 semaphore(%arg16 : memref<!tpu.dma_semaphore, #tpu.memory_space<semaphore_mem>>) src(%dma_wait3A_321 : memref<320xf32, #tpu.memory_space<vmem_shared>>) dst(%dma_wait3A_319 : memref<320xf32, #tpu.memory_space<vmem>>)
    %dma_wait3A_322 = arith.constant 10 : i32
    %dma_wait3A_323 = arith.constant 10 : i32
    %dma_wait3A_324 = arith.constant 0 : i32
    %dma_wait3A_325 = tpu.memref_slice %arg13[%dma_wait3A_323, %dma_wait3A_324] : memref<16x320xf32, #tpu.memory_space<vmem>> -> memref<1x320xf32, #tpu.memory_space<vmem>>
    %dma_wait3A_326 = tpu.memref_squeeze %dma_wait3A_325 : memref<1x320xf32, #tpu.memory_space<vmem>> -> memref<320xf32, #tpu.memory_space<vmem>>
    %dma_wait3A_327 = tpu.memref_slice %arg12[%dma_wait3A_322, %multiple_of3A] : memref<16x10240xf32, #tpu.memory_space<vmem_shared>> -> memref<1x320xf32, #tpu.memory_space<vmem_shared>>
    %dma_wait3A_328 = tpu.memref_squeeze %dma_wait3A_327 : memref<1x320xf32, #tpu.memory_space<vmem_shared>> -> memref<320xf32, #tpu.memory_space<vmem_shared>>
    %dma_wait3A_329 = arith.constant 0 : i32
    %dma_wait3A_330 = tpu.memref_slice %arg13[%dma_wait3A_323, %dma_wait3A_329] : memref<16x320xf32, #tpu.memory_space<vmem>> -> memref<1x320xf32, #tpu.memory_space<vmem>>
    %dma_wait3A_331 = tpu.memref_squeeze %dma_wait3A_330 : memref<1x320xf32, #tpu.memory_space<vmem>> -> memref<320xf32, #tpu.memory_space<vmem>>
    %dma_wait3A_332 = tpu.memref_slice %arg12[%dma_wait3A_322, %multiple_of3A] : memref<16x10240xf32, #tpu.memory_space<vmem_shared>> -> memref<1x320xf32, #tpu.memory_space<vmem_shared>>
    %dma_wait3A_333 = tpu.memref_squeeze %dma_wait3A_332 : memref<1x320xf32, #tpu.memory_space<vmem_shared>> -> memref<320xf32, #tpu.memory_space<vmem_shared>>
    tpu.wait_dma2 semaphore(%arg16 : memref<!tpu.dma_semaphore, #tpu.memory_space<semaphore_mem>>) src(%dma_wait3A_333 : memref<320xf32, #tpu.memory_space<vmem_shared>>) dst(%dma_wait3A_331 : memref<320xf32, #tpu.memory_space<vmem>>)
    %dma_wait3A_334 = arith.constant 11 : i32
    %dma_wait3A_335 = arith.constant 11 : i32
    %dma_wait3A_336 = arith.constant 0 : i32
    %dma_wait3A_337 = tpu.memref_slice %arg13[%dma_wait3A_335, %dma_wait3A_336] : memref<16x320xf32, #tpu.memory_space<vmem>> -> memref<1x320xf32, #tpu.memory_space<vmem>>
    %dma_wait3A_338 = tpu.memref_squeeze %dma_wait3A_337 : memref<1x320xf32, #tpu.memory_space<vmem>> -> memref<320xf32, #tpu.memory_space<vmem>>
    %dma_wait3A_339 = tpu.memref_slice %arg12[%dma_wait3A_334, %multiple_of3A] : memref<16x10240xf32, #tpu.memory_space<vmem_shared>> -> memref<1x320xf32, #tpu.memory_space<vmem_shared>>
    %dma_wait3A_340 = tpu.memref_squeeze %dma_wait3A_339 : memref<1x320xf32, #tpu.memory_space<vmem_shared>> -> memref<320xf32, #tpu.memory_space<vmem_shared>>
    %dma_wait3A_341 = arith.constant 0 : i32
    %dma_wait3A_342 = tpu.memref_slice %arg13[%dma_wait3A_335, %dma_wait3A_341] : memref<16x320xf32, #tpu.memory_space<vmem>> -> memref<1x320xf32, #tpu.memory_space<vmem>>
    %dma_wait3A_343 = tpu.memref_squeeze %dma_wait3A_342 : memref<1x320xf32, #tpu.memory_space<vmem>> -> memref<320xf32, #tpu.memory_space<vmem>>
    %dma_wait3A_344 = tpu.memref_slice %arg12[%dma_wait3A_334, %multiple_of3A] : memref<16x10240xf32, #tpu.memory_space<vmem_shared>> -> memref<1x320xf32, #tpu.memory_space<vmem_shared>>
    %dma_wait3A_345 = tpu.memref_squeeze %dma_wait3A_344 : memref<1x320xf32, #tpu.memory_space<vmem_shared>> -> memref<320xf32, #tpu.memory_space<vmem_shared>>
    tpu.wait_dma2 semaphore(%arg16 : memref<!tpu.dma_semaphore, #tpu.memory_space<semaphore_mem>>) src(%dma_wait3A_345 : memref<320xf32, #tpu.memory_space<vmem_shared>>) dst(%dma_wait3A_343 : memref<320xf32, #tpu.memory_space<vmem>>)
    %dma_wait3A_346 = arith.constant 12 : i32
    %dma_wait3A_347 = arith.constant 12 : i32
    %dma_wait3A_348 = arith.constant 0 : i32
    %dma_wait3A_349 = tpu.memref_slice %arg13[%dma_wait3A_347, %dma_wait3A_348] : memref<16x320xf32, #tpu.memory_space<vmem>> -> memref<1x320xf32, #tpu.memory_space<vmem>>
    %dma_wait3A_350 = tpu.memref_squeeze %dma_wait3A_349 : memref<1x320xf32, #tpu.memory_space<vmem>> -> memref<320xf32, #tpu.memory_space<vmem>>
    %dma_wait3A_351 = tpu.memref_slice %arg12[%dma_wait3A_346, %multiple_of3A] : memref<16x10240xf32, #tpu.memory_space<vmem_shared>> -> memref<1x320xf32, #tpu.memory_space<vmem_shared>>
    %dma_wait3A_352 = tpu.memref_squeeze %dma_wait3A_351 : memref<1x320xf32, #tpu.memory_space<vmem_shared>> -> memref<320xf32, #tpu.memory_space<vmem_shared>>
    %dma_wait3A_353 = arith.constant 0 : i32
    %dma_wait3A_354 = tpu.memref_slice %arg13[%dma_wait3A_347, %dma_wait3A_353] : memref<16x320xf32, #tpu.memory_space<vmem>> -> memref<1x320xf32, #tpu.memory_space<vmem>>
    %dma_wait3A_355 = tpu.memref_squeeze %dma_wait3A_354 : memref<1x320xf32, #tpu.memory_space<vmem>> -> memref<320xf32, #tpu.memory_space<vmem>>
    %dma_wait3A_356 = tpu.memref_slice %arg12[%dma_wait3A_346, %multiple_of3A] : memref<16x10240xf32, #tpu.memory_space<vmem_shared>> -> memref<1x320xf32, #tpu.memory_space<vmem_shared>>
    %dma_wait3A_357 = tpu.memref_squeeze %dma_wait3A_356 : memref<1x320xf32, #tpu.memory_space<vmem_shared>> -> memref<320xf32, #tpu.memory_space<vmem_shared>>
    tpu.wait_dma2 semaphore(%arg16 : memref<!tpu.dma_semaphore, #tpu.memory_space<semaphore_mem>>) src(%dma_wait3A_357 : memref<320xf32, #tpu.memory_space<vmem_shared>>) dst(%dma_wait3A_355 : memref<320xf32, #tpu.memory_space<vmem>>)
    %dma_wait3A_358 = arith.constant 13 : i32
    %dma_wait3A_359 = arith.constant 13 : i32
    %dma_wait3A_360 = arith.constant 0 : i32
    %dma_wait3A_361 = tpu.memref_slice %arg13[%dma_wait3A_359, %dma_wait3A_360] : memref<16x320xf32, #tpu.memory_space<vmem>> -> memref<1x320xf32, #tpu.memory_space<vmem>>
    %dma_wait3A_362 = tpu.memref_squeeze %dma_wait3A_361 : memref<1x320xf32, #tpu.memory_space<vmem>> -> memref<320xf32, #tpu.memory_space<vmem>>
    %dma_wait3A_363 = tpu.memref_slice %arg12[%dma_wait3A_358, %multiple_of3A] : memref<16x10240xf32, #tpu.memory_space<vmem_shared>> -> memref<1x320xf32, #tpu.memory_space<vmem_shared>>
    %dma_wait3A_364 = tpu.memref_squeeze %dma_wait3A_363 : memref<1x320xf32, #tpu.memory_space<vmem_shared>> -> memref<320xf32, #tpu.memory_space<vmem_shared>>
    %dma_wait3A_365 = arith.constant 0 : i32
    %dma_wait3A_366 = tpu.memref_slice %arg13[%dma_wait3A_359, %dma_wait3A_365] : memref<16x320xf32, #tpu.memory_space<vmem>> -> memref<1x320xf32, #tpu.memory_space<vmem>>
    %dma_wait3A_367 = tpu.memref_squeeze %dma_wait3A_366 : memref<1x320xf32, #tpu.memory_space<vmem>> -> memref<320xf32, #tpu.memory_space<vmem>>
    %dma_wait3A_368 = tpu.memref_slice %arg12[%dma_wait3A_358, %multiple_of3A] : memref<16x10240xf32, #tpu.memory_space<vmem_shared>> -> memref<1x320xf32, #tpu.memory_space<vmem_shared>>
    %dma_wait3A_369 = tpu.memref_squeeze %dma_wait3A_368 : memref<1x320xf32, #tpu.memory_space<vmem_shared>> -> memref<320xf32, #tpu.memory_space<vmem_shared>>
    tpu.wait_dma2 semaphore(%arg16 : memref<!tpu.dma_semaphore, #tpu.memory_space<semaphore_mem>>) src(%dma_wait3A_369 : memref<320xf32, #tpu.memory_space<vmem_shared>>) dst(%dma_wait3A_367 : memref<320xf32, #tpu.memory_space<vmem>>)
    %dma_wait3A_370 = arith.constant 14 : i32
    %dma_wait3A_371 = arith.constant 14 : i32
    %dma_wait3A_372 = arith.constant 0 : i32
    %dma_wait3A_373 = tpu.memref_slice %arg13[%dma_wait3A_371, %dma_wait3A_372] : memref<16x320xf32, #tpu.memory_space<vmem>> -> memref<1x320xf32, #tpu.memory_space<vmem>>
    %dma_wait3A_374 = tpu.memref_squeeze %dma_wait3A_373 : memref<1x320xf32, #tpu.memory_space<vmem>> -> memref<320xf32, #tpu.memory_space<vmem>>
    %dma_wait3A_375 = tpu.memref_slice %arg12[%dma_wait3A_370, %multiple_of3A] : memref<16x10240xf32, #tpu.memory_space<vmem_shared>> -> memref<1x320xf32, #tpu.memory_space<vmem_shared>>
    %dma_wait3A_376 = tpu.memref_squeeze %dma_wait3A_375 : memref<1x320xf32, #tpu.memory_space<vmem_shared>> -> memref<320xf32, #tpu.memory_space<vmem_shared>>
    %dma_wait3A_377 = arith.constant 0 : i32
    %dma_wait3A_378 = tpu.memref_slice %arg13[%dma_wait3A_371, %dma_wait3A_377] : memref<16x320xf32, #tpu.memory_space<vmem>> -> memref<1x320xf32, #tpu.memory_space<vmem>>
    %dma_wait3A_379 = tpu.memref_squeeze %dma_wait3A_378 : memref<1x320xf32, #tpu.memory_space<vmem>> -> memref<320xf32, #tpu.memory_space<vmem>>
    %dma_wait3A_380 = tpu.memref_slice %arg12[%dma_wait3A_370, %multiple_of3A] : memref<16x10240xf32, #tpu.memory_space<vmem_shared>> -> memref<1x320xf32, #tpu.memory_space<vmem_shared>>
    %dma_wait3A_381 = tpu.memref_squeeze %dma_wait3A_380 : memref<1x320xf32, #tpu.memory_space<vmem_shared>> -> memref<320xf32, #tpu.memory_space<vmem_shared>>
    tpu.wait_dma2 semaphore(%arg16 : memref<!tpu.dma_semaphore, #tpu.memory_space<semaphore_mem>>) src(%dma_wait3A_381 : memref<320xf32, #tpu.memory_space<vmem_shared>>) dst(%dma_wait3A_379 : memref<320xf32, #tpu.memory_space<vmem>>)
    %dma_wait3A_382 = arith.constant 15 : i32
    %dma_wait3A_383 = arith.constant 15 : i32
    %dma_wait3A_384 = arith.constant 0 : i32
    %dma_wait3A_385 = tpu.memref_slice %arg13[%dma_wait3A_383, %dma_wait3A_384] : memref<16x320xf32, #tpu.memory_space<vmem>> -> memref<1x320xf32, #tpu.memory_space<vmem>>
    %dma_wait3A_386 = tpu.memref_squeeze %dma_wait3A_385 : memref<1x320xf32, #tpu.memory_space<vmem>> -> memref<320xf32, #tpu.memory_space<vmem>>
    %dma_wait3A_387 = tpu.memref_slice %arg12[%dma_wait3A_382, %multiple_of3A] : memref<16x10240xf32, #tpu.memory_space<vmem_shared>> -> memref<1x320xf32, #tpu.memory_space<vmem_shared>>
    %dma_wait3A_388 = tpu.memref_squeeze %dma_wait3A_387 : memref<1x320xf32, #tpu.memory_space<vmem_shared>> -> memref<320xf32, #tpu.memory_space<vmem_shared>>
    %dma_wait3A_389 = arith.constant 0 : i32
    %dma_wait3A_390 = tpu.memref_slice %arg13[%dma_wait3A_383, %dma_wait3A_389] : memref<16x320xf32, #tpu.memory_space<vmem>> -> memref<1x320xf32, #tpu.memory_space<vmem>>
    %dma_wait3A_391 = tpu.memref_squeeze %dma_wait3A_390 : memref<1x320xf32, #tpu.memory_space<vmem>> -> memref<320xf32, #tpu.memory_space<vmem>>
    %dma_wait3A_392 = tpu.memref_slice %arg12[%dma_wait3A_382, %multiple_of3A] : memref<16x10240xf32, #tpu.memory_space<vmem_shared>> -> memref<1x320xf32, #tpu.memory_space<vmem_shared>>
    %dma_wait3A_393 = tpu.memref_squeeze %dma_wait3A_392 : memref<1x320xf32, #tpu.memory_space<vmem_shared>> -> memref<320xf32, #tpu.memory_space<vmem_shared>>
    tpu.wait_dma2 semaphore(%arg16 : memref<!tpu.dma_semaphore, #tpu.memory_space<semaphore_mem>>) src(%dma_wait3A_393 : memref<320xf32, #tpu.memory_space<vmem_shared>>) dst(%dma_wait3A_391 : memref<320xf32, #tpu.memory_space<vmem>>)
    %get3A = arith.constant 0 : index
    %get3A_394 = tpu.vector_load %arg15[%get3A] {strides = array<i32>} : memref<16xf32, #tpu.memory_space<vmem>>, vector<16xf32>,
    %scan3A_395 = arith.constant 0 : i32
    %scan3A_396 = arith.constant 20 : i32
    %scan3A_397 = arith.addi %scan3A_395, %scan3A_396 : i32
    %scan3A_398 = arith.constant 1 : i32
    scf.for %scan3A_405 = %scan3A_395 to %scan3A_397 step %scan3A_398  : i32 {
      %mul3A_406 = arith.constant 16 : i32
      %mul3A_407 = arith.muli %scan3A_405, %mul3A_406 : i32
      %add3A_408 = arith.constant 0 : i32
      %add3A_409 = arith.addi %add3A_408, %mul3A_407 : i32
      %get3A_410 = arith.constant 0 : i32
      %get3A_411 = arith.index_cast %get3A_410 : i32 to index
      %get3A_412 = arith.index_cast %add3A_409 : i32 to index
      %get3A_413 = tpu.vector_load %arg13[%get3A_411, %get3A_412] {strides = array<i32>} : memref<16x320xf32, #tpu.memory_space<vmem>>, vector<16xf32>,
      %get3A_414 = arith.constant 1 : i32
      %get3A_415 = arith.index_cast %get3A_414 : i32 to index
      %get3A_416 = arith.index_cast %add3A_409 : i32 to index
      %get3A_417 = tpu.vector_load %arg13[%get3A_415, %get3A_416] {strides = array<i32>} : memref<16x320xf32, #tpu.memory_space<vmem>>, vector<16xf32>,
      %add3A_418 = arith.addf %get3A_413, %get3A_417 : vector<16xf32>
      %get3A_419 = arith.constant 2 : i32
      %get3A_420 = arith.index_cast %get3A_419 : i32 to index
      %get3A_421 = arith.index_cast %add3A_409 : i32 to index
      %get3A_422 = tpu.vector_load %arg13[%get3A_420, %get3A_421] {strides = array<i32>} : memref<16x320xf32, #tpu.memory_space<vmem>>, vector<16xf32>,
      %add3A_423 = arith.addf %add3A_418, %get3A_422 : vector<16xf32>
      %get3A_424 = arith.constant 3 : i32
      %get3A_425 = arith.index_cast %get3A_424 : i32 to index
      %get3A_426 = arith.index_cast %add3A_409 : i32 to index
      %get3A_427 = tpu.vector_load %arg13[%get3A_425, %get3A_426] {strides = array<i32>} : memref<16x320xf32, #tpu.memory_space<vmem>>, vector<16xf32>,
      %add3A_428 = arith.addf %add3A_423, %get3A_427 : vector<16xf32>
      %get3A_429 = arith.constant 4 : i32
      %get3A_430 = arith.index_cast %get3A_429 : i32 to index
      %get3A_431 = arith.index_cast %add3A_409 : i32 to index
      %get3A_432 = tpu.vector_load %arg13[%get3A_430, %get3A_431] {strides = array<i32>} : memref<16x320xf32, #tpu.memory_space<vmem>>, vector<16xf32>,
      %add3A_433 = arith.addf %add3A_428, %get3A_432 : vector<16xf32>
      %get3A_434 = arith.constant 5 : i32
      %get3A_435 = arith.index_cast %get3A_434 : i32 to index
      %get3A_436 = arith.index_cast %add3A_409 : i32 to index
      %get3A_437 = tpu.vector_load %arg13[%get3A_435, %get3A_436] {strides = array<i32>} : memref<16x320xf32, #tpu.memory_space<vmem>>, vector<16xf32>,
      %add3A_438 = arith.addf %add3A_433, %get3A_437 : vector<16xf32>
      %get3A_439 = arith.constant 6 : i32
      %get3A_440 = arith.index_cast %get3A_439 : i32 to index
      %get3A_441 = arith.index_cast %add3A_409 : i32 to index
      %get3A_442 = tpu.vector_load %arg13[%get3A_440, %get3A_441] {strides = array<i32>} : memref<16x320xf32, #tpu.memory_space<vmem>>, vector<16xf32>,
      %add3A_443 = arith.addf %add3A_438, %get3A_442 : vector<16xf32>
      %get3A_444 = arith.constant 7 : i32
      %get3A_445 = arith.index_cast %get3A_444 : i32 to index
      %get3A_446 = arith.index_cast %add3A_409 : i32 to index
      %get3A_447 = tpu.vector_load %arg13[%get3A_445, %get3A_446] {strides = array<i32>} : memref<16x320xf32, #tpu.memory_space<vmem>>, vector<16xf32>,
      %add3A_448 = arith.addf %add3A_443, %get3A_447 : vector<16xf32>
      %get3A_449 = arith.constant 8 : i32
      %get3A_450 = arith.index_cast %get3A_449 : i32 to index
      %get3A_451 = arith.index_cast %add3A_409 : i32 to index
      %get3A_452 = tpu.vector_load %arg13[%get3A_450, %get3A_451] {strides = array<i32>} : memref<16x320xf32, #tpu.memory_space<vmem>>, vector<16xf32>,
      %add3A_453 = arith.addf %add3A_448, %get3A_452 : vector<16xf32>
      %get3A_454 = arith.constant 9 : i32
      %get3A_455 = arith.index_cast %get3A_454 : i32 to index
      %get3A_456 = arith.index_cast %add3A_409 : i32 to index
      %get3A_457 = tpu.vector_load %arg13[%get3A_455, %get3A_456] {strides = array<i32>} : memref<16x320xf32, #tpu.memory_space<vmem>>, vector<16xf32>,
      %add3A_458 = arith.addf %add3A_453, %get3A_457 : vector<16xf32>
      %get3A_459 = arith.constant 10 : i32
      %get3A_460 = arith.index_cast %get3A_459 : i32 to index
      %get3A_461 = arith.index_cast %add3A_409 : i32 to index
      %get3A_462 = tpu.vector_load %arg13[%get3A_460, %get3A_461] {strides = array<i32>} : memref<16x320xf32, #tpu.memory_space<vmem>>, vector<16xf32>,
      %add3A_463 = arith.addf %add3A_458, %get3A_462 : vector<16xf32>
      %get3A_464 = arith.constant 11 : i32
      %get3A_465 = arith.index_cast %get3A_464 : i32 to index
      %get3A_466 = arith.index_cast %add3A_409 : i32 to index
      %get3A_467 = tpu.vector_load %arg13[%get3A_465, %get3A_466] {strides = array<i32>} : memref<16x320xf32, #tpu.memory_space<vmem>>, vector<16xf32>,
      %add3A_468 = arith.addf %add3A_463, %get3A_467 : vector<16xf32>
      %get3A_469 = arith.constant 12 : i32
      %get3A_470 = arith.index_cast %get3A_469 : i32 to index
      %get3A_471 = arith.index_cast %add3A_409 : i32 to index
      %get3A_472 = tpu.vector_load %arg13[%get3A_470, %get3A_471] {strides = array<i32>} : memref<16x320xf32, #tpu.memory_space<vmem>>, vector<16xf32>,
      %add3A_473 = arith.addf %add3A_468, %get3A_472 : vector<16xf32>
      %get3A_474 = arith.constant 13 : i32
      %get3A_475 = arith.index_cast %get3A_474 : i32 to index
      %get3A_476 = arith.index_cast %add3A_409 : i32 to index
      %get3A_477 = tpu.vector_load %arg13[%get3A_475, %get3A_476] {strides = array<i32>} : memref<16x320xf32, #tpu.memory_space<vmem>>, vector<16xf32>,
      %add3A_478 = arith.addf %add3A_473, %get3A_477 : vector<16xf32>
      %get3A_479 = arith.constant 14 : i32
      %get3A_480 = arith.index_cast %get3A_479 : i32 to index
      %get3A_481 = arith.index_cast %add3A_409 : i32 to index
      %get3A_482 = tpu.vector_load %arg13[%get3A_480, %get3A_481] {strides = array<i32>} : memref<16x320xf32, #tpu.memory_space<vmem>>, vector<16xf32>,
      %add3A_483 = arith.addf %add3A_478, %get3A_482 : vector<16xf32>
      %get3A_484 = arith.constant 15 : i32
      %get3A_485 = arith.index_cast %get3A_484 : i32 to index
      %get3A_486 = arith.index_cast %add3A_409 : i32 to index
      %get3A_487 = tpu.vector_load %arg13[%get3A_485, %get3A_486] {strides = array<i32>} : memref<16x320xf32, #tpu.memory_space<vmem>>, vector<16xf32>,
      %add3A_488 = arith.addf %add3A_483, %get3A_487 : vector<16xf32>
      %swap3A = arith.index_cast %add3A_409 : i32 to index
      %swap3A_489 = tpu.vector_load %arg14[%swap3A] {strides = array<i32>} : memref<320xf32, #tpu.memory_space<vmem>>, vector<16xf32>,
      tpu.vector_store %arg14[%swap3A], %add3A_488 {strides = array<i32>} : memref<320xf32, #tpu.memory_space<vmem>>, vector<16xf32>,
    }
    %scan3A_399 = arith.constant 20 : i32
    %run_scoped3A = arith.constant 0 : i32
    "tpu.region"() ({
      %run_scoped3A_405 = tpu.sem_alloc : memref<!tpu.dma_semaphore, #tpu.memory_space<semaphore_mem>>
      %dma_start3A_406 = arith.constant 0 : i32
      %dma_start3A_407 = tpu.memref_slice %arg13[%run_scoped3A, %dma_start3A_406] : memref<16x320xf32, #tpu.memory_space<vmem>> -> memref<1x320xf32, #tpu.memory_space<vmem>>
      %dma_start3A_408 = tpu.memref_squeeze %dma_start3A_407 : memref<1x320xf32, #tpu.memory_space<vmem>> -> memref<320xf32, #tpu.memory_space<vmem>>
      %dma_start3A_409 = tpu.memref_slice %arg3[%multiple_of3A] : memref<10240xf32, #tpu.memory_space<hbm>> -> memref<320xf32, #tpu.memory_space<hbm>>
      %dma_start3A_410 = arith.constant 0 : i32
      %dma_start3A_411 = tpu.memref_slice %arg13[%run_scoped3A, %dma_start3A_410] : memref<16x320xf32, #tpu.memory_space<vmem>> -> memref<1x320xf32, #tpu.memory_space<vmem>>
      %dma_start3A_412 = tpu.memref_squeeze %dma_start3A_411 : memref<1x320xf32, #tpu.memory_space<vmem>> -> memref<320xf32, #tpu.memory_space<vmem>>
      %dma_start3A_413 = tpu.memref_slice %arg3[%multiple_of3A] : memref<10240xf32, #tpu.memory_space<hbm>> -> memref<320xf32, #tpu.memory_space<hbm>>
      tpu.enqueue_dma source(%dma_start3A_413 : memref<320xf32, #tpu.memory_space<hbm>>) target(%dma_start3A_412 : memref<320xf32, #tpu.memory_space<vmem>>) target_semaphore(%run_scoped3A_405 : memref<!tpu.dma_semaphore, #tpu.memory_space<semaphore_mem>>)
      %dma_wait3A_414 = arith.constant 0 : i32
      %dma_wait3A_415 = tpu.memref_slice %arg13[%run_scoped3A, %dma_wait3A_414] : memref<16x320xf32, #tpu.memory_space<vmem>> -> memref<1x320xf32, #tpu.memory_space<vmem>>
      %dma_wait3A_416 = tpu.memref_squeeze %dma_wait3A_415 : memref<1x320xf32, #tpu.memory_space<vmem>> -> memref<320xf32, #tpu.memory_space<vmem>>
      %dma_wait3A_417 = tpu.memref_slice %arg3[%multiple_of3A] : memref<10240xf32, #tpu.memory_space<hbm>> -> memref<320xf32, #tpu.memory_space<hbm>>
      %dma_wait3A_418 = arith.constant 0 : i32
      %dma_wait3A_419 = tpu.memref_slice %arg13[%run_scoped3A, %dma_wait3A_418] : memref<16x320xf32, #tpu.memory_space<vmem>> -> memref<1x320xf32, #tpu.memory_space<vmem>>
      %dma_wait3A_420 = tpu.memref_squeeze %dma_wait3A_419 : memref<1x320xf32, #tpu.memory_space<vmem>> -> memref<320xf32, #tpu.memory_space<vmem>>
      %dma_wait3A_421 = tpu.memref_slice %arg3[%multiple_of3A] : memref<10240xf32, #tpu.memory_space<hbm>> -> memref<320xf32, #tpu.memory_space<hbm>>
      tpu.wait_dma2 semaphore(%run_scoped3A_405 : memref<!tpu.dma_semaphore, #tpu.memory_space<semaphore_mem>>) src(%dma_wait3A_421 : memref<320xf32, #tpu.memory_space<hbm>>) dst(%dma_wait3A_420 : memref<320xf32, #tpu.memory_space<vmem>>)
      tpu.yield
    }) : () -> ()
    %scan3A_400 = arith.constant 0 : i32
    %scan3A_401 = arith.constant 20 : i32
    %scan3A_402 = arith.addi %scan3A_400, %scan3A_401 : i32
    %scan3A_403 = arith.constant 1 : i32
    scf.for %scan3A_405 = %scan3A_400 to %scan3A_402 step %scan3A_403  : i32 {
      %mul3A_406 = arith.constant 16 : i32
      %mul3A_407 = arith.muli %scan3A_405, %mul3A_406 : i32
      %add3A_408 = arith.constant 0 : i32
      %add3A_409 = arith.addi %add3A_408, %mul3A_407 : i32
      %get3A_410 = arith.constant 0 : i32
      %get3A_411 = arith.index_cast %get3A_410 : i32 to index
      %get3A_412 = arith.index_cast %add3A_409 : i32 to index
      %get3A_413 = tpu.vector_load %arg13[%get3A_411, %get3A_412] {strides = array<i32>} : memref<16x320xf32, #tpu.memory_space<vmem>>, vector<16xf32>,
      %add3A_414 = arith.addi %multiple_of3A, %add3A_409 : i32
      %multiple_of3A_415 = tpu.assume_multiple %add3A_414, 8 : i32
      %get3A_416 = arith.index_cast %multiple_of3A_415 : i32 to index
      %get3A_417 = tpu.vector_load %arg10[%get3A_416] {strides = array<i32>} : memref<10240xf32, #tpu.memory_space<vmem>>, vector<16xf32>,
      %get3A_418 = arith.index_cast %add3A_409 : i32 to index
      %get3A_419 = tpu.vector_load %arg14[%get3A_418] {strides = array<i32>} : memref<320xf32, #tpu.memory_space<vmem>>, vector<16xf32>,
      %mul3A_420 = arith.mulf %get3A_413, %get3A_419 : vector<16xf32>
      %mul3A_421 = arith.mulf %get3A_413, %get3A_413 : vector<16xf32>
      %mul3A_422 = arith.mulf %mul3A_421, %get3A_417 : vector<16xf32>
      %add3A_423 = arith.addf %mul3A_420, %mul3A_422 : vector<16xf32>
      %add3A_424 = arith.addf %add3A_423, %get3A_394 : vector<16xf32>
      %neg3A = arith.constant 0.000000e+00 : f32
      %neg3A_425 = vector.broadcast %neg3A : f32 to vector<16xf32>
      %neg3A_426 = arith.subf %neg3A_425, %add3A_424 : vector<16xf32>
      %exp3A = math.exp %neg3A_426 : vector<16xf32>
      %add3A_427 = arith.constant 1.000000e+00 : f32
      %add3A_428 = vector.broadcast %add3A_427 : f32 to vector<16xf32>
      %add3A_429 = arith.addf %add3A_428, %exp3A : vector<16xf32>
      %div3A = arith.constant 1.000000e+00 : f32
      %div3A_430 = vector.broadcast %div3A : f32 to vector<16xf32>
      %div3A_431 = arith.divf %div3A_430, %add3A_429 : vector<16xf32>
      %swap3A = arith.index_cast %add3A_409 : i32 to index
      %swap3A_432 = tpu.vector_load %arg14[%swap3A] {strides = array<i32>} : memref<320xf32, #tpu.memory_space<vmem>>, vector<16xf32>,
      tpu.vector_store %arg14[%swap3A], %div3A_431 {strides = array<i32>} : memref<320xf32, #tpu.memory_space<vmem>>, vector<16xf32>,
    }
    %scan3A_404 = arith.constant 20 : i32
    "tpu.region"() ({
      %run_scoped3A_405 = tpu.sem_alloc : memref<!tpu.dma_semaphore, #tpu.memory_space<semaphore_mem>>
      %dma_start3A_406 = tpu.memref_slice %arg7[%multiple_of3A] : memref<10240xf32, #tpu.memory_space<hbm>> -> memref<320xf32, #tpu.memory_space<hbm>>
      %dma_start3A_407 = tpu.memref_slice %arg7[%multiple_of3A] : memref<10240xf32, #tpu.memory_space<hbm>> -> memref<320xf32, #tpu.memory_space<hbm>>
      tpu.enqueue_dma source(%arg14 : memref<320xf32, #tpu.memory_space<vmem>>) target(%dma_start3A_407 : memref<320xf32, #tpu.memory_space<hbm>>) target_semaphore(%run_scoped3A_405 : memref<!tpu.dma_semaphore, #tpu.memory_space<semaphore_mem>>)
      %dma_wait3A_408 = tpu.memref_slice %arg7[%multiple_of3A] : memref<10240xf32, #tpu.memory_space<hbm>> -> memref<320xf32, #tpu.memory_space<hbm>>
      %dma_wait3A_409 = tpu.memref_slice %arg7[%multiple_of3A] : memref<10240xf32, #tpu.memory_space<hbm>> -> memref<320xf32, #tpu.memory_space<hbm>>
      tpu.wait_dma2 semaphore(%run_scoped3A_405 : memref<!tpu.dma_semaphore, #tpu.memory_space<semaphore_mem>>) src(%arg14 : memref<320xf32, #tpu.memory_space<vmem>>) dst(%dma_wait3A_409 : memref<320xf32, #tpu.memory_space<hbm>>)
      tpu.yield
    }) : () -> ()
    return
  }
}

module attributes {stable_mosaic.version = 14 : i64} {
  func.func @body(%arg0: i32, %arg1: memref<4x2000x32xf32, #tpu.memory_space<vmem>>, %arg2: memref<2000x1xf32, #tpu.memory_space<vmem>>, %arg3: memref<4x2000x32xf32, #tpu.memory_space<vmem>>, %arg4: memref<128x128xf32, #tpu.memory_space<vmem>>, %arg5: memref<1x128xf32, #tpu.memory_space<vmem>>, %arg6: memref<128x1xf32, #tpu.memory_space<vmem>>, %arg7: memref<2000x1xf32, #tpu.memory_space<vmem>>) attributes {dimension_semantics = [#tpu.dimension_semantics<arbitrary>], iteration_bounds = array<i64: 5>, scalar_prefetch = 0 : i64, scratch_operands = 0 : i64, tpu.core_type = #tpu.core_type<tc>, window_params = [{transform_indices = @transform_0, window_bounds = array<i64: 4, 2000, 32>}, {transform_indices = @transform_1, window_bounds = array<i64: 2000, 1>}, {transform_indices = @transform_2, window_bounds = array<i64: 4, 2000, 32>}, {pipeline_mode = #tpu.pipeline_mode<synchronous>, transform_indices = @transform_3, window_bounds = array<i64: 128, 128>}, {pipeline_mode = #tpu.pipeline_mode<synchronous>, transform_indices = @transform_4, window_bounds = array<i64: 1, 128>}, {pipeline_mode = #tpu.pipeline_mode<synchronous>, transform_indices = @transform_5, window_bounds = array<i64: 128, 1>}, {transform_indices = @transform_6, window_bounds = array<i64: 2000, 1>}]} {
    %get3A = arith.constant 0 : index
    %get3A_0 = arith.constant 0 : index
    %get3A_1 = arith.constant 0 : index
    %get3A_2 = vector.load %arg1[%get3A, %get3A_0, %get3A_1] : memref<4x2000x32xf32, #tpu.memory_space<vmem>>, vector<1x2000x32xf32>
    %get3A_3 = vector.shape_cast %get3A_2 : vector<1x2000x32xf32> to vector<2000x32xf32>
    %get3A_4 = arith.constant 1 : index
    %get3A_5 = arith.constant 0 : index
    %get3A_6 = arith.constant 0 : index
    %get3A_7 = vector.load %arg1[%get3A_4, %get3A_5, %get3A_6] : memref<4x2000x32xf32, #tpu.memory_space<vmem>>, vector<1x2000x32xf32>
    %get3A_8 = vector.shape_cast %get3A_7 : vector<1x2000x32xf32> to vector<2000x32xf32>
    %get3A_9 = arith.constant 2 : index
    %get3A_10 = arith.constant 0 : index
    %get3A_11 = arith.constant 0 : index
    %get3A_12 = vector.load %arg1[%get3A_9, %get3A_10, %get3A_11] : memref<4x2000x32xf32, #tpu.memory_space<vmem>>, vector<1x2000x32xf32>
    %get3A_13 = vector.shape_cast %get3A_12 : vector<1x2000x32xf32> to vector<2000x32xf32>
    %get3A_14 = arith.constant 3 : index
    %get3A_15 = arith.constant 0 : index
    %get3A_16 = arith.constant 0 : index
    %get3A_17 = vector.load %arg1[%get3A_14, %get3A_15, %get3A_16] : memref<4x2000x32xf32, #tpu.memory_space<vmem>>, vector<1x2000x32xf32>
    %get3A_18 = vector.shape_cast %get3A_17 : vector<1x2000x32xf32> to vector<2000x32xf32>
    %concatenate3A = tpu.concatenate %get3A_3, %get3A_8, %get3A_13, %get3A_18 in 1 : vector<2000x32xf32>, vector<2000x32xf32>, vector<2000x32xf32>, vector<2000x32xf32> -> vector<2000x128xf32>
    %get3A_19 = arith.constant 0 : index
    %get3A_20 = arith.constant 0 : index
    %get3A_21 = arith.constant 0 : index
    %get3A_22 = vector.load %arg3[%get3A_19, %get3A_20, %get3A_21] : memref<4x2000x32xf32, #tpu.memory_space<vmem>>, vector<1x2000x32xf32>
    %get3A_23 = vector.shape_cast %get3A_22 : vector<1x2000x32xf32> to vector<2000x32xf32>
    %get3A_24 = arith.constant 1 : index
    %get3A_25 = arith.constant 0 : index
    %get3A_26 = arith.constant 0 : index
    %get3A_27 = vector.load %arg3[%get3A_24, %get3A_25, %get3A_26] : memref<4x2000x32xf32, #tpu.memory_space<vmem>>, vector<1x2000x32xf32>
    %get3A_28 = vector.shape_cast %get3A_27 : vector<1x2000x32xf32> to vector<2000x32xf32>
    %get3A_29 = arith.constant 2 : index
    %get3A_30 = arith.constant 0 : index
    %get3A_31 = arith.constant 0 : index
    %get3A_32 = vector.load %arg3[%get3A_29, %get3A_30, %get3A_31] : memref<4x2000x32xf32, #tpu.memory_space<vmem>>, vector<1x2000x32xf32>
    %get3A_33 = vector.shape_cast %get3A_32 : vector<1x2000x32xf32> to vector<2000x32xf32>
    %get3A_34 = arith.constant 3 : index
    %get3A_35 = arith.constant 0 : index
    %get3A_36 = arith.constant 0 : index
    %get3A_37 = vector.load %arg3[%get3A_34, %get3A_35, %get3A_36] : memref<4x2000x32xf32, #tpu.memory_space<vmem>>, vector<1x2000x32xf32>
    %get3A_38 = vector.shape_cast %get3A_37 : vector<1x2000x32xf32> to vector<2000x32xf32>
    %concatenate3A_39 = tpu.concatenate %get3A_23, %get3A_28, %get3A_33, %get3A_38 in 1 : vector<2000x32xf32>, vector<2000x32xf32>, vector<2000x32xf32>, vector<2000x32xf32> -> vector<2000x128xf32>
    %get3A_40 = arith.constant 0 : index
    %get3A_41 = arith.constant 0 : index
    %get3A_42 = vector.load %arg2[%get3A_40, %get3A_41] : memref<2000x1xf32, #tpu.memory_space<vmem>>, vector<2000x1xf32>
    %mul3A = vector.broadcast %get3A_42 : vector<2000x1xf32> to vector<2000x128xf32>
    %mul3A_43 = arith.mulf %mul3A, %concatenate3A : vector<2000x128xf32>
    %mul3A_44 = arith.mulf %get3A_42, %get3A_42 : vector<2000x1xf32>
    %mul3A_45 = vector.broadcast %mul3A_44 : vector<2000x1xf32> to vector<2000x128xf32>
    %mul3A_46 = arith.mulf %mul3A_45, %concatenate3A_39 : vector<2000x128xf32>
    %add3A = arith.addf %mul3A_43, %mul3A_46 : vector<2000x128xf32>
    %get3A_47 = arith.constant 0 : index
    %get3A_48 = arith.constant 0 : index
    %get3A_49 = vector.load %arg4[%get3A_47, %get3A_48] : memref<128x128xf32, #tpu.memory_space<vmem>>, vector<128x128xf32>
    %dot_general3A = arith.constant dense<0.000000e+00> : vector<2000x128xf32>
    %dot_general3A_50 = tpu.matmul %add3A, %get3A_49, %dot_general3A {dimension_numbers = #tpu.dot_dimension_numbers<[1], [0], [0], [1], [0, 0, 1, 1], [], []>, precision = #tpu.contract_precision<fp32>, transpose_lhs_hint = false} : vector<2000x128xf32>, vector<128x128xf32>, vector<2000x128xf32> -> vector<2000x128xf32>
    %get3A_51 = arith.constant 0 : index
    %get3A_52 = arith.constant 0 : index
    %get3A_53 = vector.load %arg5[%get3A_51, %get3A_52] : memref<1x128xf32, #tpu.memory_space<vmem>>, vector<1x128xf32>
    %add3A_54 = vector.broadcast %get3A_53 : vector<1x128xf32> to vector<2000x128xf32>
    %add3A_55 = arith.addf %dot_general3A_50, %add3A_54 : vector<2000x128xf32>
    %logistic3A = arith.negf %add3A_55 : vector<2000x128xf32>
    %logistic3A_56 = math.exp %logistic3A : vector<2000x128xf32>
    %logistic3A_57 = arith.constant 1.000000e+00 : f32
    %logistic3A_58 = vector.broadcast %logistic3A_57 : f32 to vector<2000x128xf32>
    %logistic3A_59 = arith.addf %logistic3A_58, %logistic3A_56 : vector<2000x128xf32>
    %logistic3A_60 = arith.divf %logistic3A_58, %logistic3A_59 : vector<2000x128xf32>
    %get3A_61 = arith.constant 0 : index
    %get3A_62 = arith.constant 0 : index
    %get3A_63 = vector.load %arg6[%get3A_61, %get3A_62] : memref<128x1xf32, #tpu.memory_space<vmem>>, vector<128x1xf32>
    %dot_general3A_64 = arith.constant dense<0.000000e+00> : vector<2000x1xf32>
    %dot_general3A_65 = tpu.matmul %logistic3A_60, %get3A_63, %dot_general3A_64 {dimension_numbers = #tpu.dot_dimension_numbers<[1], [0], [0], [1], [0, 0, 1, 1], [], []>, precision = #tpu.contract_precision<fp32>, transpose_lhs_hint = false} : vector<2000x128xf32>, vector<128x1xf32>, vector<2000x1xf32> -> vector<2000x1xf32>
    %mul3A_66 = arith.mulf %get3A_42, %dot_general3A_65 : vector<2000x1xf32>
    %swap3A = arith.constant 0 : index
    %swap3A_67 = arith.constant 0 : index
    %swap3A_68 = vector.load %arg7[%swap3A, %swap3A_67] : memref<2000x1xf32, #tpu.memory_space<vmem>>, vector<2000x1xf32>
    tpu.vector_store %arg7[%swap3A, %swap3A_67], %mul3A_66 {strides = array<i32>} : memref<2000x1xf32, #tpu.memory_space<vmem>>, vector<2000x1xf32>,
    return
  }
  func.func @transform_0(%arg0: i32) -> (i32, i32, i32) {
    %c0_i32 = arith.constant 0 : i32
    %c0_i32_0 = arith.constant 0 : i32
    %c0_i32_1 = arith.constant 0 : i32
    return %c0_i32, %arg0, %c0_i32_0 : i32, i32, i32
  }
  func.func @transform_1(%arg0: i32) -> (i32, i32) {
    %c0_i32 = arith.constant 0 : i32
    %c0_i32_0 = arith.constant 0 : i32
    return %arg0, %c0_i32 : i32, i32
  }
  func.func @transform_2(%arg0: i32) -> (i32, i32, i32) {
    %c0_i32 = arith.constant 0 : i32
    %c0_i32_0 = arith.constant 0 : i32
    %c0_i32_1 = arith.constant 0 : i32
    return %c0_i32, %arg0, %c0_i32_0 : i32, i32, i32
  }
  func.func @transform_3(%arg0: i32) -> (i32, i32) {
    %c0_i32 = arith.constant 0 : i32
    %c0_i32_0 = arith.constant 0 : i32
    %c0_i32_1 = arith.constant 0 : i32
    return %c0_i32, %c0_i32_0 : i32, i32
  }
  func.func @transform_4(%arg0: i32) -> (i32, i32) {
    %c0_i32 = arith.constant 0 : i32
    %c0_i32_0 = arith.constant 0 : i32
    %c0_i32_1 = arith.constant 0 : i32
    return %c0_i32, %c0_i32_0 : i32, i32
  }
  func.func @transform_5(%arg0: i32) -> (i32, i32) {
    %c0_i32 = arith.constant 0 : i32
    %c0_i32_0 = arith.constant 0 : i32
    %c0_i32_1 = arith.constant 0 : i32
    return %c0_i32, %c0_i32_0 : i32, i32
  }
  func.func @transform_6(%arg0: i32) -> (i32, i32) {
    %c0_i32 = arith.constant 0 : i32
    %c0_i32_0 = arith.constant 0 : i32
    return %arg0, %c0_i32 : i32, i32
  }
}

</mosaic_0001>

<sc_bundles>
// kernel: kernel.12.cloned.1.call-start
scs
__scs_entry_jumppad:
0x0: {  	(pc) =	sbr.rel $0x88, $3  }
0x1: {  	(tag) =	ssettag $0x0;
	lr =	simm.s32 $0x1  }
0x2: {  	[smem:$0x3F9B] =	sst lr;
	_ =	strace $0xD0000000  }
0x3: {  	_ = 	snop  }
0x4: {  	_ = 	snop  }
0x5: {  	_ = 	snop  }
0x6: {  	_ = 	snop  }
0x7: {  	_ = 	snop  }
__scs_overlays_trampoline_lowered:
0x8: {  	[smem:$0x3FAA] =	sst s0  }
0x9: {  	[smem:$0x3FAB] =	sst s1  }
0xa: {  	[smem:$0x3FAC] =	sst s2  }
0xb: {  	[smem:$0x3FAD] =	sst s3  }
0xc: {  	[smem:$0x3FAE] =	sst s4  }
0xd: {  	[smem:$0x3FAF] =	sst s5  }
0xe: {  	[smem:$0x3FB0] =	sst s6  }
0xf: {  	[smem:$0x3FB1] =	sst s7  }
0x10: {  	[smem:$0x3FB2] =	sst s8  }
0x11: {  	[smem:$0x3FB3] =	sst s9;
	s0 =	simm.s32 @!p0 $0x0  }
0x12: {  	s1 =	sld [smem:$0x3F99];
	s0 =	simm.s32 @p0 $0x1  }
0x13: {  	[smem:$0x3FB4] =	sst s0;
	s0 =	simm.s32 @!p1 $0x0  }
0x14: {  	s2 =	sld [smem:$0x3F98];
	s0 =	simm.s32 @p1 $0x1  }
0x15: {  	[smem:$0x3FB5] =	sst s0;
	s0 =	simm.s32 @!p2 $0x0  }
0x16: {  	s3 =	sld [smem:$0x3FDB];
	s0 =	simm.s32 @p2 $0x1  }
0x17: {  	s4 =	simm.s32 $0x1BF5;
	[smem:$0x3FB7] =	sst s0  }
0x18: {  	s0 =	sld [smem:$0x3F9A];
	_ =	swait.ge [sflag:s4], $0x0  }
0x19: {  	s7 =	sld [smem:$0x3F9B]  }
0x1a: {  	s8 =	sadd.s32 $0xFFFFE003, lr  }
0x1b: {  	s9 =	sadd.s32 $0xFFFFFEF7, lr;
	s5 =	simm.s32 $0xFFFFFFFF;
	p2 =	slt.u32 s8, $0xFFFFF086  }
0x1c: {  	p1 =	slt.u32 s9, $0xF7A;
	s5 =	simm.s32 @!p2 $0x0  }
0x1d: {  	s5 =	simm.s32 @p1 $0x1;
	p0 =	seq.s32 s7, s2  }
0x1e: {  	s7 =	smul.u32 @!p0 $0xF7A, s2;
	p2 =	seq.s32 @!p0 s5, $0x0  }
0x1f: {  	s9 =	smul.u32 $0xF7A, s1;
	s8 =	simm.s32 @!p0 $0x1BF5;
	p2 =	por !p2, p0  }
0x20: {  	[sflag:s8] =	ssyncset.s32 @!p0 $0xFFFFF086;
	s6 =	sadd.s32 @!p0 s3, s7;
	s7 =	simm.s32 @!p0 $0x108  }
0x21: {  	s3 =	sadd.s32 s3, s9;
	s6 =	sadd.s32 @!p0 $0x88, s6;
	s7 =	simm.s32 @p2 $0x1082  }
0x22: {  	[simem:s7], [sflag:s8] =	dma.local @!p0 [hbm:s6], $0xF7A  }
0x23: {  	s9 =	sor.u32 $0xD0000000, s2;
	s6 =	simm.s32 $0x108;
	_ =	swait.ge @!p0 [sflag:s8], $0x0  }
0x24: {  	s3 =	sadd.s32 $0x88, s3;
	s6 =	simm.s32 @!p1 $0x1082;
	[sflag:s4] =	ssyncset.s32 $0xFFFFF086  }
0x25: {  	[simem:s6], [sflag:s4] =	dma.local [hbm:s3], $0xF7A  }
0x26: {  	[smem:$0x3F9B] =	sst s1;
	(tag) =	ssettag s2;
	_ =	strace s9  }
0x27: {  	s1 =	sld [smem:$0x3FAB]  }
0x28: {  	s2 =	sld [smem:$0x3FAC]  }
0x29: {  	s4 =	sld [smem:$0x3FAE]  }
0x2a: {  	p0 =	seq.s32 s5, $0x0;
	s5 =	sld [smem:$0x3FAF]  }
0x2b: {  	s6 =	sld [smem:$0x3FB0]  }
0x2c: {  	s7 =	sld [smem:$0x3FB1]  }
0x2d: {  	s3 =	simm.s32 $0x108;
	s8 =	sld [smem:$0x3FB2]  }
0x2e: {  	s3 =	simm.s32 @!p0 $0x1082;
	s9 =	sld [smem:$0x3FB3]  }
0x2f: {  	lr =	sadd.s32 s0, s3;
	s0 =	sld [smem:$0x3FAA]  }
0x30: {  	s3 =	sld [smem:$0x3FAD]  }
0x31: {  	[smem:$0x3FB6] =	sst s10  }
0x32: {  	s10 =	sld [smem:$0x3FB4];
	_ =	sdelay $0x3  }
0x33: {  	p0 =	seq.s32 s10, $0x1;
	s10 =	sld [smem:$0x3FB6];
	_ =	sdelay $0x3  }
0x34: {  	[smem:$0x3FB6] =	sst s10  }
0x35: {  	s10 =	sld [smem:$0x3FB5];
	_ =	sdelay $0x3  }
0x36: {  	p1 =	seq.s32 s10, $0x1;
	s10 =	sld [smem:$0x3FB6];
	_ =	sdelay $0x3  }
0x37: {  	[smem:$0x3FB6] =	sst s10  }
0x38: {  	s10 =	sld [smem:$0x3FB7]  }
0x39: {  	_ = 	snop;
	(pc) =	sbr.ind lr, $3  }
0x3a: {  	_ = 	snop  }
0x3b: {  	_ = 	snop  }
0x3c: {  	p2 =	seq.s32 s10, $0x1;
	s10 =	sld [smem:$0x3FB6]  }
0x3d: {  	_ =	shalt  }
0x3e: {  	_ =	shalt  }
0x3f: {  	_ =	shalt  }
0x40: {  	_ =	shalt  }
0x41: {  	_ =	shalt  }
0x42: {  	_ =	shalt  }
0x43: {  	_ =	shalt  }
0x44: {  	_ =	shalt  }
0x45: {  	_ =	shalt  }
0x46: {  	_ =	shalt  }
0x47: {  	_ =	shalt  }
0x48: {  	_ =	shalt  }
0x49: {  	_ =	shalt  }
0x4a: {  	_ =	shalt  }
0x4b: {  	_ =	shalt  }
0x4c: {  	_ =	shalt  }
0x4d: {  	_ =	shalt  }
0x4e: {  	_ =	shalt  }
0x4f: {  	_ =	shalt  }
0x50: {  	_ =	shalt  }
0x51: {  	_ =	shalt  }
0x52: {  	_ =	shalt  }
0x53: {  	_ =	shalt  }
0x54: {  	_ =	shalt  }
0x55: {  	_ =	shalt  }
0x56: {  	_ =	shalt  }
0x57: {  	_ =	shalt  }
0x58: {  	_ =	shalt  }
0x59: {  	_ =	shalt  }
0x5a: {  	_ =	shalt  }
0x5b: {  	_ =	shalt  }
0x5c: {  	_ =	shalt  }
0x5d: {  	_ =	shalt  }
0x5e: {  	_ =	shalt  }
0x5f: {  	_ =	shalt  }
0x60: {  	_ =	shalt  }
0x61: {  	_ =	shalt  }
0x62: {  	_ =	shalt  }
0x63: {  	_ =	shalt  }
0x64: {  	_ =	shalt  }
0x65: {  	_ =	shalt  }
0x66: {  	_ =	shalt  }
0x67: {  	_ =	shalt  }
0x68: {  	_ =	shalt  }
0x69: {  	_ =	shalt  }
0x6a: {  	_ =	shalt  }
0x6b: {  	_ =	shalt  }
0x6c: {  	_ =	shalt  }
0x6d: {  	_ =	shalt  }
0x6e: {  	_ =	shalt  }
0x6f: {  	_ =	shalt  }
0x70: {  	_ =	shalt  }
0x71: {  	_ =	shalt  }
0x72: {  	_ =	shalt  }
0x73: {  	_ =	shalt  }
0x74: {  	_ =	shalt  }
0x75: {  	_ =	shalt  }
0x76: {  	_ =	shalt  }
0x77: {  	_ =	shalt  }
0x78: {  	_ =	shalt  }
0x79: {  	_ =	shalt  }
0x7a: {  	_ =	shalt  }
0x7b: {  	_ =	shalt  }
0x7c: {  	_ =	shalt  }
0x7d: {  	_ =	shalt  }
0x7e: {  	_ =	shalt  }
0x7f: {  	_ =	shalt  }
0x80: {  	_ =	shalt  }
0x81: {  	_ =	shalt  }
0x82: {  	_ =	shalt  }
0x83: {  	_ =	shalt  }
0x84: {  	_ =	shalt  }
0x85: {  	_ =	shalt  }
0x86: {  	_ =	shalt  }
0x87: {  	_ =	shalt  }
.Lfunc_end0:
.L_simem_size_0:
called_computation.2_lowered:
.L_overlay_start_0:
0x88: {  	s2 =	sld [smem:$0x3FD9]  }
0x89: {  	s3 =	sld [smem:$0x3FFE];
	_ =	sdelay $0x1  }
0x8a: {  	s1 =	srdreg.scid  }
0x8b: {  	s0 =	sand.u32 $0x1, s1  }
0x8c: {  	s16 =	sshll.u32 s0, $0xA;
	s2 =	sadd.s32 s3, s2  }
0x8d: {  	s2 =	sadd.s32 s2, s16  }
0x8e: {  	[smem:$0x3FC2] =	sst s2  }
0x8f: {  	_ = 	snop  }
0x90: {  	(tm) =	ssettm $0x1  }
0x91: {  	s17 =	sld [smem:$0x3FFB];
	_ =	sdelay $0x3  }
0x92: {  	_ =	strace s17  }
0x93: {  	s2 =	sld [smem:$0x3FFC];
	_ =	sdelay $0x3  }
0x94: {  	_ =	strace s2  }
0x95: {  	s2 =	sld [smem:$0x3FFD];
	_ =	sdelay $0x3  }
0x96: {  	_ =	strace s2  }
0x97: {  	_ =	strace $0x8FFFFFFF  }
0x98: {  	s18 =	sld [smem:$0x3FDB];
	_ =	sdelay $0x1  }
0x99: {  	s19 =	simm.s32 $_scs_section_size  }
0x9a: {  	s4 =	simm.s32 $_size__tile_overlayer_lowered;
	s5 =	simm.s32 $_tile_overlayer_lowered  }
0x9b: {  	s22 =	simm.s32 $0x1BFF;
	s21 =	sshll.u32 s5, $0x1;
	s2 =	sadd.s32 s19, s18  }
0x9c: {  	s6 =	simm.s32 $0x0;
	s20 =	sshll.u32 s4, $0x1;
	s4 =	sadd.s32 s21, s2  }
0x9d: {  	[timem:s6], [sflag:s22] =	dma.local [hbm:s4], s20  }
0x9e: {  	_ =	swait.ge [sflag:s22], s20  }
0x9f: {  	s3 =	ssub.s32 $0x0, s20;
	[sflag:s22] =	ssyncset.done $0x0  }
0xa0: {  	[sflag:s22] =	ssyncadd.s32 s3;
	_ =	sdelay $0x1  }
0xa1: {  	s23 =	simm.s32 $0x1B8B  }
0xa2: {  	_ =	swait.ge [sflag:s23], $0x1  }
0xa3: {  	[sflag:s23] =	ssyncset.done $0x0  }
0xa4: {  	s25 =	simm.s32 $0x1B8E;
	s24 =	sld [smem:$0x3FFE];
	[sflag:s23] =	ssyncadd.s32 $0xFFFFFFFF  }
0xa5: {  	s26 =	simm.s32 $execute0_lowered;
	[smem:$0x3FD2] =	sst s25  }
0xa6: {  	s4 =	sshll.u32 s26, $0x1;
	_ =	strace $0x8000004C;
	[dreg:$0x1] =	wrdreg $0xFFFFFFFF  }
0xa7: {  	s28 =	simm.s32 $_size_execute0_lowered;
	s2 =	sadd.s32 s2, s4;
	[dreg:$0x0] =	wrdreg $0x0  }
0xa8: {  	s4 =	sshll.u32 s28, $0x1;
	[dreg:$0x2] =	wrdreg s2  }
0xa9: {  	[dreg:$0x3] =	wrdreg s4  }
0xaa: {  	[dreg:$0x4] =	wrdreg $0xC0  }
0xab: {  	_ =	task [dreg:s6], $0x5FFFF  }
0xac: {  	[dreg:$0x1] =	wrdreg $0xFFFFFFFF  }
0xad: {  	[dreg:$0x0] =	wrdreg $0x60  }
0xae: {  	[dreg:$0x2] =	wrdreg s24  }
0xaf: {  	[dreg:$0x3] =	wrdreg $0xF0000  }
0xb0: {  	[dreg:$0x4] =	wrdreg $0x9  }
0xb1: {  	_ =	task.clear_ibuf [dreg:s6], $0x5FFFF;
	_ =	strace $0x9000004C  }
0xb2: {  	s29 =	simm.s32 $0x9;
	_ =	strace $0x8000004E  }
0xb3: {  	_ =	swait.ge [sflag:s29], $0x1  }
0xb4: {  	[sflag:s29] =	ssyncadd.s32 $0xFFFFFFFF  }
0xb5: {  	_ =	strace $0x9000004E  }
0xb6: {  	_ =	sfence  }
0xb7: {  	s30 =	sld [smem:$0x0];
	_ =	sdelay $0x2  }
0xb8: {  	s31 =	sshll.u32 s1, $0xD;
	s1 =	sshrl.u32 s1, $0x2  }
0xb9: {  	s3 =	sand.u32 $0x4000, s31;
	s1 =	sadd.s32 s1, s30  }
0xba: {  	s0 =	sor.u32 s3, s0;
	s1 =	sshll.u32 s1, $0x11  }
0xbb: {  	s0 =	sor.u32 s1, s0  }
0xbc: {  	s0 =	sadd.s32 $0x8F2B, s0  }
0xbd: {  	[sflag:s0] =	ssyncadd.remote.s32 $0x1  }
0xbe: {  	_ =	sfence.sel $0xFFFF  }
0xbf: {  	[dreg:$0x0] =	wrdreg $0xFFFFFFFF;
	(pc) =	sbr.abs _section_cstart, $3  }
0xc0: {  	[dreg:$0x1] =	wrdreg $0xFFFFFFFF  }
0xc1: {  	_ =	task.clear_ibuf [dreg:s6], $0x2FFFF;
	_ =	strace $0x9FFFFFFF  }
0xc2: {  	(tm) =	ssettm $0x7FFFFFFF  }
0xc3: {  	_ =	shalt  }
tec
execute0_lowered:
.L_overlay_start_1:
0x0: {  	(tag) =	ssettag $0x1  }
0x1: {  	s0 =	rddreg [dreg:$0x0]  }
0x2: {  	s1 =	rddreg [dreg:$0x1]  }
0x3: {  	s2 =	srdreg.scid;
	s8 =	stileid.u32  }
0x4: {  	s28 =	simm.s32 $0x2;
	s30 =	simm.s32 $0xA000;
	s5 =	smul.u32 $0x140, s8  }
0x5: {  	s31 =	simm.s32 $0x1;
	s3 =	sand.u32 $0x1, s2;
	s23 =	smul.u32 $0xA00, s8  }
0x6: {  	s2 =	simm.s32 $0x0;
	s6 =	sadd.s32 $0xAE00, s0;
	s8 =	smul.u32 $0xA000, s8  }
0x7: {  	s22 =	sadd.s32 $0xB400, s0;
	s4 =	smul.u32 $0x1400, s3;
	[smem:$0x7FF] =	sst s2  }
0x8: {  	s3 =	ssub.s32 $0x2, s3;
	_ =	strace $0x8000004D;
	[dreg:$0x3] =	wrdreg s6  }
0x9: {  	s29 =	simm.s32 $0x0;
	[dreg:$0x4] =	wrdreg s22;
	s7 =	sshrl.u32 s3, $0x1  }
0xa: {  	s9 =	sadd.s32 s23, s0;
	s25 =	sshrl.u32 s8, $0x2;
	s4 =	sadd.s32 s5, s4  }
0xb: {  	s3 =	ssub.s32 s3, s7;
	s24 =	sadd.s32 $0x5B400, s9;
	s26 =	sadd.s32 $0xE00, s9  }
0xc: {  	s8 =	sadd.s32 s25, s1;
	s5 =	sshrl.u32 s4, $0x3;
	[dreg:$0x5] =	wrdreg s24  }
0xd: {  	s6 =	sadd.s32 s4, s1;
	[dreg:$0x6] =	wrdreg s26;
	s4 =	sadd.s32 $0xA000, s4  }
0xe: {  	s24 =	smax.u32 s3, $0x1;
	s1 =	simm.s32 $0x11800;
	s0 =	sadd.s32 s5, s0  }
0xf: {  	s9 =	sadd.s32 $0x2800, s6;
	s10 =	sadd.s32 $0x5000, s6;
	s11 =	sadd.s32 $0x7800, s6  }
0x10: {  	s12 =	sadd.s32 $0xA000, s6;
	s13 =	sadd.s32 $0xC800, s6;
	s14 =	sadd.s32 $0xF000, s6  }
0x11: {  	s15 =	sadd.s32 $0x11800, s6;
	s16 =	sadd.s32 $0x14000, s6;
	s17 =	sadd.s32 $0x16800, s6;
	v0 =	vmov s4  }
0x12: {  	s18 =	sadd.s32 $0x19000, s6;
	s19 =	sadd.s32 $0x1B800, s6;
	s20 =	sadd.s32 $0x1E000, s6  }
0x13: {  	s21 =	sadd.s32 $0x20800, s6;
	s25 =	sadd.s32 $0x23000, s6;
	s26 =	sadd.s32 $0x25800, s6  }
0x14: {  	v1 =	vimm.f32 $0.0e+00;
	s22 =	sadd.s32 $0x5AE00, s0;
	s23 =	sadd.s32 $0xB600, s0;
	s0 =	simm.s32 $0xC800  }
.LBB2_1:
0x15: {  	s3 =	rddreg [dreg:$0x5]  }
0x16: {  	[tilespmem:s2], [sflag:$0x2] =	stream.linear.gather [hbm4b:s3+s2], $0x5000, $0x38;
	[tilespmem:$0x12D50] =	vst v63  }
0x17: {  	_ =	swait.ge [sflag:s28], $0x5000  }
0x18: {  	[sflag:s28] =	ssyncset.done $0x0  }
0x19: {  	s4 =	simm.s32 $0x5000;
	s7 =	rddreg [dreg:$0x6];
	[sflag:s28] =	ssyncadd.s32 $0xFFFFB000  }
0x1a: {  	[tilespmem:s4], [sflag:$0x2] =	stream.linear.gather [hbm4b:s7+s2], $0x5000, $0x38;
	[tilespmem:$0x12D50] =	vst v63  }
0x1b: {  	_ =	swait.ge [sflag:s28], $0x5000  }
0x1c: {  	[sflag:s28] =	ssyncset.done $0x0  }
0x1d: {  	s4 =	rddreg [dreg:$0x3];
	[sflag:s28] =	ssyncadd.s32 $0xFFFFB000  }
0x1e: {  	[tilespmem:s30], [sflag:$0x2] =	stream.linear.gather [hbm4b:s4+s2], $0x2800, $0x38;
	[tilespmem:$0x12D50] =	vst v63  }
0x1f: {  	_ =	swait.ge [sflag:s28], $0x2800  }
0x20: {  	[sflag:s28] =	ssyncset.done $0x0  }
0x21: {  	s7 =	simm.s32 $0x12D40;
	s5 =	rddreg [dreg:$0x4];
	[sflag:s28] =	ssyncadd.s32 $0xFFFFD800  }
0x22: {  	[tilespmem:s7], [sflag:$0x2] =	stream.linear.gather [hbm4b:s5+s2], $0x10, $0x38;
	[tilespmem:$0x12D50] =	vst v63  }
0x23: {  	_ =	swait.ge [sflag:s28], $0x10  }
0x24: {  	[sflag:s28] =	ssyncset.done $0x0  }
0x25: {  	s3 =	simm.s32 $0x0;
	[sflag:s28] =	ssyncadd.s32 $0xFFFFFFF0  }
.LBB2_2:
0x26: {  	p0 =	sne.s32 s3, $0x9FC0  }
.Ltmp0:
0x27: {  	_ = 	snop;
	(pc) =	sbr.rel @p0 .LBB2_2-.Ltmp0, $3  }
0x28: {  	_ =	sdelay $0x1  }
0x29: {  	s4 =	sshra.s32 s3, $0x2  }
0x2a: {  	s3 =	sadd.s32 $0x40, s3;
	[tilespmem:s4+$0xC800] =	vst v1  }
0x2b: {  	s3 =	simm.s32 $0x0  }
.LBB2_4:
0x2c: {  	s4 =	sshra.s32 s3, $0x2  }
0x2d: {  	v2 =	vld [tilespmem:s4+$0x0];
	_ =	sdelay $0x4  }
0x2e: {  	v3 =	vld [tilespmem:s4+$0x5000];
	_ =	sdelay $0x2  }
0x2f: {  	v2 =	vld.idx.msk [tilespmem:v2+s30+$0x0], $0xffff;
	_ =	sdelay $0x4  }
0x30: {  	[tilespmem:v3+s0+$0x0] =	vst.idx.add.f32.msk $0xffff, v2  }
0x31: {  	v2 =	vld [tilespmem:s4+$0x10];
	_ =	sdelay $0x4  }
0x32: {  	v3 =	vld [tilespmem:s4+$0x5010];
	_ =	sdelay $0x2  }
0x33: {  	v2 =	vld.idx.msk [tilespmem:v2+s30+$0x0], $0xffff;
	_ =	sdelay $0x4  }
0x34: {  	[tilespmem:v3+s0+$0x0] =	vst.idx.add.f32.msk $0xffff, v2  }
0x35: {  	v2 =	vld [tilespmem:s4+$0x20];
	_ =	sdelay $0x4  }
0x36: {  	v3 =	vld [tilespmem:s4+$0x5020];
	_ =	sdelay $0x2  }
0x37: {  	v2 =	vld.idx.msk [tilespmem:v2+s30+$0x0], $0xffff;
	_ =	sdelay $0x4  }
0x38: {  	[tilespmem:v3+s0+$0x0] =	vst.idx.add.f32.msk $0xffff, v2  }
0x39: {  	v2 =	vld [tilespmem:s4+$0x30];
	_ =	sdelay $0x4  }
0x3a: {  	v3 =	vld [tilespmem:s4+$0x5030];
	_ =	sdelay $0x2  }
0x3b: {  	v2 =	vld.idx.msk [tilespmem:v2+s30+$0x0], $0xffff;
	_ =	sdelay $0x4  }
0x3c: {  	[tilespmem:v3+s0+$0x0] =	vst.idx.add.f32.msk $0xffff, v2  }
0x3d: {  	v2 =	vld [tilespmem:s4+$0x40];
	_ =	sdelay $0x4  }
0x3e: {  	v3 =	vld [tilespmem:s4+$0x5040];
	_ =	sdelay $0x2  }
0x3f: {  	v2 =	vld.idx.msk [tilespmem:v2+s30+$0x0], $0xffff;
	_ =	sdelay $0x4  }
0x40: {  	[tilespmem:v3+s0+$0x0] =	vst.idx.add.f32.msk $0xffff, v2  }
0x41: {  	v2 =	vld [tilespmem:s4+$0x50];
	_ =	sdelay $0x4  }
0x42: {  	v3 =	vld [tilespmem:s4+$0x5050];
	_ =	sdelay $0x2  }
0x43: {  	v2 =	vld.idx.msk [tilespmem:v2+s30+$0x0], $0xffff;
	_ =	sdelay $0x4  }
0x44: {  	[tilespmem:v3+s0+$0x0] =	vst.idx.add.f32.msk $0xffff, v2  }
0x45: {  	v2 =	vld [tilespmem:s4+$0x60];
	_ =	sdelay $0x4  }
0x46: {  	v3 =	vld [tilespmem:s4+$0x5060];
	_ =	sdelay $0x2  }
0x47: {  	v2 =	vld.idx.msk [tilespmem:v2+s30+$0x0], $0xffff;
	_ =	sdelay $0x4  }
0x48: {  	[tilespmem:v3+s0+$0x0] =	vst.idx.add.f32.msk $0xffff, v2  }
0x49: {  	v2 =	vld [tilespmem:s4+$0x70];
	_ =	sdelay $0x4  }
0x4a: {  	v3 =	vld [tilespmem:s4+$0x5070];
	_ =	sdelay $0x2  }
0x4b: {  	p0 =	sne.s32 s3, $0x13E00;
	v2 =	vld.idx.msk [tilespmem:v2+s30+$0x0], $0xffff  }
.Ltmp1:
0x4c: {  	_ = 	snop;
	(pc) =	sbr.rel @p0 .LBB2_4-.Ltmp1, $2  }
0x4d: {  	_ =	sdelay $0x2  }
0x4e: {  	s3 =	sadd.s32 $0x200, s3;
	[tilespmem:v3+s0+$0x0] =	vst.idx.add.f32.msk $0xffff, v2  }
0x4f: {  	[spmem:s8] =	stream.linear.scatter [tilespmem:s0], [sflag:$0x2], $0x2800, $0x38;
	[tilespmem:$0x12D50] =	vst v63  }
0x50: {  	_ =	swait.ge [sflag:s28], $0x2800  }
0x51: {  	[sflag:s28] =	ssyncset.done $0x0  }
0x52: {  	[sflag:s28] =	ssyncadd.s32 $0xFFFFD800  }
0x53: {  	[bflag:$0x0] =	sbarrier.arrive $0xFFFF  }
0x54: {  	[tilespmem:s1], [sflag:$0x1] =	stream.linear.gather [spmem:s6], $0x140, $0x38;
	[tilespmem:$0x12D50] =	vst v63  }
0x55: {  	s3 =	simm.s32 $0x11940  }
0x56: {  	[tilespmem:s3], [sflag:$0x1] =	stream.linear.gather [spmem:s9], $0x140, $0x38;
	[tilespmem:$0x12D50] =	vst v63  }
0x57: {  	s5 =	simm.s32 $0x11A80  }
0x58: {  	[tilespmem:s5], [sflag:$0x1] =	stream.linear.gather [spmem:s10], $0x140, $0x38;
	[tilespmem:$0x12D50] =	vst v63  }
0x59: {  	s7 =	simm.s32 $0x11BC0  }
0x5a: {  	[tilespmem:s7], [sflag:$0x1] =	stream.linear.gather [spmem:s11], $0x140, $0x38;
	[tilespmem:$0x12D50] =	vst v63  }
0x5b: {  	s4 =	simm.s32 $0x11D00  }
0x5c: {  	[tilespmem:s4], [sflag:$0x1] =	stream.linear.gather [spmem:s12], $0x140, $0x38;
	[tilespmem:$0x12D50] =	vst v63  }
0x5d: {  	s5 =	simm.s32 $0x11E40  }
0x5e: {  	[tilespmem:s5], [sflag:$0x1] =	stream.linear.gather [spmem:s13], $0x140, $0x38;
	[tilespmem:$0x12D50] =	vst v63  }
0x5f: {  	s7 =	simm.s32 $0x11F80  }
0x60: {  	[tilespmem:s7], [sflag:$0x1] =	stream.linear.gather [spmem:s14], $0x140, $0x38;
	[tilespmem:$0x12D50] =	vst v63  }
0x61: {  	s4 =	simm.s32 $0x120C0  }
0x62: {  	[tilespmem:s4], [sflag:$0x1] =	stream.linear.gather [spmem:s15], $0x140, $0x38;
	[tilespmem:$0x12D50] =	vst v63  }
0x63: {  	s5 =	simm.s32 $0x12200  }
0x64: {  	[tilespmem:s5], [sflag:$0x1] =	stream.linear.gather [spmem:s16], $0x140, $0x38;
	[tilespmem:$0x12D50] =	vst v63  }
0x65: {  	s7 =	simm.s32 $0x12340  }
0x66: {  	[tilespmem:s7], [sflag:$0x1] =	stream.linear.gather [spmem:s17], $0x140, $0x38;
	[tilespmem:$0x12D50] =	vst v63  }
0x67: {  	s4 =	simm.s32 $0x12480  }
0x68: {  	[tilespmem:s4], [sflag:$0x1] =	stream.linear.gather [spmem:s18], $0x140, $0x38;
	[tilespmem:$0x12D50] =	vst v63  }
0x69: {  	s5 =	simm.s32 $0x125C0  }
0x6a: {  	[tilespmem:s5], [sflag:$0x1] =	stream.linear.gather [spmem:s19], $0x140, $0x38;
	[tilespmem:$0x12D50] =	vst v63  }
0x6b: {  	s7 =	simm.s32 $0x12700  }
0x6c: {  	[tilespmem:s7], [sflag:$0x1] =	stream.linear.gather [spmem:s20], $0x140, $0x38;
	[tilespmem:$0x12D50] =	vst v63  }
0x6d: {  	s4 =	simm.s32 $0x12840  }
0x6e: {  	[tilespmem:s4], [sflag:$0x1] =	stream.linear.gather [spmem:s21], $0x140, $0x38;
	[tilespmem:$0x12D50] =	vst v63  }
0x6f: {  	s5 =	simm.s32 $0x12980  }
0x70: {  	[tilespmem:s5], [sflag:$0x1] =	stream.linear.gather [spmem:s25], $0x140, $0x38;
	[tilespmem:$0x12D50] =	vst v63  }
0x71: {  	s7 =	simm.s32 $0x12AC0  }
0x72: {  	[tilespmem:s7], [sflag:$0x1] =	stream.linear.gather [spmem:s26], $0x140, $0x38;
	[tilespmem:$0x12D50] =	vst v63  }
0x73: {  	_ =	swait.ge [sflag:s31], $0x140  }
0x74: {  	[sflag:s31] =	ssyncset.done $0x0  }
0x75: {  	[sflag:s31] =	ssyncadd.s32 $0xFFFFFEC0  }
0x76: {  	_ =	swait.ge [sflag:s31], $0x140  }
0x77: {  	[sflag:s31] =	ssyncset.done $0x0  }
0x78: {  	[sflag:s31] =	ssyncadd.s32 $0xFFFFFEC0  }
0x79: {  	_ =	swait.ge [sflag:s31], $0x140  }
0x7a: {  	[sflag:s31] =	ssyncset.done $0x0  }
0x7b: {  	[sflag:s31] =	ssyncadd.s32 $0xFFFFFEC0  }
0x7c: {  	_ =	swait.ge [sflag:s31], $0x140  }
0x7d: {  	[sflag:s31] =	ssyncset.done $0x0  }
0x7e: {  	[sflag:s31] =	ssyncadd.s32 $0xFFFFFEC0  }
0x7f: {  	_ =	swait.ge [sflag:s31], $0x140  }
0x80: {  	[sflag:s31] =	ssyncset.done $0x0  }
0x81: {  	[sflag:s31] =	ssyncadd.s32 $0xFFFFFEC0  }
0x82: {  	_ =	swait.ge [sflag:s31], $0x140  }
0x83: {  	[sflag:s31] =	ssyncset.done $0x0  }
0x84: {  	[sflag:s31] =	ssyncadd.s32 $0xFFFFFEC0  }
0x85: {  	_ =	swait.ge [sflag:s31], $0x140  }
0x86: {  	[sflag:s31] =	ssyncset.done $0x0  }
0x87: {  	[sflag:s31] =	ssyncadd.s32 $0xFFFFFEC0  }
0x88: {  	_ =	swait.ge [sflag:s31], $0x140  }
0x89: {  	[sflag:s31] =	ssyncset.done $0x0  }
0x8a: {  	[sflag:s31] =	ssyncadd.s32 $0xFFFFFEC0  }
0x8b: {  	_ =	swait.ge [sflag:s31], $0x140  }
0x8c: {  	[sflag:s31] =	ssyncset.done $0x0  }
0x8d: {  	[sflag:s31] =	ssyncadd.s32 $0xFFFFFEC0  }
0x8e: {  	_ =	swait.ge [sflag:s31], $0x140  }
0x8f: {  	[sflag:s31] =	ssyncset.done $0x0  }
0x90: {  	[sflag:s31] =	ssyncadd.s32 $0xFFFFFEC0  }
0x91: {  	_ =	swait.ge [sflag:s31], $0x140  }
0x92: {  	[sflag:s31] =	ssyncset.done $0x0  }
0x93: {  	[sflag:s31] =	ssyncadd.s32 $0xFFFFFEC0  }
0x94: {  	_ =	swait.ge [sflag:s31], $0x140  }
0x95: {  	[sflag:s31] =	ssyncset.done $0x0  }
0x96: {  	[sflag:s31] =	ssyncadd.s32 $0xFFFFFEC0  }
0x97: {  	_ =	swait.ge [sflag:s31], $0x140  }
0x98: {  	[sflag:s31] =	ssyncset.done $0x0  }
0x99: {  	[sflag:s31] =	ssyncadd.s32 $0xFFFFFEC0  }
0x9a: {  	_ =	swait.ge [sflag:s31], $0x140  }
0x9b: {  	[sflag:s31] =	ssyncset.done $0x0  }
0x9c: {  	[sflag:s31] =	ssyncadd.s32 $0xFFFFFEC0  }
0x9d: {  	_ =	swait.ge [sflag:s31], $0x140  }
0x9e: {  	[sflag:s31] =	ssyncset.done $0x0  }
0x9f: {  	[sflag:s31] =	ssyncadd.s32 $0xFFFFFEC0  }
0xa0: {  	_ =	swait.ge [sflag:s31], $0x140  }
0xa1: {  	[sflag:s31] =	ssyncset.done $0x0  }
0xa2: {  	s4 =	simm.s32 $0x0;
	[sflag:s31] =	ssyncadd.s32 $0xFFFFFEC0  }
0xa3: {  	v2 =	vld [tilespmem:s4+$0x11800]  }
0xa4: {  	v3 =	vld [tilespmem:s4+$0x11940];
	_ =	sdelay $0x1  }
0xa5: {  	v4 =	vld [tilespmem:s4+$0x11A80];
	_ =	sdelay $0x1  }
0xa6: {  	v5 =	vld [tilespmem:s4+$0x11BC0]  }
0xa7: {  	v2 =	vadd.f32 v3, v2  }
0xa8: {  	v3 =	vld [tilespmem:s4+$0x11D00]  }
0xa9: {  	v2 =	vadd.f32 v4, v2  }
0xaa: {  	v4 =	vld [tilespmem:s4+$0x11E40]  }
0xab: {  	v5 =	vadd.f32 v5, v2  }
0xac: {  	v6 =	vld [tilespmem:s4+$0x11F80]  }
0xad: {  	v7 =	vld [tilespmem:s4+$0x12200];
	v3 =	vadd.f32 v3, v5  }
0xae: {  	s3 =	simm.s32 $0x10;
	v5 =	vld [tilespmem:s4+$0x120C0]  }
0xaf: {  	v8 =	vld [tilespmem:s3+$0x11800];
	v3 =	vadd.f32 v4, v3  }
0xb0: {  	v9 =	vld [tilespmem:s3+$0x11A80]  }
0xb1: {  	v4 =	vld [tilespmem:s4+$0x12340];
	v3 =	vadd.f32 v6, v3  }
0xb2: {  	v6 =	vld [tilespmem:s3+$0x11940]  }
0xb3: {  	v10 =	vld [tilespmem:s3+$0x11BC0];
	v3 =	vadd.f32 v5, v3  }
0xb4: {  	v5 =	vld [tilespmem:s4+$0x12480]  }
0xb5: {  	v11 =	vld [tilespmem:s3+$0x11E40];
	v3 =	vadd.f32 v7, v3  }
0xb6: {  	v7 =	vld [tilespmem:s4+$0x125C0]  }
0xb7: {  	v6 =	vadd.f32 v6, v8;
	v8 =	vld [tilespmem:s3+$0x11D00];
	v3 =	vadd.f32 v4, v3  }
0xb8: {  	v4 =	vld [tilespmem:s4+$0x12700]  }
0xb9: {  	v12 =	vld [tilespmem:s3+$0x11F80];
	v6 =	vadd.f32 v9, v6;
	v3 =	vadd.f32 v5, v3  }
0xba: {  	v9 =	vld [tilespmem:s4+$0x12840]  }
0xbb: {  	v2 =	vld [tilespmem:$0x12D40];
	v5 =	vadd.f32 v10, v6;
	v3 =	vadd.f32 v7, v3  }
0xbc: {  	v10 =	vld [tilespmem:s4+$0x12980]  }
0xbd: {  	v6 =	vld [tilespmem:s3+$0x120C0];
	v7 =	vadd.f32 v8, v5;
	v4 =	vadd.f32 v4, v3  }
0xbe: {  	v5 =	vld [tilespmem:s4+$0x12AC0]  }
0xbf: {  	v3 =	vld [tilespmem:s3+$0x12340];
	v8 =	vadd.f32 v11, v7;
	v9 =	vadd.f32 v9, v4  }
0xc0: {  	s5 =	simm.s32 $0x20;
	v7 =	vld [tilespmem:s3+$0x12200]  }
0xc1: {  	s7 =	simm.s32 $0xC0;
	v4 =	vld [tilespmem:s5+$0x11800];
	v8 =	vadd.f32 v12, v8;
	v9 =	vadd.f32 v10, v9  }
.LBB2_6:
0xc2: {  	p0 =	sne.s32 s7, $0x4C0;
	v10 =	vld [tilespmem:s5+$0x11940]  }
0xc3: {  	v6 =	vadd.f32 v6, v8;
	v8 =	vld [tilespmem:s3+$0x12480];
	v5 =	vadd.f32 v5, v9  }
0xc4: {  	v9 =	vld [tilespmem:s5+$0x11A80]  }
0xc5: {  	v6 =	vadd.f32 v7, v6;
	v7 =	vld [tilespmem:s3+$0x125C0];
	[tilespmem:s4+$0x12C00] =	vst v5;
	s4 =	smov.u32 s3;
	s3 =	smov.u32 s5  }
0xc6: {  	v5 =	vld [tilespmem:s3+$0x11BC0]  }
0xc7: {  	v4 =	vadd.f32 v10, v4;
	v3 =	vadd.f32 v3, v6;
	v6 =	vld [tilespmem:s4+$0x12700]  }
0xc8: {  	v10 =	vld [tilespmem:s3+$0x11D00]  }
0xc9: {  	v4 =	vadd.f32 v9, v4;
	v3 =	vadd.f32 v8, v3;
	v8 =	vld [tilespmem:s4+$0x12840]  }
0xca: {  	v9 =	vld [tilespmem:s3+$0x11E40]  }
0xcb: {  	v4 =	vadd.f32 v5, v4;
	v3 =	vadd.f32 v7, v3;
	v11 =	vld [tilespmem:s4+$0x12980]  }
0xcc: {  	v12 =	vld [tilespmem:s3+$0x11F80]  }
.Ltmp2:
0xcd: {  	v4 =	vadd.f32 v10, v4;
	v7 =	vadd.f32 v6, v3;
	v5 =	vld [tilespmem:s4+$0x12AC0];
	(pc) =	sbr.rel @p0 .LBB2_6-.Ltmp2, $4  }
0xce: {  	v6 =	vld [tilespmem:s3+$0x120C0]  }
0xcf: {  	v9 =	vadd.f32 v9, v4;
	v3 =	vld [tilespmem:s3+$0x12340];
	v10 =	vadd.f32 v8, v7  }
0xd0: {  	s5 =	sshra.s32 s7, $0x2;
	v7 =	vld [tilespmem:s3+$0x12200]  }
0xd1: {  	s7 =	sadd.s32 $0x40, s7;
	v4 =	vld [tilespmem:s5+$0x11800];
	v8 =	vadd.f32 v12, v9;
	v9 =	vadd.f32 v11, v10  }
0xd2: {  	v10 =	vld [tilespmem:s5+$0x11940]  }
0xd3: {  	v11 =	vld [tilespmem:s3+$0x12480];
	v5 =	vadd.f32 v5, v9  }
0xd4: {  	v51 =	vld [tilespmem:s5+$0x11A80]  }
0xd5: {  	v12 =	vld [tilespmem:s3+$0x125C0];
	v6 =	vadd.f32 v6, v8;
	[tilespmem:s4+$0x12C00] =	vst v5  }
0xd6: {  	v5 =	vld [tilespmem:s5+$0x11BC0]  }
0xd7: {  	v6 =	vadd.f32 v7, v6;
	v4 =	vadd.f32 v10, v4  }
0xd8: {  	v52 =	vld [tilespmem:s5+$0x11D00]  }
0xd9: {  	v53 =	vld [tilespmem:s3+$0x12700];
	v3 =	vadd.f32 v3, v6;
	v4 =	vadd.f32 v51, v4  }
0xda: {  	v54 =	vld [tilespmem:s5+$0x11E40]  }
0xdb: {  	v55 =	vld [tilespmem:s3+$0x12840];
	v3 =	vadd.f32 v11, v3;
	v4 =	vadd.f32 v5, v4  }
0xdc: {  	v5 =	vld [tilespmem:s5+$0x11F80]  }
0xdd: {  	v56 =	vld [tilespmem:s3+$0x12980];
	v3 =	vadd.f32 v12, v3;
	v4 =	vadd.f32 v52, v4  }
0xde: {  	v57 =	vld [tilespmem:s5+$0x120C0]  }
0xdf: {  	v58 =	vld [tilespmem:s3+$0x12AC0];
	v3 =	vadd.f32 v53, v3;
	v4 =	vadd.f32 v54, v4  }
0xe0: {  	v59 =	vld [tilespmem:s5+$0x12200]  }
0xe1: {  	v3 =	vadd.f32 v55, v3;
	v4 =	vadd.f32 v5, v4  }
0xe2: {  	v5 =	vld [tilespmem:s5+$0x12340]  }
0xe3: {  	v3 =	vadd.f32 v56, v3;
	v4 =	vadd.f32 v57, v4  }
0xe4: {  	v60 =	vld [tilespmem:s5+$0x12480]  }
0xe5: {  	v3 =	vadd.f32 v58, v3;
	v4 =	vadd.f32 v59, v4  }
0xe6: {  	v61 =	vld [tilespmem:s5+$0x125C0]  }
0xe7: {  	[tilespmem:s3+$0x12C00] =	vst v3;
	v3 =	vadd.f32 v5, v4  }
0xe8: {  	v4 =	vld [tilespmem:s5+$0x12700]  }
0xe9: {  	v3 =	vadd.f32 v60, v3  }
0xea: {  	v5 =	vld [tilespmem:s5+$0x12840]  }
0xeb: {  	v3 =	vadd.f32 v61, v3  }
0xec: {  	v62 =	vld [tilespmem:s5+$0x12980]  }
0xed: {  	v3 =	vadd.f32 v4, v3  }
0xee: {  	v4 =	vld [tilespmem:s5+$0x12AC0]  }
0xef: {  	v3 =	vadd.f32 v5, v3;
	_ =	sdelay $0x1  }
0xf0: {  	v3 =	vadd.f32 v62, v3;
	_ =	sdelay $0x1  }
0xf1: {  	v3 =	vadd.f32 v4, v3;
	_ =	sdelay $0x1  }
0xf2: {  	s7 =	simm.s32 $0x0;
	[tilespmem:s5+$0x12C00] =	vst v3  }
0xf3: {  	[tilespmem:s1], [sflag:$0x2] =	stream.linear.gather [hbm4b:s22+s7], $0x140, $0x38;
	[tilespmem:$0x12D50] =	vst v63  }
0xf4: {  	_ =	swait.ge [sflag:s28], $0x140  }
0xf5: {  	[sflag:s28] =	ssyncset.done $0x0  }
0xf6: {  	s3 =	simm.s32 $0x0;
	[sflag:s28] =	ssyncadd.s32 $0xFFFFFEC0  }
0xf7: {  	v3 =	vld [tilespmem:s3+$0x11800]  }
0xf8: {  	v4 =	vld.idx.msk [tilespmem:v0+s3+$0x0 ss:$0x1], $0xffff  }
0xf9: {  	v5 =	vld [tilespmem:s3+$0x12C00];
	_ =	sdelay $0x2  }
0xfa: {  	v63 =	vmul.f32 v3, v3;
	_ =	sdelay $0x1  }
0xfb: {  	v3 =	vmul.f32 v5, v3;
	v4 =	vmul.f32 v4, v63;
	_ =	sdelay $0x1  }
0xfc: {  	v3 =	vadd.f32 v3, v4;
	_ =	sdelay $0x1  }
0xfd: {  	v3 =	vadd.f32 v3, v2;
	_ =	sdelay $0x1  }
0xfe: {  	v3 =	vsub.f32 $0.0e+00, v3;
	_ =	sdelay $0x1  }
0xff: {  	v3 =	vmul.f32 $1.442695020e+00, v3;
	_ =	sdelay $0x1  }
0x100: {  	(erf) = vpow2.f32 v3;
	_ =	sdelay $0x8  }
0x101: {  	v3 =	vpop (erf)  }
0x102: {  	v3 =	vadd.f32 $1.000000000e+00, v3;
	_ =	sdelay $0x1  }
0x103: {  	(erf) = vrcp.f32 v3;
	_ =	sdelay $0x8  }
0x104: {  	s4 =	simm.s32 $0x80;
	s5 =	simm.s32 $0x10;
	v3 =	vpop (erf)  }
.LBB2_8:
0x105: {  	p0 =	sne.s32 s4, $0x4C0;
	v4 =	vld [tilespmem:s5+$0x11800];
	[tilespmem:s3+$0x12C00] =	vst v3;
	s3 =	smov.u32 s5  }
0x106: {  	v3 =	vld.idx.msk [tilespmem:v0+s3+$0x0 ss:$0x1], $0xffff  }
0x107: {  	v5 =	vld [tilespmem:s3+$0x12C00];
	_ =	sdelay $0x2  }
0x108: {  	v6 =	vmul.f32 v4, v4;
	_ =	sdelay $0x1  }
0x109: {  	v4 =	vmul.f32 v5, v4;
	v3 =	vmul.f32 v3, v6;
	_ =	sdelay $0x1  }
0x10a: {  	v3 =	vadd.f32 v4, v3;
	_ =	sdelay $0x1  }
0x10b: {  	v3 =	vadd.f32 v3, v2;
	_ =	sdelay $0x1  }
0x10c: {  	v3 =	vsub.f32 $0.0e+00, v3;
	_ =	sdelay $0x1  }
0x10d: {  	v3 =	vmul.f32 $1.442695020e+00, v3;
	_ =	sdelay $0x1  }
0x10e: {  	(erf) = vpow2.f32 v3;
	_ =	sdelay $0x8  }
0x10f: {  	v3 =	vpop (erf)  }
0x110: {  	v3 =	vadd.f32 $1.000000000e+00, v3;
	_ =	sdelay $0x1  }
0x111: {  	(erf) = vrcp.f32 v3;
	_ =	sdelay $0x4  }
.Ltmp3:
0x112: {  	(pc) =	sbr.rel @p0 .LBB2_8-.Ltmp3, $2  }
0x113: {  	_ =	sdelay $0x2  }
0x114: {  	s5 =	sshra.s32 s4, $0x2;
	s4 =	sadd.s32 $0x40, s4;
	v3 =	vpop (erf)  }
0x115: {  	_ =	sdelay $0x2  }
0x116: {  	v4 =	vld [tilespmem:s5+$0x11800];
	[tilespmem:s3+$0x12C00] =	vst v3  }
0x117: {  	v3 =	vld.idx.msk [tilespmem:v0+s5+$0x0 ss:$0x1], $0xffff  }
0x118: {  	v5 =	vld [tilespmem:s5+$0x12C00];
	_ =	sdelay $0x2  }
0x119: {  	v6 =	vmul.f32 v4, v4;
	_ =	sdelay $0x1  }
0x11a: {  	v4 =	vmul.f32 v5, v4;
	v3 =	vmul.f32 v3, v6;
	_ =	sdelay $0x1  }
0x11b: {  	v3 =	vadd.f32 v4, v3;
	_ =	sdelay $0x1  }
0x11c: {  	v2 =	vadd.f32 v3, v2;
	_ =	sdelay $0x1  }
0x11d: {  	v2 =	vsub.f32 $0.0e+00, v2;
	_ =	sdelay $0x1  }
0x11e: {  	v2 =	vmul.f32 $1.442695020e+00, v2;
	_ =	sdelay $0x1  }
0x11f: {  	(erf) = vpow2.f32 v2;
	_ =	sdelay $0x8  }
0x120: {  	v2 =	vpop (erf)  }
0x121: {  	v2 =	vadd.f32 $1.000000000e+00, v2;
	_ =	sdelay $0x1  }
0x122: {  	(erf) = vrcp.f32 v2;
	_ =	sdelay $0x7  }
0x123: {  	s29 =	sadd.s32 $0x1, s29  }
0x124: {  	p0 =	sne.s32 s29, s24;
	v2 =	vpop (erf)  }
.Ltmp4:
0x125: {  	s7 =	simm.s32 $0x12C00;
	[tilespmem:s5+$0x12C00] =	vst v2;
	(pc) =	sbr.rel @p0 .LBB2_1-.Ltmp4, $4  }
0x126: {  	[hbm4b:s23+s2] =	stream.linear.scatter [tilespmem:s7], [sflag:$0x2], $0x140, $0x38;
	[tilespmem:$0x12D50] =	vst v63  }
0x127: {  	_ =	swait.ge [sflag:s28], $0x140  }
0x128: {  	[sflag:s28] =	ssyncset.done $0x0  }
0x129: {  	[sflag:s28] =	ssyncadd.s32 $0xFFFFFEC0  }
0x12a: {  	_ =	sfence.sel $0x180000  }
0x12b: {  	[bflag:$0x0] =	sbarrier.arrive $0xFFFF  }
0x12c: {  	_ =	strace $0x9000004D  }
0x12d: {  	s0 =	stileid.u32;
	[bflag:$0x2] =	sbarrier.arrive $0xFFFF  }
0x12e: {  	p0 =	sne.s32 s0, $0x0;
	s0 =	rddreg [dreg:$0x2]  }
0x12f: {  	s0 =	sadd.s32 @!p0 $0x100000, s0  }
0x130: {  	[sflag:s0] =	ssyncadd.tile.s32 @!p0 $0x1;
	_ =	shalt  }
.Lfunc_end2:
_tile_overlayer_lowered:
.L_overlay_start_2:
0x131: {  	(tag) =	ssettag $0x2  }
0x132: {  	s0 =	rddreg [dreg:$0x0];
	s2 =	stileid.u32  }
0x133: {  	s1 =	rddreg [dreg:$0x1];
	p0 =	sne.s32 s2, $0x0  }
0x134: {  	s3 =	rddreg [dreg:$0x2];
	[bflag:$0x3] =	sbarrier.arrive $0xFFFF;
	s2 =	simm.s32 @!p0 $0x1C02  }
0x135: {  	[timem:s3], [sflag:s2] =	dma.local @!p0 [hbm:s0], s1  }
0x136: {  	s0 =	simm.s32 @!p0 $0x2  }
0x137: {  	_ =	swait.ge @!p0 [sflag:s0], s1  }
0x138: {  	s1 =	ssub.s32 @!p0 $0x0, s1;
	[sflag:s0] =	ssyncset.done @!p0 $0x0  }
0x139: {  	[sflag:s0] =	ssyncadd.s32 @!p0 s1  }
0x13a: {  	[bflag:$0x3] =	sbarrier.arrive $0xFFFF  }
0x13b: {  	_ =	shalt  }

// kernel: kernel.6.cloned.1.call-start
scs
__scs_entry_jumppad:
0x0: {  	(pc) =	sbr.rel $0x88, $3  }
0x1: {  	(tag) =	ssettag $0x0;
	lr =	simm.s32 $0x1  }
0x2: {  	[smem:$0x3F9B] =	sst lr;
	_ =	strace $0xD0000000  }
0x3: {  	_ = 	snop  }
0x4: {  	_ = 	snop  }
0x5: {  	_ = 	snop  }
0x6: {  	_ = 	snop  }
0x7: {  	_ = 	snop  }
__scs_overlays_trampoline_lowered:
0x8: {  	[smem:$0x3FAA] =	sst s0  }
0x9: {  	[smem:$0x3FAB] =	sst s1  }
0xa: {  	[smem:$0x3FAC] =	sst s2  }
0xb: {  	[smem:$0x3FAD] =	sst s3  }
0xc: {  	[smem:$0x3FAE] =	sst s4  }
0xd: {  	[smem:$0x3FAF] =	sst s5  }
0xe: {  	[smem:$0x3FB0] =	sst s6  }
0xf: {  	[smem:$0x3FB1] =	sst s7  }
0x10: {  	[smem:$0x3FB2] =	sst s8  }
0x11: {  	[smem:$0x3FB3] =	sst s9;
	s0 =	simm.s32 @!p0 $0x0  }
0x12: {  	s1 =	sld [smem:$0x3F99];
	s0 =	simm.s32 @p0 $0x1  }
0x13: {  	[smem:$0x3FB4] =	sst s0;
	s0 =	simm.s32 @!p1 $0x0  }
0x14: {  	s2 =	sld [smem:$0x3F98];
	s0 =	simm.s32 @p1 $0x1  }
0x15: {  	[smem:$0x3FB5] =	sst s0;
	s0 =	simm.s32 @!p2 $0x0  }
0x16: {  	s3 =	sld [smem:$0x3FDB];
	s0 =	simm.s32 @p2 $0x1  }
0x17: {  	s4 =	simm.s32 $0x1BF5;
	[smem:$0x3FB7] =	sst s0  }
0x18: {  	s0 =	sld [smem:$0x3F9A];
	_ =	swait.ge [sflag:s4], $0x0  }
0x19: {  	s7 =	sld [smem:$0x3F9B]  }
0x1a: {  	s8 =	sadd.s32 $0xFFFFE003, lr  }
0x1b: {  	s9 =	sadd.s32 $0xFFFFFEF7, lr;
	s5 =	simm.s32 $0xFFFFFFFF;
	p2 =	slt.u32 s8, $0xFFFFF086  }
0x1c: {  	p1 =	slt.u32 s9, $0xF7A;
	s5 =	simm.s32 @!p2 $0x0  }
0x1d: {  	s5 =	simm.s32 @p1 $0x1;
	p0 =	seq.s32 s7, s2  }
0x1e: {  	s7 =	smul.u32 @!p0 $0xF7A, s2;
	p2 =	seq.s32 @!p0 s5, $0x0  }
0x1f: {  	s9 =	smul.u32 $0xF7A, s1;
	s8 =	simm.s32 @!p0 $0x1BF5;
	p2 =	por !p2, p0  }
0x20: {  	[sflag:s8] =	ssyncset.s32 @!p0 $0xFFFFF086;
	s6 =	sadd.s32 @!p0 s3, s7;
	s7 =	simm.s32 @!p0 $0x108  }
0x21: {  	s3 =	sadd.s32 s3, s9;
	s6 =	sadd.s32 @!p0 $0x88, s6;
	s7 =	simm.s32 @p2 $0x1082  }
0x22: {  	[simem:s7], [sflag:s8] =	dma.local @!p0 [hbm:s6], $0xF7A  }
0x23: {  	s9 =	sor.u32 $0xD0000000, s2;
	s6 =	simm.s32 $0x108;
	_ =	swait.ge @!p0 [sflag:s8], $0x0  }
0x24: {  	s3 =	sadd.s32 $0x88, s3;
	s6 =	simm.s32 @!p1 $0x1082;
	[sflag:s4] =	ssyncset.s32 $0xFFFFF086  }
0x25: {  	[simem:s6], [sflag:s4] =	dma.local [hbm:s3], $0xF7A  }
0x26: {  	[smem:$0x3F9B] =	sst s1;
	(tag) =	ssettag s2;
	_ =	strace s9  }
0x27: {  	s1 =	sld [smem:$0x3FAB]  }
0x28: {  	s2 =	sld [smem:$0x3FAC]  }
0x29: {  	s4 =	sld [smem:$0x3FAE]  }
0x2a: {  	p0 =	seq.s32 s5, $0x0;
	s5 =	sld [smem:$0x3FAF]  }
0x2b: {  	s6 =	sld [smem:$0x3FB0]  }
0x2c: {  	s7 =	sld [smem:$0x3FB1]  }
0x2d: {  	s3 =	simm.s32 $0x108;
	s8 =	sld [smem:$0x3FB2]  }
0x2e: {  	s3 =	simm.s32 @!p0 $0x1082;
	s9 =	sld [smem:$0x3FB3]  }
0x2f: {  	lr =	sadd.s32 s0, s3;
	s0 =	sld [smem:$0x3FAA]  }
0x30: {  	s3 =	sld [smem:$0x3FAD]  }
0x31: {  	[smem:$0x3FB6] =	sst s10  }
0x32: {  	s10 =	sld [smem:$0x3FB4];
	_ =	sdelay $0x3  }
0x33: {  	p0 =	seq.s32 s10, $0x1;
	s10 =	sld [smem:$0x3FB6];
	_ =	sdelay $0x3  }
0x34: {  	[smem:$0x3FB6] =	sst s10  }
0x35: {  	s10 =	sld [smem:$0x3FB5];
	_ =	sdelay $0x3  }
0x36: {  	p1 =	seq.s32 s10, $0x1;
	s10 =	sld [smem:$0x3FB6];
	_ =	sdelay $0x3  }
0x37: {  	[smem:$0x3FB6] =	sst s10  }
0x38: {  	s10 =	sld [smem:$0x3FB7]  }
0x39: {  	_ = 	snop;
	(pc) =	sbr.ind lr, $3  }
0x3a: {  	_ = 	snop  }
0x3b: {  	_ = 	snop  }
0x3c: {  	p2 =	seq.s32 s10, $0x1;
	s10 =	sld [smem:$0x3FB6]  }
0x3d: {  	_ =	shalt  }
0x3e: {  	_ =	shalt  }
0x3f: {  	_ =	shalt  }
0x40: {  	_ =	shalt  }
0x41: {  	_ =	shalt  }
0x42: {  	_ =	shalt  }
0x43: {  	_ =	shalt  }
0x44: {  	_ =	shalt  }
0x45: {  	_ =	shalt  }
0x46: {  	_ =	shalt  }
0x47: {  	_ =	shalt  }
0x48: {  	_ =	shalt  }
0x49: {  	_ =	shalt  }
0x4a: {  	_ =	shalt  }
0x4b: {  	_ =	shalt  }
0x4c: {  	_ =	shalt  }
0x4d: {  	_ =	shalt  }
0x4e: {  	_ =	shalt  }
0x4f: {  	_ =	shalt  }
0x50: {  	_ =	shalt  }
0x51: {  	_ =	shalt  }
0x52: {  	_ =	shalt  }
0x53: {  	_ =	shalt  }
0x54: {  	_ =	shalt  }
0x55: {  	_ =	shalt  }
0x56: {  	_ =	shalt  }
0x57: {  	_ =	shalt  }
0x58: {  	_ =	shalt  }
0x59: {  	_ =	shalt  }
0x5a: {  	_ =	shalt  }
0x5b: {  	_ =	shalt  }
0x5c: {  	_ =	shalt  }
0x5d: {  	_ =	shalt  }
0x5e: {  	_ =	shalt  }
0x5f: {  	_ =	shalt  }
0x60: {  	_ =	shalt  }
0x61: {  	_ =	shalt  }
0x62: {  	_ =	shalt  }
0x63: {  	_ =	shalt  }
0x64: {  	_ =	shalt  }
0x65: {  	_ =	shalt  }
0x66: {  	_ =	shalt  }
0x67: {  	_ =	shalt  }
0x68: {  	_ =	shalt  }
0x69: {  	_ =	shalt  }
0x6a: {  	_ =	shalt  }
0x6b: {  	_ =	shalt  }
0x6c: {  	_ =	shalt  }
0x6d: {  	_ =	shalt  }
0x6e: {  	_ =	shalt  }
0x6f: {  	_ =	shalt  }
0x70: {  	_ =	shalt  }
0x71: {  	_ =	shalt  }
0x72: {  	_ =	shalt  }
0x73: {  	_ =	shalt  }
0x74: {  	_ =	shalt  }
0x75: {  	_ =	shalt  }
0x76: {  	_ =	shalt  }
0x77: {  	_ =	shalt  }
0x78: {  	_ =	shalt  }
0x79: {  	_ =	shalt  }
0x7a: {  	_ =	shalt  }
0x7b: {  	_ =	shalt  }
0x7c: {  	_ =	shalt  }
0x7d: {  	_ =	shalt  }
0x7e: {  	_ =	shalt  }
0x7f: {  	_ =	shalt  }
0x80: {  	_ =	shalt  }
0x81: {  	_ =	shalt  }
0x82: {  	_ =	shalt  }
0x83: {  	_ =	shalt  }
0x84: {  	_ =	shalt  }
0x85: {  	_ =	shalt  }
0x86: {  	_ =	shalt  }
0x87: {  	_ =	shalt  }
.Lfunc_end0:
.L_simem_size_0:
called_computation_lowered:
.L_overlay_start_0:
0x88: {  	s2 =	sld [smem:$0x3FD9]  }
0x89: {  	s3 =	sld [smem:$0x3FFE];
	_ =	sdelay $0x1  }
0x8a: {  	s1 =	srdreg.scid  }
0x8b: {  	s0 =	sand.u32 $0x1, s1  }
0x8c: {  	s16 =	sshll.u32 s0, $0xA;
	s2 =	sadd.s32 s3, s2  }
0x8d: {  	s2 =	sadd.s32 s2, s16  }
0x8e: {  	[smem:$0x3FC2] =	sst s2  }
0x8f: {  	_ = 	snop  }
0x90: {  	(tm) =	ssettm $0x1  }
0x91: {  	s17 =	sld [smem:$0x3FFB];
	_ =	sdelay $0x3  }
0x92: {  	_ =	strace s17  }
0x93: {  	s2 =	sld [smem:$0x3FFC];
	_ =	sdelay $0x3  }
0x94: {  	_ =	strace s2  }
0x95: {  	s2 =	sld [smem:$0x3FFD];
	_ =	sdelay $0x3  }
0x96: {  	_ =	strace s2  }
0x97: {  	_ =	strace $0x8FFFFFFF  }
0x98: {  	s18 =	sld [smem:$0x3FDB];
	_ =	sdelay $0x1  }
0x99: {  	s19 =	simm.s32 $_scs_section_size  }
0x9a: {  	s4 =	simm.s32 $_size__tile_overlayer_lowered;
	s5 =	simm.s32 $_tile_overlayer_lowered  }
0x9b: {  	s22 =	simm.s32 $0x1BFF;
	s21 =	sshll.u32 s5, $0x1;
	s2 =	sadd.s32 s19, s18  }
0x9c: {  	s6 =	simm.s32 $0x0;
	s20 =	sshll.u32 s4, $0x1;
	s4 =	sadd.s32 s21, s2  }
0x9d: {  	[timem:s6], [sflag:s22] =	dma.local [hbm:s4], s20  }
0x9e: {  	_ =	swait.ge [sflag:s22], s20  }
0x9f: {  	s3 =	ssub.s32 $0x0, s20;
	[sflag:s22] =	ssyncset.done $0x0  }
0xa0: {  	[sflag:s22] =	ssyncadd.s32 s3;
	_ =	sdelay $0x1  }
0xa1: {  	s23 =	simm.s32 $0x1B8B  }
0xa2: {  	_ =	swait.ge [sflag:s23], $0x1  }
0xa3: {  	[sflag:s23] =	ssyncset.done $0x0  }
0xa4: {  	s25 =	simm.s32 $0x1B8E;
	s24 =	sld [smem:$0x3FFE];
	[sflag:s23] =	ssyncadd.s32 $0xFFFFFFFF  }
0xa5: {  	s26 =	simm.s32 $execute0_lowered;
	[smem:$0x3FD2] =	sst s25  }
0xa6: {  	s4 =	sshll.u32 s26, $0x1;
	_ =	strace $0x80000046;
	[dreg:$0x1] =	wrdreg $0xFFFFFFFF  }
0xa7: {  	s28 =	simm.s32 $_size_execute0_lowered;
	s2 =	sadd.s32 s2, s4;
	[dreg:$0x0] =	wrdreg $0x0  }
0xa8: {  	s4 =	sshll.u32 s28, $0x1;
	[dreg:$0x2] =	wrdreg s2  }
0xa9: {  	[dreg:$0x3] =	wrdreg s4  }
0xaa: {  	[dreg:$0x4] =	wrdreg $0xC0  }
0xab: {  	_ =	task [dreg:s6], $0x5FFFF  }
0xac: {  	[dreg:$0x1] =	wrdreg $0xFFFFFFFF  }
0xad: {  	[dreg:$0x0] =	wrdreg $0x60  }
0xae: {  	[dreg:$0x2] =	wrdreg s24  }
0xaf: {  	[dreg:$0x3] =	wrdreg $0x78000  }
0xb0: {  	[dreg:$0x4] =	wrdreg $0x9  }
0xb1: {  	_ =	task.clear_ibuf [dreg:s6], $0x5FFFF;
	_ =	strace $0x90000046  }
0xb2: {  	s29 =	simm.s32 $0x9;
	_ =	strace $0x80000048  }
0xb3: {  	_ =	swait.ge [sflag:s29], $0x1  }
0xb4: {  	[sflag:s29] =	ssyncadd.s32 $0xFFFFFFFF  }
0xb5: {  	_ =	strace $0x90000048  }
0xb6: {  	_ =	sfence  }
0xb7: {  	s30 =	sld [smem:$0x0];
	_ =	sdelay $0x2  }
0xb8: {  	s31 =	sshll.u32 s1, $0xD;
	s1 =	sshrl.u32 s1, $0x2  }
0xb9: {  	s3 =	sand.u32 $0x4000, s31;
	s1 =	sadd.s32 s1, s30  }
0xba: {  	s0 =	sor.u32 s3, s0;
	s1 =	sshll.u32 s1, $0x11  }
0xbb: {  	s0 =	sor.u32 s1, s0  }
0xbc: {  	s0 =	sadd.s32 $0x8F2B, s0  }
0xbd: {  	[sflag:s0] =	ssyncadd.remote.s32 $0x1  }
0xbe: {  	_ =	sfence.sel $0xFFFF  }
0xbf: {  	[dreg:$0x0] =	wrdreg $0xFFFFFFFF;
	(pc) =	sbr.abs _section_cstart, $3  }
0xc0: {  	[dreg:$0x1] =	wrdreg $0xFFFFFFFF  }
0xc1: {  	_ =	task.clear_ibuf [dreg:s6], $0x2FFFF;
	_ =	strace $0x9FFFFFFF  }
0xc2: {  	(tm) =	ssettm $0x7FFFFFFF  }
0xc3: {  	_ =	shalt  }
tec
execute0_lowered:
.L_overlay_start_1:
0x0: {  	(tag) =	ssettag $0x1  }
0x1: {  	s0 =	rddreg [dreg:$0x0]  }
0x2: {  	s1 =	rddreg [dreg:$0x1];
	s12 =	stileid.u32  }
0x3: {  	s2 =	simm.s32 $0x0;
	s4 =	srdreg.scid;
	s3 =	smul.u32 $0xA00, s12  }
0x4: {  	s28 =	simm.s32 $0x2;
	s29 =	simm.s32 $0x5000;
	s5 =	smul.u32 $0x280, s12  }
0x5: {  	s30 =	simm.s32 $0x1;
	s31 =	simm.s32 $0x20;
	s10 =	smul.u32 $0xA000, s12  }
0x6: {  	[smem:$0x7FF] =	sst s2;
	s6 =	sand.u32 $0x1, s4;
	s22 =	smul.u32 $0x14000, s12  }
0x7: {  	s7 =	sadd.s32 $0xAE00, s0;
	s25 =	smul.u32 $0x5000, s12;
	_ =	strace $0x80000047  }
0x8: {  	s4 =	ssub.s32 $0x2, s6;
	s21 =	sshllo.u32 s6, $0x1;
	s23 =	sshll.u32 s6, $0x6  }
0x9: {  	s11 =	smul.u32 $0xA0000, s6;
	p0 =	sne.s32 s6, $0x0;
	s6 =	simm.s32 $0x0  }
0xa: {  	s3 =	sadd.s32 s3, s0;
	s8 =	sshrl.u32 s5, $0x3;
	s9 =	sshrl.u32 s4, $0x1  }
0xb: {  	s13 =	sshrl.u32 s10, $0x2;
	s24 =	sshll.u32 s21, $0x5;
	s8 =	sadd.s32 s8, s0  }
0xc: {  	s0 =	sadd.s32 $0x32E00, s0;
	s9 =	ssub.s32 s4, s9;
	s3 =	sadd.s32 $0xE00, s3  }
0xd: {  	s4 =	sadd.s32 s5, s1;
	s1 =	sadd.s32 s13, s1;
	[dreg:$0x3] =	wrdreg s3  }
0xe: {  	s5 =	sor.u32 s23, s22;
	[dreg:$0x4] =	wrdreg s1;
	s14 =	sadd.s32 $0x2800, s4  }
0xf: {  	s26 =	sadd.s32 s25, s11;
	s15 =	sadd.s32 $0x5000, s4;
	[dreg:$0x5] =	wrdreg s14  }
0x10: {  	s16 =	sadd.s32 $0x7800, s4;
	s17 =	sadd.s32 $0xA000, s4;
	[dreg:$0x6] =	wrdreg s15  }
0x11: {  	s18 =	sadd.s32 $0xC800, s4;
	s19 =	sadd.s32 $0xF000, s4;
	[dreg:$0x7] =	wrdreg s16  }
0x12: {  	s20 =	sadd.s32 $0x11800, s4;
	s13 =	sadd.s32 $0x14000, s4;
	[dreg:$0x8] =	wrdreg s17  }
0x13: {  	s3 =	sor.u32 s22, s24;
	s5 =	sshrl.u32 s5, $0x3;
	[dreg:$0x9] =	wrdreg s18  }
0x14: {  	s1 =	smul.u32 $0x50000, s21;
	s22 =	sadd.s32 $0x20800, s4;
	[dreg:$0xa] =	wrdreg s19  }
0x15: {  	s23 =	sadd.s32 $0x23000, s4;
	s24 =	sadd.s32 $0x5AE00, s8;
	[dreg:$0xb] =	wrdreg s20  }
0x16: {  	s14 =	sadd.s32 $0x16800, s4;
	s3 =	sshrl.u32 s3, $0x3;
	s15 =	sadd.s32 $0x19000, s4  }
0x17: {  	s16 =	sadd.s32 s7, s5;
	s18 =	sadd.s32 $0x1B800, s4;
	s19 =	sadd.s32 $0x1E000, s4  }
0x18: {  	s5 =	simm.s32 $0xC800;
	s17 =	sadd.s32 s7, s3;
	s1 =	sadd.s32 s25, s1  }
0x19: {  	s3 =	sshrl.u32 s26, $0x3;
	s25 =	smax.u32 s9, $0x1;
	s26 =	sadd.s32 $0x25800, s4  }
0x1a: {  	s1 =	sshrl.u32 s1, $0x3;
	s20 =	sadd.s32 s0, s3;
	s3 =	simm.s32 $0x11A80  }
0x1b: {  	v0 =	vimm.f32 $0.0e+00;
	v1 =	vimm.f32 $1.000000000e+00;
	s21 =	sadd.s32 s0, s1;
	s0 =	simm.s32 $0x80;
	s1 =	simm.s32 $0xCA80  }
.LBB2_1:
0x1c: {  	s7 =	rddreg [dreg:$0x3]  }
0x1d: {  	[tilespmem:s2], [sflag:$0x2] =	stream.linear.gather [hbm4b:s7+s2], $0x5000, $0x38;
	[tilespmem:$0x16A80] =	vst v63  }
0x1e: {  	_ =	swait.ge [sflag:s28], $0x5000  }
0x1f: {  	[sflag:s28] =	ssyncset.done $0x0  }
0x20: {  	s7 =	simm.s32 $0x0;
	[sflag:s28] =	ssyncadd.s32 $0xFFFFB000  }
.LBB2_2:
0x21: {  	p1 =	sne.s32 s7, $0x9FC0  }
.Ltmp0:
0x22: {  	_ = 	snop;
	(pc) =	sbr.rel @p1 .LBB2_2-.Ltmp0, $3  }
0x23: {  	_ =	sdelay $0x1  }
0x24: {  	s8 =	sshra.s32 s7, $0x2  }
0x25: {  	s7 =	sadd.s32 $0x40, s7;
	[tilespmem:s8+$0x5000] =	vst v0  }
0x26: {  	s7 =	simm.s32 $0x0  }
.LBB2_4:
0x27: {  	s8 =	sshra.s32 s7, $0x2  }
0x28: {  	v2 =	vld [tilespmem:s8+$0x0];
	_ =	sdelay $0x7  }
0x29: {  	[tilespmem:v2+s29+$0x0] =	vst.idx.add.f32.msk $0xffff, v1  }
0x2a: {  	v2 =	vld [tilespmem:s8+$0x10];
	_ =	sdelay $0x7  }
0x2b: {  	[tilespmem:v2+s29+$0x0] =	vst.idx.add.f32.msk $0xffff, v1  }
0x2c: {  	v2 =	vld [tilespmem:s8+$0x20];
	_ =	sdelay $0x7  }
0x2d: {  	[tilespmem:v2+s29+$0x0] =	vst.idx.add.f32.msk $0xffff, v1  }
0x2e: {  	v2 =	vld [tilespmem:s8+$0x30];
	_ =	sdelay $0x7  }
0x2f: {  	[tilespmem:v2+s29+$0x0] =	vst.idx.add.f32.msk $0xffff, v1  }
0x30: {  	v2 =	vld [tilespmem:s8+$0x40];
	_ =	sdelay $0x7  }
0x31: {  	[tilespmem:v2+s29+$0x0] =	vst.idx.add.f32.msk $0xffff, v1  }
0x32: {  	v2 =	vld [tilespmem:s8+$0x50];
	_ =	sdelay $0x7  }
0x33: {  	[tilespmem:v2+s29+$0x0] =	vst.idx.add.f32.msk $0xffff, v1  }
0x34: {  	v2 =	vld [tilespmem:s8+$0x60];
	_ =	sdelay $0x7  }
0x35: {  	[tilespmem:v2+s29+$0x0] =	vst.idx.add.f32.msk $0xffff, v1  }
0x36: {  	v2 =	vld [tilespmem:s8+$0x70];
	_ =	sdelay $0x2  }
0x37: {  	p1 =	sne.s32 s7, $0x13E00  }
.Ltmp1:
0x38: {  	_ = 	snop;
	(pc) =	sbr.rel @p1 .LBB2_4-.Ltmp1, $2  }
0x39: {  	_ =	sdelay $0x2  }
0x3a: {  	s7 =	sadd.s32 $0x200, s7;
	[tilespmem:v2+s29+$0x0] =	vst.idx.add.f32.msk $0xffff, v1  }
0x3b: {  	s7 =	rddreg [dreg:$0x4]  }
0x3c: {  	[spmem:s7] =	stream.linear.scatter [tilespmem:s29], [sflag:$0x2], $0x2800, $0x38;
	[tilespmem:$0x16A80] =	vst v63  }
0x3d: {  	_ =	swait.ge [sflag:s28], $0x2800  }
0x3e: {  	[sflag:s28] =	ssyncset.done $0x0  }
0x3f: {  	[sflag:s28] =	ssyncadd.s32 $0xFFFFD800  }
0x40: {  	s9 =	simm.s32 $0xA000;
	[bflag:$0x0] =	sbarrier.arrive $0xFFFF  }
0x41: {  	[tilespmem:s9], [sflag:$0x1] =	stream.linear.gather [spmem:s4], $0x280, $0x38;
	[tilespmem:$0x16A80] =	vst v63  }
0x42: {  	s8 =	simm.s32 $0xA280;
	s10 =	rddreg [dreg:$0x5]  }
0x43: {  	[tilespmem:s8], [sflag:$0x1] =	stream.linear.gather [spmem:s10], $0x280, $0x38;
	[tilespmem:$0x16A80] =	vst v63  }
0x44: {  	s12 =	simm.s32 $0xA500;
	s11 =	rddreg [dreg:$0x6]  }
0x45: {  	[tilespmem:s12], [sflag:$0x1] =	stream.linear.gather [spmem:s11], $0x280, $0x38;
	[tilespmem:$0x16A80] =	vst v63  }
0x46: {  	s9 =	rddreg [dreg:$0x7];
	s10 =	simm.s32 $0xA780  }
0x47: {  	[tilespmem:s10], [sflag:$0x1] =	stream.linear.gather [spmem:s9], $0x280, $0x38;
	[tilespmem:$0x16A80] =	vst v63  }
0x48: {  	s11 =	rddreg [dreg:$0x8];
	s12 =	simm.s32 $0xAA00  }
0x49: {  	[tilespmem:s12], [sflag:$0x1] =	stream.linear.gather [spmem:s11], $0x280, $0x38;
	[tilespmem:$0x16A80] =	vst v63  }
0x4a: {  	s9 =	rddreg [dreg:$0x9];
	s10 =	simm.s32 $0xAC80  }
0x4b: {  	[tilespmem:s10], [sflag:$0x1] =	stream.linear.gather [spmem:s9], $0x280, $0x38;
	[tilespmem:$0x16A80] =	vst v63  }
0x4c: {  	s11 =	rddreg [dreg:$0xa];
	s12 =	simm.s32 $0xAF00  }
0x4d: {  	[tilespmem:s12], [sflag:$0x1] =	stream.linear.gather [spmem:s11], $0x280, $0x38;
	[tilespmem:$0x16A80] =	vst v63  }
0x4e: {  	s8 =	rddreg [dreg:$0xb];
	s9 =	simm.s32 $0xB180  }
0x4f: {  	[tilespmem:s9], [sflag:$0x1] =	stream.linear.gather [spmem:s8], $0x280, $0x38;
	[tilespmem:$0x16A80] =	vst v63  }
0x50: {  	s10 =	simm.s32 $0xB400  }
0x51: {  	[tilespmem:s10], [sflag:$0x1] =	stream.linear.gather [spmem:s13], $0x280, $0x38;
	[tilespmem:$0x16A80] =	vst v63  }
0x52: {  	s11 =	simm.s32 $0xB680  }
0x53: {  	[tilespmem:s11], [sflag:$0x1] =	stream.linear.gather [spmem:s14], $0x280, $0x38;
	[tilespmem:$0x16A80] =	vst v63  }
0x54: {  	s12 =	simm.s32 $0xB900  }
0x55: {  	[tilespmem:s12], [sflag:$0x1] =	stream.linear.gather [spmem:s15], $0x280, $0x38;
	[tilespmem:$0x16A80] =	vst v63  }
0x56: {  	s8 =	simm.s32 $0xBB80  }
0x57: {  	[tilespmem:s8], [sflag:$0x1] =	stream.linear.gather [spmem:s18], $0x280, $0x38;
	[tilespmem:$0x16A80] =	vst v63  }
0x58: {  	s9 =	simm.s32 $0xBE00  }
0x59: {  	[tilespmem:s9], [sflag:$0x1] =	stream.linear.gather [spmem:s19], $0x280, $0x38;
	[tilespmem:$0x16A80] =	vst v63  }
0x5a: {  	s10 =	simm.s32 $0xC080  }
0x5b: {  	[tilespmem:s10], [sflag:$0x1] =	stream.linear.gather [spmem:s22], $0x280, $0x38;
	[tilespmem:$0x16A80] =	vst v63  }
0x5c: {  	s11 =	simm.s32 $0xC300  }
0x5d: {  	[tilespmem:s11], [sflag:$0x1] =	stream.linear.gather [spmem:s23], $0x280, $0x38;
	[tilespmem:$0x16A80] =	vst v63  }
0x5e: {  	s12 =	simm.s32 $0xC580  }
0x5f: {  	[tilespmem:s12], [sflag:$0x1] =	stream.linear.gather [spmem:s26], $0x280, $0x38;
	[tilespmem:$0x16A80] =	vst v63  }
0x60: {  	_ =	swait.ge [sflag:s30], $0x280  }
0x61: {  	[sflag:s30] =	ssyncset.done $0x0  }
0x62: {  	[sflag:s30] =	ssyncadd.s32 $0xFFFFFD80  }
0x63: {  	_ =	swait.ge [sflag:s30], $0x280  }
0x64: {  	[sflag:s30] =	ssyncset.done $0x0  }
0x65: {  	[sflag:s30] =	ssyncadd.s32 $0xFFFFFD80  }
0x66: {  	_ =	swait.ge [sflag:s30], $0x280  }
0x67: {  	[sflag:s30] =	ssyncset.done $0x0  }
0x68: {  	[sflag:s30] =	ssyncadd.s32 $0xFFFFFD80  }
0x69: {  	_ =	swait.ge [sflag:s30], $0x280  }
0x6a: {  	[sflag:s30] =	ssyncset.done $0x0  }
0x6b: {  	[sflag:s30] =	ssyncadd.s32 $0xFFFFFD80  }
0x6c: {  	_ =	swait.ge [sflag:s30], $0x280  }
0x6d: {  	[sflag:s30] =	ssyncset.done $0x0  }
0x6e: {  	[sflag:s30] =	ssyncadd.s32 $0xFFFFFD80  }
0x6f: {  	_ =	swait.ge [sflag:s30], $0x280  }
0x70: {  	[sflag:s30] =	ssyncset.done $0x0  }
0x71: {  	[sflag:s30] =	ssyncadd.s32 $0xFFFFFD80  }
0x72: {  	_ =	swait.ge [sflag:s30], $0x280  }
0x73: {  	[sflag:s30] =	ssyncset.done $0x0  }
0x74: {  	[sflag:s30] =	ssyncadd.s32 $0xFFFFFD80  }
0x75: {  	_ =	swait.ge [sflag:s30], $0x280  }
0x76: {  	[sflag:s30] =	ssyncset.done $0x0  }
0x77: {  	[sflag:s30] =	ssyncadd.s32 $0xFFFFFD80  }
0x78: {  	_ =	swait.ge [sflag:s30], $0x280  }
0x79: {  	[sflag:s30] =	ssyncset.done $0x0  }
0x7a: {  	[sflag:s30] =	ssyncadd.s32 $0xFFFFFD80  }
0x7b: {  	_ =	swait.ge [sflag:s30], $0x280  }
0x7c: {  	[sflag:s30] =	ssyncset.done $0x0  }
0x7d: {  	[sflag:s30] =	ssyncadd.s32 $0xFFFFFD80  }
0x7e: {  	_ =	swait.ge [sflag:s30], $0x280  }
0x7f: {  	[sflag:s30] =	ssyncset.done $0x0  }
0x80: {  	[sflag:s30] =	ssyncadd.s32 $0xFFFFFD80  }
0x81: {  	_ =	swait.ge [sflag:s30], $0x280  }
0x82: {  	[sflag:s30] =	ssyncset.done $0x0  }
0x83: {  	[sflag:s30] =	ssyncadd.s32 $0xFFFFFD80  }
0x84: {  	_ =	swait.ge [sflag:s30], $0x280  }
0x85: {  	[sflag:s30] =	ssyncset.done $0x0  }
0x86: {  	[sflag:s30] =	ssyncadd.s32 $0xFFFFFD80  }
0x87: {  	_ =	swait.ge [sflag:s30], $0x280  }
0x88: {  	[sflag:s30] =	ssyncset.done $0x0  }
0x89: {  	[sflag:s30] =	ssyncadd.s32 $0xFFFFFD80  }
0x8a: {  	_ =	swait.ge [sflag:s30], $0x280  }
0x8b: {  	[sflag:s30] =	ssyncset.done $0x0  }
0x8c: {  	[sflag:s30] =	ssyncadd.s32 $0xFFFFFD80  }
0x8d: {  	_ =	swait.ge [sflag:s30], $0x280  }
0x8e: {  	[sflag:s30] =	ssyncset.done $0x0  }
0x8f: {  	s9 =	simm.s32 $0x0;
	[sflag:s30] =	ssyncadd.s32 $0xFFFFFD80  }
0x90: {  	v2 =	vld [tilespmem:s9+$0xA000];
	_ =	sdelay $0x1  }
0x91: {  	v3 =	vld [tilespmem:s9+$0xA280];
	_ =	sdelay $0x1  }
0x92: {  	v4 =	vld [tilespmem:s9+$0xA500]  }
0x93: {  	v2 =	vadd.f32 $1.000000000e+00, v2  }
0x94: {  	v5 =	vld [tilespmem:s9+$0xA780]  }
0x95: {  	v2 =	vadd.f32 v3, v2  }
0x96: {  	v3 =	vld [tilespmem:s9+$0xAA00]  }
0x97: {  	v2 =	vadd.f32 v4, v2  }
0x98: {  	v4 =	vld [tilespmem:s9+$0xAC80]  }
0x99: {  	v2 =	vadd.f32 v5, v2  }
0x9a: {  	v5 =	vld [tilespmem:s9+$0xAF00]  }
0x9b: {  	v6 =	vld [tilespmem:s9+$0xB400];
	v2 =	vadd.f32 v3, v2  }
0x9c: {  	v3 =	vld [tilespmem:s9+$0xB180]  }
0x9d: {  	s7 =	simm.s32 $0x10;
	v7 =	vld [tilespmem:s9+$0xB680];
	v2 =	vadd.f32 v4, v2  }
0x9e: {  	v4 =	vld [tilespmem:s7+$0xA000]  }
0x9f: {  	v8 =	vld [tilespmem:s9+$0xB900];
	v2 =	vadd.f32 v5, v2  }
0xa0: {  	v5 =	vld [tilespmem:s7+$0xA280]  }
0xa1: {  	v9 =	vld [tilespmem:s9+$0xBB80];
	v2 =	vadd.f32 v3, v2  }
0xa2: {  	v3 =	vld [tilespmem:s7+$0xA500]  }
0xa3: {  	v10 =	vld [tilespmem:s9+$0xC580];
	v4 =	vadd.f32 $1.000000000e+00, v4;
	v2 =	vadd.f32 v6, v2  }
0xa4: {  	v6 =	vld [tilespmem:s7+$0xA780]  }
0xa5: {  	v4 =	vadd.f32 v5, v4;
	v5 =	vld [tilespmem:s7+$0xAA00];
	v2 =	vadd.f32 v7, v2  }
0xa6: {  	v7 =	vld [tilespmem:s9+$0xBE00]  }
0xa7: {  	v3 =	vadd.f32 v3, v4;
	v4 =	vld [tilespmem:s7+$0xAC80];
	v2 =	vadd.f32 v8, v2  }
0xa8: {  	v8 =	vld [tilespmem:s9+$0xC080]  }
0xa9: {  	v3 =	vadd.f32 v6, v3;
	v6 =	vld [tilespmem:s7+$0xAF00];
	v2 =	vadd.f32 v9, v2  }
0xaa: {  	s8 =	simm.s32 $0x20;
	v9 =	vld [tilespmem:s9+$0xC300]  }
0xab: {  	v11 =	vld [tilespmem:s8+$0xA780];
	v3 =	vadd.f32 v5, v3;
	v2 =	vadd.f32 v7, v2  }
0xac: {  	v5 =	vld [tilespmem:s7+$0xB180]  }
0xad: {  	v3 =	vadd.f32 v4, v3;
	v4 =	vld [tilespmem:s8+$0xA000];
	v2 =	vadd.f32 v8, v2  }
0xae: {  	v7 =	vld [tilespmem:s7+$0xB400]  }
0xaf: {  	v3 =	vadd.f32 v6, v3;
	v6 =	vld [tilespmem:s8+$0xA280];
	v2 =	vadd.f32 v9, v2  }
0xb0: {  	v8 =	vld [tilespmem:s7+$0xB680]  }
0xb1: {  	v3 =	vadd.f32 v5, v3;
	v5 =	vld [tilespmem:s8+$0xA500];
	v2 =	vadd.f32 v10, v2  }
0xb2: {  	v9 =	vld [tilespmem:s7+$0xB900];
	v4 =	vadd.f32 $1.000000000e+00, v4  }
0xb3: {  	v13 =	vld [tilespmem:s7+$0xBE00];
	v7 =	vadd.f32 v7, v3;
	v12 =	vshra.s32 v2, $0x1;
	v3 =	vmul.f32 $5.000000000e-01, v2  }
0xb4: {  	v10 =	vld [tilespmem:s7+$0xBB80];
	v4 =	vadd.f32 v6, v4;
	v6 =	vsub.s32 $0x5F3759DF, v12  }
0xb5: {  	v7 =	vadd.f32 v8, v7;
	v8 =	vld [tilespmem:s8+$0xAA00];
	v12 =	vmul.f32 v6, v3  }
0xb6: {  	v14 =	vld [tilespmem:s8+$0xAC80];
	v4 =	vadd.f32 v5, v4  }
0xb7: {  	v2 =	vld [tilespmem:s7+$0xC580];
	v5 =	vadd.f32 v9, v7;
	v9 =	vmul.f32 v6, v12  }
0xb8: {  	v11 =	vadd.f32 v11, v4;
	v12 =	vld [tilespmem:s7+$0xC080]  }
0xb9: {  	v7 =	vld [tilespmem:s8+$0xAF00];
	v10 =	vadd.f32 v10, v5;
	v9 =	vsub.f32 $1.500000000e+00, v9  }
0xba: {  	v4 =	vld [tilespmem:s7+$0xC300];
	v8 =	vadd.f32 v8, v11  }
0xbb: {  	s10 =	simm.s32 $0x30;
	v5 =	vld [tilespmem:s8+$0xB180];
	v13 =	vadd.f32 v13, v10;
	v9 =	vmul.f32 v6, v9  }
0xbc: {  	v11 =	vld [tilespmem:s10+$0xA000];
	v10 =	vadd.f32 v14, v8  }
0xbd: {  	s11 =	simm.s32 $0x100;
	v6 =	vld [tilespmem:s8+$0xB400];
	v8 =	vadd.f32 v12, v13;
	v12 =	vmul.f32 v9, v3  }
.LBB2_6:
0xbe: {  	p1 =	sne.s32 s11, $0x9C0;
	v7 =	vadd.f32 v7, v10;
	v10 =	vld [tilespmem:s8+$0xB680];
	s12 =	smov.u32 s8;
	s8 =	smov.u32 s10  }
0xbf: {  	v13 =	vld [tilespmem:s8+$0xA280];
	v4 =	vadd.f32 v4, v8;
	v8 =	vmul.f32 v12, v9  }
0xc0: {  	v5 =	vadd.f32 v5, v7;
	v7 =	vld [tilespmem:s12+$0xB900]  }
0xc1: {  	v12 =	vld [tilespmem:s8+$0xA500];
	v2 =	vadd.f32 v2, v4;
	v4 =	vsub.f32 $1.500000000e+00, v8  }
0xc2: {  	v8 =	vadd.f32 $1.000000000e+00, v11;
	v5 =	vadd.f32 v6, v5;
	v6 =	vld [tilespmem:s12+$0xBB80]  }
0xc3: {  	v11 =	vld [tilespmem:s8+$0xA780];
	v14 =	vshra.s32 v2, $0x1;
	v15 =	vmul.f32 $5.000000000e-01, v2;
	v16 =	vmul.f32 v4, v9  }
0xc4: {  	v4 =	vadd.f32 v13, v8;
	v5 =	vadd.f32 v10, v5;
	v2 =	vld [tilespmem:s12+$0xC580];
	v8 =	vsub.s32 $0x5F3759DF, v14  }
0xc5: {  	v9 =	vld [tilespmem:s8+$0xAA00];
	v10 =	vmul.f32 v8, v15;
	v13 =	vmul.f32 v16, v3;
	v3 =	vmov v15  }
0xc6: {  	v4 =	vadd.f32 v12, v4;
	v5 =	vadd.f32 v7, v5;
	v12 =	vld [tilespmem:s12+$0xBE00]  }
0xc7: {  	v14 =	vld [tilespmem:s8+$0xAC80];
	v10 =	vmul.f32 v8, v10;
	v13 =	vmul.f32 v13, v16  }
0xc8: {  	v4 =	vadd.f32 v11, v4;
	v6 =	vadd.f32 v6, v5;
	v15 =	vld [tilespmem:s12+$0xC080]  }
.Ltmp2:
0xc9: {  	v7 =	vld [tilespmem:s8+$0xAF00];
	v10 =	vsub.f32 $1.500000000e+00, v10;
	v11 =	vsub.f32 $1.500000000e+00, v13;
	(pc) =	sbr.rel @p1 .LBB2_6-.Ltmp2, $4  }
0xca: {  	v13 =	vadd.f32 v9, v4;
	v4 =	vld [tilespmem:s12+$0xC300]  }
0xcb: {  	v5 =	vld [tilespmem:s8+$0xB180];
	v12 =	vadd.f32 v12, v6;
	v9 =	vmul.f32 v8, v10;
	v16 =	vmul.f32 v11, v16  }
0xcc: {  	s10 =	sshra.s32 s11, $0x2;
	v10 =	vadd.f32 v14, v13;
	v6 =	vld [tilespmem:s8+$0xB400]  }
0xcd: {  	s11 =	sadd.s32 $0x40, s11;
	v11 =	vld [tilespmem:s10+$0xA000];
	v8 =	vadd.f32 v15, v12;
	v12 =	vmul.f32 v9, v3;
	[tilespmem:s9+$0xC800] =	vst v16;
	s9 =	smov.u32 s7;
	s7 =	smov.u32 s12  }
0xce: {  	_ = 	snop  }
0xcf: {  	v13 =	vld [tilespmem:s10+$0xA280]  }
0xd0: {  	v12 =	vmul.f32 v12, v9  }
0xd1: {  	v15 =	vld [tilespmem:s10+$0xA500]  }
0xd2: {  	v14 =	vld [tilespmem:s8+$0xB680];
	v12 =	vsub.f32 $1.500000000e+00, v12;
	v11 =	vadd.f32 $1.000000000e+00, v11  }
0xd3: {  	v17 =	vld [tilespmem:s10+$0xA780]  }
0xd4: {  	v16 =	vld [tilespmem:s8+$0xB900];
	v46 =	vmul.f32 v12, v9;
	v11 =	vadd.f32 v13, v11  }
0xd5: {  	v47 =	vld [tilespmem:s10+$0xAA00]  }
0xd6: {  	v18 =	vld [tilespmem:s8+$0xBB80];
	v3 =	vmul.f32 v46, v3;
	v11 =	vadd.f32 v15, v11  }
0xd7: {  	v49 =	vld [tilespmem:s10+$0xAC80]  }
0xd8: {  	v48 =	vld [tilespmem:s8+$0xC580];
	v3 =	vmul.f32 v3, v46;
	v11 =	vadd.f32 v17, v11  }
0xd9: {  	v50 =	vld [tilespmem:s10+$0xAF00]  }
0xda: {  	v19 =	vld [tilespmem:s8+$0xBE00];
	v3 =	vsub.f32 $1.500000000e+00, v3;
	v11 =	vadd.f32 v47, v11  }
0xdb: {  	v51 =	vld [tilespmem:s10+$0xB180]  }
0xdc: {  	v20 =	vld [tilespmem:s8+$0xC080];
	v3 =	vmul.f32 v3, v46;
	v52 =	vadd.f32 v49, v11  }
0xdd: {  	v7 =	vadd.f32 v7, v10;
	v54 =	vld [tilespmem:s10+$0xB400]  }
0xde: {  	v53 =	vld [tilespmem:s8+$0xC300];
	[tilespmem:s9+$0xC800] =	vst v3;
	v3 =	vadd.f32 v50, v52  }
0xdf: {  	v5 =	vadd.f32 v5, v7;
	v7 =	vld [tilespmem:s10+$0xB680]  }
0xe0: {  	v3 =	vadd.f32 v51, v3  }
0xe1: {  	v5 =	vadd.f32 v6, v5;
	v6 =	vld [tilespmem:s10+$0xB900]  }
0xe2: {  	v3 =	vadd.f32 v54, v3  }
0xe3: {  	v5 =	vadd.f32 v14, v5;
	v55 =	vld [tilespmem:s10+$0xBB80]  }
0xe4: {  	v3 =	vadd.f32 v7, v3  }
0xe5: {  	v5 =	vadd.f32 v16, v5;
	v7 =	vld [tilespmem:s10+$0xBE00]  }
0xe6: {  	v3 =	vadd.f32 v6, v3  }
0xe7: {  	v5 =	vadd.f32 v18, v5;
	v6 =	vld [tilespmem:s10+$0xC080]  }
0xe8: {  	v3 =	vadd.f32 v55, v3  }
0xe9: {  	v5 =	vadd.f32 v19, v5;
	v56 =	vld [tilespmem:s10+$0xC300]  }
0xea: {  	v3 =	vadd.f32 v7, v3  }
0xeb: {  	v4 =	vadd.f32 v4, v8;
	v5 =	vadd.f32 v20, v5;
	v7 =	vld [tilespmem:s10+$0xC580]  }
0xec: {  	v3 =	vadd.f32 v6, v3  }
0xed: {  	v2 =	vadd.f32 v2, v4;
	v4 =	vadd.f32 v53, v5  }
0xee: {  	v3 =	vadd.f32 v56, v3  }
0xef: {  	v5 =	vshra.s32 v2, $0x1;
	v2 =	vmul.f32 $5.000000000e-01, v2;
	v4 =	vadd.f32 v48, v4  }
0xf0: {  	v5 =	vsub.s32 $0x5F3759DF, v5;
	v3 =	vadd.f32 v7, v3  }
0xf1: {  	v6 =	vmul.f32 v5, v2;
	v7 =	vshra.s32 v4, $0x1;
	v4 =	vmul.f32 $5.000000000e-01, v4  }
0xf2: {  	v7 =	vsub.s32 $0x5F3759DF, v7;
	v57 =	vshra.s32 v3, $0x1;
	v3 =	vmul.f32 $5.000000000e-01, v3  }
0xf3: {  	v58 =	vmul.f32 v7, v4;
	v8 =	vsub.s32 $0x5F3759DF, v57  }
0xf4: {  	v6 =	vmul.f32 v5, v6;
	v59 =	vmul.f32 v8, v3  }
0xf5: {  	v9 =	vmul.f32 v7, v58  }
0xf6: {  	v6 =	vsub.f32 $1.500000000e+00, v6;
	v10 =	vmul.f32 v8, v59  }
0xf7: {  	v9 =	vsub.f32 $1.500000000e+00, v9  }
0xf8: {  	v5 =	vmul.f32 v5, v6;
	v6 =	vsub.f32 $1.500000000e+00, v10  }
0xf9: {  	v7 =	vmul.f32 v7, v9  }
0xfa: {  	v60 =	vmul.f32 v5, v2;
	v6 =	vmul.f32 v8, v6  }
0xfb: {  	v61 =	vmul.f32 v7, v4  }
0xfc: {  	v9 =	vmul.f32 v60, v5;
	v62 =	vmul.f32 v6, v3  }
0xfd: {  	v8 =	vmul.f32 v61, v7  }
0xfe: {  	v9 =	vsub.f32 $1.500000000e+00, v9;
	v10 =	vmul.f32 v62, v6  }
0xff: {  	v8 =	vsub.f32 $1.500000000e+00, v8  }
0x100: {  	v5 =	vmul.f32 v9, v5;
	v63 =	vsub.f32 $1.500000000e+00, v10  }
0x101: {  	v7 =	vmul.f32 v8, v7  }
0x102: {  	v2 =	vmul.f32 v5, v2;
	v6 =	vmul.f32 v63, v6  }
0x103: {  	v4 =	vmul.f32 v7, v4  }
0x104: {  	v2 =	vmul.f32 v2, v5;
	v3 =	vmul.f32 v6, v3  }
0x105: {  	v4 =	vmul.f32 v4, v7  }
0x106: {  	v2 =	vsub.f32 $1.500000000e+00, v2;
	v3 =	vmul.f32 v3, v6  }
0x107: {  	v4 =	vsub.f32 $1.500000000e+00, v4  }
0x108: {  	v2 =	vmul.f32 v2, v5;
	v3 =	vsub.f32 $1.500000000e+00, v3  }
0x109: {  	v4 =	vmul.f32 v4, v7  }
0x10a: {  	[tilespmem:s7+$0xC800] =	vst v2;
	v2 =	vmul.f32 v3, v6  }
0x10b: {  	[tilespmem:s8+$0xC800] =	vst v4  }
0x10c: {  	s7 =	simm.s32 @!p0 $0x0;
	s8 =	simm.s32 @!p0 $0xC800;
	[tilespmem:s10+$0xC800] =	vst v2  }
0x10d: {  	[hbm4b:s24+s7] =	stream.linear.scatter @!p0 [tilespmem:s8], [sflag:$0x2], $0x280, $0x38;
	[tilespmem:$0x16A80] =	vst v63  }
0x10e: {  	s7 =	simm.s32 @!p0 $0x2  }
0x10f: {  	_ =	swait.ge @!p0 [sflag:s7], $0x280  }
0x110: {  	[sflag:s7] =	ssyncset.done @!p0 $0x0  }
0x111: {  	[sflag:s7] =	ssyncadd.s32 @!p0 $0xFFFFFD80  }
0x112: {  	[tilespmem:s1], [sflag:$0x2] =	stream.strided.gather [hbm4b:s16+s31], $0x5000, s0, s31, $0x38;
	[tilespmem:$0x16A80] =	vst v63  }
0x113: {  	_ =	swait.ge [sflag:s28], $0x5000  }
0x114: {  	s11 =	simm.s32 $0x0;
	[sflag:s28] =	ssyncset.done $0x0  }
0x115: {  	v2 =	vmov s11;
	[sflag:s28] =	ssyncadd.s32 $0xFFFFB000  }
0x116: {  	[tilespmem:s3], [sflag:$0x2] =	stream.strided.gather [hbm4b:s17+s31], $0x5000, s0, s31, $0x38;
	[tilespmem:$0x16A80] =	vst v63  }
0x117: {  	_ =	swait.ge [sflag:s28], $0x5000  }
0x118: {  	[sflag:s28] =	ssyncset.done $0x0  }
0x119: {  	[sflag:s28] =	ssyncadd.s32 $0xFFFFB000  }
0x11a: {  	s7 =	simm.s32 $0xCA90;
	v2 =	vld.idx.msk [tilespmem:v2+s5+$0x0], $0xffff  }
0x11b: {  	v3 =	vld [tilespmem:s7+$0xFFFFFFF0]  }
0x11c: {  	v4 =	vld [tilespmem:s7+$0x0];
	_ =	sdelay $0x3  }
0x11d: {  	v3 =	vmul.f32 v3, v2  }
0x11e: {  	v4 =	vmul.f32 v4, v2  }
0x11f: {  	[tilespmem:s7+$0xFFFFFFF0] =	vst v3  }
0x120: {  	s8 =	simm.s32 $0x11A90;
	[tilespmem:s7+$0x0] =	vst v4  }
0x121: {  	v5 =	vld [tilespmem:s8+$0xFFFFFFF0];
	_ =	sdelay $0x1  }
0x122: {  	v4 =	vld [tilespmem:s8+$0x0];
	_ =	sdelay $0x1  }
0x123: {  	s12 =	simm.s32 $0x1  }
0x124: {  	s9 =	simm.s32 $0x11A90;
	s10 =	simm.s32 $0x2;
	v3 =	vmov s12;
	v5 =	vmul.f32 v5, v2  }
.LBB2_8:
0x125: {  	s7 =	sadd.s32 $0x20, s7  }
0x126: {  	v2 =	vmul.f32 v4, v2;
	s8 =	sadd.s32 $0x20, s8;
	s11 =	smov.u32 s10;
	s12 =	sadd.s32 $0x1, s10  }
0x127: {  	p1 =	sne.s32 s10, $0x27F;
	[tilespmem:s9+$0xFFFFFFF0] =	vst v5  }
0x128: {  	[tilespmem:s9+$0x0] =	vst v2;
	s9 =	smov.u32 s8  }
0x129: {  	v4 =	vld [tilespmem:s7+$0x0]  }
0x12a: {  	v2 =	vld.idx.msk [tilespmem:v3+s5+$0x0], $0xffff  }
0x12b: {  	v3 =	vld [tilespmem:s7+$0xFFFFFFF0];
	_ =	sdelay $0x4  }
0x12c: {  	v4 =	vmul.f32 v4, v2;
	v3 =	vmul.f32 v3, v2;
	_ =	sdelay $0x1  }
0x12d: {  	[tilespmem:s7+$0xFFFFFFF0] =	vst v3  }
0x12e: {  	[tilespmem:s7+$0x0] =	vst v4  }
0x12f: {  	v5 =	vld [tilespmem:s8+$0xFFFFFFF0]  }
.Ltmp3:
0x130: {  	v4 =	vld [tilespmem:s8+$0x0];
	(pc) =	sbr.rel @p1 .LBB2_8-.Ltmp3, $2  }
0x131: {  	_ =	sdelay $0x2  }
0x132: {  	s10 =	smov.u32 s12;
	v3 =	vmov s11;
	v5 =	vmul.f32 v5, v2  }
0x133: {  	_ = 	snop  }
0x134: {  	v2 =	vmul.f32 v4, v2  }
0x135: {  	[tilespmem:s9+$0xFFFFFFF0] =	vst v5  }
0x136: {  	[tilespmem:s9+$0x0] =	vst v2  }
0x137: {  	s7 =	sadd.s32 $0x20, s7;
	v2 =	vld.idx.msk [tilespmem:v3+s5+$0x0], $0xffff  }
0x138: {  	v3 =	vld [tilespmem:s7+$0xFFFFFFF0]  }
0x139: {  	v63 =	vld [tilespmem:s7+$0x0];
	_ =	sdelay $0x3  }
0x13a: {  	v3 =	vmul.f32 v3, v2  }
0x13b: {  	v4 =	vmul.f32 v63, v2  }
0x13c: {  	[tilespmem:s7+$0xFFFFFFF0] =	vst v3  }
0x13d: {  	s8 =	sadd.s32 $0x20, s8;
	[tilespmem:s7+$0x0] =	vst v4  }
0x13e: {  	v3 =	vld [tilespmem:s8+$0xFFFFFFF0]  }
0x13f: {  	v4 =	vld [tilespmem:s8+$0x0];
	_ =	sdelay $0x3  }
0x140: {  	v3 =	vmul.f32 v3, v2  }
0x141: {  	v2 =	vmul.f32 v4, v2  }
0x142: {  	[tilespmem:s8+$0xFFFFFFF0] =	vst v3  }
0x143: {  	[tilespmem:s8+$0x0] =	vst v2  }
0x144: {  	[hbm4b:s20+s2] =	stream.linear.scatter [tilespmem:s1], [sflag:$0x2], $0x5000, $0x38;
	[tilespmem:$0x16A80] =	vst v63  }
0x145: {  	s6 =	sadd.s32 $0x1, s6;
	_ =	swait.ge [sflag:s28], $0x5000  }
0x146: {  	p1 =	sne.s32 s6, s25;
	[sflag:s28] =	ssyncset.done $0x0  }
.Ltmp4:
0x147: {  	[sflag:s28] =	ssyncadd.s32 $0xFFFFB000;
	(pc) =	sbr.rel @p1 .LBB2_1-.Ltmp4, $4  }
0x148: {  	[hbm4b:s21+s2] =	stream.linear.scatter [tilespmem:s3], [sflag:$0x2], $0x5000, $0x38;
	[tilespmem:$0x16A80] =	vst v63  }
0x149: {  	_ =	swait.ge [sflag:s28], $0x5000  }
0x14a: {  	[sflag:s28] =	ssyncset.done $0x0  }
0x14b: {  	[sflag:s28] =	ssyncadd.s32 $0xFFFFB000  }
0x14c: {  	_ =	sfence.sel $0x180000  }
0x14d: {  	[bflag:$0x0] =	sbarrier.arrive $0xFFFF  }
0x14e: {  	_ =	strace $0x90000047  }
0x14f: {  	s0 =	stileid.u32;
	[bflag:$0x2] =	sbarrier.arrive $0xFFFF  }
0x150: {  	p0 =	sne.s32 s0, $0x0;
	s0 =	rddreg [dreg:$0x2]  }
0x151: {  	s0 =	sadd.s32 @!p0 $0x100000, s0  }
0x152: {  	[sflag:s0] =	ssyncadd.tile.s32 @!p0 $0x1;
	_ =	shalt  }
.Lfunc_end2:
_tile_overlayer_lowered:
.L_overlay_start_2:
0x153: {  	(tag) =	ssettag $0x2  }
0x154: {  	s0 =	rddreg [dreg:$0x0];
	s2 =	stileid.u32  }
0x155: {  	s1 =	rddreg [dreg:$0x1];
	p0 =	sne.s32 s2, $0x0  }
0x156: {  	s3 =	rddreg [dreg:$0x2];
	[bflag:$0x3] =	sbarrier.arrive $0xFFFF;
	s2 =	simm.s32 @!p0 $0x1C02  }
0x157: {  	[timem:s3], [sflag:s2] =	dma.local @!p0 [hbm:s0], s1  }
0x158: {  	s0 =	simm.s32 @!p0 $0x2  }
0x159: {  	_ =	swait.ge @!p0 [sflag:s0], s1  }
0x15a: {  	s1 =	ssub.s32 @!p0 $0x0, s1;
	[sflag:s0] =	ssyncset.done @!p0 $0x0  }
0x15b: {  	[sflag:s0] =	ssyncadd.s32 @!p0 s1  }
0x15c: {  	[bflag:$0x3] =	sbarrier.arrive $0xFFFF  }
0x15d: {  	_ =	shalt  }

// kernel: kernel.9.cloned.1.call-start
scs
__scs_entry_jumppad:
0x0: {  	(pc) =	sbr.rel $0x88, $3  }
0x1: {  	(tag) =	ssettag $0x0;
	lr =	simm.s32 $0x1  }
0x2: {  	[smem:$0x3F9B] =	sst lr;
	_ =	strace $0xD0000000  }
0x3: {  	_ = 	snop  }
0x4: {  	_ = 	snop  }
0x5: {  	_ = 	snop  }
0x6: {  	_ = 	snop  }
0x7: {  	_ = 	snop  }
__scs_overlays_trampoline_lowered:
0x8: {  	[smem:$0x3FAA] =	sst s0  }
0x9: {  	[smem:$0x3FAB] =	sst s1  }
0xa: {  	[smem:$0x3FAC] =	sst s2  }
0xb: {  	[smem:$0x3FAD] =	sst s3  }
0xc: {  	[smem:$0x3FAE] =	sst s4  }
0xd: {  	[smem:$0x3FAF] =	sst s5  }
0xe: {  	[smem:$0x3FB0] =	sst s6  }
0xf: {  	[smem:$0x3FB1] =	sst s7  }
0x10: {  	[smem:$0x3FB2] =	sst s8  }
0x11: {  	[smem:$0x3FB3] =	sst s9;
	s0 =	simm.s32 @!p0 $0x0  }
0x12: {  	s1 =	sld [smem:$0x3F99];
	s0 =	simm.s32 @p0 $0x1  }
0x13: {  	[smem:$0x3FB4] =	sst s0;
	s0 =	simm.s32 @!p1 $0x0  }
0x14: {  	s2 =	sld [smem:$0x3F98];
	s0 =	simm.s32 @p1 $0x1  }
0x15: {  	[smem:$0x3FB5] =	sst s0;
	s0 =	simm.s32 @!p2 $0x0  }
0x16: {  	s3 =	sld [smem:$0x3FDB];
	s0 =	simm.s32 @p2 $0x1  }
0x17: {  	s4 =	simm.s32 $0x1BF5;
	[smem:$0x3FB7] =	sst s0  }
0x18: {  	s0 =	sld [smem:$0x3F9A];
	_ =	swait.ge [sflag:s4], $0x0  }
0x19: {  	s7 =	sld [smem:$0x3F9B]  }
0x1a: {  	s8 =	sadd.s32 $0xFFFFE003, lr  }
0x1b: {  	s9 =	sadd.s32 $0xFFFFFEF7, lr;
	s5 =	simm.s32 $0xFFFFFFFF;
	p2 =	slt.u32 s8, $0xFFFFF086  }
0x1c: {  	p1 =	slt.u32 s9, $0xF7A;
	s5 =	simm.s32 @!p2 $0x0  }
0x1d: {  	s5 =	simm.s32 @p1 $0x1;
	p0 =	seq.s32 s7, s2  }
0x1e: {  	s7 =	smul.u32 @!p0 $0xF7A, s2;
	p2 =	seq.s32 @!p0 s5, $0x0  }
0x1f: {  	s9 =	smul.u32 $0xF7A, s1;
	s8 =	simm.s32 @!p0 $0x1BF5;
	p2 =	por !p2, p0  }
0x20: {  	[sflag:s8] =	ssyncset.s32 @!p0 $0xFFFFF086;
	s6 =	sadd.s32 @!p0 s3, s7;
	s7 =	simm.s32 @!p0 $0x108  }
0x21: {  	s3 =	sadd.s32 s3, s9;
	s6 =	sadd.s32 @!p0 $0x88, s6;
	s7 =	simm.s32 @p2 $0x1082  }
0x22: {  	[simem:s7], [sflag:s8] =	dma.local @!p0 [hbm:s6], $0xF7A  }
0x23: {  	s9 =	sor.u32 $0xD0000000, s2;
	s6 =	simm.s32 $0x108;
	_ =	swait.ge @!p0 [sflag:s8], $0x0  }
0x24: {  	s3 =	sadd.s32 $0x88, s3;
	s6 =	simm.s32 @!p1 $0x1082;
	[sflag:s4] =	ssyncset.s32 $0xFFFFF086  }
0x25: {  	[simem:s6], [sflag:s4] =	dma.local [hbm:s3], $0xF7A  }
0x26: {  	[smem:$0x3F9B] =	sst s1;
	(tag) =	ssettag s2;
	_ =	strace s9  }
0x27: {  	s1 =	sld [smem:$0x3FAB]  }
0x28: {  	s2 =	sld [smem:$0x3FAC]  }
0x29: {  	s4 =	sld [smem:$0x3FAE]  }
0x2a: {  	p0 =	seq.s32 s5, $0x0;
	s5 =	sld [smem:$0x3FAF]  }
0x2b: {  	s6 =	sld [smem:$0x3FB0]  }
0x2c: {  	s7 =	sld [smem:$0x3FB1]  }
0x2d: {  	s3 =	simm.s32 $0x108;
	s8 =	sld [smem:$0x3FB2]  }
0x2e: {  	s3 =	simm.s32 @!p0 $0x1082;
	s9 =	sld [smem:$0x3FB3]  }
0x2f: {  	lr =	sadd.s32 s0, s3;
	s0 =	sld [smem:$0x3FAA]  }
0x30: {  	s3 =	sld [smem:$0x3FAD]  }
0x31: {  	[smem:$0x3FB6] =	sst s10  }
0x32: {  	s10 =	sld [smem:$0x3FB4];
	_ =	sdelay $0x3  }
0x33: {  	p0 =	seq.s32 s10, $0x1;
	s10 =	sld [smem:$0x3FB6];
	_ =	sdelay $0x3  }
0x34: {  	[smem:$0x3FB6] =	sst s10  }
0x35: {  	s10 =	sld [smem:$0x3FB5];
	_ =	sdelay $0x3  }
0x36: {  	p1 =	seq.s32 s10, $0x1;
	s10 =	sld [smem:$0x3FB6];
	_ =	sdelay $0x3  }
0x37: {  	[smem:$0x3FB6] =	sst s10  }
0x38: {  	s10 =	sld [smem:$0x3FB7]  }
0x39: {  	_ = 	snop;
	(pc) =	sbr.ind lr, $3  }
0x3a: {  	_ = 	snop  }
0x3b: {  	_ = 	snop  }
0x3c: {  	p2 =	seq.s32 s10, $0x1;
	s10 =	sld [smem:$0x3FB6]  }
0x3d: {  	_ =	shalt  }
0x3e: {  	_ =	shalt  }
0x3f: {  	_ =	shalt  }
0x40: {  	_ =	shalt  }
0x41: {  	_ =	shalt  }
0x42: {  	_ =	shalt  }
0x43: {  	_ =	shalt  }
0x44: {  	_ =	shalt  }
0x45: {  	_ =	shalt  }
0x46: {  	_ =	shalt  }
0x47: {  	_ =	shalt  }
0x48: {  	_ =	shalt  }
0x49: {  	_ =	shalt  }
0x4a: {  	_ =	shalt  }
0x4b: {  	_ =	shalt  }
0x4c: {  	_ =	shalt  }
0x4d: {  	_ =	shalt  }
0x4e: {  	_ =	shalt  }
0x4f: {  	_ =	shalt  }
0x50: {  	_ =	shalt  }
0x51: {  	_ =	shalt  }
0x52: {  	_ =	shalt  }
0x53: {  	_ =	shalt  }
0x54: {  	_ =	shalt  }
0x55: {  	_ =	shalt  }
0x56: {  	_ =	shalt  }
0x57: {  	_ =	shalt  }
0x58: {  	_ =	shalt  }
0x59: {  	_ =	shalt  }
0x5a: {  	_ =	shalt  }
0x5b: {  	_ =	shalt  }
0x5c: {  	_ =	shalt  }
0x5d: {  	_ =	shalt  }
0x5e: {  	_ =	shalt  }
0x5f: {  	_ =	shalt  }
0x60: {  	_ =	shalt  }
0x61: {  	_ =	shalt  }
0x62: {  	_ =	shalt  }
0x63: {  	_ =	shalt  }
0x64: {  	_ =	shalt  }
0x65: {  	_ =	shalt  }
0x66: {  	_ =	shalt  }
0x67: {  	_ =	shalt  }
0x68: {  	_ =	shalt  }
0x69: {  	_ =	shalt  }
0x6a: {  	_ =	shalt  }
0x6b: {  	_ =	shalt  }
0x6c: {  	_ =	shalt  }
0x6d: {  	_ =	shalt  }
0x6e: {  	_ =	shalt  }
0x6f: {  	_ =	shalt  }
0x70: {  	_ =	shalt  }
0x71: {  	_ =	shalt  }
0x72: {  	_ =	shalt  }
0x73: {  	_ =	shalt  }
0x74: {  	_ =	shalt  }
0x75: {  	_ =	shalt  }
0x76: {  	_ =	shalt  }
0x77: {  	_ =	shalt  }
0x78: {  	_ =	shalt  }
0x79: {  	_ =	shalt  }
0x7a: {  	_ =	shalt  }
0x7b: {  	_ =	shalt  }
0x7c: {  	_ =	shalt  }
0x7d: {  	_ =	shalt  }
0x7e: {  	_ =	shalt  }
0x7f: {  	_ =	shalt  }
0x80: {  	_ =	shalt  }
0x81: {  	_ =	shalt  }
0x82: {  	_ =	shalt  }
0x83: {  	_ =	shalt  }
0x84: {  	_ =	shalt  }
0x85: {  	_ =	shalt  }
0x86: {  	_ =	shalt  }
0x87: {  	_ =	shalt  }
.Lfunc_end0:
.L_simem_size_0:
called_computation.1_lowered:
.L_overlay_start_0:
0x88: {  	s2 =	sld [smem:$0x3FD9]  }
0x89: {  	s3 =	sld [smem:$0x3FFE];
	_ =	sdelay $0x1  }
0x8a: {  	s1 =	srdreg.scid  }
0x8b: {  	s0 =	sand.u32 $0x1, s1  }
0x8c: {  	s16 =	sshll.u32 s0, $0xA;
	s2 =	sadd.s32 s3, s2  }
0x8d: {  	s2 =	sadd.s32 s2, s16  }
0x8e: {  	[smem:$0x3FC2] =	sst s2  }
0x8f: {  	_ = 	snop  }
0x90: {  	(tm) =	ssettm $0x1  }
0x91: {  	s17 =	sld [smem:$0x3FFB];
	_ =	sdelay $0x3  }
0x92: {  	_ =	strace s17  }
0x93: {  	s2 =	sld [smem:$0x3FFC];
	_ =	sdelay $0x3  }
0x94: {  	_ =	strace s2  }
0x95: {  	s2 =	sld [smem:$0x3FFD];
	_ =	sdelay $0x3  }
0x96: {  	_ =	strace s2  }
0x97: {  	_ =	strace $0x8FFFFFFF  }
0x98: {  	s18 =	sld [smem:$0x3FDB];
	_ =	sdelay $0x1  }
0x99: {  	s19 =	simm.s32 $_scs_section_size  }
0x9a: {  	s4 =	simm.s32 $_size__tile_overlayer_lowered;
	s5 =	simm.s32 $_tile_overlayer_lowered  }
0x9b: {  	s22 =	simm.s32 $0x1BFF;
	s21 =	sshll.u32 s5, $0x1;
	s2 =	sadd.s32 s19, s18  }
0x9c: {  	s6 =	simm.s32 $0x0;
	s20 =	sshll.u32 s4, $0x1;
	s4 =	sadd.s32 s21, s2  }
0x9d: {  	[timem:s6], [sflag:s22] =	dma.local [hbm:s4], s20  }
0x9e: {  	_ =	swait.ge [sflag:s22], s20  }
0x9f: {  	s3 =	ssub.s32 $0x0, s20;
	[sflag:s22] =	ssyncset.done $0x0  }
0xa0: {  	[sflag:s22] =	ssyncadd.s32 s3;
	_ =	sdelay $0x1  }
0xa1: {  	s23 =	simm.s32 $0x1B8B  }
0xa2: {  	_ =	swait.ge [sflag:s23], $0x1  }
0xa3: {  	[sflag:s23] =	ssyncset.done $0x0  }
0xa4: {  	s25 =	simm.s32 $0x1B8E;
	s24 =	sld [smem:$0x3FFE];
	[sflag:s23] =	ssyncadd.s32 $0xFFFFFFFF  }
0xa5: {  	s26 =	simm.s32 $execute0_lowered;
	[smem:$0x3FD2] =	sst s25  }
0xa6: {  	s4 =	sshll.u32 s26, $0x1;
	_ =	strace $0x80000049;
	[dreg:$0x1] =	wrdreg $0xFFFFFFFF  }
0xa7: {  	s28 =	simm.s32 $_size_execute0_lowered;
	s2 =	sadd.s32 s2, s4;
	[dreg:$0x0] =	wrdreg $0x0  }
0xa8: {  	s4 =	sshll.u32 s28, $0x1;
	[dreg:$0x2] =	wrdreg s2  }
0xa9: {  	[dreg:$0x3] =	wrdreg s4  }
0xaa: {  	[dreg:$0x4] =	wrdreg $0xC0  }
0xab: {  	_ =	task [dreg:s6], $0x5FFFF  }
0xac: {  	[dreg:$0x1] =	wrdreg $0xFFFFFFFF  }
0xad: {  	[dreg:$0x0] =	wrdreg $0x60  }
0xae: {  	[dreg:$0x2] =	wrdreg s24  }
0xaf: {  	[dreg:$0x3] =	wrdreg $0xE0000  }
0xb0: {  	[dreg:$0x4] =	wrdreg $0x130000  }
0xb1: {  	[dreg:$0x5] =	wrdreg $0x9  }
0xb2: {  	_ =	task.clear_ibuf [dreg:s6], $0x6FFFF;
	_ =	strace $0x90000049  }
0xb3: {  	s29 =	simm.s32 $0x9;
	_ =	strace $0x8000004B  }
0xb4: {  	_ =	swait.ge [sflag:s29], $0x1  }
0xb5: {  	[sflag:s29] =	ssyncadd.s32 $0xFFFFFFFF  }
0xb6: {  	_ =	strace $0x9000004B  }
0xb7: {  	_ =	sfence  }
0xb8: {  	s30 =	sld [smem:$0x0];
	_ =	sdelay $0x2  }
0xb9: {  	s31 =	sshll.u32 s1, $0xD;
	s1 =	sshrl.u32 s1, $0x2  }
0xba: {  	s3 =	sand.u32 $0x4000, s31;
	s1 =	sadd.s32 s1, s30  }
0xbb: {  	s0 =	sor.u32 s3, s0;
	s1 =	sshll.u32 s1, $0x11  }
0xbc: {  	s0 =	sor.u32 s1, s0  }
0xbd: {  	s0 =	sadd.s32 $0x8F2B, s0  }
0xbe: {  	[sflag:s0] =	ssyncadd.remote.s32 $0x1  }
0xbf: {  	_ =	sfence.sel $0xFFFF  }
0xc0: {  	[dreg:$0x0] =	wrdreg $0xFFFFFFFF;
	(pc) =	sbr.abs _section_cstart, $3  }
0xc1: {  	[dreg:$0x1] =	wrdreg $0xFFFFFFFF  }
0xc2: {  	_ =	task.clear_ibuf [dreg:s6], $0x2FFFF;
	_ =	strace $0x9FFFFFFF  }
0xc3: {  	(tm) =	ssettm $0x7FFFFFFF  }
tec
execute0_lowered:
.L_overlay_start_1:
0x0: {  	(tag) =	ssettag $0x1  }
0x1: {  	s0 =	rddreg [dreg:$0x0]  }
0x2: {  	s1 =	rddreg [dreg:$0x1]  }
0x3: {  	s3 =	rddreg [dreg:$0x2]  }
0x4: {  	s2 =	simm.s32 $0x0;
	s14 =	stileid.u32;
	s18 =	srdreg.scid  }
0x5: {  	s28 =	simm.s32 $0xD000;
	s29 =	simm.s32 $0x1;
	s30 =	simm.s32 $0x5  }
0x6: {  	s31 =	simm.s32 $0x2;
	s15 =	simm.s32 $0x0;
	s4 =	smul.u32 $0xA00, s14  }
0x7: {  	[smem:$0x7FF] =	sst s2;
	s2 =	sand.u32 $0x1, s18;
	s7 =	smul.u32 $0x5000, s14  }
0x8: {  	s5 =	sadd.s32 $0x32E00, s0;
	s19 =	smul.u32 $0x14000, s14;
	s18 =	simm.s32 $0x9  }
0x9: {  	s26 =	sshll.u32 s14, $0x6;
	s14 =	simm.s32 $0x9F80;
	_ =	strace $0x8000004A  }
0xa: {  	s6 =	ssub.s32 $0x2, s2;
	s2 =	smul.u32 $0xA0000, s2;
	s4 =	sadd.s32 s4, s0  }
0xb: {  	s8 =	sshrl.u32 s6, $0x1;
	s0 =	sadd.s32 $0xAE00, s0;
	s20 =	sadd.s32 s7, s1  }
0xc: {  	s21 =	sshrl.u32 s19, $0x2;
	s19 =	simm.s32 $0x7;
	s6 =	ssub.s32 s6, s8  }
0xd: {  	s9 =	sadd.s32 $0x5B400, s4;
	s4 =	sadd.s32 $0xE00, s4;
	[dreg:$0x6] =	wrdreg s20  }
0xe: {  	s2 =	sadd.s32 s7, s2;
	s20 =	sor.u32 $0x1C09, s26;
	[dreg:$0x4] =	wrdreg s9  }
0xf: {  	s8 =	simm.s32 $0x9F00;
	[dreg:$0x5] =	wrdreg s4;
	s2 =	sshrl.u32 s2, $0x3  }
0x10: {  	s9 =	sadd.s32 s7, s3;
	s4 =	sadd.s32 s21, s3;
	s25 =	smax.u32 s6, $0x1  }
0x11: {  	s21 =	simm.s32 $0xA000;
	s6 =	simm.s32 $0x9E00;
	s7 =	simm.s32 $0x9E80  }
0x12: {  	s22 =	sadd.s32 s5, s2;
	s10 =	sadd.s32 $0x1000, s4;
	s11 =	sadd.s32 $0x2000, s4  }
0x13: {  	s12 =	sadd.s32 $0x3000, s4;
	s13 =	sadd.s32 $0x4000, s4;
	[dreg:$0xb] =	wrdreg s25  }
0x14: {  	s23 =	sadd.s32 s0, s2;
	s2 =	sadd.s32 $0xA000, s2;
	[dreg:$0x7] =	wrdreg s22  }
0x15: {  	s25 =	simm.s32 $0xC000;
	s4 =	simm.s32 $0x4;
	[dreg:$0x8] =	wrdreg s23  }
0x16: {  	s24 =	sadd.s32 s5, s2;
	s0 =	sadd.s32 s0, s2;
	s22 =	simm.s32 $0x80  }
0x17: {  	s23 =	simm.s32 $0xB000;
	s2 =	simm.s32 $0x3;
	[dreg:$0x9] =	wrdreg s24  }
0x18: {  	v0 =	vimm.f32 $0.0e+00;
	s5 =	simm.s32 $0x8;
	[dreg:$0xa] =	wrdreg s0;
	s0 =	simm.s32 $0x6  }
.LBB2_1:
0x19: {  	s16 =	simm.s32 $0x0;
	s17 =	rddreg [dreg:$0x4]  }
0x1a: {  	[tilespmem:s16], [sflag:$0x9] =	stream.linear.gather [hbm4b:s17+s16], $0x5000, $0x38;
	[tilespmem:$0x18000] =	vst v63  }
0x1b: {  	_ =	swait.ge [sflag:s18], $0x5000  }
0x1c: {  	[sflag:s18] =	ssyncset.done $0x0  }
0x1d: {  	s24 =	simm.s32 $0x5000;
	s26 =	rddreg [dreg:$0x5];
	[sflag:s18] =	ssyncadd.s32 $0xFFFFB000  }
0x1e: {  	[tilespmem:s24], [sflag:$0x9] =	stream.linear.gather [hbm4b:s26+s16], $0x5000, $0x38;
	[tilespmem:$0x18000] =	vst v63  }
0x1f: {  	_ =	swait.ge [sflag:s18], $0x5000  }
0x20: {  	[sflag:s18] =	ssyncset.done $0x0;
	s24 =	rddreg [dreg:$0x6]  }
0x21: {  	s26 =	rddreg [dreg:$0x7];
	[sflag:s18] =	ssyncadd.s32 $0xFFFFB000;
	s16 =	sshrl.u32 s24, $0x3  }
0x22: {  	[spmem:s16], [sflag:s20] =	dma.local [hbm:s26], $0xA00  }
0x23: {  	_ =	swait.ge [sflag:s18], $0xA00  }
0x24: {  	[sflag:s18] =	ssyncset.done $0x0  }
0x25: {  	s17 =	simm.s32 $0x80;
	s24 =	simm.s32 $0x0;
	[sflag:s18] =	ssyncadd.s32 $0xFFFFF600  }
.LBB2_2:
0x26: {  	p0 =	sne.s32 s17, $0x3F80;
	[tilespmem:s24+$0xA000] =	vst v0;
	s26 =	smov.u32 s17;
	s17 =	sadd.s32 $0x80, s17  }
.Ltmp0:
0x27: {  	[tilespmem:s24+$0xA010] =	vst v0;
	(pc) =	sbr.rel @p0 .LBB2_2-.Ltmp0, $2  }
0x28: {  	_ =	sdelay $0x2  }
0x29: {  	s24 =	sshra.s32 s26, $0x2  }
0x2a: {  	[tilespmem:s24+$0xA000] =	vst v0  }
0x2b: {  	[tilespmem:s24+$0xA010] =	vst v0  }
0x2c: {  	[spmem:s9] =	stream.linear.scatter [tilespmem:s21], [sflag:$0x9], $0x1000, $0x38;
	[tilespmem:$0x18000] =	vst v63  }
0x2d: {  	_ =	swait.ge [sflag:s18], $0x1000  }
0x2e: {  	[sflag:s18] =	ssyncset.done $0x0  }
0x2f: {  	[sflag:s18] =	ssyncadd.s32 $0xFFFFF000  }
0x30: {  	[spmem:s10] =	stream.linear.scatter [tilespmem:s21], [sflag:$0x9], $0x1000, $0x38;
	[tilespmem:$0x18000] =	vst v63  }
0x31: {  	_ =	swait.ge [sflag:s18], $0x1000  }
0x32: {  	[sflag:s18] =	ssyncset.done $0x0  }
0x33: {  	[sflag:s18] =	ssyncadd.s32 $0xFFFFF000  }
0x34: {  	[spmem:s11] =	stream.linear.scatter [tilespmem:s21], [sflag:$0x9], $0x1000, $0x38;
	[tilespmem:$0x18000] =	vst v63  }
0x35: {  	_ =	swait.ge [sflag:s18], $0x1000  }
0x36: {  	[sflag:s18] =	ssyncset.done $0x0  }
0x37: {  	[sflag:s18] =	ssyncadd.s32 $0xFFFFF000  }
0x38: {  	[spmem:s12] =	stream.linear.scatter [tilespmem:s21], [sflag:$0x9], $0x1000, $0x38;
	[tilespmem:$0x18000] =	vst v63  }
0x39: {  	_ =	swait.ge [sflag:s18], $0x1000  }
0x3a: {  	[sflag:s18] =	ssyncset.done $0x0  }
0x3b: {  	[sflag:s18] =	ssyncadd.s32 $0xFFFFF000  }
0x3c: {  	[spmem:s13] =	stream.linear.scatter [tilespmem:s21], [sflag:$0x9], $0x1000, $0x38;
	[tilespmem:$0x18000] =	vst v63  }
0x3d: {  	_ =	swait.ge [sflag:s18], $0x1000  }
0x3e: {  	[sflag:s18] =	ssyncset.done $0x0  }
0x3f: {  	[sflag:s18] =	ssyncadd.s32 $0xFFFFF000  }
0x40: {  	s17 =	simm.s32 $0x0;
	[bflag:$0x0] =	sbarrier.arrive $0xFFFF  }
0x41: {  	[tilespmem:s21], [sflag:$0x1] =	stream.indirect.gather [spmem:s1], $0x20, s17, s22, $0xb8;
	[tilespmem:$0x18000] =	vst v63  }
0x42: {  	_ = 	snop  }
0x43: {  	[tilespmem:s23], [sflag:$0x2] =	stream.indirect.gather [spmem:s1], $0x20, s22, s22, $0xb8;
	[tilespmem:$0x18000] =	vst v63  }
0x44: {  	s26 =	simm.s32 $0x100  }
0x45: {  	[tilespmem:s25], [sflag:$0x3] =	stream.indirect.gather [spmem:s1], $0x20, s26, s22, $0xb8;
	[tilespmem:$0x18000] =	vst v63  }
0x46: {  	s24 =	simm.s32 $0x180  }
0x47: {  	[tilespmem:s28], [sflag:$0x4] =	stream.indirect.gather [spmem:s1], $0x20, s24, s22, $0xb8;
	[tilespmem:$0x18000] =	vst v63  }
0x48: {  	_ =	swait.ge [sflag:s29], $0x1000  }
0x49: {  	[sflag:s29] =	ssyncset.done $0x0  }
0x4a: {  	s26 =	simm.s32 $0x5000;
	[sflag:s29] =	ssyncadd.s32 $0xFFFFF000  }
0x4b: {  	[spmem:s3] =	stream.indirect.scatter.add.f32 [tilespmem:s21], [sflag:$0x5], $0x20, s26, s22, $0xb8;
	[tilespmem:$0x18000] =	vst v63  }
0x4c: {  	_ =	swait.ge [sflag:s30], $0x1000  }
0x4d: {  	[sflag:s30] =	ssyncset.done $0x0  }
0x4e: {  	s24 =	simm.s32 $0x200;
	[sflag:s30] =	ssyncadd.s32 $0xFFFFF000  }
0x4f: {  	[tilespmem:s21], [sflag:$0x1] =	stream.indirect.gather [spmem:s1], $0x20, s24, s22, $0xb8;
	[tilespmem:$0x18000] =	vst v63  }
0x50: {  	_ =	swait.ge [sflag:s31], $0x1000  }
0x51: {  	[sflag:s31] =	ssyncset.done $0x0  }
0x52: {  	s26 =	simm.s32 $0x5080;
	[sflag:s31] =	ssyncadd.s32 $0xFFFFF000  }
0x53: {  	[spmem:s3] =	stream.indirect.scatter.add.f32 [tilespmem:s23], [sflag:$0x6], $0x20, s26, s22, $0xb8;
	[tilespmem:$0x18000] =	vst v63  }
0x54: {  	_ =	swait.ge [sflag:s0], $0x1000  }
0x55: {  	[sflag:s0] =	ssyncset.done $0x0  }
0x56: {  	s24 =	simm.s32 $0x280;
	[sflag:s0] =	ssyncadd.s32 $0xFFFFF000  }
0x57: {  	[tilespmem:s23], [sflag:$0x2] =	stream.indirect.gather [spmem:s1], $0x20, s24, s22, $0xb8;
	[tilespmem:$0x18000] =	vst v63  }
0x58: {  	_ =	swait.ge [sflag:s2], $0x1000  }
0x59: {  	[sflag:s2] =	ssyncset.done $0x0  }
0x5a: {  	s26 =	simm.s32 $0x5100;
	[sflag:s2] =	ssyncadd.s32 $0xFFFFF000  }
0x5b: {  	[spmem:s3] =	stream.indirect.scatter.add.f32 [tilespmem:s25], [sflag:$0x7], $0x20, s26, s22, $0xb8;
	[tilespmem:$0x18000] =	vst v63  }
0x5c: {  	_ =	swait.ge [sflag:s19], $0x1000  }
0x5d: {  	[sflag:s19] =	ssyncset.done $0x0  }
0x5e: {  	s24 =	simm.s32 $0x300;
	[sflag:s19] =	ssyncadd.s32 $0xFFFFF000  }
0x5f: {  	[tilespmem:s25], [sflag:$0x3] =	stream.indirect.gather [spmem:s1], $0x20, s24, s22, $0xb8;
	[tilespmem:$0x18000] =	vst v63  }
0x60: {  	_ =	swait.ge [sflag:s4], $0x1000  }
0x61: {  	[sflag:s4] =	ssyncset.done $0x0  }
0x62: {  	s26 =	simm.s32 $0x5180;
	[sflag:s4] =	ssyncadd.s32 $0xFFFFF000  }
0x63: {  	[spmem:s3] =	stream.indirect.scatter.add.f32 [tilespmem:s28], [sflag:$0x8], $0x20, s26, s22, $0xb8;
	[tilespmem:$0x18000] =	vst v63  }
0x64: {  	_ =	swait.ge [sflag:s5], $0x1000  }
0x65: {  	[sflag:s5] =	ssyncset.done $0x0  }
0x66: {  	s17 =	simm.s32 $0x800;
	s24 =	simm.s32 $0x380;
	[sflag:s5] =	ssyncadd.s32 $0xFFFFF000  }
.LBB2_4:
0x67: {  	[tilespmem:s28], [sflag:$0x4] =	stream.indirect.gather [spmem:s1], $0x20, s24, s22, $0xb8;
	[tilespmem:$0x18000] =	vst v63  }
0x68: {  	s24 =	smov.u32 s17  }
0x69: {  	p0 =	sne.s32 s17, $0x13000;
	s17 =	sadd.s32 $0x800, s17;
	_ =	swait.ge [sflag:s29], $0x1000  }
0x6a: {  	s24 =	sshra.s32 s24, $0x2;
	[sflag:s29] =	ssyncset.done $0x0  }
0x6b: {  	s26 =	sadd.s32 $0x5000, s24;
	[sflag:s29] =	ssyncadd.s32 $0xFFFFF000  }
0x6c: {  	[spmem:s3] =	stream.indirect.scatter.add.f32 [tilespmem:s21], [sflag:$0x5], $0x20, s26, s22, $0xb8;
	[tilespmem:$0x18000] =	vst v63  }
0x6d: {  	_ =	swait.ge [sflag:s30], $0x1000  }
0x6e: {  	[sflag:s30] =	ssyncset.done $0x0  }
0x6f: {  	s26 =	sadd.s32 $0x200, s24;
	[sflag:s30] =	ssyncadd.s32 $0xFFFFF000  }
0x70: {  	[tilespmem:s21], [sflag:$0x1] =	stream.indirect.gather [spmem:s1], $0x20, s26, s22, $0xb8;
	[tilespmem:$0x18000] =	vst v63  }
0x71: {  	_ =	swait.ge [sflag:s31], $0x1000  }
0x72: {  	[sflag:s31] =	ssyncset.done $0x0  }
0x73: {  	s26 =	sadd.s32 $0x5080, s24;
	[sflag:s31] =	ssyncadd.s32 $0xFFFFF000  }
0x74: {  	[spmem:s3] =	stream.indirect.scatter.add.f32 [tilespmem:s23], [sflag:$0x6], $0x20, s26, s22, $0xb8;
	[tilespmem:$0x18000] =	vst v63  }
0x75: {  	_ =	swait.ge [sflag:s0], $0x1000  }
0x76: {  	[sflag:s0] =	ssyncset.done $0x0  }
0x77: {  	s26 =	sadd.s32 $0x280, s24;
	[sflag:s0] =	ssyncadd.s32 $0xFFFFF000  }
0x78: {  	[tilespmem:s23], [sflag:$0x2] =	stream.indirect.gather [spmem:s1], $0x20, s26, s22, $0xb8;
	[tilespmem:$0x18000] =	vst v63  }
0x79: {  	_ =	swait.ge [sflag:s2], $0x1000  }
0x7a: {  	[sflag:s2] =	ssyncset.done $0x0  }
0x7b: {  	s26 =	sadd.s32 $0x5100, s24;
	[sflag:s2] =	ssyncadd.s32 $0xFFFFF000  }
0x7c: {  	[spmem:s3] =	stream.indirect.scatter.add.f32 [tilespmem:s25], [sflag:$0x7], $0x20, s26, s22, $0xb8;
	[tilespmem:$0x18000] =	vst v63  }
0x7d: {  	_ =	swait.ge [sflag:s19], $0x1000  }
0x7e: {  	[sflag:s19] =	ssyncset.done $0x0  }
0x7f: {  	s26 =	sadd.s32 $0x300, s24;
	[sflag:s19] =	ssyncadd.s32 $0xFFFFF000  }
0x80: {  	[tilespmem:s25], [sflag:$0x3] =	stream.indirect.gather [spmem:s1], $0x20, s26, s22, $0xb8;
	[tilespmem:$0x18000] =	vst v63  }
0x81: {  	_ =	swait.ge [sflag:s4], $0x1000  }
0x82: {  	[sflag:s4] =	ssyncset.done $0x0  }
.Ltmp1:
0x83: {  	s26 =	sadd.s32 $0x5180, s24;
	[sflag:s4] =	ssyncadd.s32 $0xFFFFF000;
	(pc) =	sbr.rel @p0 .LBB2_4-.Ltmp1, $4  }
0x84: {  	[spmem:s3] =	stream.indirect.scatter.add.f32 [tilespmem:s28], [sflag:$0x8], $0x20, s26, s22, $0xb8;
	[tilespmem:$0x18000] =	vst v63  }
0x85: {  	_ =	swait.ge [sflag:s5], $0x1000  }
0x86: {  	[sflag:s5] =	ssyncset.done $0x0  }
0x87: {  	s24 =	sadd.s32 $0x380, s24;
	[sflag:s5] =	ssyncadd.s32 $0xFFFFF000  }
0x88: {  	[tilespmem:s28], [sflag:$0x4] =	stream.indirect.gather [spmem:s1], $0x20, s24, s22, $0xb8;
	[tilespmem:$0x18000] =	vst v63  }
0x89: {  	_ =	swait.ge [sflag:s29], $0x1000  }
0x8a: {  	[sflag:s29] =	ssyncset.done $0x0  }
0x8b: {  	[sflag:s29] =	ssyncadd.s32 $0xFFFFF000  }
0x8c: {  	[spmem:s3] =	stream.indirect.scatter.add.f32 [tilespmem:s21], [sflag:$0x5], $0x20, s6, s22, $0xb8;
	[tilespmem:$0x18000] =	vst v63  }
0x8d: {  	_ =	swait.ge [sflag:s30], $0x1000  }
0x8e: {  	[sflag:s30] =	ssyncset.done $0x0  }
0x8f: {  	[sflag:s30] =	ssyncadd.s32 $0xFFFFF000  }
0x90: {  	_ =	swait.ge [sflag:s31], $0x1000  }
0x91: {  	[sflag:s31] =	ssyncset.done $0x0  }
0x92: {  	[sflag:s31] =	ssyncadd.s32 $0xFFFFF000  }
0x93: {  	[spmem:s3] =	stream.indirect.scatter.add.f32 [tilespmem:s23], [sflag:$0x6], $0x20, s7, s22, $0xb8;
	[tilespmem:$0x18000] =	vst v63  }
0x94: {  	_ =	swait.ge [sflag:s0], $0x1000  }
0x95: {  	[sflag:s0] =	ssyncset.done $0x0  }
0x96: {  	[sflag:s0] =	ssyncadd.s32 $0xFFFFF000  }
0x97: {  	_ =	swait.ge [sflag:s2], $0x1000  }
0x98: {  	[sflag:s2] =	ssyncset.done $0x0  }
0x99: {  	[sflag:s2] =	ssyncadd.s32 $0xFFFFF000  }
0x9a: {  	[spmem:s3] =	stream.indirect.scatter.add.f32 [tilespmem:s25], [sflag:$0x7], $0x20, s8, s22, $0xb8;
	[tilespmem:$0x18000] =	vst v63  }
0x9b: {  	_ =	swait.ge [sflag:s19], $0x1000  }
0x9c: {  	[sflag:s19] =	ssyncset.done $0x0  }
0x9d: {  	[sflag:s19] =	ssyncadd.s32 $0xFFFFF000  }
0x9e: {  	_ =	swait.ge [sflag:s4], $0x1000  }
0x9f: {  	[sflag:s4] =	ssyncset.done $0x0  }
0xa0: {  	[sflag:s4] =	ssyncadd.s32 $0xFFFFF000  }
0xa1: {  	[spmem:s3] =	stream.indirect.scatter.add.f32 [tilespmem:s28], [sflag:$0x8], $0x20, s14, s22, $0xb8;
	[tilespmem:$0x18000] =	vst v63  }
0xa2: {  	_ =	swait.ge [sflag:s5], $0x1000  }
0xa3: {  	[sflag:s5] =	ssyncset.done $0x0  }
0xa4: {  	[sflag:s5] =	ssyncadd.s32 $0xFFFFF000  }
0xa5: {  	[bflag:$0x0] =	sbarrier.arrive $0xFFFF  }
0xa6: {  	s17 =	sshrl.u32 s9, $0x3;
	s26 =	rddreg [dreg:$0x8]  }
0xa7: {  	[hbm:s26], [sflag:s20] =	dma.local [spmem:s17], $0xA00  }
0xa8: {  	_ =	swait.ge [sflag:s18], $0xA00  }
0xa9: {  	[sflag:s18] =	ssyncset.done $0x0  }
0xaa: {  	[sflag:s18] =	ssyncadd.s32 $0xFFFFF600  }
0xab: {  	[bflag:$0x0] =	sbarrier.arrive $0xFFFF  }
0xac: {  	s26 =	rddreg [dreg:$0x9]  }
0xad: {  	[spmem:s16], [sflag:s20] =	dma.local [hbm:s26], $0xA00  }
0xae: {  	_ =	swait.ge [sflag:s18], $0xA00  }
0xaf: {  	[sflag:s18] =	ssyncset.done $0x0  }
0xb0: {  	s24 =	simm.s32 $0x0;
	s16 =	simm.s32 $0x80;
	[sflag:s18] =	ssyncadd.s32 $0xFFFFF600  }
.LBB2_6:
0xb1: {  	p0 =	sne.s32 s16, $0x3F80;
	[tilespmem:s24+$0xA000] =	vst v0;
	s26 =	smov.u32 s16;
	s16 =	sadd.s32 $0x80, s16  }
.Ltmp2:
0xb2: {  	[tilespmem:s24+$0xA010] =	vst v0;
	(pc) =	sbr.rel @p0 .LBB2_6-.Ltmp2, $2  }
0xb3: {  	_ =	sdelay $0x2  }
0xb4: {  	s24 =	sshra.s32 s26, $0x2  }
0xb5: {  	[tilespmem:s24+$0xA000] =	vst v0  }
0xb6: {  	[tilespmem:s24+$0xA010] =	vst v0  }
0xb7: {  	[spmem:s9] =	stream.linear.scatter [tilespmem:s21], [sflag:$0x9], $0x1000, $0x38;
	[tilespmem:$0x18000] =	vst v63  }
0xb8: {  	_ =	swait.ge [sflag:s18], $0x1000  }
0xb9: {  	[sflag:s18] =	ssyncset.done $0x0  }
0xba: {  	[sflag:s18] =	ssyncadd.s32 $0xFFFFF000  }
0xbb: {  	[spmem:s10] =	stream.linear.scatter [tilespmem:s21], [sflag:$0x9], $0x1000, $0x38;
	[tilespmem:$0x18000] =	vst v63  }
0xbc: {  	_ =	swait.ge [sflag:s18], $0x1000  }
0xbd: {  	[sflag:s18] =	ssyncset.done $0x0  }
0xbe: {  	[sflag:s18] =	ssyncadd.s32 $0xFFFFF000  }
0xbf: {  	[spmem:s11] =	stream.linear.scatter [tilespmem:s21], [sflag:$0x9], $0x1000, $0x38;
	[tilespmem:$0x18000] =	vst v63  }
0xc0: {  	_ =	swait.ge [sflag:s18], $0x1000  }
0xc1: {  	[sflag:s18] =	ssyncset.done $0x0  }
0xc2: {  	[sflag:s18] =	ssyncadd.s32 $0xFFFFF000  }
0xc3: {  	[spmem:s12] =	stream.linear.scatter [tilespmem:s21], [sflag:$0x9], $0x1000, $0x38;
	[tilespmem:$0x18000] =	vst v63  }
0xc4: {  	_ =	swait.ge [sflag:s18], $0x1000  }
0xc5: {  	[sflag:s18] =	ssyncset.done $0x0  }
0xc6: {  	[sflag:s18] =	ssyncadd.s32 $0xFFFFF000  }
0xc7: {  	[spmem:s13] =	stream.linear.scatter [tilespmem:s21], [sflag:$0x9], $0x1000, $0x38;
	[tilespmem:$0x18000] =	vst v63  }
0xc8: {  	_ =	swait.ge [sflag:s18], $0x1000  }
0xc9: {  	[sflag:s18] =	ssyncset.done $0x0  }
0xca: {  	[sflag:s18] =	ssyncadd.s32 $0xFFFFF000  }
0xcb: {  	s16 =	simm.s32 $0x0;
	[bflag:$0x0] =	sbarrier.arrive $0xFFFF  }
0xcc: {  	[tilespmem:s21], [sflag:$0x1] =	stream.indirect.gather [spmem:s1], $0x20, s16, s22, $0xb8;
	[tilespmem:$0x18000] =	vst v63  }
0xcd: {  	_ = 	snop  }
0xce: {  	[tilespmem:s23], [sflag:$0x2] =	stream.indirect.gather [spmem:s1], $0x20, s22, s22, $0xb8;
	[tilespmem:$0x18000] =	vst v63  }
0xcf: {  	s26 =	simm.s32 $0x100  }
0xd0: {  	[tilespmem:s25], [sflag:$0x3] =	stream.indirect.gather [spmem:s1], $0x20, s26, s22, $0xb8;
	[tilespmem:$0x18000] =	vst v63  }
0xd1: {  	s24 =	simm.s32 $0x180  }
0xd2: {  	[tilespmem:s28], [sflag:$0x4] =	stream.indirect.gather [spmem:s1], $0x20, s24, s22, $0xb8;
	[tilespmem:$0x18000] =	vst v63  }
0xd3: {  	_ =	swait.ge [sflag:s29], $0x1000  }
0xd4: {  	[sflag:s29] =	ssyncset.done $0x0  }
0xd5: {  	s26 =	simm.s32 $0x5000;
	[sflag:s29] =	ssyncadd.s32 $0xFFFFF000  }
0xd6: {  	[spmem:s3] =	stream.indirect.scatter.add.f32 [tilespmem:s21], [sflag:$0x5], $0x20, s26, s22, $0xb8;
	[tilespmem:$0x18000] =	vst v63  }
0xd7: {  	_ =	swait.ge [sflag:s30], $0x1000  }
0xd8: {  	[sflag:s30] =	ssyncset.done $0x0  }
0xd9: {  	s24 =	simm.s32 $0x200;
	[sflag:s30] =	ssyncadd.s32 $0xFFFFF000  }
0xda: {  	[tilespmem:s21], [sflag:$0x1] =	stream.indirect.gather [spmem:s1], $0x20, s24, s22, $0xb8;
	[tilespmem:$0x18000] =	vst v63  }
0xdb: {  	_ =	swait.ge [sflag:s31], $0x1000  }
0xdc: {  	[sflag:s31] =	ssyncset.done $0x0  }
0xdd: {  	s26 =	simm.s32 $0x5080;
	[sflag:s31] =	ssyncadd.s32 $0xFFFFF000  }
0xde: {  	[spmem:s3] =	stream.indirect.scatter.add.f32 [tilespmem:s23], [sflag:$0x6], $0x20, s26, s22, $0xb8;
	[tilespmem:$0x18000] =	vst v63  }
0xdf: {  	_ =	swait.ge [sflag:s0], $0x1000  }
0xe0: {  	[sflag:s0] =	ssyncset.done $0x0  }
0xe1: {  	s24 =	simm.s32 $0x280;
	[sflag:s0] =	ssyncadd.s32 $0xFFFFF000  }
0xe2: {  	[tilespmem:s23], [sflag:$0x2] =	stream.indirect.gather [spmem:s1], $0x20, s24, s22, $0xb8;
	[tilespmem:$0x18000] =	vst v63  }
0xe3: {  	_ =	swait.ge [sflag:s2], $0x1000  }
0xe4: {  	[sflag:s2] =	ssyncset.done $0x0  }
0xe5: {  	s26 =	simm.s32 $0x5100;
	[sflag:s2] =	ssyncadd.s32 $0xFFFFF000  }
0xe6: {  	[spmem:s3] =	stream.indirect.scatter.add.f32 [tilespmem:s25], [sflag:$0x7], $0x20, s26, s22, $0xb8;
	[tilespmem:$0x18000] =	vst v63  }
0xe7: {  	_ =	swait.ge [sflag:s19], $0x1000  }
0xe8: {  	[sflag:s19] =	ssyncset.done $0x0  }
0xe9: {  	s24 =	simm.s32 $0x300;
	[sflag:s19] =	ssyncadd.s32 $0xFFFFF000  }
0xea: {  	[tilespmem:s25], [sflag:$0x3] =	stream.indirect.gather [spmem:s1], $0x20, s24, s22, $0xb8;
	[tilespmem:$0x18000] =	vst v63  }
0xeb: {  	_ =	swait.ge [sflag:s4], $0x1000  }
0xec: {  	[sflag:s4] =	ssyncset.done $0x0  }
0xed: {  	s26 =	simm.s32 $0x5180;
	[sflag:s4] =	ssyncadd.s32 $0xFFFFF000  }
0xee: {  	[spmem:s3] =	stream.indirect.scatter.add.f32 [tilespmem:s28], [sflag:$0x8], $0x20, s26, s22, $0xb8;
	[tilespmem:$0x18000] =	vst v63  }
0xef: {  	_ =	swait.ge [sflag:s5], $0x1000  }
0xf0: {  	[sflag:s5] =	ssyncset.done $0x0  }
0xf1: {  	s16 =	simm.s32 $0x800;
	s24 =	simm.s32 $0x380;
	[sflag:s5] =	ssyncadd.s32 $0xFFFFF000  }
.LBB2_8:
0xf2: {  	[tilespmem:s28], [sflag:$0x4] =	stream.indirect.gather [spmem:s1], $0x20, s24, s22, $0xb8;
	[tilespmem:$0x18000] =	vst v63  }
0xf3: {  	s24 =	smov.u32 s16  }
0xf4: {  	p0 =	sne.s32 s16, $0x13000;
	s16 =	sadd.s32 $0x800, s16;
	_ =	swait.ge [sflag:s29], $0x1000  }
0xf5: {  	s24 =	sshra.s32 s24, $0x2;
	[sflag:s29] =	ssyncset.done $0x0  }
0xf6: {  	s26 =	sadd.s32 $0x5000, s24;
	[sflag:s29] =	ssyncadd.s32 $0xFFFFF000  }
0xf7: {  	[spmem:s3] =	stream.indirect.scatter.add.f32 [tilespmem:s21], [sflag:$0x5], $0x20, s26, s22, $0xb8;
	[tilespmem:$0x18000] =	vst v63  }
0xf8: {  	_ =	swait.ge [sflag:s30], $0x1000  }
0xf9: {  	[sflag:s30] =	ssyncset.done $0x0  }
0xfa: {  	s26 =	sadd.s32 $0x200, s24;
	[sflag:s30] =	ssyncadd.s32 $0xFFFFF000  }
0xfb: {  	[tilespmem:s21], [sflag:$0x1] =	stream.indirect.gather [spmem:s1], $0x20, s26, s22, $0xb8;
	[tilespmem:$0x18000] =	vst v63  }
0xfc: {  	_ =	swait.ge [sflag:s31], $0x1000  }
0xfd: {  	[sflag:s31] =	ssyncset.done $0x0  }
0xfe: {  	s26 =	sadd.s32 $0x5080, s24;
	[sflag:s31] =	ssyncadd.s32 $0xFFFFF000  }
0xff: {  	[spmem:s3] =	stream.indirect.scatter.add.f32 [tilespmem:s23], [sflag:$0x6], $0x20, s26, s22, $0xb8;
	[tilespmem:$0x18000] =	vst v63  }
0x100: {  	_ =	swait.ge [sflag:s0], $0x1000  }
0x101: {  	[sflag:s0] =	ssyncset.done $0x0  }
0x102: {  	s26 =	sadd.s32 $0x280, s24;
	[sflag:s0] =	ssyncadd.s32 $0xFFFFF000  }
0x103: {  	[tilespmem:s23], [sflag:$0x2] =	stream.indirect.gather [spmem:s1], $0x20, s26, s22, $0xb8;
	[tilespmem:$0x18000] =	vst v63  }
0x104: {  	_ =	swait.ge [sflag:s2], $0x1000  }
0x105: {  	[sflag:s2] =	ssyncset.done $0x0  }
0x106: {  	s26 =	sadd.s32 $0x5100, s24;
	[sflag:s2] =	ssyncadd.s32 $0xFFFFF000  }
0x107: {  	[spmem:s3] =	stream.indirect.scatter.add.f32 [tilespmem:s25], [sflag:$0x7], $0x20, s26, s22, $0xb8;
	[tilespmem:$0x18000] =	vst v63  }
0x108: {  	_ =	swait.ge [sflag:s19], $0x1000  }
0x109: {  	[sflag:s19] =	ssyncset.done $0x0  }
0x10a: {  	s26 =	sadd.s32 $0x300, s24;
	[sflag:s19] =	ssyncadd.s32 $0xFFFFF000  }
0x10b: {  	[tilespmem:s25], [sflag:$0x3] =	stream.indirect.gather [spmem:s1], $0x20, s26, s22, $0xb8;
	[tilespmem:$0x18000] =	vst v63  }
0x10c: {  	_ =	swait.ge [sflag:s4], $0x1000  }
0x10d: {  	[sflag:s4] =	ssyncset.done $0x0  }
.Ltmp3:
0x10e: {  	s26 =	sadd.s32 $0x5180, s24;
	[sflag:s4] =	ssyncadd.s32 $0xFFFFF000;
	(pc) =	sbr.rel @p0 .LBB2_8-.Ltmp3, $4  }
0x10f: {  	[spmem:s3] =	stream.indirect.scatter.add.f32 [tilespmem:s28], [sflag:$0x8], $0x20, s26, s22, $0xb8;
	[tilespmem:$0x18000] =	vst v63  }
0x110: {  	_ =	swait.ge [sflag:s5], $0x1000  }
0x111: {  	[sflag:s5] =	ssyncset.done $0x0  }
0x112: {  	s24 =	sadd.s32 $0x380, s24;
	[sflag:s5] =	ssyncadd.s32 $0xFFFFF000  }
0x113: {  	[tilespmem:s28], [sflag:$0x4] =	stream.indirect.gather [spmem:s1], $0x20, s24, s22, $0xb8;
	[tilespmem:$0x18000] =	vst v63  }
0x114: {  	_ =	swait.ge [sflag:s29], $0x1000  }
0x115: {  	[sflag:s29] =	ssyncset.done $0x0  }
0x116: {  	[sflag:s29] =	ssyncadd.s32 $0xFFFFF000  }
0x117: {  	[spmem:s3] =	stream.indirect.scatter.add.f32 [tilespmem:s21], [sflag:$0x5], $0x20, s6, s22, $0xb8;
	[tilespmem:$0x18000] =	vst v63  }
0x118: {  	_ =	swait.ge [sflag:s30], $0x1000  }
0x119: {  	[sflag:s30] =	ssyncset.done $0x0  }
0x11a: {  	[sflag:s30] =	ssyncadd.s32 $0xFFFFF000  }
0x11b: {  	_ =	swait.ge [sflag:s31], $0x1000  }
0x11c: {  	[sflag:s31] =	ssyncset.done $0x0  }
0x11d: {  	[sflag:s31] =	ssyncadd.s32 $0xFFFFF000  }
0x11e: {  	[spmem:s3] =	stream.indirect.scatter.add.f32 [tilespmem:s23], [sflag:$0x6], $0x20, s7, s22, $0xb8;
	[tilespmem:$0x18000] =	vst v63  }
0x11f: {  	_ =	swait.ge [sflag:s0], $0x1000  }
0x120: {  	[sflag:s0] =	ssyncset.done $0x0  }
0x121: {  	[sflag:s0] =	ssyncadd.s32 $0xFFFFF000  }
0x122: {  	_ =	swait.ge [sflag:s2], $0x1000  }
0x123: {  	[sflag:s2] =	ssyncset.done $0x0  }
0x124: {  	[sflag:s2] =	ssyncadd.s32 $0xFFFFF000  }
0x125: {  	[spmem:s3] =	stream.indirect.scatter.add.f32 [tilespmem:s25], [sflag:$0x7], $0x20, s8, s22, $0xb8;
	[tilespmem:$0x18000] =	vst v63  }
0x126: {  	_ =	swait.ge [sflag:s19], $0x1000  }
0x127: {  	[sflag:s19] =	ssyncset.done $0x0  }
0x128: {  	[sflag:s19] =	ssyncadd.s32 $0xFFFFF000  }
0x129: {  	_ =	swait.ge [sflag:s4], $0x1000  }
0x12a: {  	[sflag:s4] =	ssyncset.done $0x0  }
0x12b: {  	[sflag:s4] =	ssyncadd.s32 $0xFFFFF000  }
0x12c: {  	[spmem:s3] =	stream.indirect.scatter.add.f32 [tilespmem:s28], [sflag:$0x8], $0x20, s14, s22, $0xb8;
	[tilespmem:$0x18000] =	vst v63  }
0x12d: {  	_ =	swait.ge [sflag:s5], $0x1000  }
0x12e: {  	[sflag:s5] =	ssyncset.done $0x0  }
0x12f: {  	[sflag:s5] =	ssyncadd.s32 $0xFFFFF000  }
0x130: {  	[bflag:$0x0] =	sbarrier.arrive $0xFFFF  }
0x131: {  	s16 =	rddreg [dreg:$0xa]  }
0x132: {  	[hbm:s16], [sflag:s20] =	dma.local [spmem:s17], $0xA00  }
0x133: {  	_ =	swait.ge [sflag:s18], $0xA00  }
0x134: {  	s15 =	sadd.s32 $0x1, s15;
	s26 =	rddreg [dreg:$0xb]  }
0x135: {  	p0 =	sne.s32 s15, s26  }
.Ltmp4:
0x136: {  	_ = 	snop;
	(pc) =	sbr.rel @p0 .LBB2_1-.Ltmp4, $3  }
0x137: {  	_ =	sdelay $0x1  }
0x138: {  	[sflag:s18] =	ssyncset.done $0x0  }
0x139: {  	[sflag:s18] =	ssyncadd.s32 $0xFFFFF600  }
0x13a: {  	_ =	sfence.sel $0x180000  }
0x13b: {  	[bflag:$0x0] =	sbarrier.arrive $0xFFFF  }
0x13c: {  	_ =	strace $0x9000004A  }
0x13d: {  	s0 =	stileid.u32;
	[bflag:$0x2] =	sbarrier.arrive $0xFFFF  }
0x13e: {  	p0 =	sne.s32 s0, $0x0;
	s0 =	rddreg [dreg:$0x3]  }
0x13f: {  	s0 =	sadd.s32 @!p0 $0x100000, s0  }
0x140: {  	[sflag:s0] =	ssyncadd.tile.s32 @!p0 $0x1;
	_ =	shalt  }
.Lfunc_end2:
_tile_overlayer_lowered:
.L_overlay_start_2:
0x141: {  	(tag) =	ssettag $0x2  }
0x142: {  	s0 =	rddreg [dreg:$0x0];
	s2 =	stileid.u32  }
0x143: {  	s1 =	rddreg [dreg:$0x1];
	p0 =	sne.s32 s2, $0x0  }
0x144: {  	s3 =	rddreg [dreg:$0x2];
	[bflag:$0x3] =	sbarrier.arrive $0xFFFF;
	s2 =	simm.s32 @!p0 $0x1C09  }
0x145: {  	[timem:s3], [sflag:s2] =	dma.local @!p0 [hbm:s0], s1  }
0x146: {  	s0 =	simm.s32 @!p0 $0x9  }
0x147: {  	_ =	swait.ge @!p0 [sflag:s0], s1  }
0x148: {  	s1 =	ssub.s32 @!p0 $0x0, s1;
	[sflag:s0] =	ssyncset.done @!p0 $0x0  }
0x149: {  	[sflag:s0] =	ssyncadd.s32 @!p0 s1  }
0x14a: {  	[bflag:$0x3] =	sbarrier.arrive $0xFFFF  }
0x14b: {  	_ =	shalt  }

</sc_bundles>
